<compile_context>
chip_gen: v7x
topology: tpu7x:2x2x1
jax: 0.10.2.dev20260603
libtpu: 0.0.44.dev20260713+nightly
codegen_flags: <defaults>
</compile_context>

<pallas_src>
import functools

import jax
import jax.numpy as jnp
from jax import lax
from jax.experimental import pallas as pl
from jax.experimental.pallas import tpu as pltpu
from jax.experimental.pallas import tpu_sc as plsc

_NC = 2
_NS = 16
_CH = 128
_CHB = 16
_R = 1000


def _cdiv(a, b):
    return -(-a // b)


def _chunked(idx, parts, ch, n, npad):
    per = parts * ch * _CH
    pad = per - idx.shape[0]
    padv = n + (jnp.arange(pad, dtype=jnp.int32) % (npad - n))
    out = jnp.concatenate([idx, padv])
    return out.reshape(parts, ch, _CH)



def _sc_mesh():
    return plsc.VectorSubcoreMesh(
        core_axis_name="c", subcore_axis_name="s", num_cores=_NC, num_subcores=_NS)


def _gs_segments(tab, gidx_of, sidx_of, gv, sv, rows_a, rows_b, acc_r,
                 sga, sgb, ssa, ssb, chb, seg_lo, seg_hi):

    def seg(t, carry):
        pltpu.sync_copy(gidx_of(t), gv)
        pltpu.sync_copy(sidx_of(t), sv)
        pltpu.async_copy(tab.at[gv.at[0]], rows_a, sga)
        pltpu.async_copy(tab.at[gv.at[1]], rows_b, sgb)

        def pair(k, carry2):
            pltpu.make_async_copy(tab.at[gv.at[2 * k]], rows_a, sga).wait()
            sa = pltpu.async_copy(rows_a, acc_r.at[sv.at[2 * k]], ssa, add=True)
            pltpu.make_async_copy(tab.at[gv.at[2 * k + 1]], rows_b, sgb).wait()
            sb = pltpu.async_copy(rows_b, acc_r.at[sv.at[2 * k + 1]], ssb, add=True)
            sa.wait()
            pltpu.async_copy(tab.at[gv.at[2 * k + 2]], rows_a, sga)
            sb.wait()
            pltpu.async_copy(tab.at[gv.at[2 * k + 3]], rows_b, sgb)
            return carry2

        lax.fori_loop(0, chb // 2 - 1, pair, carry, unroll=False)
        pltpu.make_async_copy(tab.at[gv.at[chb - 2]], rows_a, sga).wait()
        sa = pltpu.async_copy(rows_a, acc_r.at[sv.at[chb - 2]], ssa, add=True)
        pltpu.make_async_copy(tab.at[gv.at[chb - 1]], rows_b, sgb).wait()
        sb = pltpu.async_copy(rows_b, acc_r.at[sv.at[chb - 1]], ssb, add=True)
        sa.wait()
        sb.wait()
        return carry

    lax.fori_loop(seg_lo, seg_hi, seg, 0, unroll=False)


def _make_sc_call1(ch, npad, rpt, split_seg, chb):

    @functools.partial(
        pl.kernel,
        out_type=(
            jax.ShapeDtypeStruct((2, npad, 128), jnp.float32),
            jax.ShapeDtypeStruct((npad,), jnp.float32),
            jax.ShapeDtypeStruct((npad,), jnp.float32),
        ),
        mesh=_sc_mesh(),
        scratch_types=[
            pltpu.VMEM((chb, _CH), jnp.int32),
            pltpu.VMEM((chb, _CH), jnp.int32),
            pltpu.VMEM((_CH, 128), jnp.float32),
            pltpu.VMEM((_CH, 128), jnp.float32),
            pltpu.VMEM((_CH,), jnp.float32),
            pltpu.VMEM((rpt,), jnp.float32),
            pltpu.VMEM_SHARED((npad, 128), jnp.float32),
            pltpu.VMEM_SHARED((npad,), jnp.float32),
            pltpu.VMEM_SHARED((npad,), jnp.float32),
            pltpu.SemaphoreType.DMA,
            pltpu.SemaphoreType.DMA,
            pltpu.SemaphoreType.DMA,
            pltpu.SemaphoreType.DMA,
        ],
    )
    def call1(tab, gidx, sidx, nsum_out, deg0_out, deg1_out,
              gv, sv, rows, rows_b, ones_v, zv, acc_r, acc_d0, acc_d1,
              sga, sgb, ssa, ssb):
        c = lax.axis_index("c")
        s = lax.axis_index("s")
        r0 = s * rpt

        def zb(i, carry):
            for j in range(8):
                rows[i, pl.ds(j * 16, 16)] = jnp.zeros((16,), jnp.float32)
            return carry

        lax.fori_loop(0, _CH, zb, 0, unroll=False)
        for k in range(rpt // _CH):
            pltpu.sync_copy(rows, acc_r.at[pl.ds(r0 + k * _CH, _CH)])

        @pl.when(c == 0)
        def _():
            def zb1(i, carry):
                zv[pl.ds(i * 16, 16)] = jnp.zeros((16,), jnp.float32)
                return carry

            lax.fori_loop(0, rpt // 16, zb1, 0, unroll=False)
            pltpu.sync_copy(zv, acc_d0.at[pl.ds(r0, rpt)])
            pltpu.sync_copy(zv, acc_d1.at[pl.ds(r0, rpt)])

        plsc.subcore_barrier()

        @pl.when(c == 0)
        def _():
            for j in range(_CH // 16):
                ones_v[pl.ds(j * 16, 16)] = jnp.full((16,), 1.0, jnp.float32)

            def dseg(t, carry):
                pltpu.sync_copy(sidx.at[s, pl.ds(t * chb, chb)], sv)
                pltpu.sync_copy(gidx.at[s, pl.ds(t * chb, chb)], gv)

                def body(g, carry2):
                    da = pltpu.async_copy(ones_v, acc_d0.at[sv.at[g]], ssa, add=True)
                    db = pltpu.async_copy(ones_v, acc_d1.at[gv.at[g]], ssb, add=True)
                    da.wait()
                    db.wait()
                    return carry2

                return lax.fori_loop(0, chb, body, carry, unroll=False)

            lax.fori_loop(0, ch // chb, dseg, 0, unroll=False)

        seg_lo = jnp.where(c == 0, 0, split_seg)
        seg_hi = jnp.where(c == 0, split_seg, ch // chb)
        _gs_segments(tab,
                     lambda t: gidx.at[s, pl.ds(t * chb, chb)],
                     lambda t: sidx.at[s, pl.ds(t * chb, chb)],
                     gv, sv, rows, rows_b, acc_r,
                     sga, sgb, ssa, ssb, chb, seg_lo, seg_hi)

        plsc.subcore_barrier()

        pltpu.sync_copy(acc_r.at[pl.ds(r0, rpt)], nsum_out.at[c, pl.ds(r0, rpt)])

        @pl.when(c == 0)
        def _():
            pltpu.sync_copy(acc_d0.at[pl.ds(r0, rpt)], zv)
            pltpu.sync_copy(zv, deg0_out.at[pl.ds(r0, rpt)])
            pltpu.sync_copy(acc_d1.at[pl.ds(r0, rpt)], zv)
            pltpu.sync_copy(zv, deg1_out.at[pl.ds(r0, rpt)])

    return call1


def _make_sc_pass(ch, npad, rpt, chb, cfg0, cfg1):

    @functools.partial(
        pl.kernel,
        out_type=jax.ShapeDtypeStruct((2, npad, 128), jnp.float32),
        mesh=_sc_mesh(),
        scratch_types=[
            pltpu.VMEM((chb, _CH), jnp.int32),
            pltpu.VMEM((chb, _CH), jnp.int32),
            pltpu.VMEM((_CH, 128), jnp.float32),
            pltpu.VMEM((_CH, 128), jnp.float32),
            pltpu.VMEM_SHARED((npad, 128), jnp.float32),
            pltpu.SemaphoreType.DMA,
            pltpu.SemaphoreType.DMA,
            pltpu.SemaphoreType.DMA,
            pltpu.SemaphoreType.DMA,
        ],
    )
    def sc_pass(tab0, tab1, ia, ib, out, gv, sv, rows, rows_b, acc_r,
                sga, sgb, ssa, ssb):
        c = lax.axis_index("c")
        s = lax.axis_index("s")
        r0 = s * rpt

        def zb(i, carry):
            for j in range(8):
                rows[i, pl.ds(j * 16, 16)] = jnp.zeros((16,), jnp.float32)
            return carry

        lax.fori_loop(0, _CH, zb, 0, unroll=False)
        for k in range(rpt // _CH):
            pltpu.sync_copy(rows, acc_r.at[pl.ds(r0 + k * _CH, _CH)])
        plsc.subcore_barrier()

        idx = (ia, ib)
        for core, tabc, cfg in ((0, tab0, cfg0), (1, tab1, cfg1)):
            @pl.when(c == core)
            def _(tabc=tabc, cfg=cfg):
                gsel, ssel, lo, hi = cfg
                _gs_segments(tabc,
                             lambda t: idx[gsel].at[s, pl.ds(t * chb, chb)],
                             lambda t: idx[ssel].at[s, pl.ds(t * chb, chb)],
                             gv, sv, rows, rows_b, acc_r,
                             sga, sgb, ssa, ssb, chb, lo, hi)

        plsc.subcore_barrier()
        pltpu.sync_copy(acc_r.at[pl.ds(r0, rpt)], out.at[c, pl.ds(r0, rpt)])

    return sc_pass



def _full(shape):
    return pl.BlockSpec(shape, lambda i: tuple(0 for _ in shape))


def _tc_b(x, nsum_raw, degs_t, fi2, w1, we_p, wh0_p, b01, gt2, n, npad):
    grid = (n // _R,)

    def body(x_ref, ns_ref, dg_ref, fi_ref, w1_ref, wep_ref, wh0_ref, b01_ref,
             gt_ref, mnb_ref, y1_ref, hh_ref, sc_ref):
        sf = jax.nn.sigmoid(fi_ref[0, :])[None, :]
        xb = x_ref[...] * sf
        nsb = ns_ref[...]
        ns = (nsb[0] + nsb[1]) * sf
        dg = dg_ref[...]
        deg = dg[:, 0:1]
        degd = dg[:, 1:2]
        dsafe = jnp.maximum(deg, 1.0)
        mnb = ns / dsafe
        dinv = lax.rsqrt(degd + 1.0)
        dot = jnp.sum(xb * mnb, axis=1, keepdims=True)
        nx = jnp.maximum(jnp.sqrt(jnp.sum(xb * xb, axis=1, keepdims=True)), 1e-12)
        nm = jnp.maximum(jnp.sqrt(jnp.sum(mnb * mnb, axis=1, keepdims=True)), 1e-12)
        sim = dot / (nx * nm)
        sim = jnp.where(deg > 0, sim, 1.0)
        delta = jax.nn.sigmoid(deg * (1.0 - sim) * 0.1 - 0.5)
        gate = jax.nn.sigmoid((delta - 0.5) * (gt_ref[0, 0] * 10.0))
        y1 = jnp.dot(xb, w1_ref[...], preferred_element_type=jnp.float32) * dinv
        hh01 = (jnp.dot(xb, wep_ref[...], preferred_element_type=jnp.float32)
                + jnp.dot(mnb, wh0_ref[...], preferred_element_type=jnp.float32)
                + b01_ref[0, :][None, :])
        mnb_ref[...] = mnb
        y1_ref[...] = y1
        hh_ref[...] = hh01
        sc_ref[...] = jnp.concatenate(
            [gate, dinv, 1.0 / dsafe, jnp.zeros((xb.shape[0], 5), jnp.float32)], axis=1)

    return pl.pallas_call(
        body,
        grid=grid,
        in_specs=[
            pl.BlockSpec((_R, 128), lambda i: (i, 0)),
            pl.BlockSpec((2, _R, 128), lambda i: (0, i, 0)),
            pl.BlockSpec((_R, 2), lambda i: (i, 0)),
            _full((1, 128)),
            _full((128, 128)),
            _full((128, 128)),
            _full((128, 128)),
            _full((1, 128)),
            _full((1, 1)),
        ],
        out_specs=[
            pl.BlockSpec((_R, 128), lambda i: (i, 0)),
            pl.BlockSpec((_R, 128), lambda i: (i, 0)),
            pl.BlockSpec((_R, 128), lambda i: (i, 0)),
            pl.BlockSpec((_R, 8), lambda i: (i, 0)),
        ],
        out_shape=[
            jax.ShapeDtypeStruct((npad, 128), jnp.float32),
            jax.ShapeDtypeStruct((npad, 128), jnp.float32),
            jax.ShapeDtypeStruct((n, 128), jnp.float32),
            jax.ShapeDtypeStruct((n, 8), jnp.float32),
        ],
    )(x, nsum_raw, degs_t, fi2, w1, we_p, wh0_p, b01, gt2)


def _tc_c(acc2, y1t, scal, hh01, w2, b1_2, wh1_p, b2p, n, npad):
    grid = (n // _R,)

    def body(acc_ref, y1_ref, sc_ref, hh01_ref, w2_ref, b1_ref, wh1_ref,
             b2p_ref, y2_ref, hh_ref):
        acc = acc_ref[...]
        y1 = y1_ref[...]
        dinv = sc_ref[:, 1:2]
        invds = sc_ref[:, 2:3]
        h1 = jnp.maximum((acc[1] + y1) * dinv + b1_ref[0, :][None, :], 0.0)
        y2 = jnp.dot(h1, w2_ref[...], preferred_element_type=jnp.float32) * dinv
        hop2m = acc[0] * invds
        hh = (hh01_ref[...]
              + jnp.dot(hop2m, wh1_ref[...], preferred_element_type=jnp.float32)
              + b2p_ref[0, :][None, :])
        y2_ref[...] = y2
        hh_ref[...] = hh

    return pl.pallas_call(
        body,
        grid=grid,
        in_specs=[
            pl.BlockSpec((2, _R, 128), lambda i: (0, i, 0)),
            pl.BlockSpec((_R, 128), lambda i: (i, 0)),
            pl.BlockSpec((_R, 8), lambda i: (i, 0)),
            pl.BlockSpec((_R, 128), lambda i: (i, 0)),
            _full((128, 128)),
            _full((1, 128)),
            _full((128, 128)),
            _full((1, 128)),
        ],
        out_specs=[
            pl.BlockSpec((_R, 128), lambda i: (i, 0)),
            pl.BlockSpec((_R, 128), lambda i: (i, 0)),
        ],
        out_shape=[
            jax.ShapeDtypeStruct((npad, 128), jnp.float32),
            jax.ShapeDtypeStruct((n, 128), jnp.float32),
        ],
    )(acc2, y1t, scal, hh01, w2, b1_2, wh1_p, b2p)


def _tc_d(acc3, y2, hh, scal, b2_2, g2, bb2, wc, bc2, n, n_out):
    grid = (n // _R,)

    def body(acc_ref, y2_ref, hh_ref, sc_ref, b2_ref, g2_ref, bb_ref, wc_ref,
             bc_ref, out_ref):
        p = acc_ref[...]
        gate = sc_ref[:, 0:1]
        dinv = sc_ref[:, 1:2]
        h_low = (p[0] + p[1] + y2_ref[...]) * dinv + b2_ref[0, :][None, :]
        h_high = jnp.maximum(hh_ref[...], 0.0)
        h = (1.0 - gate) * h_low + gate * h_high
        h = h * g2_ref[0, :][None, :] + bb_ref[0, :][None, :]
        out_ref[...] = (jnp.dot(h, wc_ref[...], preferred_element_type=jnp.float32)
                        + bc_ref[0, :][None, :])

    return pl.pallas_call(
        body,
        grid=grid,
        in_specs=[
            pl.BlockSpec((2, _R, 128), lambda i: (0, i, 0)),
            pl.BlockSpec((_R, 128), lambda i: (i, 0)),
            pl.BlockSpec((_R, 128), lambda i: (i, 0)),
            pl.BlockSpec((_R, 8), lambda i: (i, 0)),
            _full((1, 128)),
            _full((1, 128)),
            _full((1, 128)),
            _full((128, n_out)),
            _full((1, n_out)),
        ],
        out_specs=pl.BlockSpec((_R, n_out), lambda i: (i, 0)),
        out_shape=jax.ShapeDtypeStruct((n, n_out), jnp.float32),
    )(acc3, y2, hh, scal, b2_2, g2, bb2, wc, bc2)



def kernel(x, edge_index, fi, w1, b1, w2, b2, we, be, wh0, bh0, wh1, bh1,
           bn_gamma, bn_beta, wc, bc, gate_temp):
    n, f = x.shape
    e = edge_index.shape[1]
    n_out = wc.shape[1]
    hop = we.shape[1]

    rpt = _cdiv(n + 1, _NS * _CH) * _CH
    npad = rpt * _NS
    ch1 = _cdiv(_cdiv(_cdiv(e, _NS), _CH), 2 * _CHB) * 2 * _CHB
    nseg = ch1 // _CHB

    src = edge_index[0]
    dst = edge_index[1]

    x_pad = jnp.zeros((npad, 128), jnp.float32).at[:n].set(x)
    ia = _chunked(dst, _NS, ch1, n, npad)
    ib = _chunked(src, _NS, ch1, n, npad)
    nseg2 = ch1 // (2 * _CHB)
    nsum_raw, deg0, deg1 = _make_sc_call1(ch1, npad, rpt, (nseg2 * 2) // 5,
                                          2 * _CHB)(x_pad, ia, ib)

    sqrt_bn = jnp.sqrt(jnp.float32(1.0 + 1e-5))
    we_p = jnp.zeros((f, 128), jnp.float32).at[:, :hop].set(we)
    wh0_p = jnp.zeros((f, 128), jnp.float32).at[:, hop:2 * hop].set(wh0)
    wh1_p = jnp.zeros((f, 128), jnp.float32).at[:, 2 * hop:].set(wh1)
    b01 = jnp.zeros((1, 128), jnp.float32).at[0, :hop].set(be).at[0, hop:2 * hop].set(bh0)
    b2p = jnp.zeros((1, 128), jnp.float32).at[0, 2 * hop:].set(bh1)
    mnb_t, y1t, hh01, scal = _tc_b(x, nsum_raw, jnp.stack([deg0, deg1], axis=1),
                                   fi.reshape(1, 128), w1,
                                   we_p, wh0_p, b01, gate_temp.reshape(1, 1), n, npad)

    acc2 = _make_sc_pass(ch1, npad, rpt, 2 * _CHB,
                         (0, 1, 0, nseg2), (1, 0, 0, nseg2))(mnb_t, y1t, ia, ib)

    y2, hh = _tc_c(acc2, y1t, scal, hh01, w2, b1.reshape(1, 128), wh1_p, b2p,
                   n, npad)

    acc3 = _make_sc_pass(ch1, npad, rpt, _CHB,
                         (1, 0, 0, nseg // 2), (1, 0, nseg // 2, nseg))(y2, y2, ia, ib)

    out = _tc_d(acc3, y2, hh, scal, b2.reshape(1, 128), (bn_gamma / sqrt_bn).reshape(1, 128),
                bn_beta.reshape(1, 128), wc, bc.reshape(1, n_out), n, n_out)
    return out

# --- scband reference (transcript-rebuilt; emitter-appended) ---
"""Pipeline reference for scband-daaav3-24481313587850 (READ-ONLY COPY).

The authoritative reference and input builder live on the scoring server;
editing this copy changes nothing except your own understanding.
"""

import jax, jax.numpy as jnp
import numpy as np

N = 10000
F_DIM = 128
E = 320000
HID = 128
OUT = 2
NUM_HOPS = 2
HOP_DIM = HID // (NUM_HOPS + 1)
LAST_HOP = HID - HOP_DIM * NUM_HOPS


def setup_inputs(seed: int = 0):
    key = jax.random.key(seed)
    ks = jax.random.split(key, 20)
    x = jax.random.normal(ks[0], (N, F_DIM), dtype=jnp.float32)
    edge_index = jax.random.randint(ks[1], (2, E), 0, N, dtype=jnp.int32)
    fi = jnp.ones((F_DIM,), dtype=jnp.float32)
    w1 = jax.random.normal(ks[2], (F_DIM, HID), dtype=jnp.float32) * 0.05
    b1 = jnp.zeros((HID,), dtype=jnp.float32)
    w2 = jax.random.normal(ks[3], (HID, HID), dtype=jnp.float32) * 0.05
    b2 = jnp.zeros((HID,), dtype=jnp.float32)
    we = jax.random.normal(ks[4], (F_DIM, HOP_DIM), dtype=jnp.float32) * 0.05
    be = jnp.zeros((HOP_DIM,), dtype=jnp.float32)
    wh0 = jax.random.normal(ks[5], (F_DIM, HOP_DIM), dtype=jnp.float32) * 0.05
    bh0 = jnp.zeros((HOP_DIM,), dtype=jnp.float32)
    wh1 = jax.random.normal(ks[6], (F_DIM, LAST_HOP), dtype=jnp.float32) * 0.05
    bh1 = jnp.zeros((LAST_HOP,), dtype=jnp.float32)
    bn_gamma = jnp.ones((HID,), dtype=jnp.float32)
    bn_beta = jnp.zeros((HID,), dtype=jnp.float32)
    wc = jax.random.normal(ks[7], (HID, OUT), dtype=jnp.float32) * 0.05
    bc = jnp.zeros((OUT,), dtype=jnp.float32)
    gate_temp = jnp.array(1.0, dtype=jnp.float32)
    return {"x": x, "edge_index": edge_index, "fi": fi, "w1": w1, "b1": b1, "w2": w2, "b2": b2,
            "we": we, "be": be, "wh0": wh0, "bh0": bh0, "wh1": wh1, "bh1": bh1,
            "bn_gamma": bn_gamma, "bn_beta": bn_beta, "wc": wc, "bc": bc, "gate_temp": gate_temp}


def _gcn_conv(x, src, dst, W, b, n):
    loop = jnp.arange(n, dtype=src.dtype)
    s = jnp.concatenate([src, loop])
    d = jnp.concatenate([dst, loop])
    deg = jax.ops.segment_sum(jnp.ones((s.shape[0],), dtype=x.dtype), d, num_segments=n)
    dinv = jnp.where(deg > 0, deg ** -0.5, 0.0)
    xw = x @ W
    coef = dinv[s] * dinv[d]
    msg = xw[s] * coef[:, None]
    return jax.ops.segment_sum(msg, d, num_segments=n) + b


def reference(x, edge_index, fi, w1, b1, w2, b2, we, be, wh0, bh0, wh1, bh1, bn_gamma, bn_beta, wc, bc, gate_temp):
    n = x.shape[0]
    src = edge_index[0]
    dst = edge_index[1]
    xw = x * jax.nn.sigmoid(fi)
    # DilutionComputer
    deg = jax.ops.segment_sum(jnp.ones((src.shape[0],), dtype=x.dtype), src, num_segments=n)
    deg_safe = jnp.clip(deg, 1.0, None)
    nsum = jax.ops.segment_sum(xw[dst], src, num_segments=n)
    mean_nb = nsum / deg_safe[:, None]
    xn = xw / jnp.maximum(jnp.linalg.norm(xw, axis=1, keepdims=True), 1e-12)
    mn = mean_nb / jnp.maximum(jnp.linalg.norm(mean_nb, axis=1, keepdims=True), 1e-12)
    sim = jnp.sum(xn * mn, axis=1)
    sim = jnp.where(deg > 0, sim, jnp.ones_like(sim))
    delta = deg * (1.0 - sim)
    delta = jax.nn.sigmoid(delta / 10.0 - 0.5)
    # low path: two GCN convs (eval mode: dropout is identity)
    h_low = jax.nn.relu(_gcn_conv(xw, src, dst, w1, b1, n))
    h_low = _gcn_conv(h_low, src, dst, w2, b2, n)
    # high path: H2GCN-style hop aggregation
    h_ego = xw @ we + be
    reps = [h_ego]
    h_hop = xw
    h_hop = jax.ops.segment_sum(h_hop[dst], src, num_segments=n) / deg_safe[:, None]
    reps.append(h_hop @ wh0 + bh0)
    h_hop = jax.ops.segment_sum(h_hop[dst], src, num_segments=n) / deg_safe[:, None]
    reps.append(h_hop @ wh1 + bh1)
    h_high = jax.nn.relu(jnp.concatenate(reps, axis=1))
    gate = jax.nn.sigmoid((delta - 0.5) * gate_temp * 10.0)[:, None]
    h = (1.0 - gate) * h_low + gate * h_high
    # BatchNorm1d in eval mode with running_mean=0, running_var=1
    h = (h / jnp.sqrt(1.0 + 1e-5)) * bn_gamma + bn_beta
    out = h @ wc + bc
    return out

if __name__ == "__main__":
    import jax
    _d = setup_inputs()
    print(jax.jit(kernel)(*tuple(_d.values())))

</pallas_src>

<mosaic_0001>
#map = affine_map<(d0, d1) -> (0, 0)>
#map1 = affine_map<(d0, d1) -> (0, 0, 0)>
module attributes {stable_mosaic.version = 14 : i64} {
  func.func @sc_pass(%arg0: i32, %arg1: i32, %arg2: memref<10240x128xf32, #tpu.memory_space<hbm>>, %arg3: memref<10240x128xf32, #tpu.memory_space<hbm>>, %arg4: memref<16x160x128xi32, #tpu.memory_space<hbm>>, %arg5: memref<16x160x128xi32, #tpu.memory_space<hbm>>, %arg6: memref<2x10240x128xf32, #tpu.memory_space<hbm>>, %arg7: memref<32x128xi32, #tpu.memory_space<vmem>>, %arg8: memref<32x128xi32, #tpu.memory_space<vmem>>, %arg9: memref<128x128xf32, #tpu.memory_space<vmem>>, %arg10: memref<128x128xf32, #tpu.memory_space<vmem>>, %arg11: memref<10240x128xf32, #tpu.memory_space<vmem_shared>>, %arg12: memref<!tpu.dma_semaphore, #tpu.memory_space<semaphore_mem>>, %arg13: memref<!tpu.dma_semaphore, #tpu.memory_space<semaphore_mem>>, %arg14: memref<!tpu.dma_semaphore, #tpu.memory_space<semaphore_mem>>, %arg15: memref<!tpu.dma_semaphore, #tpu.memory_space<semaphore_mem>>) attributes {dimension_semantics = [#tpu.dimension_semantics<core_parallel>, #tpu.dimension_semantics<subcore_parallel>], iteration_bounds = array<i64: 2, 16>, scalar_prefetch = 0 : i64, scratch_operands = 9 : i64, tpu.core_type = #tpu.core_type<sc_vector_subcore>, window_params = [{transform_indices = #map}, {transform_indices = #map}, {transform_indices = #map1}, {transform_indices = #map1}, {transform_indices = #map1}]} {
    %mul3A = arith.constant 640 : i32
    %mul3A_0 = arith.muli %arg1, %mul3A : i32
    %scan3A = arith.constant 0 : i32
    %scan3A_1 = arith.constant 0 : i32
    %scan3A_2 = arith.constant 128 : i32
    %scan3A_3 = arith.addi %scan3A_1, %scan3A_2 : i32
    %scan3A_4 = arith.constant 1 : i32
    scf.for %scan3A_23 = %scan3A_1 to %scan3A_3 step %scan3A_4  : i32 {
      %broadcast_in_dim3A = arith.constant 0.000000e+00 : f32
      %broadcast_in_dim3A_24 = vector.broadcast %broadcast_in_dim3A : f32 to vector<16xf32>
      %swap3A = arith.index_cast %scan3A_23 : i32 to index
      %swap3A_25 = arith.constant 0 : index
      %swap3A_26 = tpu.vector_load %arg9[%swap3A, %swap3A_25] {strides = array<i32>} : memref<128x128xf32, #tpu.memory_space<vmem>>, vector<1x16xf32>,
      %swap3A_27 = vector.shape_cast %swap3A_26 : vector<1x16xf32> to vector<16xf32>
      %swap3A_28 = vector.shape_cast %broadcast_in_dim3A_24 : vector<16xf32> to vector<1x16xf32>
      tpu.vector_store %arg9[%swap3A, %swap3A_25], %swap3A_28 {strides = array<i32>} : memref<128x128xf32, #tpu.memory_space<vmem>>, vector<1x16xf32>,
      %broadcast_in_dim3A_29 = arith.constant 0.000000e+00 : f32
      %broadcast_in_dim3A_30 = vector.broadcast %broadcast_in_dim3A_29 : f32 to vector<16xf32>
      %swap3A_31 = arith.index_cast %scan3A_23 : i32 to index
      %swap3A_32 = arith.constant 16 : index
      %swap3A_33 = tpu.vector_load %arg9[%swap3A_31, %swap3A_32] {strides = array<i32>} : memref<128x128xf32, #tpu.memory_space<vmem>>, vector<1x16xf32>,
      %swap3A_34 = vector.shape_cast %swap3A_33 : vector<1x16xf32> to vector<16xf32>
      %swap3A_35 = vector.shape_cast %broadcast_in_dim3A_30 : vector<16xf32> to vector<1x16xf32>
      tpu.vector_store %arg9[%swap3A_31, %swap3A_32], %swap3A_35 {strides = array<i32>} : memref<128x128xf32, #tpu.memory_space<vmem>>, vector<1x16xf32>,
      %broadcast_in_dim3A_36 = arith.constant 0.000000e+00 : f32
      %broadcast_in_dim3A_37 = vector.broadcast %broadcast_in_dim3A_36 : f32 to vector<16xf32>
      %swap3A_38 = arith.index_cast %scan3A_23 : i32 to index
      %swap3A_39 = arith.constant 32 : index
      %swap3A_40 = tpu.vector_load %arg9[%swap3A_38, %swap3A_39] {strides = array<i32>} : memref<128x128xf32, #tpu.memory_space<vmem>>, vector<1x16xf32>,
      %swap3A_41 = vector.shape_cast %swap3A_40 : vector<1x16xf32> to vector<16xf32>
      %swap3A_42 = vector.shape_cast %broadcast_in_dim3A_37 : vector<16xf32> to vector<1x16xf32>
      tpu.vector_store %arg9[%swap3A_38, %swap3A_39], %swap3A_42 {strides = array<i32>} : memref<128x128xf32, #tpu.memory_space<vmem>>, vector<1x16xf32>,
      %broadcast_in_dim3A_43 = arith.constant 0.000000e+00 : f32
      %broadcast_in_dim3A_44 = vector.broadcast %broadcast_in_dim3A_43 : f32 to vector<16xf32>
      %swap3A_45 = arith.index_cast %scan3A_23 : i32 to index
      %swap3A_46 = arith.constant 48 : index
      %swap3A_47 = tpu.vector_load %arg9[%swap3A_45, %swap3A_46] {strides = array<i32>} : memref<128x128xf32, #tpu.memory_space<vmem>>, vector<1x16xf32>,
      %swap3A_48 = vector.shape_cast %swap3A_47 : vector<1x16xf32> to vector<16xf32>
      %swap3A_49 = vector.shape_cast %broadcast_in_dim3A_44 : vector<16xf32> to vector<1x16xf32>
      tpu.vector_store %arg9[%swap3A_45, %swap3A_46], %swap3A_49 {strides = array<i32>} : memref<128x128xf32, #tpu.memory_space<vmem>>, vector<1x16xf32>,
      %broadcast_in_dim3A_50 = arith.constant 0.000000e+00 : f32
      %broadcast_in_dim3A_51 = vector.broadcast %broadcast_in_dim3A_50 : f32 to vector<16xf32>
      %swap3A_52 = arith.index_cast %scan3A_23 : i32 to index
      %swap3A_53 = arith.constant 64 : index
      %swap3A_54 = tpu.vector_load %arg9[%swap3A_52, %swap3A_53] {strides = array<i32>} : memref<128x128xf32, #tpu.memory_space<vmem>>, vector<1x16xf32>,
      %swap3A_55 = vector.shape_cast %swap3A_54 : vector<1x16xf32> to vector<16xf32>
      %swap3A_56 = vector.shape_cast %broadcast_in_dim3A_51 : vector<16xf32> to vector<1x16xf32>
      tpu.vector_store %arg9[%swap3A_52, %swap3A_53], %swap3A_56 {strides = array<i32>} : memref<128x128xf32, #tpu.memory_space<vmem>>, vector<1x16xf32>,
      %broadcast_in_dim3A_57 = arith.constant 0.000000e+00 : f32
      %broadcast_in_dim3A_58 = vector.broadcast %broadcast_in_dim3A_57 : f32 to vector<16xf32>
      %swap3A_59 = arith.index_cast %scan3A_23 : i32 to index
      %swap3A_60 = arith.constant 80 : index
      %swap3A_61 = tpu.vector_load %arg9[%swap3A_59, %swap3A_60] {strides = array<i32>} : memref<128x128xf32, #tpu.memory_space<vmem>>, vector<1x16xf32>,
      %swap3A_62 = vector.shape_cast %swap3A_61 : vector<1x16xf32> to vector<16xf32>
      %swap3A_63 = vector.shape_cast %broadcast_in_dim3A_58 : vector<16xf32> to vector<1x16xf32>
      tpu.vector_store %arg9[%swap3A_59, %swap3A_60], %swap3A_63 {strides = array<i32>} : memref<128x128xf32, #tpu.memory_space<vmem>>, vector<1x16xf32>,
      %broadcast_in_dim3A_64 = arith.constant 0.000000e+00 : f32
      %broadcast_in_dim3A_65 = vector.broadcast %broadcast_in_dim3A_64 : f32 to vector<16xf32>
      %swap3A_66 = arith.index_cast %scan3A_23 : i32 to index
      %swap3A_67 = arith.constant 96 : index
      %swap3A_68 = tpu.vector_load %arg9[%swap3A_66, %swap3A_67] {strides = array<i32>} : memref<128x128xf32, #tpu.memory_space<vmem>>, vector<1x16xf32>,
      %swap3A_69 = vector.shape_cast %swap3A_68 : vector<1x16xf32> to vector<16xf32>
      %swap3A_70 = vector.shape_cast %broadcast_in_dim3A_65 : vector<16xf32> to vector<1x16xf32>
      tpu.vector_store %arg9[%swap3A_66, %swap3A_67], %swap3A_70 {strides = array<i32>} : memref<128x128xf32, #tpu.memory_space<vmem>>, vector<1x16xf32>,
      %broadcast_in_dim3A_71 = arith.constant 0.000000e+00 : f32
      %broadcast_in_dim3A_72 = vector.broadcast %broadcast_in_dim3A_71 : f32 to vector<16xf32>
      %swap3A_73 = arith.index_cast %scan3A_23 : i32 to index
      %swap3A_74 = arith.constant 112 : index
      %swap3A_75 = tpu.vector_load %arg9[%swap3A_73, %swap3A_74] {strides = array<i32>} : memref<128x128xf32, #tpu.memory_space<vmem>>, vector<1x16xf32>,
      %swap3A_76 = vector.shape_cast %swap3A_75 : vector<1x16xf32> to vector<16xf32>
      %swap3A_77 = vector.shape_cast %broadcast_in_dim3A_72 : vector<16xf32> to vector<1x16xf32>
      tpu.vector_store %arg9[%swap3A_73, %swap3A_74], %swap3A_77 {strides = array<i32>} : memref<128x128xf32, #tpu.memory_space<vmem>>, vector<1x16xf32>,
    }
    %scan3A_5 = arith.constant 128 : i32
    %add3A = arith.constant 0 : i32
    %add3A_6 = arith.addi %mul3A_0, %add3A : i32
    "tpu.region"() ({
      %run_scoped3A = tpu.sem_alloc : memref<!tpu.dma_semaphore, #tpu.memory_space<semaphore_mem>>
      %dma_start3A = arith.constant 0 : i32
      %dma_start3A_23 = tpu.memref_slice %arg11[%add3A_6, %dma_start3A] : memref<10240x128xf32, #tpu.memory_space<vmem_shared>> -> memref<128x128xf32, #tpu.memory_space<vmem_shared>>
      %dma_start3A_24 = arith.constant 0 : i32
      %dma_start3A_25 = tpu.memref_slice %arg11[%add3A_6, %dma_start3A_24] : memref<10240x128xf32, #tpu.memory_space<vmem_shared>> -> memref<128x128xf32, #tpu.memory_space<vmem_shared>>
      tpu.enqueue_dma source(%arg9 : memref<128x128xf32, #tpu.memory_space<vmem>>) target(%dma_start3A_25 : memref<128x128xf32, #tpu.memory_space<vmem_shared>>) target_semaphore(%run_scoped3A : memref<!tpu.dma_semaphore, #tpu.memory_space<semaphore_mem>>)
      %dma_wait3A = arith.constant 0 : i32
      %dma_wait3A_26 = tpu.memref_slice %arg11[%add3A_6, %dma_wait3A] : memref<10240x128xf32, #tpu.memory_space<vmem_shared>> -> memref<128x128xf32, #tpu.memory_space<vmem_shared>>
      %dma_wait3A_27 = arith.constant 0 : i32
      %dma_wait3A_28 = tpu.memref_slice %arg11[%add3A_6, %dma_wait3A_27] : memref<10240x128xf32, #tpu.memory_space<vmem_shared>> -> memref<128x128xf32, #tpu.memory_space<vmem_shared>>
      tpu.wait_dma2 semaphore(%run_scoped3A : memref<!tpu.dma_semaphore, #tpu.memory_space<semaphore_mem>>) src(%arg9 : memref<128x128xf32, #tpu.memory_space<vmem>>) dst(%dma_wait3A_28 : memref<128x128xf32, #tpu.memory_space<vmem_shared>>)
      tpu.yield
    }) : () -> ()
    %add3A_7 = arith.constant 128 : i32
    %add3A_8 = arith.addi %mul3A_0, %add3A_7 : i32
    "tpu.region"() ({
      %run_scoped3A = tpu.sem_alloc : memref<!tpu.dma_semaphore, #tpu.memory_space<semaphore_mem>>
      %dma_start3A = arith.constant 0 : i32
      %dma_start3A_23 = tpu.memref_slice %arg11[%add3A_8, %dma_start3A] : memref<10240x128xf32, #tpu.memory_space<vmem_shared>> -> memref<128x128xf32, #tpu.memory_space<vmem_shared>>
      %dma_start3A_24 = arith.constant 0 : i32
      %dma_start3A_25 = tpu.memref_slice %arg11[%add3A_8, %dma_start3A_24] : memref<10240x128xf32, #tpu.memory_space<vmem_shared>> -> memref<128x128xf32, #tpu.memory_space<vmem_shared>>
      tpu.enqueue_dma source(%arg9 : memref<128x128xf32, #tpu.memory_space<vmem>>) target(%dma_start3A_25 : memref<128x128xf32, #tpu.memory_space<vmem_shared>>) target_semaphore(%run_scoped3A : memref<!tpu.dma_semaphore, #tpu.memory_space<semaphore_mem>>)
      %dma_wait3A = arith.constant 0 : i32
      %dma_wait3A_26 = tpu.memref_slice %arg11[%add3A_8, %dma_wait3A] : memref<10240x128xf32, #tpu.memory_space<vmem_shared>> -> memref<128x128xf32, #tpu.memory_space<vmem_shared>>
      %dma_wait3A_27 = arith.constant 0 : i32
      %dma_wait3A_28 = tpu.memref_slice %arg11[%add3A_8, %dma_wait3A_27] : memref<10240x128xf32, #tpu.memory_space<vmem_shared>> -> memref<128x128xf32, #tpu.memory_space<vmem_shared>>
      tpu.wait_dma2 semaphore(%run_scoped3A : memref<!tpu.dma_semaphore, #tpu.memory_space<semaphore_mem>>) src(%arg9 : memref<128x128xf32, #tpu.memory_space<vmem>>) dst(%dma_wait3A_28 : memref<128x128xf32, #tpu.memory_space<vmem_shared>>)
      tpu.yield
    }) : () -> ()
    %add3A_9 = arith.constant 256 : i32
    %add3A_10 = arith.addi %mul3A_0, %add3A_9 : i32
    "tpu.region"() ({
      %run_scoped3A = tpu.sem_alloc : memref<!tpu.dma_semaphore, #tpu.memory_space<semaphore_mem>>
      %dma_start3A = arith.constant 0 : i32
      %dma_start3A_23 = tpu.memref_slice %arg11[%add3A_10, %dma_start3A] : memref<10240x128xf32, #tpu.memory_space<vmem_shared>> -> memref<128x128xf32, #tpu.memory_space<vmem_shared>>
      %dma_start3A_24 = arith.constant 0 : i32
      %dma_start3A_25 = tpu.memref_slice %arg11[%add3A_10, %dma_start3A_24] : memref<10240x128xf32, #tpu.memory_space<vmem_shared>> -> memref<128x128xf32, #tpu.memory_space<vmem_shared>>
      tpu.enqueue_dma source(%arg9 : memref<128x128xf32, #tpu.memory_space<vmem>>) target(%dma_start3A_25 : memref<128x128xf32, #tpu.memory_space<vmem_shared>>) target_semaphore(%run_scoped3A : memref<!tpu.dma_semaphore, #tpu.memory_space<semaphore_mem>>)
      %dma_wait3A = arith.constant 0 : i32
      %dma_wait3A_26 = tpu.memref_slice %arg11[%add3A_10, %dma_wait3A] : memref<10240x128xf32, #tpu.memory_space<vmem_shared>> -> memref<128x128xf32, #tpu.memory_space<vmem_shared>>
      %dma_wait3A_27 = arith.constant 0 : i32
      %dma_wait3A_28 = tpu.memref_slice %arg11[%add3A_10, %dma_wait3A_27] : memref<10240x128xf32, #tpu.memory_space<vmem_shared>> -> memref<128x128xf32, #tpu.memory_space<vmem_shared>>
      tpu.wait_dma2 semaphore(%run_scoped3A : memref<!tpu.dma_semaphore, #tpu.memory_space<semaphore_mem>>) src(%arg9 : memref<128x128xf32, #tpu.memory_space<vmem>>) dst(%dma_wait3A_28 : memref<128x128xf32, #tpu.memory_space<vmem_shared>>)
      tpu.yield
    }) : () -> ()
    %add3A_11 = arith.constant 384 : i32
    %add3A_12 = arith.addi %mul3A_0, %add3A_11 : i32
    "tpu.region"() ({
      %run_scoped3A = tpu.sem_alloc : memref<!tpu.dma_semaphore, #tpu.memory_space<semaphore_mem>>
      %dma_start3A = arith.constant 0 : i32
      %dma_start3A_23 = tpu.memref_slice %arg11[%add3A_12, %dma_start3A] : memref<10240x128xf32, #tpu.memory_space<vmem_shared>> -> memref<128x128xf32, #tpu.memory_space<vmem_shared>>
      %dma_start3A_24 = arith.constant 0 : i32
      %dma_start3A_25 = tpu.memref_slice %arg11[%add3A_12, %dma_start3A_24] : memref<10240x128xf32, #tpu.memory_space<vmem_shared>> -> memref<128x128xf32, #tpu.memory_space<vmem_shared>>
      tpu.enqueue_dma source(%arg9 : memref<128x128xf32, #tpu.memory_space<vmem>>) target(%dma_start3A_25 : memref<128x128xf32, #tpu.memory_space<vmem_shared>>) target_semaphore(%run_scoped3A : memref<!tpu.dma_semaphore, #tpu.memory_space<semaphore_mem>>)
      %dma_wait3A = arith.constant 0 : i32
      %dma_wait3A_26 = tpu.memref_slice %arg11[%add3A_12, %dma_wait3A] : memref<10240x128xf32, #tpu.memory_space<vmem_shared>> -> memref<128x128xf32, #tpu.memory_space<vmem_shared>>
      %dma_wait3A_27 = arith.constant 0 : i32
      %dma_wait3A_28 = tpu.memref_slice %arg11[%add3A_12, %dma_wait3A_27] : memref<10240x128xf32, #tpu.memory_space<vmem_shared>> -> memref<128x128xf32, #tpu.memory_space<vmem_shared>>
      tpu.wait_dma2 semaphore(%run_scoped3A : memref<!tpu.dma_semaphore, #tpu.memory_space<semaphore_mem>>) src(%arg9 : memref<128x128xf32, #tpu.memory_space<vmem>>) dst(%dma_wait3A_28 : memref<128x128xf32, #tpu.memory_space<vmem_shared>>)
      tpu.yield
    }) : () -> ()
    %add3A_13 = arith.constant 512 : i32
    %add3A_14 = arith.addi %mul3A_0, %add3A_13 : i32
    "tpu.region"() ({
      %run_scoped3A = tpu.sem_alloc : memref<!tpu.dma_semaphore, #tpu.memory_space<semaphore_mem>>
      %dma_start3A = arith.constant 0 : i32
      %dma_start3A_23 = tpu.memref_slice %arg11[%add3A_14, %dma_start3A] : memref<10240x128xf32, #tpu.memory_space<vmem_shared>> -> memref<128x128xf32, #tpu.memory_space<vmem_shared>>
      %dma_start3A_24 = arith.constant 0 : i32
      %dma_start3A_25 = tpu.memref_slice %arg11[%add3A_14, %dma_start3A_24] : memref<10240x128xf32, #tpu.memory_space<vmem_shared>> -> memref<128x128xf32, #tpu.memory_space<vmem_shared>>
      tpu.enqueue_dma source(%arg9 : memref<128x128xf32, #tpu.memory_space<vmem>>) target(%dma_start3A_25 : memref<128x128xf32, #tpu.memory_space<vmem_shared>>) target_semaphore(%run_scoped3A : memref<!tpu.dma_semaphore, #tpu.memory_space<semaphore_mem>>)
      %dma_wait3A = arith.constant 0 : i32
      %dma_wait3A_26 = tpu.memref_slice %arg11[%add3A_14, %dma_wait3A] : memref<10240x128xf32, #tpu.memory_space<vmem_shared>> -> memref<128x128xf32, #tpu.memory_space<vmem_shared>>
      %dma_wait3A_27 = arith.constant 0 : i32
      %dma_wait3A_28 = tpu.memref_slice %arg11[%add3A_14, %dma_wait3A_27] : memref<10240x128xf32, #tpu.memory_space<vmem_shared>> -> memref<128x128xf32, #tpu.memory_space<vmem_shared>>
      tpu.wait_dma2 semaphore(%run_scoped3A : memref<!tpu.dma_semaphore, #tpu.memory_space<semaphore_mem>>) src(%arg9 : memref<128x128xf32, #tpu.memory_space<vmem>>) dst(%dma_wait3A_28 : memref<128x128xf32, #tpu.memory_space<vmem_shared>>)
      tpu.yield
    }) : () -> ()
    %barrier3A = arith.constant 0 : index
    tpu.barrier barrier_id(%barrier3A)
    %eq3A = arith.constant 0 : i32
    %eq3A_15 = arith.cmpi eq, %arg0, %eq3A : i32
    %convert_element_type3A = arith.extui %eq3A_15 : i1 to i32
    %cond3A = arith.constant 0 : i32
    %cond3A_16 = arith.cmpi ne, %convert_element_type3A, %cond3A : i32
    scf.if %cond3A_16 {
      %scan3A_23 = arith.constant 0 : i32
      %scan3A_24 = arith.constant 0 : i32
      %scan3A_25 = arith.constant 5 : i32
      %scan3A_26 = arith.addi %scan3A_24, %scan3A_25 : i32
      %scan3A_27 = arith.constant 1 : i32
      scf.for %scan3A_29 = %scan3A_24 to %scan3A_26 step %scan3A_27  : i32 {
        %mul3A_30 = arith.constant 32 : i32
        %mul3A_31 = arith.muli %scan3A_29, %mul3A_30 : i32
        "tpu.region"() ({
          %run_scoped3A = tpu.sem_alloc : memref<!tpu.dma_semaphore, #tpu.memory_space<semaphore_mem>>
          %dma_start3A_93 = arith.constant 0 : i32
          %dma_start3A_94 = tpu.memref_slice %arg4[%arg1, %mul3A_31, %dma_start3A_93] : memref<16x160x128xi32, #tpu.memory_space<hbm>> -> memref<1x32x128xi32, #tpu.memory_space<hbm>>
          %dma_start3A_95 = tpu.memref_squeeze %dma_start3A_94 : memref<1x32x128xi32, #tpu.memory_space<hbm>> -> memref<32x128xi32, #tpu.memory_space<hbm>>
          %dma_start3A_96 = arith.constant 0 : i32
          %dma_start3A_97 = tpu.memref_slice %arg4[%arg1, %mul3A_31, %dma_start3A_96] : memref<16x160x128xi32, #tpu.memory_space<hbm>> -> memref<1x32x128xi32, #tpu.memory_space<hbm>>
          %dma_start3A_98 = tpu.memref_squeeze %dma_start3A_97 : memref<1x32x128xi32, #tpu.memory_space<hbm>> -> memref<32x128xi32, #tpu.memory_space<hbm>>
          tpu.enqueue_dma source(%dma_start3A_98 : memref<32x128xi32, #tpu.memory_space<hbm>>) target(%arg7 : memref<32x128xi32, #tpu.memory_space<vmem>>) target_semaphore(%run_scoped3A : memref<!tpu.dma_semaphore, #tpu.memory_space<semaphore_mem>>)
          %dma_wait3A_99 = arith.constant 0 : i32
          %dma_wait3A_100 = tpu.memref_slice %arg4[%arg1, %mul3A_31, %dma_wait3A_99] : memref<16x160x128xi32, #tpu.memory_space<hbm>> -> memref<1x32x128xi32, #tpu.memory_space<hbm>>
          %dma_wait3A_101 = tpu.memref_squeeze %dma_wait3A_100 : memref<1x32x128xi32, #tpu.memory_space<hbm>> -> memref<32x128xi32, #tpu.memory_space<hbm>>
          %dma_wait3A_102 = arith.constant 0 : i32
          %dma_wait3A_103 = tpu.memref_slice %arg4[%arg1, %mul3A_31, %dma_wait3A_102] : memref<16x160x128xi32, #tpu.memory_space<hbm>> -> memref<1x32x128xi32, #tpu.memory_space<hbm>>
          %dma_wait3A_104 = tpu.memref_squeeze %dma_wait3A_103 : memref<1x32x128xi32, #tpu.memory_space<hbm>> -> memref<32x128xi32, #tpu.memory_space<hbm>>
          tpu.wait_dma2 semaphore(%run_scoped3A : memref<!tpu.dma_semaphore, #tpu.memory_space<semaphore_mem>>) src(%dma_wait3A_104 : memref<32x128xi32, #tpu.memory_space<hbm>>) dst(%arg7 : memref<32x128xi32, #tpu.memory_space<vmem>>)
          tpu.yield
        }) : () -> ()
        %mul3A_32 = arith.constant 32 : i32
        %mul3A_33 = arith.muli %scan3A_29, %mul3A_32 : i32
        "tpu.region"() ({
          %run_scoped3A = tpu.sem_alloc : memref<!tpu.dma_semaphore, #tpu.memory_space<semaphore_mem>>
          %dma_start3A_93 = arith.constant 0 : i32
          %dma_start3A_94 = tpu.memref_slice %arg5[%arg1, %mul3A_33, %dma_start3A_93] : memref<16x160x128xi32, #tpu.memory_space<hbm>> -> memref<1x32x128xi32, #tpu.memory_space<hbm>>
          %dma_start3A_95 = tpu.memref_squeeze %dma_start3A_94 : memref<1x32x128xi32, #tpu.memory_space<hbm>> -> memref<32x128xi32, #tpu.memory_space<hbm>>
          %dma_start3A_96 = arith.constant 0 : i32
          %dma_start3A_97 = tpu.memref_slice %arg5[%arg1, %mul3A_33, %dma_start3A_96] : memref<16x160x128xi32, #tpu.memory_space<hbm>> -> memref<1x32x128xi32, #tpu.memory_space<hbm>>
          %dma_start3A_98 = tpu.memref_squeeze %dma_start3A_97 : memref<1x32x128xi32, #tpu.memory_space<hbm>> -> memref<32x128xi32, #tpu.memory_space<hbm>>
          tpu.enqueue_dma source(%dma_start3A_98 : memref<32x128xi32, #tpu.memory_space<hbm>>) target(%arg8 : memref<32x128xi32, #tpu.memory_space<vmem>>) target_semaphore(%run_scoped3A : memref<!tpu.dma_semaphore, #tpu.memory_space<semaphore_mem>>)
          %dma_wait3A_99 = arith.constant 0 : i32
          %dma_wait3A_100 = tpu.memref_slice %arg5[%arg1, %mul3A_33, %dma_wait3A_99] : memref<16x160x128xi32, #tpu.memory_space<hbm>> -> memref<1x32x128xi32, #tpu.memory_space<hbm>>
          %dma_wait3A_101 = tpu.memref_squeeze %dma_wait3A_100 : memref<1x32x128xi32, #tpu.memory_space<hbm>> -> memref<32x128xi32, #tpu.memory_space<hbm>>
          %dma_wait3A_102 = arith.constant 0 : i32
          %dma_wait3A_103 = tpu.memref_slice %arg5[%arg1, %mul3A_33, %dma_wait3A_102] : memref<16x160x128xi32, #tpu.memory_space<hbm>> -> memref<1x32x128xi32, #tpu.memory_space<hbm>>
          %dma_wait3A_104 = tpu.memref_squeeze %dma_wait3A_103 : memref<1x32x128xi32, #tpu.memory_space<hbm>> -> memref<32x128xi32, #tpu.memory_space<hbm>>
          tpu.wait_dma2 semaphore(%run_scoped3A : memref<!tpu.dma_semaphore, #tpu.memory_space<semaphore_mem>>) src(%dma_wait3A_104 : memref<32x128xi32, #tpu.memory_space<hbm>>) dst(%arg8 : memref<32x128xi32, #tpu.memory_space<vmem>>)
          tpu.yield
        }) : () -> ()
        %dma_start3A = arith.constant 0 : i32
        %dma_start3A_34 = arith.constant 0 : i32
        %dma_start3A_35 = tpu.memref_slice %arg7[%dma_start3A, %dma_start3A_34] : memref<32x128xi32, #tpu.memory_space<vmem>> -> memref<1x128xi32, #tpu.memory_space<vmem>>
        %dma_start3A_36 = tpu.memref_squeeze %dma_start3A_35 : memref<1x128xi32, #tpu.memory_space<vmem>> -> memref<128xi32, #tpu.memory_space<vmem>>
        %dma_start3A_37 = arith.constant 0 : i32
        %dma_start3A_38 = arith.constant 0 : i32
        %dma_start3A_39 = tpu.memref_slice %arg2[%dma_start3A_37, %dma_start3A_38] : memref<10240x128xf32, #tpu.memory_space<hbm>> -> memref<10240x128xf32, #tpu.memory_space<hbm>>
        tpu.enqueue_indirect_dma source(%dma_start3A_39 : memref<10240x128xf32, #tpu.memory_space<hbm>>) target(%arg9 : memref<128x128xf32, #tpu.memory_space<vmem>>) offsets(%dma_start3A_36 : memref<128xi32, #tpu.memory_space<vmem>>) semaphore(%arg12 : memref<!tpu.dma_semaphore, #tpu.memory_space<semaphore_mem>>)
        %dma_start3A_40 = arith.constant 1 : i32
        %dma_start3A_41 = arith.constant 0 : i32
        %dma_start3A_42 = tpu.memref_slice %arg7[%dma_start3A_40, %dma_start3A_41] : memref<32x128xi32, #tpu.memory_space<vmem>> -> memref<1x128xi32, #tpu.memory_space<vmem>>
        %dma_start3A_43 = tpu.memref_squeeze %dma_start3A_42 : memref<1x128xi32, #tpu.memory_space<vmem>> -> memref<128xi32, #tpu.memory_space<vmem>>
        %dma_start3A_44 = arith.constant 0 : i32
        %dma_start3A_45 = arith.constant 0 : i32
        %dma_start3A_46 = tpu.memref_slice %arg2[%dma_start3A_44, %dma_start3A_45] : memref<10240x128xf32, #tpu.memory_space<hbm>> -> memref<10240x128xf32, #tpu.memory_space<hbm>>
        tpu.enqueue_indirect_dma source(%dma_start3A_46 : memref<10240x128xf32, #tpu.memory_space<hbm>>) target(%arg10 : memref<128x128xf32, #tpu.memory_space<vmem>>) offsets(%dma_start3A_43 : memref<128xi32, #tpu.memory_space<vmem>>) semaphore(%arg13 : memref<!tpu.dma_semaphore, #tpu.memory_space<semaphore_mem>>)
        %scan3A_47 = arith.constant 0 : i32
        %scan3A_48 = arith.constant 15 : i32
        %scan3A_49 = arith.addi %scan3A_47, %scan3A_48 : i32
        %scan3A_50 = arith.constant 1 : i32
        scf.for %scan3A_93 = %scan3A_47 to %scan3A_49 step %scan3A_50  : i32 {
          %mul3A_94 = arith.constant 2 : i32
          %mul3A_95 = arith.muli %mul3A_94, %scan3A_93 : i32
          %dma_wait3A_96 = arith.constant 0 : i32
          %dma_wait3A_97 = tpu.memref_slice %arg7[%mul3A_95, %dma_wait3A_96] : memref<32x128xi32, #tpu.memory_space<vmem>> -> memref<1x128xi32, #tpu.memory_space<vmem>>
          %dma_wait3A_98 = tpu.memref_squeeze %dma_wait3A_97 : memref<1x128xi32, #tpu.memory_space<vmem>> -> memref<128xi32, #tpu.memory_space<vmem>>
          %dma_wait3A_99 = arith.constant 0 : i32
          %dma_wait3A_100 = arith.constant 0 : i32
          %dma_wait3A_101 = tpu.memref_slice %arg2[%dma_wait3A_99, %dma_wait3A_100] : memref<10240x128xf32, #tpu.memory_space<hbm>> -> memref<10240x128xf32, #tpu.memory_space<hbm>>
          tpu.wait_indirect_dma semaphore(%arg12 : memref<!tpu.dma_semaphore, #tpu.memory_space<semaphore_mem>>) src(%dma_wait3A_101 : memref<10240x128xf32, #tpu.memory_space<hbm>>) dst(%arg9 : memref<128x128xf32, #tpu.memory_space<vmem>>)
          %mul3A_102 = arith.constant 2 : i32
          %mul3A_103 = arith.muli %mul3A_102, %scan3A_93 : i32
          %dma_start3A_104 = arith.constant 0 : i32
          %dma_start3A_105 = tpu.memref_slice %arg8[%mul3A_103, %dma_start3A_104] : memref<32x128xi32, #tpu.memory_space<vmem>> -> memref<1x128xi32, #tpu.memory_space<vmem>>
          %dma_start3A_106 = tpu.memref_squeeze %dma_start3A_105 : memref<1x128xi32, #tpu.memory_space<vmem>> -> memref<128xi32, #tpu.memory_space<vmem>>
          %dma_start3A_107 = arith.constant 0 : i32
          %dma_start3A_108 = arith.constant 0 : i32
          %dma_start3A_109 = tpu.memref_slice %arg11[%dma_start3A_107, %dma_start3A_108] : memref<10240x128xf32, #tpu.memory_space<vmem_shared>> -> memref<10240x128xf32, #tpu.memory_space<vmem_shared>>
          tpu.enqueue_indirect_dma source(%arg9 : memref<128x128xf32, #tpu.memory_space<vmem>>) target(%dma_start3A_109 : memref<10240x128xf32, #tpu.memory_space<vmem_shared>>) offsets(%dma_start3A_106 : memref<128xi32, #tpu.memory_space<vmem>>) semaphore(%arg14 : memref<!tpu.dma_semaphore, #tpu.memory_space<semaphore_mem>>) {add = true}
          %mul3A_110 = arith.constant 2 : i32
          %mul3A_111 = arith.muli %mul3A_110, %scan3A_93 : i32
          %add3A_112 = arith.constant 1 : i32
          %add3A_113 = arith.addi %mul3A_111, %add3A_112 : i32
          %dma_wait3A_114 = arith.constant 0 : i32
          %dma_wait3A_115 = tpu.memref_slice %arg7[%add3A_113, %dma_wait3A_114] : memref<32x128xi32, #tpu.memory_space<vmem>> -> memref<1x128xi32, #tpu.memory_space<vmem>>
          %dma_wait3A_116 = tpu.memref_squeeze %dma_wait3A_115 : memref<1x128xi32, #tpu.memory_space<vmem>> -> memref<128xi32, #tpu.memory_space<vmem>>
          %dma_wait3A_117 = arith.constant 0 : i32
          %dma_wait3A_118 = arith.constant 0 : i32
          %dma_wait3A_119 = tpu.memref_slice %arg2[%dma_wait3A_117, %dma_wait3A_118] : memref<10240x128xf32, #tpu.memory_space<hbm>> -> memref<10240x128xf32, #tpu.memory_space<hbm>>
          tpu.wait_indirect_dma semaphore(%arg13 : memref<!tpu.dma_semaphore, #tpu.memory_space<semaphore_mem>>) src(%dma_wait3A_119 : memref<10240x128xf32, #tpu.memory_space<hbm>>) dst(%arg10 : memref<128x128xf32, #tpu.memory_space<vmem>>)
          %mul3A_120 = arith.constant 2 : i32
          %mul3A_121 = arith.muli %mul3A_120, %scan3A_93 : i32
          %add3A_122 = arith.constant 1 : i32
          %add3A_123 = arith.addi %mul3A_121, %add3A_122 : i32
          %dma_start3A_124 = arith.constant 0 : i32
          %dma_start3A_125 = tpu.memref_slice %arg8[%add3A_123, %dma_start3A_124] : memref<32x128xi32, #tpu.memory_space<vmem>> -> memref<1x128xi32, #tpu.memory_space<vmem>>
          %dma_start3A_126 = tpu.memref_squeeze %dma_start3A_125 : memref<1x128xi32, #tpu.memory_space<vmem>> -> memref<128xi32, #tpu.memory_space<vmem>>
          %dma_start3A_127 = arith.constant 0 : i32
          %dma_start3A_128 = arith.constant 0 : i32
          %dma_start3A_129 = tpu.memref_slice %arg11[%dma_start3A_127, %dma_start3A_128] : memref<10240x128xf32, #tpu.memory_space<vmem_shared>> -> memref<10240x128xf32, #tpu.memory_space<vmem_shared>>
          tpu.enqueue_indirect_dma source(%arg10 : memref<128x128xf32, #tpu.memory_space<vmem>>) target(%dma_start3A_129 : memref<10240x128xf32, #tpu.memory_space<vmem_shared>>) offsets(%dma_start3A_126 : memref<128xi32, #tpu.memory_space<vmem>>) semaphore(%arg15 : memref<!tpu.dma_semaphore, #tpu.memory_space<semaphore_mem>>) {add = true}
          %dma_wait3A_130 = arith.constant 0 : i32
          %dma_wait3A_131 = tpu.memref_slice %arg8[%mul3A_103, %dma_wait3A_130] : memref<32x128xi32, #tpu.memory_space<vmem>> -> memref<1x128xi32, #tpu.memory_space<vmem>>
          %dma_wait3A_132 = tpu.memref_squeeze %dma_wait3A_131 : memref<1x128xi32, #tpu.memory_space<vmem>> -> memref<128xi32, #tpu.memory_space<vmem>>
          %dma_wait3A_133 = arith.constant 0 : i32
          %dma_wait3A_134 = arith.constant 0 : i32
          %dma_wait3A_135 = tpu.memref_slice %arg11[%dma_wait3A_133, %dma_wait3A_134] : memref<10240x128xf32, #tpu.memory_space<vmem_shared>> -> memref<10240x128xf32, #tpu.memory_space<vmem_shared>>
          tpu.wait_indirect_dma semaphore(%arg14 : memref<!tpu.dma_semaphore, #tpu.memory_space<semaphore_mem>>) src(%arg9 : memref<128x128xf32, #tpu.memory_space<vmem>>) dst(%dma_wait3A_135 : memref<10240x128xf32, #tpu.memory_space<vmem_shared>>)
          %mul3A_136 = arith.constant 2 : i32
          %mul3A_137 = arith.muli %mul3A_136, %scan3A_93 : i32
          %add3A_138 = arith.constant 2 : i32
          %add3A_139 = arith.addi %mul3A_137, %add3A_138 : i32
          %dma_start3A_140 = arith.constant 0 : i32
          %dma_start3A_141 = tpu.memref_slice %arg7[%add3A_139, %dma_start3A_140] : memref<32x128xi32, #tpu.memory_space<vmem>> -> memref<1x128xi32, #tpu.memory_space<vmem>>
          %dma_start3A_142 = tpu.memref_squeeze %dma_start3A_141 : memref<1x128xi32, #tpu.memory_space<vmem>> -> memref<128xi32, #tpu.memory_space<vmem>>
          %dma_start3A_143 = arith.constant 0 : i32
          %dma_start3A_144 = arith.constant 0 : i32
          %dma_start3A_145 = tpu.memref_slice %arg2[%dma_start3A_143, %dma_start3A_144] : memref<10240x128xf32, #tpu.memory_space<hbm>> -> memref<10240x128xf32, #tpu.memory_space<hbm>>
          tpu.enqueue_indirect_dma source(%dma_start3A_145 : memref<10240x128xf32, #tpu.memory_space<hbm>>) target(%arg9 : memref<128x128xf32, #tpu.memory_space<vmem>>) offsets(%dma_start3A_142 : memref<128xi32, #tpu.memory_space<vmem>>) semaphore(%arg12 : memref<!tpu.dma_semaphore, #tpu.memory_space<semaphore_mem>>)
          %dma_wait3A_146 = arith.constant 0 : i32
          %dma_wait3A_147 = tpu.memref_slice %arg8[%add3A_123, %dma_wait3A_146] : memref<32x128xi32, #tpu.memory_space<vmem>> -> memref<1x128xi32, #tpu.memory_space<vmem>>
          %dma_wait3A_148 = tpu.memref_squeeze %dma_wait3A_147 : memref<1x128xi32, #tpu.memory_space<vmem>> -> memref<128xi32, #tpu.memory_space<vmem>>
          %dma_wait3A_149 = arith.constant 0 : i32
          %dma_wait3A_150 = arith.constant 0 : i32
          %dma_wait3A_151 = tpu.memref_slice %arg11[%dma_wait3A_149, %dma_wait3A_150] : memref<10240x128xf32, #tpu.memory_space<vmem_shared>> -> memref<10240x128xf32, #tpu.memory_space<vmem_shared>>
          tpu.wait_indirect_dma semaphore(%arg15 : memref<!tpu.dma_semaphore, #tpu.memory_space<semaphore_mem>>) src(%arg10 : memref<128x128xf32, #tpu.memory_space<vmem>>) dst(%dma_wait3A_151 : memref<10240x128xf32, #tpu.memory_space<vmem_shared>>)
          %mul3A_152 = arith.constant 2 : i32
          %mul3A_153 = arith.muli %mul3A_152, %scan3A_93 : i32
          %add3A_154 = arith.constant 3 : i32
          %add3A_155 = arith.addi %mul3A_153, %add3A_154 : i32
          %dma_start3A_156 = arith.constant 0 : i32
          %dma_start3A_157 = tpu.memref_slice %arg7[%add3A_155, %dma_start3A_156] : memref<32x128xi32, #tpu.memory_space<vmem>> -> memref<1x128xi32, #tpu.memory_space<vmem>>
          %dma_start3A_158 = tpu.memref_squeeze %dma_start3A_157 : memref<1x128xi32, #tpu.memory_space<vmem>> -> memref<128xi32, #tpu.memory_space<vmem>>
          %dma_start3A_159 = arith.constant 0 : i32
          %dma_start3A_160 = arith.constant 0 : i32
          %dma_start3A_161 = tpu.memref_slice %arg2[%dma_start3A_159, %dma_start3A_160] : memref<10240x128xf32, #tpu.memory_space<hbm>> -> memref<10240x128xf32, #tpu.memory_space<hbm>>
          tpu.enqueue_indirect_dma source(%dma_start3A_161 : memref<10240x128xf32, #tpu.memory_space<hbm>>) target(%arg10 : memref<128x128xf32, #tpu.memory_space<vmem>>) offsets(%dma_start3A_158 : memref<128xi32, #tpu.memory_space<vmem>>) semaphore(%arg13 : memref<!tpu.dma_semaphore, #tpu.memory_space<semaphore_mem>>)
        }
        %scan3A_51 = arith.constant 15 : i32
        %dma_wait3A = arith.constant 30 : i32
        %dma_wait3A_52 = arith.constant 0 : i32
        %dma_wait3A_53 = tpu.memref_slice %arg7[%dma_wait3A, %dma_wait3A_52] : memref<32x128xi32, #tpu.memory_space<vmem>> -> memref<1x128xi32, #tpu.memory_space<vmem>>
        %dma_wait3A_54 = tpu.memref_squeeze %dma_wait3A_53 : memref<1x128xi32, #tpu.memory_space<vmem>> -> memref<128xi32, #tpu.memory_space<vmem>>
        %dma_wait3A_55 = arith.constant 0 : i32
        %dma_wait3A_56 = arith.constant 0 : i32
        %dma_wait3A_57 = tpu.memref_slice %arg2[%dma_wait3A_55, %dma_wait3A_56] : memref<10240x128xf32, #tpu.memory_space<hbm>> -> memref<10240x128xf32, #tpu.memory_space<hbm>>
        tpu.wait_indirect_dma semaphore(%arg12 : memref<!tpu.dma_semaphore, #tpu.memory_space<semaphore_mem>>) src(%dma_wait3A_57 : memref<10240x128xf32, #tpu.memory_space<hbm>>) dst(%arg9 : memref<128x128xf32, #tpu.memory_space<vmem>>)
        %dma_start3A_58 = arith.constant 30 : i32
        %dma_start3A_59 = arith.constant 0 : i32
        %dma_start3A_60 = tpu.memref_slice %arg8[%dma_start3A_58, %dma_start3A_59] : memref<32x128xi32, #tpu.memory_space<vmem>> -> memref<1x128xi32, #tpu.memory_space<vmem>>
        %dma_start3A_61 = tpu.memref_squeeze %dma_start3A_60 : memref<1x128xi32, #tpu.memory_space<vmem>> -> memref<128xi32, #tpu.memory_space<vmem>>
        %dma_start3A_62 = arith.constant 0 : i32
        %dma_start3A_63 = arith.constant 0 : i32
        %dma_start3A_64 = tpu.memref_slice %arg11[%dma_start3A_62, %dma_start3A_63] : memref<10240x128xf32, #tpu.memory_space<vmem_shared>> -> memref<10240x128xf32, #tpu.memory_space<vmem_shared>>
        tpu.enqueue_indirect_dma source(%arg9 : memref<128x128xf32, #tpu.memory_space<vmem>>) target(%dma_start3A_64 : memref<10240x128xf32, #tpu.memory_space<vmem_shared>>) offsets(%dma_start3A_61 : memref<128xi32, #tpu.memory_space<vmem>>) semaphore(%arg14 : memref<!tpu.dma_semaphore, #tpu.memory_space<semaphore_mem>>) {add = true}
        %dma_wait3A_65 = arith.constant 31 : i32
        %dma_wait3A_66 = arith.constant 0 : i32
        %dma_wait3A_67 = tpu.memref_slice %arg7[%dma_wait3A_65, %dma_wait3A_66] : memref<32x128xi32, #tpu.memory_space<vmem>> -> memref<1x128xi32, #tpu.memory_space<vmem>>
        %dma_wait3A_68 = tpu.memref_squeeze %dma_wait3A_67 : memref<1x128xi32, #tpu.memory_space<vmem>> -> memref<128xi32, #tpu.memory_space<vmem>>
        %dma_wait3A_69 = arith.constant 0 : i32
        %dma_wait3A_70 = arith.constant 0 : i32
        %dma_wait3A_71 = tpu.memref_slice %arg2[%dma_wait3A_69, %dma_wait3A_70] : memref<10240x128xf32, #tpu.memory_space<hbm>> -> memref<10240x128xf32, #tpu.memory_space<hbm>>
        tpu.wait_indirect_dma semaphore(%arg13 : memref<!tpu.dma_semaphore, #tpu.memory_space<semaphore_mem>>) src(%dma_wait3A_71 : memref<10240x128xf32, #tpu.memory_space<hbm>>) dst(%arg10 : memref<128x128xf32, #tpu.memory_space<vmem>>)
        %dma_start3A_72 = arith.constant 31 : i32
        %dma_start3A_73 = arith.constant 0 : i32
        %dma_start3A_74 = tpu.memref_slice %arg8[%dma_start3A_72, %dma_start3A_73] : memref<32x128xi32, #tpu.memory_space<vmem>> -> memref<1x128xi32, #tpu.memory_space<vmem>>
        %dma_start3A_75 = tpu.memref_squeeze %dma_start3A_74 : memref<1x128xi32, #tpu.memory_space<vmem>> -> memref<128xi32, #tpu.memory_space<vmem>>
        %dma_start3A_76 = arith.constant 0 : i32
        %dma_start3A_77 = arith.constant 0 : i32
        %dma_start3A_78 = tpu.memref_slice %arg11[%dma_start3A_76, %dma_start3A_77] : memref<10240x128xf32, #tpu.memory_space<vmem_shared>> -> memref<10240x128xf32, #tpu.memory_space<vmem_shared>>
        tpu.enqueue_indirect_dma source(%arg10 : memref<128x128xf32, #tpu.memory_space<vmem>>) target(%dma_start3A_78 : memref<10240x128xf32, #tpu.memory_space<vmem_shared>>) offsets(%dma_start3A_75 : memref<128xi32, #tpu.memory_space<vmem>>) semaphore(%arg15 : memref<!tpu.dma_semaphore, #tpu.memory_space<semaphore_mem>>) {add = true}
        %dma_wait3A_79 = arith.constant 30 : i32
        %dma_wait3A_80 = arith.constant 0 : i32
        %dma_wait3A_81 = tpu.memref_slice %arg8[%dma_wait3A_79, %dma_wait3A_80] : memref<32x128xi32, #tpu.memory_space<vmem>> -> memref<1x128xi32, #tpu.memory_space<vmem>>
        %dma_wait3A_82 = tpu.memref_squeeze %dma_wait3A_81 : memref<1x128xi32, #tpu.memory_space<vmem>> -> memref<128xi32, #tpu.memory_space<vmem>>
        %dma_wait3A_83 = arith.constant 0 : i32
        %dma_wait3A_84 = arith.constant 0 : i32
        %dma_wait3A_85 = tpu.memref_slice %arg11[%dma_wait3A_83, %dma_wait3A_84] : memref<10240x128xf32, #tpu.memory_space<vmem_shared>> -> memref<10240x128xf32, #tpu.memory_space<vmem_shared>>
        tpu.wait_indirect_dma semaphore(%arg14 : memref<!tpu.dma_semaphore, #tpu.memory_space<semaphore_mem>>) src(%arg9 : memref<128x128xf32, #tpu.memory_space<vmem>>) dst(%dma_wait3A_85 : memref<10240x128xf32, #tpu.memory_space<vmem_shared>>)
        %dma_wait3A_86 = arith.constant 31 : i32
        %dma_wait3A_87 = arith.constant 0 : i32
        %dma_wait3A_88 = tpu.memref_slice %arg8[%dma_wait3A_86, %dma_wait3A_87] : memref<32x128xi32, #tpu.memory_space<vmem>> -> memref<1x128xi32, #tpu.memory_space<vmem>>
        %dma_wait3A_89 = tpu.memref_squeeze %dma_wait3A_88 : memref<1x128xi32, #tpu.memory_space<vmem>> -> memref<128xi32, #tpu.memory_space<vmem>>
        %dma_wait3A_90 = arith.constant 0 : i32
        %dma_wait3A_91 = arith.constant 0 : i32
        %dma_wait3A_92 = tpu.memref_slice %arg11[%dma_wait3A_90, %dma_wait3A_91] : memref<10240x128xf32, #tpu.memory_space<vmem_shared>> -> memref<10240x128xf32, #tpu.memory_space<vmem_shared>>
        tpu.wait_indirect_dma semaphore(%arg15 : memref<!tpu.dma_semaphore, #tpu.memory_space<semaphore_mem>>) src(%arg10 : memref<128x128xf32, #tpu.memory_space<vmem>>) dst(%dma_wait3A_92 : memref<10240x128xf32, #tpu.memory_space<vmem_shared>>)
      }
      %scan3A_28 = arith.constant 5 : i32
    } else {
    }
    %eq3A_17 = arith.constant 1 : i32
    %eq3A_18 = arith.cmpi eq, %arg0, %eq3A_17 : i32
    %convert_element_type3A_19 = arith.extui %eq3A_18 : i1 to i32
    %cond3A_20 = arith.constant 0 : i32
    %cond3A_21 = arith.cmpi ne, %convert_element_type3A_19, %cond3A_20 : i32
    scf.if %cond3A_21 {
      %scan3A_23 = arith.constant 0 : i32
      %scan3A_24 = arith.constant 0 : i32
      %scan3A_25 = arith.constant 5 : i32
      %scan3A_26 = arith.addi %scan3A_24, %scan3A_25 : i32
      %scan3A_27 = arith.constant 1 : i32
      scf.for %scan3A_29 = %scan3A_24 to %scan3A_26 step %scan3A_27  : i32 {
        %mul3A_30 = arith.constant 32 : i32
        %mul3A_31 = arith.muli %scan3A_29, %mul3A_30 : i32
        "tpu.region"() ({
          %run_scoped3A = tpu.sem_alloc : memref<!tpu.dma_semaphore, #tpu.memory_space<semaphore_mem>>
          %dma_start3A_93 = arith.constant 0 : i32
          %dma_start3A_94 = tpu.memref_slice %arg5[%arg1, %mul3A_31, %dma_start3A_93] : memref<16x160x128xi32, #tpu.memory_space<hbm>> -> memref<1x32x128xi32, #tpu.memory_space<hbm>>
          %dma_start3A_95 = tpu.memref_squeeze %dma_start3A_94 : memref<1x32x128xi32, #tpu.memory_space<hbm>> -> memref<32x128xi32, #tpu.memory_space<hbm>>
          %dma_start3A_96 = arith.constant 0 : i32
          %dma_start3A_97 = tpu.memref_slice %arg5[%arg1, %mul3A_31, %dma_start3A_96] : memref<16x160x128xi32, #tpu.memory_space<hbm>> -> memref<1x32x128xi32, #tpu.memory_space<hbm>>
          %dma_start3A_98 = tpu.memref_squeeze %dma_start3A_97 : memref<1x32x128xi32, #tpu.memory_space<hbm>> -> memref<32x128xi32, #tpu.memory_space<hbm>>
          tpu.enqueue_dma source(%dma_start3A_98 : memref<32x128xi32, #tpu.memory_space<hbm>>) target(%arg7 : memref<32x128xi32, #tpu.memory_space<vmem>>) target_semaphore(%run_scoped3A : memref<!tpu.dma_semaphore, #tpu.memory_space<semaphore_mem>>)
          %dma_wait3A_99 = arith.constant 0 : i32
          %dma_wait3A_100 = tpu.memref_slice %arg5[%arg1, %mul3A_31, %dma_wait3A_99] : memref<16x160x128xi32, #tpu.memory_space<hbm>> -> memref<1x32x128xi32, #tpu.memory_space<hbm>>
          %dma_wait3A_101 = tpu.memref_squeeze %dma_wait3A_100 : memref<1x32x128xi32, #tpu.memory_space<hbm>> -> memref<32x128xi32, #tpu.memory_space<hbm>>
          %dma_wait3A_102 = arith.constant 0 : i32
          %dma_wait3A_103 = tpu.memref_slice %arg5[%arg1, %mul3A_31, %dma_wait3A_102] : memref<16x160x128xi32, #tpu.memory_space<hbm>> -> memref<1x32x128xi32, #tpu.memory_space<hbm>>
          %dma_wait3A_104 = tpu.memref_squeeze %dma_wait3A_103 : memref<1x32x128xi32, #tpu.memory_space<hbm>> -> memref<32x128xi32, #tpu.memory_space<hbm>>
          tpu.wait_dma2 semaphore(%run_scoped3A : memref<!tpu.dma_semaphore, #tpu.memory_space<semaphore_mem>>) src(%dma_wait3A_104 : memref<32x128xi32, #tpu.memory_space<hbm>>) dst(%arg7 : memref<32x128xi32, #tpu.memory_space<vmem>>)
          tpu.yield
        }) : () -> ()
        %mul3A_32 = arith.constant 32 : i32
        %mul3A_33 = arith.muli %scan3A_29, %mul3A_32 : i32
        "tpu.region"() ({
          %run_scoped3A = tpu.sem_alloc : memref<!tpu.dma_semaphore, #tpu.memory_space<semaphore_mem>>
          %dma_start3A_93 = arith.constant 0 : i32
          %dma_start3A_94 = tpu.memref_slice %arg4[%arg1, %mul3A_33, %dma_start3A_93] : memref<16x160x128xi32, #tpu.memory_space<hbm>> -> memref<1x32x128xi32, #tpu.memory_space<hbm>>
          %dma_start3A_95 = tpu.memref_squeeze %dma_start3A_94 : memref<1x32x128xi32, #tpu.memory_space<hbm>> -> memref<32x128xi32, #tpu.memory_space<hbm>>
          %dma_start3A_96 = arith.constant 0 : i32
          %dma_start3A_97 = tpu.memref_slice %arg4[%arg1, %mul3A_33, %dma_start3A_96] : memref<16x160x128xi32, #tpu.memory_space<hbm>> -> memref<1x32x128xi32, #tpu.memory_space<hbm>>
          %dma_start3A_98 = tpu.memref_squeeze %dma_start3A_97 : memref<1x32x128xi32, #tpu.memory_space<hbm>> -> memref<32x128xi32, #tpu.memory_space<hbm>>
          tpu.enqueue_dma source(%dma_start3A_98 : memref<32x128xi32, #tpu.memory_space<hbm>>) target(%arg8 : memref<32x128xi32, #tpu.memory_space<vmem>>) target_semaphore(%run_scoped3A : memref<!tpu.dma_semaphore, #tpu.memory_space<semaphore_mem>>)
          %dma_wait3A_99 = arith.constant 0 : i32
          %dma_wait3A_100 = tpu.memref_slice %arg4[%arg1, %mul3A_33, %dma_wait3A_99] : memref<16x160x128xi32, #tpu.memory_space<hbm>> -> memref<1x32x128xi32, #tpu.memory_space<hbm>>
          %dma_wait3A_101 = tpu.memref_squeeze %dma_wait3A_100 : memref<1x32x128xi32, #tpu.memory_space<hbm>> -> memref<32x128xi32, #tpu.memory_space<hbm>>
          %dma_wait3A_102 = arith.constant 0 : i32
          %dma_wait3A_103 = tpu.memref_slice %arg4[%arg1, %mul3A_33, %dma_wait3A_102] : memref<16x160x128xi32, #tpu.memory_space<hbm>> -> memref<1x32x128xi32, #tpu.memory_space<hbm>>
          %dma_wait3A_104 = tpu.memref_squeeze %dma_wait3A_103 : memref<1x32x128xi32, #tpu.memory_space<hbm>> -> memref<32x128xi32, #tpu.memory_space<hbm>>
          tpu.wait_dma2 semaphore(%run_scoped3A : memref<!tpu.dma_semaphore, #tpu.memory_space<semaphore_mem>>) src(%dma_wait3A_104 : memref<32x128xi32, #tpu.memory_space<hbm>>) dst(%arg8 : memref<32x128xi32, #tpu.memory_space<vmem>>)
          tpu.yield
        }) : () -> ()
        %dma_start3A = arith.constant 0 : i32
        %dma_start3A_34 = arith.constant 0 : i32
        %dma_start3A_35 = tpu.memref_slice %arg7[%dma_start3A, %dma_start3A_34] : memref<32x128xi32, #tpu.memory_space<vmem>> -> memref<1x128xi32, #tpu.memory_space<vmem>>
        %dma_start3A_36 = tpu.memref_squeeze %dma_start3A_35 : memref<1x128xi32, #tpu.memory_space<vmem>> -> memref<128xi32, #tpu.memory_space<vmem>>
        %dma_start3A_37 = arith.constant 0 : i32
        %dma_start3A_38 = arith.constant 0 : i32
        %dma_start3A_39 = tpu.memref_slice %arg3[%dma_start3A_37, %dma_start3A_38] : memref<10240x128xf32, #tpu.memory_space<hbm>> -> memref<10240x128xf32, #tpu.memory_space<hbm>>
        tpu.enqueue_indirect_dma source(%dma_start3A_39 : memref<10240x128xf32, #tpu.memory_space<hbm>>) target(%arg9 : memref<128x128xf32, #tpu.memory_space<vmem>>) offsets(%dma_start3A_36 : memref<128xi32, #tpu.memory_space<vmem>>) semaphore(%arg12 : memref<!tpu.dma_semaphore, #tpu.memory_space<semaphore_mem>>)
        %dma_start3A_40 = arith.constant 1 : i32
        %dma_start3A_41 = arith.constant 0 : i32
        %dma_start3A_42 = tpu.memref_slice %arg7[%dma_start3A_40, %dma_start3A_41] : memref<32x128xi32, #tpu.memory_space<vmem>> -> memref<1x128xi32, #tpu.memory_space<vmem>>
        %dma_start3A_43 = tpu.memref_squeeze %dma_start3A_42 : memref<1x128xi32, #tpu.memory_space<vmem>> -> memref<128xi32, #tpu.memory_space<vmem>>
        %dma_start3A_44 = arith.constant 0 : i32
        %dma_start3A_45 = arith.constant 0 : i32
        %dma_start3A_46 = tpu.memref_slice %arg3[%dma_start3A_44, %dma_start3A_45] : memref<10240x128xf32, #tpu.memory_space<hbm>> -> memref<10240x128xf32, #tpu.memory_space<hbm>>
        tpu.enqueue_indirect_dma source(%dma_start3A_46 : memref<10240x128xf32, #tpu.memory_space<hbm>>) target(%arg10 : memref<128x128xf32, #tpu.memory_space<vmem>>) offsets(%dma_start3A_43 : memref<128xi32, #tpu.memory_space<vmem>>) semaphore(%arg13 : memref<!tpu.dma_semaphore, #tpu.memory_space<semaphore_mem>>)
        %scan3A_47 = arith.constant 0 : i32
        %scan3A_48 = arith.constant 15 : i32
        %scan3A_49 = arith.addi %scan3A_47, %scan3A_48 : i32
        %scan3A_50 = arith.constant 1 : i32
        scf.for %scan3A_93 = %scan3A_47 to %scan3A_49 step %scan3A_50  : i32 {
          %mul3A_94 = arith.constant 2 : i32
          %mul3A_95 = arith.muli %mul3A_94, %scan3A_93 : i32
          %dma_wait3A_96 = arith.constant 0 : i32
          %dma_wait3A_97 = tpu.memref_slice %arg7[%mul3A_95, %dma_wait3A_96] : memref<32x128xi32, #tpu.memory_space<vmem>> -> memref<1x128xi32, #tpu.memory_space<vmem>>
          %dma_wait3A_98 = tpu.memref_squeeze %dma_wait3A_97 : memref<1x128xi32, #tpu.memory_space<vmem>> -> memref<128xi32, #tpu.memory_space<vmem>>
          %dma_wait3A_99 = arith.constant 0 : i32
          %dma_wait3A_100 = arith.constant 0 : i32
          %dma_wait3A_101 = tpu.memref_slice %arg3[%dma_wait3A_99, %dma_wait3A_100] : memref<10240x128xf32, #tpu.memory_space<hbm>> -> memref<10240x128xf32, #tpu.memory_space<hbm>>
          tpu.wait_indirect_dma semaphore(%arg12 : memref<!tpu.dma_semaphore, #tpu.memory_space<semaphore_mem>>) src(%dma_wait3A_101 : memref<10240x128xf32, #tpu.memory_space<hbm>>) dst(%arg9 : memref<128x128xf32, #tpu.memory_space<vmem>>)
          %mul3A_102 = arith.constant 2 : i32
          %mul3A_103 = arith.muli %mul3A_102, %scan3A_93 : i32
          %dma_start3A_104 = arith.constant 0 : i32
          %dma_start3A_105 = tpu.memref_slice %arg8[%mul3A_103, %dma_start3A_104] : memref<32x128xi32, #tpu.memory_space<vmem>> -> memref<1x128xi32, #tpu.memory_space<vmem>>
          %dma_start3A_106 = tpu.memref_squeeze %dma_start3A_105 : memref<1x128xi32, #tpu.memory_space<vmem>> -> memref<128xi32, #tpu.memory_space<vmem>>
          %dma_start3A_107 = arith.constant 0 : i32
          %dma_start3A_108 = arith.constant 0 : i32
          %dma_start3A_109 = tpu.memref_slice %arg11[%dma_start3A_107, %dma_start3A_108] : memref<10240x128xf32, #tpu.memory_space<vmem_shared>> -> memref<10240x128xf32, #tpu.memory_space<vmem_shared>>
          tpu.enqueue_indirect_dma source(%arg9 : memref<128x128xf32, #tpu.memory_space<vmem>>) target(%dma_start3A_109 : memref<10240x128xf32, #tpu.memory_space<vmem_shared>>) offsets(%dma_start3A_106 : memref<128xi32, #tpu.memory_space<vmem>>) semaphore(%arg14 : memref<!tpu.dma_semaphore, #tpu.memory_space<semaphore_mem>>) {add = true}
          %mul3A_110 = arith.constant 2 : i32
          %mul3A_111 = arith.muli %mul3A_110, %scan3A_93 : i32
          %add3A_112 = arith.constant 1 : i32
          %add3A_113 = arith.addi %mul3A_111, %add3A_112 : i32
          %dma_wait3A_114 = arith.constant 0 : i32
          %dma_wait3A_115 = tpu.memref_slice %arg7[%add3A_113, %dma_wait3A_114] : memref<32x128xi32, #tpu.memory_space<vmem>> -> memref<1x128xi32, #tpu.memory_space<vmem>>
          %dma_wait3A_116 = tpu.memref_squeeze %dma_wait3A_115 : memref<1x128xi32, #tpu.memory_space<vmem>> -> memref<128xi32, #tpu.memory_space<vmem>>
          %dma_wait3A_117 = arith.constant 0 : i32
          %dma_wait3A_118 = arith.constant 0 : i32
          %dma_wait3A_119 = tpu.memref_slice %arg3[%dma_wait3A_117, %dma_wait3A_118] : memref<10240x128xf32, #tpu.memory_space<hbm>> -> memref<10240x128xf32, #tpu.memory_space<hbm>>
          tpu.wait_indirect_dma semaphore(%arg13 : memref<!tpu.dma_semaphore, #tpu.memory_space<semaphore_mem>>) src(%dma_wait3A_119 : memref<10240x128xf32, #tpu.memory_space<hbm>>) dst(%arg10 : memref<128x128xf32, #tpu.memory_space<vmem>>)
          %mul3A_120 = arith.constant 2 : i32
          %mul3A_121 = arith.muli %mul3A_120, %scan3A_93 : i32
          %add3A_122 = arith.constant 1 : i32
          %add3A_123 = arith.addi %mul3A_121, %add3A_122 : i32
          %dma_start3A_124 = arith.constant 0 : i32
          %dma_start3A_125 = tpu.memref_slice %arg8[%add3A_123, %dma_start3A_124] : memref<32x128xi32, #tpu.memory_space<vmem>> -> memref<1x128xi32, #tpu.memory_space<vmem>>
          %dma_start3A_126 = tpu.memref_squeeze %dma_start3A_125 : memref<1x128xi32, #tpu.memory_space<vmem>> -> memref<128xi32, #tpu.memory_space<vmem>>
          %dma_start3A_127 = arith.constant 0 : i32
          %dma_start3A_128 = arith.constant 0 : i32
          %dma_start3A_129 = tpu.memref_slice %arg11[%dma_start3A_127, %dma_start3A_128] : memref<10240x128xf32, #tpu.memory_space<vmem_shared>> -> memref<10240x128xf32, #tpu.memory_space<vmem_shared>>
          tpu.enqueue_indirect_dma source(%arg10 : memref<128x128xf32, #tpu.memory_space<vmem>>) target(%dma_start3A_129 : memref<10240x128xf32, #tpu.memory_space<vmem_shared>>) offsets(%dma_start3A_126 : memref<128xi32, #tpu.memory_space<vmem>>) semaphore(%arg15 : memref<!tpu.dma_semaphore, #tpu.memory_space<semaphore_mem>>) {add = true}
          %dma_wait3A_130 = arith.constant 0 : i32
          %dma_wait3A_131 = tpu.memref_slice %arg8[%mul3A_103, %dma_wait3A_130] : memref<32x128xi32, #tpu.memory_space<vmem>> -> memref<1x128xi32, #tpu.memory_space<vmem>>
          %dma_wait3A_132 = tpu.memref_squeeze %dma_wait3A_131 : memref<1x128xi32, #tpu.memory_space<vmem>> -> memref<128xi32, #tpu.memory_space<vmem>>
          %dma_wait3A_133 = arith.constant 0 : i32
          %dma_wait3A_134 = arith.constant 0 : i32
          %dma_wait3A_135 = tpu.memref_slice %arg11[%dma_wait3A_133, %dma_wait3A_134] : memref<10240x128xf32, #tpu.memory_space<vmem_shared>> -> memref<10240x128xf32, #tpu.memory_space<vmem_shared>>
          tpu.wait_indirect_dma semaphore(%arg14 : memref<!tpu.dma_semaphore, #tpu.memory_space<semaphore_mem>>) src(%arg9 : memref<128x128xf32, #tpu.memory_space<vmem>>) dst(%dma_wait3A_135 : memref<10240x128xf32, #tpu.memory_space<vmem_shared>>)
          %mul3A_136 = arith.constant 2 : i32
          %mul3A_137 = arith.muli %mul3A_136, %scan3A_93 : i32
          %add3A_138 = arith.constant 2 : i32
          %add3A_139 = arith.addi %mul3A_137, %add3A_138 : i32
          %dma_start3A_140 = arith.constant 0 : i32
          %dma_start3A_141 = tpu.memref_slice %arg7[%add3A_139, %dma_start3A_140] : memref<32x128xi32, #tpu.memory_space<vmem>> -> memref<1x128xi32, #tpu.memory_space<vmem>>
          %dma_start3A_142 = tpu.memref_squeeze %dma_start3A_141 : memref<1x128xi32, #tpu.memory_space<vmem>> -> memref<128xi32, #tpu.memory_space<vmem>>
          %dma_start3A_143 = arith.constant 0 : i32
          %dma_start3A_144 = arith.constant 0 : i32
          %dma_start3A_145 = tpu.memref_slice %arg3[%dma_start3A_143, %dma_start3A_144] : memref<10240x128xf32, #tpu.memory_space<hbm>> -> memref<10240x128xf32, #tpu.memory_space<hbm>>
          tpu.enqueue_indirect_dma source(%dma_start3A_145 : memref<10240x128xf32, #tpu.memory_space<hbm>>) target(%arg9 : memref<128x128xf32, #tpu.memory_space<vmem>>) offsets(%dma_start3A_142 : memref<128xi32, #tpu.memory_space<vmem>>) semaphore(%arg12 : memref<!tpu.dma_semaphore, #tpu.memory_space<semaphore_mem>>)
          %dma_wait3A_146 = arith.constant 0 : i32
          %dma_wait3A_147 = tpu.memref_slice %arg8[%add3A_123, %dma_wait3A_146] : memref<32x128xi32, #tpu.memory_space<vmem>> -> memref<1x128xi32, #tpu.memory_space<vmem>>
          %dma_wait3A_148 = tpu.memref_squeeze %dma_wait3A_147 : memref<1x128xi32, #tpu.memory_space<vmem>> -> memref<128xi32, #tpu.memory_space<vmem>>
          %dma_wait3A_149 = arith.constant 0 : i32
          %dma_wait3A_150 = arith.constant 0 : i32
          %dma_wait3A_151 = tpu.memref_slice %arg11[%dma_wait3A_149, %dma_wait3A_150] : memref<10240x128xf32, #tpu.memory_space<vmem_shared>> -> memref<10240x128xf32, #tpu.memory_space<vmem_shared>>
          tpu.wait_indirect_dma semaphore(%arg15 : memref<!tpu.dma_semaphore, #tpu.memory_space<semaphore_mem>>) src(%arg10 : memref<128x128xf32, #tpu.memory_space<vmem>>) dst(%dma_wait3A_151 : memref<10240x128xf32, #tpu.memory_space<vmem_shared>>)
          %mul3A_152 = arith.constant 2 : i32
          %mul3A_153 = arith.muli %mul3A_152, %scan3A_93 : i32
          %add3A_154 = arith.constant 3 : i32
          %add3A_155 = arith.addi %mul3A_153, %add3A_154 : i32
          %dma_start3A_156 = arith.constant 0 : i32
          %dma_start3A_157 = tpu.memref_slice %arg7[%add3A_155, %dma_start3A_156] : memref<32x128xi32, #tpu.memory_space<vmem>> -> memref<1x128xi32, #tpu.memory_space<vmem>>
          %dma_start3A_158 = tpu.memref_squeeze %dma_start3A_157 : memref<1x128xi32, #tpu.memory_space<vmem>> -> memref<128xi32, #tpu.memory_space<vmem>>
          %dma_start3A_159 = arith.constant 0 : i32
          %dma_start3A_160 = arith.constant 0 : i32
          %dma_start3A_161 = tpu.memref_slice %arg3[%dma_start3A_159, %dma_start3A_160] : memref<10240x128xf32, #tpu.memory_space<hbm>> -> memref<10240x128xf32, #tpu.memory_space<hbm>>
          tpu.enqueue_indirect_dma source(%dma_start3A_161 : memref<10240x128xf32, #tpu.memory_space<hbm>>) target(%arg10 : memref<128x128xf32, #tpu.memory_space<vmem>>) offsets(%dma_start3A_158 : memref<128xi32, #tpu.memory_space<vmem>>) semaphore(%arg13 : memref<!tpu.dma_semaphore, #tpu.memory_space<semaphore_mem>>)
        }
        %scan3A_51 = arith.constant 15 : i32
        %dma_wait3A = arith.constant 30 : i32
        %dma_wait3A_52 = arith.constant 0 : i32
        %dma_wait3A_53 = tpu.memref_slice %arg7[%dma_wait3A, %dma_wait3A_52] : memref<32x128xi32, #tpu.memory_space<vmem>> -> memref<1x128xi32, #tpu.memory_space<vmem>>
        %dma_wait3A_54 = tpu.memref_squeeze %dma_wait3A_53 : memref<1x128xi32, #tpu.memory_space<vmem>> -> memref<128xi32, #tpu.memory_space<vmem>>
        %dma_wait3A_55 = arith.constant 0 : i32
        %dma_wait3A_56 = arith.constant 0 : i32
        %dma_wait3A_57 = tpu.memref_slice %arg3[%dma_wait3A_55, %dma_wait3A_56] : memref<10240x128xf32, #tpu.memory_space<hbm>> -> memref<10240x128xf32, #tpu.memory_space<hbm>>
        tpu.wait_indirect_dma semaphore(%arg12 : memref<!tpu.dma_semaphore, #tpu.memory_space<semaphore_mem>>) src(%dma_wait3A_57 : memref<10240x128xf32, #tpu.memory_space<hbm>>) dst(%arg9 : memref<128x128xf32, #tpu.memory_space<vmem>>)
        %dma_start3A_58 = arith.constant 30 : i32
        %dma_start3A_59 = arith.constant 0 : i32
        %dma_start3A_60 = tpu.memref_slice %arg8[%dma_start3A_58, %dma_start3A_59] : memref<32x128xi32, #tpu.memory_space<vmem>> -> memref<1x128xi32, #tpu.memory_space<vmem>>
        %dma_start3A_61 = tpu.memref_squeeze %dma_start3A_60 : memref<1x128xi32, #tpu.memory_space<vmem>> -> memref<128xi32, #tpu.memory_space<vmem>>
        %dma_start3A_62 = arith.constant 0 : i32
        %dma_start3A_63 = arith.constant 0 : i32
        %dma_start3A_64 = tpu.memref_slice %arg11[%dma_start3A_62, %dma_start3A_63] : memref<10240x128xf32, #tpu.memory_space<vmem_shared>> -> memref<10240x128xf32, #tpu.memory_space<vmem_shared>>
        tpu.enqueue_indirect_dma source(%arg9 : memref<128x128xf32, #tpu.memory_space<vmem>>) target(%dma_start3A_64 : memref<10240x128xf32, #tpu.memory_space<vmem_shared>>) offsets(%dma_start3A_61 : memref<128xi32, #tpu.memory_space<vmem>>) semaphore(%arg14 : memref<!tpu.dma_semaphore, #tpu.memory_space<semaphore_mem>>) {add = true}
        %dma_wait3A_65 = arith.constant 31 : i32
        %dma_wait3A_66 = arith.constant 0 : i32
        %dma_wait3A_67 = tpu.memref_slice %arg7[%dma_wait3A_65, %dma_wait3A_66] : memref<32x128xi32, #tpu.memory_space<vmem>> -> memref<1x128xi32, #tpu.memory_space<vmem>>
        %dma_wait3A_68 = tpu.memref_squeeze %dma_wait3A_67 : memref<1x128xi32, #tpu.memory_space<vmem>> -> memref<128xi32, #tpu.memory_space<vmem>>
        %dma_wait3A_69 = arith.constant 0 : i32
        %dma_wait3A_70 = arith.constant 0 : i32
        %dma_wait3A_71 = tpu.memref_slice %arg3[%dma_wait3A_69, %dma_wait3A_70] : memref<10240x128xf32, #tpu.memory_space<hbm>> -> memref<10240x128xf32, #tpu.memory_space<hbm>>
        tpu.wait_indirect_dma semaphore(%arg13 : memref<!tpu.dma_semaphore, #tpu.memory_space<semaphore_mem>>) src(%dma_wait3A_71 : memref<10240x128xf32, #tpu.memory_space<hbm>>) dst(%arg10 : memref<128x128xf32, #tpu.memory_space<vmem>>)
        %dma_start3A_72 = arith.constant 31 : i32
        %dma_start3A_73 = arith.constant 0 : i32
        %dma_start3A_74 = tpu.memref_slice %arg8[%dma_start3A_72, %dma_start3A_73] : memref<32x128xi32, #tpu.memory_space<vmem>> -> memref<1x128xi32, #tpu.memory_space<vmem>>
        %dma_start3A_75 = tpu.memref_squeeze %dma_start3A_74 : memref<1x128xi32, #tpu.memory_space<vmem>> -> memref<128xi32, #tpu.memory_space<vmem>>
        %dma_start3A_76 = arith.constant 0 : i32
        %dma_start3A_77 = arith.constant 0 : i32
        %dma_start3A_78 = tpu.memref_slice %arg11[%dma_start3A_76, %dma_start3A_77] : memref<10240x128xf32, #tpu.memory_space<vmem_shared>> -> memref<10240x128xf32, #tpu.memory_space<vmem_shared>>
        tpu.enqueue_indirect_dma source(%arg10 : memref<128x128xf32, #tpu.memory_space<vmem>>) target(%dma_start3A_78 : memref<10240x128xf32, #tpu.memory_space<vmem_shared>>) offsets(%dma_start3A_75 : memref<128xi32, #tpu.memory_space<vmem>>) semaphore(%arg15 : memref<!tpu.dma_semaphore, #tpu.memory_space<semaphore_mem>>) {add = true}
        %dma_wait3A_79 = arith.constant 30 : i32
        %dma_wait3A_80 = arith.constant 0 : i32
        %dma_wait3A_81 = tpu.memref_slice %arg8[%dma_wait3A_79, %dma_wait3A_80] : memref<32x128xi32, #tpu.memory_space<vmem>> -> memref<1x128xi32, #tpu.memory_space<vmem>>
        %dma_wait3A_82 = tpu.memref_squeeze %dma_wait3A_81 : memref<1x128xi32, #tpu.memory_space<vmem>> -> memref<128xi32, #tpu.memory_space<vmem>>
        %dma_wait3A_83 = arith.constant 0 : i32
        %dma_wait3A_84 = arith.constant 0 : i32
        %dma_wait3A_85 = tpu.memref_slice %arg11[%dma_wait3A_83, %dma_wait3A_84] : memref<10240x128xf32, #tpu.memory_space<vmem_shared>> -> memref<10240x128xf32, #tpu.memory_space<vmem_shared>>
        tpu.wait_indirect_dma semaphore(%arg14 : memref<!tpu.dma_semaphore, #tpu.memory_space<semaphore_mem>>) src(%arg9 : memref<128x128xf32, #tpu.memory_space<vmem>>) dst(%dma_wait3A_85 : memref<10240x128xf32, #tpu.memory_space<vmem_shared>>)
        %dma_wait3A_86 = arith.constant 31 : i32
        %dma_wait3A_87 = arith.constant 0 : i32
        %dma_wait3A_88 = tpu.memref_slice %arg8[%dma_wait3A_86, %dma_wait3A_87] : memref<32x128xi32, #tpu.memory_space<vmem>> -> memref<1x128xi32, #tpu.memory_space<vmem>>
        %dma_wait3A_89 = tpu.memref_squeeze %dma_wait3A_88 : memref<1x128xi32, #tpu.memory_space<vmem>> -> memref<128xi32, #tpu.memory_space<vmem>>
        %dma_wait3A_90 = arith.constant 0 : i32
        %dma_wait3A_91 = arith.constant 0 : i32
        %dma_wait3A_92 = tpu.memref_slice %arg11[%dma_wait3A_90, %dma_wait3A_91] : memref<10240x128xf32, #tpu.memory_space<vmem_shared>> -> memref<10240x128xf32, #tpu.memory_space<vmem_shared>>
        tpu.wait_indirect_dma semaphore(%arg15 : memref<!tpu.dma_semaphore, #tpu.memory_space<semaphore_mem>>) src(%arg10 : memref<128x128xf32, #tpu.memory_space<vmem>>) dst(%dma_wait3A_92 : memref<10240x128xf32, #tpu.memory_space<vmem_shared>>)
      }
      %scan3A_28 = arith.constant 5 : i32
    } else {
    }
    %barrier3A_22 = arith.constant 0 : index
    tpu.barrier barrier_id(%barrier3A_22)
    "tpu.region"() ({
      %run_scoped3A = tpu.sem_alloc : memref<!tpu.dma_semaphore, #tpu.memory_space<semaphore_mem>>
      %dma_start3A = arith.constant 0 : i32
      %dma_start3A_23 = tpu.memref_slice %arg6[%arg0, %mul3A_0, %dma_start3A] : memref<2x10240x128xf32, #tpu.memory_space<hbm>> -> memref<1x640x128xf32, #tpu.memory_space<hbm>>
      %dma_start3A_24 = tpu.memref_squeeze %dma_start3A_23 : memref<1x640x128xf32, #tpu.memory_space<hbm>> -> memref<640x128xf32, #tpu.memory_space<hbm>>
      %dma_start3A_25 = arith.constant 0 : i32
      %dma_start3A_26 = tpu.memref_slice %arg11[%mul3A_0, %dma_start3A_25] : memref<10240x128xf32, #tpu.memory_space<vmem_shared>> -> memref<640x128xf32, #tpu.memory_space<vmem_shared>>
      tpu.enqueue_dma source(%dma_start3A_26 : memref<640x128xf32, #tpu.memory_space<vmem_shared>>) target(%dma_start3A_24 : memref<640x128xf32, #tpu.memory_space<hbm>>) target_semaphore(%run_scoped3A : memref<!tpu.dma_semaphore, #tpu.memory_space<semaphore_mem>>)
      %dma_wait3A = arith.constant 0 : i32
      %dma_wait3A_27 = tpu.memref_slice %arg6[%arg0, %mul3A_0, %dma_wait3A] : memref<2x10240x128xf32, #tpu.memory_space<hbm>> -> memref<1x640x128xf32, #tpu.memory_space<hbm>>
      %dma_wait3A_28 = tpu.memref_squeeze %dma_wait3A_27 : memref<1x640x128xf32, #tpu.memory_space<hbm>> -> memref<640x128xf32, #tpu.memory_space<hbm>>
      %dma_wait3A_29 = arith.constant 0 : i32
      %dma_wait3A_30 = tpu.memref_slice %arg11[%mul3A_0, %dma_wait3A_29] : memref<10240x128xf32, #tpu.memory_space<vmem_shared>> -> memref<640x128xf32, #tpu.memory_space<vmem_shared>>
      tpu.wait_dma2 semaphore(%run_scoped3A : memref<!tpu.dma_semaphore, #tpu.memory_space<semaphore_mem>>) src(%dma_wait3A_30 : memref<640x128xf32, #tpu.memory_space<vmem_shared>>) dst(%dma_wait3A_28 : memref<640x128xf32, #tpu.memory_space<hbm>>)
      tpu.yield
    }) : () -> ()
    return
  }
}

#map = affine_map<(d0, d1) -> (0, 0)>
#map1 = affine_map<(d0, d1) -> (0, 0, 0)>
module attributes {stable_mosaic.version = 14 : i64} {
  func.func @sc_pass(%arg0: i32, %arg1: i32, %arg2: memref<10240x128xf32, #tpu.memory_space<hbm>>, %arg3: memref<10240x128xf32, #tpu.memory_space<hbm>>, %arg4: memref<16x160x128xi32, #tpu.memory_space<hbm>>, %arg5: memref<16x160x128xi32, #tpu.memory_space<hbm>>, %arg6: memref<2x10240x128xf32, #tpu.memory_space<hbm>>, %arg7: memref<16x128xi32, #tpu.memory_space<vmem>>, %arg8: memref<16x128xi32, #tpu.memory_space<vmem>>, %arg9: memref<128x128xf32, #tpu.memory_space<vmem>>, %arg10: memref<128x128xf32, #tpu.memory_space<vmem>>, %arg11: memref<10240x128xf32, #tpu.memory_space<vmem_shared>>, %arg12: memref<!tpu.dma_semaphore, #tpu.memory_space<semaphore_mem>>, %arg13: memref<!tpu.dma_semaphore, #tpu.memory_space<semaphore_mem>>, %arg14: memref<!tpu.dma_semaphore, #tpu.memory_space<semaphore_mem>>, %arg15: memref<!tpu.dma_semaphore, #tpu.memory_space<semaphore_mem>>) attributes {dimension_semantics = [#tpu.dimension_semantics<core_parallel>, #tpu.dimension_semantics<subcore_parallel>], iteration_bounds = array<i64: 2, 16>, scalar_prefetch = 0 : i64, scratch_operands = 9 : i64, tpu.core_type = #tpu.core_type<sc_vector_subcore>, window_params = [{transform_indices = #map}, {transform_indices = #map}, {transform_indices = #map1}, {transform_indices = #map1}, {transform_indices = #map1}]} {
    %mul3A = arith.constant 640 : i32
    %mul3A_0 = arith.muli %arg1, %mul3A : i32
    %scan3A = arith.constant 0 : i32
    %scan3A_1 = arith.constant 0 : i32
    %scan3A_2 = arith.constant 128 : i32
    %scan3A_3 = arith.addi %scan3A_1, %scan3A_2 : i32
    %scan3A_4 = arith.constant 1 : i32
    scf.for %scan3A_23 = %scan3A_1 to %scan3A_3 step %scan3A_4  : i32 {
      %broadcast_in_dim3A = arith.constant 0.000000e+00 : f32
      %broadcast_in_dim3A_24 = vector.broadcast %broadcast_in_dim3A : f32 to vector<16xf32>
      %swap3A = arith.index_cast %scan3A_23 : i32 to index
      %swap3A_25 = arith.constant 0 : index
      %swap3A_26 = tpu.vector_load %arg9[%swap3A, %swap3A_25] {strides = array<i32>} : memref<128x128xf32, #tpu.memory_space<vmem>>, vector<1x16xf32>,
      %swap3A_27 = vector.shape_cast %swap3A_26 : vector<1x16xf32> to vector<16xf32>
      %swap3A_28 = vector.shape_cast %broadcast_in_dim3A_24 : vector<16xf32> to vector<1x16xf32>
      tpu.vector_store %arg9[%swap3A, %swap3A_25], %swap3A_28 {strides = array<i32>} : memref<128x128xf32, #tpu.memory_space<vmem>>, vector<1x16xf32>,
      %broadcast_in_dim3A_29 = arith.constant 0.000000e+00 : f32
      %broadcast_in_dim3A_30 = vector.broadcast %broadcast_in_dim3A_29 : f32 to vector<16xf32>
      %swap3A_31 = arith.index_cast %scan3A_23 : i32 to index
      %swap3A_32 = arith.constant 16 : index
      %swap3A_33 = tpu.vector_load %arg9[%swap3A_31, %swap3A_32] {strides = array<i32>} : memref<128x128xf32, #tpu.memory_space<vmem>>, vector<1x16xf32>,
      %swap3A_34 = vector.shape_cast %swap3A_33 : vector<1x16xf32> to vector<16xf32>
      %swap3A_35 = vector.shape_cast %broadcast_in_dim3A_30 : vector<16xf32> to vector<1x16xf32>
      tpu.vector_store %arg9[%swap3A_31, %swap3A_32], %swap3A_35 {strides = array<i32>} : memref<128x128xf32, #tpu.memory_space<vmem>>, vector<1x16xf32>,
      %broadcast_in_dim3A_36 = arith.constant 0.000000e+00 : f32
      %broadcast_in_dim3A_37 = vector.broadcast %broadcast_in_dim3A_36 : f32 to vector<16xf32>
      %swap3A_38 = arith.index_cast %scan3A_23 : i32 to index
      %swap3A_39 = arith.constant 32 : index
      %swap3A_40 = tpu.vector_load %arg9[%swap3A_38, %swap3A_39] {strides = array<i32>} : memref<128x128xf32, #tpu.memory_space<vmem>>, vector<1x16xf32>,
      %swap3A_41 = vector.shape_cast %swap3A_40 : vector<1x16xf32> to vector<16xf32>
      %swap3A_42 = vector.shape_cast %broadcast_in_dim3A_37 : vector<16xf32> to vector<1x16xf32>
      tpu.vector_store %arg9[%swap3A_38, %swap3A_39], %swap3A_42 {strides = array<i32>} : memref<128x128xf32, #tpu.memory_space<vmem>>, vector<1x16xf32>,
      %broadcast_in_dim3A_43 = arith.constant 0.000000e+00 : f32
      %broadcast_in_dim3A_44 = vector.broadcast %broadcast_in_dim3A_43 : f32 to vector<16xf32>
      %swap3A_45 = arith.index_cast %scan3A_23 : i32 to index
      %swap3A_46 = arith.constant 48 : index
      %swap3A_47 = tpu.vector_load %arg9[%swap3A_45, %swap3A_46] {strides = array<i32>} : memref<128x128xf32, #tpu.memory_space<vmem>>, vector<1x16xf32>,
      %swap3A_48 = vector.shape_cast %swap3A_47 : vector<1x16xf32> to vector<16xf32>
      %swap3A_49 = vector.shape_cast %broadcast_in_dim3A_44 : vector<16xf32> to vector<1x16xf32>
      tpu.vector_store %arg9[%swap3A_45, %swap3A_46], %swap3A_49 {strides = array<i32>} : memref<128x128xf32, #tpu.memory_space<vmem>>, vector<1x16xf32>,
      %broadcast_in_dim3A_50 = arith.constant 0.000000e+00 : f32
      %broadcast_in_dim3A_51 = vector.broadcast %broadcast_in_dim3A_50 : f32 to vector<16xf32>
      %swap3A_52 = arith.index_cast %scan3A_23 : i32 to index
      %swap3A_53 = arith.constant 64 : index
      %swap3A_54 = tpu.vector_load %arg9[%swap3A_52, %swap3A_53] {strides = array<i32>} : memref<128x128xf32, #tpu.memory_space<vmem>>, vector<1x16xf32>,
      %swap3A_55 = vector.shape_cast %swap3A_54 : vector<1x16xf32> to vector<16xf32>
      %swap3A_56 = vector.shape_cast %broadcast_in_dim3A_51 : vector<16xf32> to vector<1x16xf32>
      tpu.vector_store %arg9[%swap3A_52, %swap3A_53], %swap3A_56 {strides = array<i32>} : memref<128x128xf32, #tpu.memory_space<vmem>>, vector<1x16xf32>,
      %broadcast_in_dim3A_57 = arith.constant 0.000000e+00 : f32
      %broadcast_in_dim3A_58 = vector.broadcast %broadcast_in_dim3A_57 : f32 to vector<16xf32>
      %swap3A_59 = arith.index_cast %scan3A_23 : i32 to index
      %swap3A_60 = arith.constant 80 : index
      %swap3A_61 = tpu.vector_load %arg9[%swap3A_59, %swap3A_60] {strides = array<i32>} : memref<128x128xf32, #tpu.memory_space<vmem>>, vector<1x16xf32>,
      %swap3A_62 = vector.shape_cast %swap3A_61 : vector<1x16xf32> to vector<16xf32>
      %swap3A_63 = vector.shape_cast %broadcast_in_dim3A_58 : vector<16xf32> to vector<1x16xf32>
      tpu.vector_store %arg9[%swap3A_59, %swap3A_60], %swap3A_63 {strides = array<i32>} : memref<128x128xf32, #tpu.memory_space<vmem>>, vector<1x16xf32>,
      %broadcast_in_dim3A_64 = arith.constant 0.000000e+00 : f32
      %broadcast_in_dim3A_65 = vector.broadcast %broadcast_in_dim3A_64 : f32 to vector<16xf32>
      %swap3A_66 = arith.index_cast %scan3A_23 : i32 to index
      %swap3A_67 = arith.constant 96 : index
      %swap3A_68 = tpu.vector_load %arg9[%swap3A_66, %swap3A_67] {strides = array<i32>} : memref<128x128xf32, #tpu.memory_space<vmem>>, vector<1x16xf32>,
      %swap3A_69 = vector.shape_cast %swap3A_68 : vector<1x16xf32> to vector<16xf32>
      %swap3A_70 = vector.shape_cast %broadcast_in_dim3A_65 : vector<16xf32> to vector<1x16xf32>
      tpu.vector_store %arg9[%swap3A_66, %swap3A_67], %swap3A_70 {strides = array<i32>} : memref<128x128xf32, #tpu.memory_space<vmem>>, vector<1x16xf32>,
      %broadcast_in_dim3A_71 = arith.constant 0.000000e+00 : f32
      %broadcast_in_dim3A_72 = vector.broadcast %broadcast_in_dim3A_71 : f32 to vector<16xf32>
      %swap3A_73 = arith.index_cast %scan3A_23 : i32 to index
      %swap3A_74 = arith.constant 112 : index
      %swap3A_75 = tpu.vector_load %arg9[%swap3A_73, %swap3A_74] {strides = array<i32>} : memref<128x128xf32, #tpu.memory_space<vmem>>, vector<1x16xf32>,
      %swap3A_76 = vector.shape_cast %swap3A_75 : vector<1x16xf32> to vector<16xf32>
      %swap3A_77 = vector.shape_cast %broadcast_in_dim3A_72 : vector<16xf32> to vector<1x16xf32>
      tpu.vector_store %arg9[%swap3A_73, %swap3A_74], %swap3A_77 {strides = array<i32>} : memref<128x128xf32, #tpu.memory_space<vmem>>, vector<1x16xf32>,
    }
    %scan3A_5 = arith.constant 128 : i32
    %add3A = arith.constant 0 : i32
    %add3A_6 = arith.addi %mul3A_0, %add3A : i32
    "tpu.region"() ({
      %run_scoped3A = tpu.sem_alloc : memref<!tpu.dma_semaphore, #tpu.memory_space<semaphore_mem>>
      %dma_start3A = arith.constant 0 : i32
      %dma_start3A_23 = tpu.memref_slice %arg11[%add3A_6, %dma_start3A] : memref<10240x128xf32, #tpu.memory_space<vmem_shared>> -> memref<128x128xf32, #tpu.memory_space<vmem_shared>>
      %dma_start3A_24 = arith.constant 0 : i32
      %dma_start3A_25 = tpu.memref_slice %arg11[%add3A_6, %dma_start3A_24] : memref<10240x128xf32, #tpu.memory_space<vmem_shared>> -> memref<128x128xf32, #tpu.memory_space<vmem_shared>>
      tpu.enqueue_dma source(%arg9 : memref<128x128xf32, #tpu.memory_space<vmem>>) target(%dma_start3A_25 : memref<128x128xf32, #tpu.memory_space<vmem_shared>>) target_semaphore(%run_scoped3A : memref<!tpu.dma_semaphore, #tpu.memory_space<semaphore_mem>>)
      %dma_wait3A = arith.constant 0 : i32
      %dma_wait3A_26 = tpu.memref_slice %arg11[%add3A_6, %dma_wait3A] : memref<10240x128xf32, #tpu.memory_space<vmem_shared>> -> memref<128x128xf32, #tpu.memory_space<vmem_shared>>
      %dma_wait3A_27 = arith.constant 0 : i32
      %dma_wait3A_28 = tpu.memref_slice %arg11[%add3A_6, %dma_wait3A_27] : memref<10240x128xf32, #tpu.memory_space<vmem_shared>> -> memref<128x128xf32, #tpu.memory_space<vmem_shared>>
      tpu.wait_dma2 semaphore(%run_scoped3A : memref<!tpu.dma_semaphore, #tpu.memory_space<semaphore_mem>>) src(%arg9 : memref<128x128xf32, #tpu.memory_space<vmem>>) dst(%dma_wait3A_28 : memref<128x128xf32, #tpu.memory_space<vmem_shared>>)
      tpu.yield
    }) : () -> ()
    %add3A_7 = arith.constant 128 : i32
    %add3A_8 = arith.addi %mul3A_0, %add3A_7 : i32
    "tpu.region"() ({
      %run_scoped3A = tpu.sem_alloc : memref<!tpu.dma_semaphore, #tpu.memory_space<semaphore_mem>>
      %dma_start3A = arith.constant 0 : i32
      %dma_start3A_23 = tpu.memref_slice %arg11[%add3A_8, %dma_start3A] : memref<10240x128xf32, #tpu.memory_space<vmem_shared>> -> memref<128x128xf32, #tpu.memory_space<vmem_shared>>
      %dma_start3A_24 = arith.constant 0 : i32
      %dma_start3A_25 = tpu.memref_slice %arg11[%add3A_8, %dma_start3A_24] : memref<10240x128xf32, #tpu.memory_space<vmem_shared>> -> memref<128x128xf32, #tpu.memory_space<vmem_shared>>
      tpu.enqueue_dma source(%arg9 : memref<128x128xf32, #tpu.memory_space<vmem>>) target(%dma_start3A_25 : memref<128x128xf32, #tpu.memory_space<vmem_shared>>) target_semaphore(%run_scoped3A : memref<!tpu.dma_semaphore, #tpu.memory_space<semaphore_mem>>)
      %dma_wait3A = arith.constant 0 : i32
      %dma_wait3A_26 = tpu.memref_slice %arg11[%add3A_8, %dma_wait3A] : memref<10240x128xf32, #tpu.memory_space<vmem_shared>> -> memref<128x128xf32, #tpu.memory_space<vmem_shared>>
      %dma_wait3A_27 = arith.constant 0 : i32
      %dma_wait3A_28 = tpu.memref_slice %arg11[%add3A_8, %dma_wait3A_27] : memref<10240x128xf32, #tpu.memory_space<vmem_shared>> -> memref<128x128xf32, #tpu.memory_space<vmem_shared>>
      tpu.wait_dma2 semaphore(%run_scoped3A : memref<!tpu.dma_semaphore, #tpu.memory_space<semaphore_mem>>) src(%arg9 : memref<128x128xf32, #tpu.memory_space<vmem>>) dst(%dma_wait3A_28 : memref<128x128xf32, #tpu.memory_space<vmem_shared>>)
      tpu.yield
    }) : () -> ()
    %add3A_9 = arith.constant 256 : i32
    %add3A_10 = arith.addi %mul3A_0, %add3A_9 : i32
    "tpu.region"() ({
      %run_scoped3A = tpu.sem_alloc : memref<!tpu.dma_semaphore, #tpu.memory_space<semaphore_mem>>
      %dma_start3A = arith.constant 0 : i32
      %dma_start3A_23 = tpu.memref_slice %arg11[%add3A_10, %dma_start3A] : memref<10240x128xf32, #tpu.memory_space<vmem_shared>> -> memref<128x128xf32, #tpu.memory_space<vmem_shared>>
      %dma_start3A_24 = arith.constant 0 : i32
      %dma_start3A_25 = tpu.memref_slice %arg11[%add3A_10, %dma_start3A_24] : memref<10240x128xf32, #tpu.memory_space<vmem_shared>> -> memref<128x128xf32, #tpu.memory_space<vmem_shared>>
      tpu.enqueue_dma source(%arg9 : memref<128x128xf32, #tpu.memory_space<vmem>>) target(%dma_start3A_25 : memref<128x128xf32, #tpu.memory_space<vmem_shared>>) target_semaphore(%run_scoped3A : memref<!tpu.dma_semaphore, #tpu.memory_space<semaphore_mem>>)
      %dma_wait3A = arith.constant 0 : i32
      %dma_wait3A_26 = tpu.memref_slice %arg11[%add3A_10, %dma_wait3A] : memref<10240x128xf32, #tpu.memory_space<vmem_shared>> -> memref<128x128xf32, #tpu.memory_space<vmem_shared>>
      %dma_wait3A_27 = arith.constant 0 : i32
      %dma_wait3A_28 = tpu.memref_slice %arg11[%add3A_10, %dma_wait3A_27] : memref<10240x128xf32, #tpu.memory_space<vmem_shared>> -> memref<128x128xf32, #tpu.memory_space<vmem_shared>>
      tpu.wait_dma2 semaphore(%run_scoped3A : memref<!tpu.dma_semaphore, #tpu.memory_space<semaphore_mem>>) src(%arg9 : memref<128x128xf32, #tpu.memory_space<vmem>>) dst(%dma_wait3A_28 : memref<128x128xf32, #tpu.memory_space<vmem_shared>>)
      tpu.yield
    }) : () -> ()
    %add3A_11 = arith.constant 384 : i32
    %add3A_12 = arith.addi %mul3A_0, %add3A_11 : i32
    "tpu.region"() ({
      %run_scoped3A = tpu.sem_alloc : memref<!tpu.dma_semaphore, #tpu.memory_space<semaphore_mem>>
      %dma_start3A = arith.constant 0 : i32
      %dma_start3A_23 = tpu.memref_slice %arg11[%add3A_12, %dma_start3A] : memref<10240x128xf32, #tpu.memory_space<vmem_shared>> -> memref<128x128xf32, #tpu.memory_space<vmem_shared>>
      %dma_start3A_24 = arith.constant 0 : i32
      %dma_start3A_25 = tpu.memref_slice %arg11[%add3A_12, %dma_start3A_24] : memref<10240x128xf32, #tpu.memory_space<vmem_shared>> -> memref<128x128xf32, #tpu.memory_space<vmem_shared>>
      tpu.enqueue_dma source(%arg9 : memref<128x128xf32, #tpu.memory_space<vmem>>) target(%dma_start3A_25 : memref<128x128xf32, #tpu.memory_space<vmem_shared>>) target_semaphore(%run_scoped3A : memref<!tpu.dma_semaphore, #tpu.memory_space<semaphore_mem>>)
      %dma_wait3A = arith.constant 0 : i32
      %dma_wait3A_26 = tpu.memref_slice %arg11[%add3A_12, %dma_wait3A] : memref<10240x128xf32, #tpu.memory_space<vmem_shared>> -> memref<128x128xf32, #tpu.memory_space<vmem_shared>>
      %dma_wait3A_27 = arith.constant 0 : i32
      %dma_wait3A_28 = tpu.memref_slice %arg11[%add3A_12, %dma_wait3A_27] : memref<10240x128xf32, #tpu.memory_space<vmem_shared>> -> memref<128x128xf32, #tpu.memory_space<vmem_shared>>
      tpu.wait_dma2 semaphore(%run_scoped3A : memref<!tpu.dma_semaphore, #tpu.memory_space<semaphore_mem>>) src(%arg9 : memref<128x128xf32, #tpu.memory_space<vmem>>) dst(%dma_wait3A_28 : memref<128x128xf32, #tpu.memory_space<vmem_shared>>)
      tpu.yield
    }) : () -> ()
    %add3A_13 = arith.constant 512 : i32
    %add3A_14 = arith.addi %mul3A_0, %add3A_13 : i32
    "tpu.region"() ({
      %run_scoped3A = tpu.sem_alloc : memref<!tpu.dma_semaphore, #tpu.memory_space<semaphore_mem>>
      %dma_start3A = arith.constant 0 : i32
      %dma_start3A_23 = tpu.memref_slice %arg11[%add3A_14, %dma_start3A] : memref<10240x128xf32, #tpu.memory_space<vmem_shared>> -> memref<128x128xf32, #tpu.memory_space<vmem_shared>>
      %dma_start3A_24 = arith.constant 0 : i32
      %dma_start3A_25 = tpu.memref_slice %arg11[%add3A_14, %dma_start3A_24] : memref<10240x128xf32, #tpu.memory_space<vmem_shared>> -> memref<128x128xf32, #tpu.memory_space<vmem_shared>>
      tpu.enqueue_dma source(%arg9 : memref<128x128xf32, #tpu.memory_space<vmem>>) target(%dma_start3A_25 : memref<128x128xf32, #tpu.memory_space<vmem_shared>>) target_semaphore(%run_scoped3A : memref<!tpu.dma_semaphore, #tpu.memory_space<semaphore_mem>>)
      %dma_wait3A = arith.constant 0 : i32
      %dma_wait3A_26 = tpu.memref_slice %arg11[%add3A_14, %dma_wait3A] : memref<10240x128xf32, #tpu.memory_space<vmem_shared>> -> memref<128x128xf32, #tpu.memory_space<vmem_shared>>
      %dma_wait3A_27 = arith.constant 0 : i32
      %dma_wait3A_28 = tpu.memref_slice %arg11[%add3A_14, %dma_wait3A_27] : memref<10240x128xf32, #tpu.memory_space<vmem_shared>> -> memref<128x128xf32, #tpu.memory_space<vmem_shared>>
      tpu.wait_dma2 semaphore(%run_scoped3A : memref<!tpu.dma_semaphore, #tpu.memory_space<semaphore_mem>>) src(%arg9 : memref<128x128xf32, #tpu.memory_space<vmem>>) dst(%dma_wait3A_28 : memref<128x128xf32, #tpu.memory_space<vmem_shared>>)
      tpu.yield
    }) : () -> ()
    %barrier3A = arith.constant 0 : index
    tpu.barrier barrier_id(%barrier3A)
    %eq3A = arith.constant 0 : i32
    %eq3A_15 = arith.cmpi eq, %arg0, %eq3A : i32
    %convert_element_type3A = arith.extui %eq3A_15 : i1 to i32
    %cond3A = arith.constant 0 : i32
    %cond3A_16 = arith.cmpi ne, %convert_element_type3A, %cond3A : i32
    scf.if %cond3A_16 {
      %scan3A_23 = arith.constant 0 : i32
      %scan3A_24 = arith.constant 0 : i32
      %scan3A_25 = arith.constant 5 : i32
      %scan3A_26 = arith.addi %scan3A_24, %scan3A_25 : i32
      %scan3A_27 = arith.constant 1 : i32
      scf.for %scan3A_29 = %scan3A_24 to %scan3A_26 step %scan3A_27  : i32 {
        %mul3A_30 = arith.constant 16 : i32
        %mul3A_31 = arith.muli %scan3A_29, %mul3A_30 : i32
        "tpu.region"() ({
          %run_scoped3A = tpu.sem_alloc : memref<!tpu.dma_semaphore, #tpu.memory_space<semaphore_mem>>
          %dma_start3A_93 = arith.constant 0 : i32
          %dma_start3A_94 = tpu.memref_slice %arg5[%arg1, %mul3A_31, %dma_start3A_93] : memref<16x160x128xi32, #tpu.memory_space<hbm>> -> memref<1x16x128xi32, #tpu.memory_space<hbm>>
          %dma_start3A_95 = tpu.memref_squeeze %dma_start3A_94 : memref<1x16x128xi32, #tpu.memory_space<hbm>> -> memref<16x128xi32, #tpu.memory_space<hbm>>
          %dma_start3A_96 = arith.constant 0 : i32
          %dma_start3A_97 = tpu.memref_slice %arg5[%arg1, %mul3A_31, %dma_start3A_96] : memref<16x160x128xi32, #tpu.memory_space<hbm>> -> memref<1x16x128xi32, #tpu.memory_space<hbm>>
          %dma_start3A_98 = tpu.memref_squeeze %dma_start3A_97 : memref<1x16x128xi32, #tpu.memory_space<hbm>> -> memref<16x128xi32, #tpu.memory_space<hbm>>
          tpu.enqueue_dma source(%dma_start3A_98 : memref<16x128xi32, #tpu.memory_space<hbm>>) target(%arg7 : memref<16x128xi32, #tpu.memory_space<vmem>>) target_semaphore(%run_scoped3A : memref<!tpu.dma_semaphore, #tpu.memory_space<semaphore_mem>>)
          %dma_wait3A_99 = arith.constant 0 : i32
          %dma_wait3A_100 = tpu.memref_slice %arg5[%arg1, %mul3A_31, %dma_wait3A_99] : memref<16x160x128xi32, #tpu.memory_space<hbm>> -> memref<1x16x128xi32, #tpu.memory_space<hbm>>
          %dma_wait3A_101 = tpu.memref_squeeze %dma_wait3A_100 : memref<1x16x128xi32, #tpu.memory_space<hbm>> -> memref<16x128xi32, #tpu.memory_space<hbm>>
          %dma_wait3A_102 = arith.constant 0 : i32
          %dma_wait3A_103 = tpu.memref_slice %arg5[%arg1, %mul3A_31, %dma_wait3A_102] : memref<16x160x128xi32, #tpu.memory_space<hbm>> -> memref<1x16x128xi32, #tpu.memory_space<hbm>>
          %dma_wait3A_104 = tpu.memref_squeeze %dma_wait3A_103 : memref<1x16x128xi32, #tpu.memory_space<hbm>> -> memref<16x128xi32, #tpu.memory_space<hbm>>
          tpu.wait_dma2 semaphore(%run_scoped3A : memref<!tpu.dma_semaphore, #tpu.memory_space<semaphore_mem>>) src(%dma_wait3A_104 : memref<16x128xi32, #tpu.memory_space<hbm>>) dst(%arg7 : memref<16x128xi32, #tpu.memory_space<vmem>>)
          tpu.yield
        }) : () -> ()
        %mul3A_32 = arith.constant 16 : i32
        %mul3A_33 = arith.muli %scan3A_29, %mul3A_32 : i32
        "tpu.region"() ({
          %run_scoped3A = tpu.sem_alloc : memref<!tpu.dma_semaphore, #tpu.memory_space<semaphore_mem>>
          %dma_start3A_93 = arith.constant 0 : i32
          %dma_start3A_94 = tpu.memref_slice %arg4[%arg1, %mul3A_33, %dma_start3A_93] : memref<16x160x128xi32, #tpu.memory_space<hbm>> -> memref<1x16x128xi32, #tpu.memory_space<hbm>>
          %dma_start3A_95 = tpu.memref_squeeze %dma_start3A_94 : memref<1x16x128xi32, #tpu.memory_space<hbm>> -> memref<16x128xi32, #tpu.memory_space<hbm>>
          %dma_start3A_96 = arith.constant 0 : i32
          %dma_start3A_97 = tpu.memref_slice %arg4[%arg1, %mul3A_33, %dma_start3A_96] : memref<16x160x128xi32, #tpu.memory_space<hbm>> -> memref<1x16x128xi32, #tpu.memory_space<hbm>>
          %dma_start3A_98 = tpu.memref_squeeze %dma_start3A_97 : memref<1x16x128xi32, #tpu.memory_space<hbm>> -> memref<16x128xi32, #tpu.memory_space<hbm>>
          tpu.enqueue_dma source(%dma_start3A_98 : memref<16x128xi32, #tpu.memory_space<hbm>>) target(%arg8 : memref<16x128xi32, #tpu.memory_space<vmem>>) target_semaphore(%run_scoped3A : memref<!tpu.dma_semaphore, #tpu.memory_space<semaphore_mem>>)
          %dma_wait3A_99 = arith.constant 0 : i32
          %dma_wait3A_100 = tpu.memref_slice %arg4[%arg1, %mul3A_33, %dma_wait3A_99] : memref<16x160x128xi32, #tpu.memory_space<hbm>> -> memref<1x16x128xi32, #tpu.memory_space<hbm>>
          %dma_wait3A_101 = tpu.memref_squeeze %dma_wait3A_100 : memref<1x16x128xi32, #tpu.memory_space<hbm>> -> memref<16x128xi32, #tpu.memory_space<hbm>>
          %dma_wait3A_102 = arith.constant 0 : i32
          %dma_wait3A_103 = tpu.memref_slice %arg4[%arg1, %mul3A_33, %dma_wait3A_102] : memref<16x160x128xi32, #tpu.memory_space<hbm>> -> memref<1x16x128xi32, #tpu.memory_space<hbm>>
          %dma_wait3A_104 = tpu.memref_squeeze %dma_wait3A_103 : memref<1x16x128xi32, #tpu.memory_space<hbm>> -> memref<16x128xi32, #tpu.memory_space<hbm>>
          tpu.wait_dma2 semaphore(%run_scoped3A : memref<!tpu.dma_semaphore, #tpu.memory_space<semaphore_mem>>) src(%dma_wait3A_104 : memref<16x128xi32, #tpu.memory_space<hbm>>) dst(%arg8 : memref<16x128xi32, #tpu.memory_space<vmem>>)
          tpu.yield
        }) : () -> ()
        %dma_start3A = arith.constant 0 : i32
        %dma_start3A_34 = arith.constant 0 : i32
        %dma_start3A_35 = tpu.memref_slice %arg7[%dma_start3A, %dma_start3A_34] : memref<16x128xi32, #tpu.memory_space<vmem>> -> memref<1x128xi32, #tpu.memory_space<vmem>>
        %dma_start3A_36 = tpu.memref_squeeze %dma_start3A_35 : memref<1x128xi32, #tpu.memory_space<vmem>> -> memref<128xi32, #tpu.memory_space<vmem>>
        %dma_start3A_37 = arith.constant 0 : i32
        %dma_start3A_38 = arith.constant 0 : i32
        %dma_start3A_39 = tpu.memref_slice %arg2[%dma_start3A_37, %dma_start3A_38] : memref<10240x128xf32, #tpu.memory_space<hbm>> -> memref<10240x128xf32, #tpu.memory_space<hbm>>
        tpu.enqueue_indirect_dma source(%dma_start3A_39 : memref<10240x128xf32, #tpu.memory_space<hbm>>) target(%arg9 : memref<128x128xf32, #tpu.memory_space<vmem>>) offsets(%dma_start3A_36 : memref<128xi32, #tpu.memory_space<vmem>>) semaphore(%arg12 : memref<!tpu.dma_semaphore, #tpu.memory_space<semaphore_mem>>)
        %dma_start3A_40 = arith.constant 1 : i32
        %dma_start3A_41 = arith.constant 0 : i32
        %dma_start3A_42 = tpu.memref_slice %arg7[%dma_start3A_40, %dma_start3A_41] : memref<16x128xi32, #tpu.memory_space<vmem>> -> memref<1x128xi32, #tpu.memory_space<vmem>>
        %dma_start3A_43 = tpu.memref_squeeze %dma_start3A_42 : memref<1x128xi32, #tpu.memory_space<vmem>> -> memref<128xi32, #tpu.memory_space<vmem>>
        %dma_start3A_44 = arith.constant 0 : i32
        %dma_start3A_45 = arith.constant 0 : i32
        %dma_start3A_46 = tpu.memref_slice %arg2[%dma_start3A_44, %dma_start3A_45] : memref<10240x128xf32, #tpu.memory_space<hbm>> -> memref<10240x128xf32, #tpu.memory_space<hbm>>
        tpu.enqueue_indirect_dma source(%dma_start3A_46 : memref<10240x128xf32, #tpu.memory_space<hbm>>) target(%arg10 : memref<128x128xf32, #tpu.memory_space<vmem>>) offsets(%dma_start3A_43 : memref<128xi32, #tpu.memory_space<vmem>>) semaphore(%arg13 : memref<!tpu.dma_semaphore, #tpu.memory_space<semaphore_mem>>)
        %scan3A_47 = arith.constant 0 : i32
        %scan3A_48 = arith.constant 7 : i32
        %scan3A_49 = arith.addi %scan3A_47, %scan3A_48 : i32
        %scan3A_50 = arith.constant 1 : i32
        scf.for %scan3A_93 = %scan3A_47 to %scan3A_49 step %scan3A_50  : i32 {
          %mul3A_94 = arith.constant 2 : i32
          %mul3A_95 = arith.muli %mul3A_94, %scan3A_93 : i32
          %dma_wait3A_96 = arith.constant 0 : i32
          %dma_wait3A_97 = tpu.memref_slice %arg7[%mul3A_95, %dma_wait3A_96] : memref<16x128xi32, #tpu.memory_space<vmem>> -> memref<1x128xi32, #tpu.memory_space<vmem>>
          %dma_wait3A_98 = tpu.memref_squeeze %dma_wait3A_97 : memref<1x128xi32, #tpu.memory_space<vmem>> -> memref<128xi32, #tpu.memory_space<vmem>>
          %dma_wait3A_99 = arith.constant 0 : i32
          %dma_wait3A_100 = arith.constant 0 : i32
          %dma_wait3A_101 = tpu.memref_slice %arg2[%dma_wait3A_99, %dma_wait3A_100] : memref<10240x128xf32, #tpu.memory_space<hbm>> -> memref<10240x128xf32, #tpu.memory_space<hbm>>
          tpu.wait_indirect_dma semaphore(%arg12 : memref<!tpu.dma_semaphore, #tpu.memory_space<semaphore_mem>>) src(%dma_wait3A_101 : memref<10240x128xf32, #tpu.memory_space<hbm>>) dst(%arg9 : memref<128x128xf32, #tpu.memory_space<vmem>>)
          %mul3A_102 = arith.constant 2 : i32
          %mul3A_103 = arith.muli %mul3A_102, %scan3A_93 : i32
          %dma_start3A_104 = arith.constant 0 : i32
          %dma_start3A_105 = tpu.memref_slice %arg8[%mul3A_103, %dma_start3A_104] : memref<16x128xi32, #tpu.memory_space<vmem>> -> memref<1x128xi32, #tpu.memory_space<vmem>>
          %dma_start3A_106 = tpu.memref_squeeze %dma_start3A_105 : memref<1x128xi32, #tpu.memory_space<vmem>> -> memref<128xi32, #tpu.memory_space<vmem>>
          %dma_start3A_107 = arith.constant 0 : i32
          %dma_start3A_108 = arith.constant 0 : i32
          %dma_start3A_109 = tpu.memref_slice %arg11[%dma_start3A_107, %dma_start3A_108] : memref<10240x128xf32, #tpu.memory_space<vmem_shared>> -> memref<10240x128xf32, #tpu.memory_space<vmem_shared>>
          tpu.enqueue_indirect_dma source(%arg9 : memref<128x128xf32, #tpu.memory_space<vmem>>) target(%dma_start3A_109 : memref<10240x128xf32, #tpu.memory_space<vmem_shared>>) offsets(%dma_start3A_106 : memref<128xi32, #tpu.memory_space<vmem>>) semaphore(%arg14 : memref<!tpu.dma_semaphore, #tpu.memory_space<semaphore_mem>>) {add = true}
          %mul3A_110 = arith.constant 2 : i32
          %mul3A_111 = arith.muli %mul3A_110, %scan3A_93 : i32
          %add3A_112 = arith.constant 1 : i32
          %add3A_113 = arith.addi %mul3A_111, %add3A_112 : i32
          %dma_wait3A_114 = arith.constant 0 : i32
          %dma_wait3A_115 = tpu.memref_slice %arg7[%add3A_113, %dma_wait3A_114] : memref<16x128xi32, #tpu.memory_space<vmem>> -> memref<1x128xi32, #tpu.memory_space<vmem>>
          %dma_wait3A_116 = tpu.memref_squeeze %dma_wait3A_115 : memref<1x128xi32, #tpu.memory_space<vmem>> -> memref<128xi32, #tpu.memory_space<vmem>>
          %dma_wait3A_117 = arith.constant 0 : i32
          %dma_wait3A_118 = arith.constant 0 : i32
          %dma_wait3A_119 = tpu.memref_slice %arg2[%dma_wait3A_117, %dma_wait3A_118] : memref<10240x128xf32, #tpu.memory_space<hbm>> -> memref<10240x128xf32, #tpu.memory_space<hbm>>
          tpu.wait_indirect_dma semaphore(%arg13 : memref<!tpu.dma_semaphore, #tpu.memory_space<semaphore_mem>>) src(%dma_wait3A_119 : memref<10240x128xf32, #tpu.memory_space<hbm>>) dst(%arg10 : memref<128x128xf32, #tpu.memory_space<vmem>>)
          %mul3A_120 = arith.constant 2 : i32
          %mul3A_121 = arith.muli %mul3A_120, %scan3A_93 : i32
          %add3A_122 = arith.constant 1 : i32
          %add3A_123 = arith.addi %mul3A_121, %add3A_122 : i32
          %dma_start3A_124 = arith.constant 0 : i32
          %dma_start3A_125 = tpu.memref_slice %arg8[%add3A_123, %dma_start3A_124] : memref<16x128xi32, #tpu.memory_space<vmem>> -> memref<1x128xi32, #tpu.memory_space<vmem>>
          %dma_start3A_126 = tpu.memref_squeeze %dma_start3A_125 : memref<1x128xi32, #tpu.memory_space<vmem>> -> memref<128xi32, #tpu.memory_space<vmem>>
          %dma_start3A_127 = arith.constant 0 : i32
          %dma_start3A_128 = arith.constant 0 : i32
          %dma_start3A_129 = tpu.memref_slice %arg11[%dma_start3A_127, %dma_start3A_128] : memref<10240x128xf32, #tpu.memory_space<vmem_shared>> -> memref<10240x128xf32, #tpu.memory_space<vmem_shared>>
          tpu.enqueue_indirect_dma source(%arg10 : memref<128x128xf32, #tpu.memory_space<vmem>>) target(%dma_start3A_129 : memref<10240x128xf32, #tpu.memory_space<vmem_shared>>) offsets(%dma_start3A_126 : memref<128xi32, #tpu.memory_space<vmem>>) semaphore(%arg15 : memref<!tpu.dma_semaphore, #tpu.memory_space<semaphore_mem>>) {add = true}
          %dma_wait3A_130 = arith.constant 0 : i32
          %dma_wait3A_131 = tpu.memref_slice %arg8[%mul3A_103, %dma_wait3A_130] : memref<16x128xi32, #tpu.memory_space<vmem>> -> memref<1x128xi32, #tpu.memory_space<vmem>>
          %dma_wait3A_132 = tpu.memref_squeeze %dma_wait3A_131 : memref<1x128xi32, #tpu.memory_space<vmem>> -> memref<128xi32, #tpu.memory_space<vmem>>
          %dma_wait3A_133 = arith.constant 0 : i32
          %dma_wait3A_134 = arith.constant 0 : i32
          %dma_wait3A_135 = tpu.memref_slice %arg11[%dma_wait3A_133, %dma_wait3A_134] : memref<10240x128xf32, #tpu.memory_space<vmem_shared>> -> memref<10240x128xf32, #tpu.memory_space<vmem_shared>>
          tpu.wait_indirect_dma semaphore(%arg14 : memref<!tpu.dma_semaphore, #tpu.memory_space<semaphore_mem>>) src(%arg9 : memref<128x128xf32, #tpu.memory_space<vmem>>) dst(%dma_wait3A_135 : memref<10240x128xf32, #tpu.memory_space<vmem_shared>>)
          %mul3A_136 = arith.constant 2 : i32
          %mul3A_137 = arith.muli %mul3A_136, %scan3A_93 : i32
          %add3A_138 = arith.constant 2 : i32
          %add3A_139 = arith.addi %mul3A_137, %add3A_138 : i32
          %dma_start3A_140 = arith.constant 0 : i32
          %dma_start3A_141 = tpu.memref_slice %arg7[%add3A_139, %dma_start3A_140] : memref<16x128xi32, #tpu.memory_space<vmem>> -> memref<1x128xi32, #tpu.memory_space<vmem>>
          %dma_start3A_142 = tpu.memref_squeeze %dma_start3A_141 : memref<1x128xi32, #tpu.memory_space<vmem>> -> memref<128xi32, #tpu.memory_space<vmem>>
          %dma_start3A_143 = arith.constant 0 : i32
          %dma_start3A_144 = arith.constant 0 : i32
          %dma_start3A_145 = tpu.memref_slice %arg2[%dma_start3A_143, %dma_start3A_144] : memref<10240x128xf32, #tpu.memory_space<hbm>> -> memref<10240x128xf32, #tpu.memory_space<hbm>>
          tpu.enqueue_indirect_dma source(%dma_start3A_145 : memref<10240x128xf32, #tpu.memory_space<hbm>>) target(%arg9 : memref<128x128xf32, #tpu.memory_space<vmem>>) offsets(%dma_start3A_142 : memref<128xi32, #tpu.memory_space<vmem>>) semaphore(%arg12 : memref<!tpu.dma_semaphore, #tpu.memory_space<semaphore_mem>>)
          %dma_wait3A_146 = arith.constant 0 : i32
          %dma_wait3A_147 = tpu.memref_slice %arg8[%add3A_123, %dma_wait3A_146] : memref<16x128xi32, #tpu.memory_space<vmem>> -> memref<1x128xi32, #tpu.memory_space<vmem>>
          %dma_wait3A_148 = tpu.memref_squeeze %dma_wait3A_147 : memref<1x128xi32, #tpu.memory_space<vmem>> -> memref<128xi32, #tpu.memory_space<vmem>>
          %dma_wait3A_149 = arith.constant 0 : i32
          %dma_wait3A_150 = arith.constant 0 : i32
          %dma_wait3A_151 = tpu.memref_slice %arg11[%dma_wait3A_149, %dma_wait3A_150] : memref<10240x128xf32, #tpu.memory_space<vmem_shared>> -> memref<10240x128xf32, #tpu.memory_space<vmem_shared>>
          tpu.wait_indirect_dma semaphore(%arg15 : memref<!tpu.dma_semaphore, #tpu.memory_space<semaphore_mem>>) src(%arg10 : memref<128x128xf32, #tpu.memory_space<vmem>>) dst(%dma_wait3A_151 : memref<10240x128xf32, #tpu.memory_space<vmem_shared>>)
          %mul3A_152 = arith.constant 2 : i32
          %mul3A_153 = arith.muli %mul3A_152, %scan3A_93 : i32
          %add3A_154 = arith.constant 3 : i32
          %add3A_155 = arith.addi %mul3A_153, %add3A_154 : i32
          %dma_start3A_156 = arith.constant 0 : i32
          %dma_start3A_157 = tpu.memref_slice %arg7[%add3A_155, %dma_start3A_156] : memref<16x128xi32, #tpu.memory_space<vmem>> -> memref<1x128xi32, #tpu.memory_space<vmem>>
          %dma_start3A_158 = tpu.memref_squeeze %dma_start3A_157 : memref<1x128xi32, #tpu.memory_space<vmem>> -> memref<128xi32, #tpu.memory_space<vmem>>
          %dma_start3A_159 = arith.constant 0 : i32
          %dma_start3A_160 = arith.constant 0 : i32
          %dma_start3A_161 = tpu.memref_slice %arg2[%dma_start3A_159, %dma_start3A_160] : memref<10240x128xf32, #tpu.memory_space<hbm>> -> memref<10240x128xf32, #tpu.memory_space<hbm>>
          tpu.enqueue_indirect_dma source(%dma_start3A_161 : memref<10240x128xf32, #tpu.memory_space<hbm>>) target(%arg10 : memref<128x128xf32, #tpu.memory_space<vmem>>) offsets(%dma_start3A_158 : memref<128xi32, #tpu.memory_space<vmem>>) semaphore(%arg13 : memref<!tpu.dma_semaphore, #tpu.memory_space<semaphore_mem>>)
        }
        %scan3A_51 = arith.constant 7 : i32
        %dma_wait3A = arith.constant 14 : i32
        %dma_wait3A_52 = arith.constant 0 : i32
        %dma_wait3A_53 = tpu.memref_slice %arg7[%dma_wait3A, %dma_wait3A_52] : memref<16x128xi32, #tpu.memory_space<vmem>> -> memref<1x128xi32, #tpu.memory_space<vmem>>
        %dma_wait3A_54 = tpu.memref_squeeze %dma_wait3A_53 : memref<1x128xi32, #tpu.memory_space<vmem>> -> memref<128xi32, #tpu.memory_space<vmem>>
        %dma_wait3A_55 = arith.constant 0 : i32
        %dma_wait3A_56 = arith.constant 0 : i32
        %dma_wait3A_57 = tpu.memref_slice %arg2[%dma_wait3A_55, %dma_wait3A_56] : memref<10240x128xf32, #tpu.memory_space<hbm>> -> memref<10240x128xf32, #tpu.memory_space<hbm>>
        tpu.wait_indirect_dma semaphore(%arg12 : memref<!tpu.dma_semaphore, #tpu.memory_space<semaphore_mem>>) src(%dma_wait3A_57 : memref<10240x128xf32, #tpu.memory_space<hbm>>) dst(%arg9 : memref<128x128xf32, #tpu.memory_space<vmem>>)
        %dma_start3A_58 = arith.constant 14 : i32
        %dma_start3A_59 = arith.constant 0 : i32
        %dma_start3A_60 = tpu.memref_slice %arg8[%dma_start3A_58, %dma_start3A_59] : memref<16x128xi32, #tpu.memory_space<vmem>> -> memref<1x128xi32, #tpu.memory_space<vmem>>
        %dma_start3A_61 = tpu.memref_squeeze %dma_start3A_60 : memref<1x128xi32, #tpu.memory_space<vmem>> -> memref<128xi32, #tpu.memory_space<vmem>>
        %dma_start3A_62 = arith.constant 0 : i32
        %dma_start3A_63 = arith.constant 0 : i32
        %dma_start3A_64 = tpu.memref_slice %arg11[%dma_start3A_62, %dma_start3A_63] : memref<10240x128xf32, #tpu.memory_space<vmem_shared>> -> memref<10240x128xf32, #tpu.memory_space<vmem_shared>>
        tpu.enqueue_indirect_dma source(%arg9 : memref<128x128xf32, #tpu.memory_space<vmem>>) target(%dma_start3A_64 : memref<10240x128xf32, #tpu.memory_space<vmem_shared>>) offsets(%dma_start3A_61 : memref<128xi32, #tpu.memory_space<vmem>>) semaphore(%arg14 : memref<!tpu.dma_semaphore, #tpu.memory_space<semaphore_mem>>) {add = true}
        %dma_wait3A_65 = arith.constant 15 : i32
        %dma_wait3A_66 = arith.constant 0 : i32
        %dma_wait3A_67 = tpu.memref_slice %arg7[%dma_wait3A_65, %dma_wait3A_66] : memref<16x128xi32, #tpu.memory_space<vmem>> -> memref<1x128xi32, #tpu.memory_space<vmem>>
        %dma_wait3A_68 = tpu.memref_squeeze %dma_wait3A_67 : memref<1x128xi32, #tpu.memory_space<vmem>> -> memref<128xi32, #tpu.memory_space<vmem>>
        %dma_wait3A_69 = arith.constant 0 : i32
        %dma_wait3A_70 = arith.constant 0 : i32
        %dma_wait3A_71 = tpu.memref_slice %arg2[%dma_wait3A_69, %dma_wait3A_70] : memref<10240x128xf32, #tpu.memory_space<hbm>> -> memref<10240x128xf32, #tpu.memory_space<hbm>>
        tpu.wait_indirect_dma semaphore(%arg13 : memref<!tpu.dma_semaphore, #tpu.memory_space<semaphore_mem>>) src(%dma_wait3A_71 : memref<10240x128xf32, #tpu.memory_space<hbm>>) dst(%arg10 : memref<128x128xf32, #tpu.memory_space<vmem>>)
        %dma_start3A_72 = arith.constant 15 : i32
        %dma_start3A_73 = arith.constant 0 : i32
        %dma_start3A_74 = tpu.memref_slice %arg8[%dma_start3A_72, %dma_start3A_73] : memref<16x128xi32, #tpu.memory_space<vmem>> -> memref<1x128xi32, #tpu.memory_space<vmem>>
        %dma_start3A_75 = tpu.memref_squeeze %dma_start3A_74 : memref<1x128xi32, #tpu.memory_space<vmem>> -> memref<128xi32, #tpu.memory_space<vmem>>
        %dma_start3A_76 = arith.constant 0 : i32
        %dma_start3A_77 = arith.constant 0 : i32
        %dma_start3A_78 = tpu.memref_slice %arg11[%dma_start3A_76, %dma_start3A_77] : memref<10240x128xf32, #tpu.memory_space<vmem_shared>> -> memref<10240x128xf32, #tpu.memory_space<vmem_shared>>
        tpu.enqueue_indirect_dma source(%arg10 : memref<128x128xf32, #tpu.memory_space<vmem>>) target(%dma_start3A_78 : memref<10240x128xf32, #tpu.memory_space<vmem_shared>>) offsets(%dma_start3A_75 : memref<128xi32, #tpu.memory_space<vmem>>) semaphore(%arg15 : memref<!tpu.dma_semaphore, #tpu.memory_space<semaphore_mem>>) {add = true}
        %dma_wait3A_79 = arith.constant 14 : i32
        %dma_wait3A_80 = arith.constant 0 : i32
        %dma_wait3A_81 = tpu.memref_slice %arg8[%dma_wait3A_79, %dma_wait3A_80] : memref<16x128xi32, #tpu.memory_space<vmem>> -> memref<1x128xi32, #tpu.memory_space<vmem>>
        %dma_wait3A_82 = tpu.memref_squeeze %dma_wait3A_81 : memref<1x128xi32, #tpu.memory_space<vmem>> -> memref<128xi32, #tpu.memory_space<vmem>>
        %dma_wait3A_83 = arith.constant 0 : i32
        %dma_wait3A_84 = arith.constant 0 : i32
        %dma_wait3A_85 = tpu.memref_slice %arg11[%dma_wait3A_83, %dma_wait3A_84] : memref<10240x128xf32, #tpu.memory_space<vmem_shared>> -> memref<10240x128xf32, #tpu.memory_space<vmem_shared>>
        tpu.wait_indirect_dma semaphore(%arg14 : memref<!tpu.dma_semaphore, #tpu.memory_space<semaphore_mem>>) src(%arg9 : memref<128x128xf32, #tpu.memory_space<vmem>>) dst(%dma_wait3A_85 : memref<10240x128xf32, #tpu.memory_space<vmem_shared>>)
        %dma_wait3A_86 = arith.constant 15 : i32
        %dma_wait3A_87 = arith.constant 0 : i32
        %dma_wait3A_88 = tpu.memref_slice %arg8[%dma_wait3A_86, %dma_wait3A_87] : memref<16x128xi32, #tpu.memory_space<vmem>> -> memref<1x128xi32, #tpu.memory_space<vmem>>
        %dma_wait3A_89 = tpu.memref_squeeze %dma_wait3A_88 : memref<1x128xi32, #tpu.memory_space<vmem>> -> memref<128xi32, #tpu.memory_space<vmem>>
        %dma_wait3A_90 = arith.constant 0 : i32
        %dma_wait3A_91 = arith.constant 0 : i32
        %dma_wait3A_92 = tpu.memref_slice %arg11[%dma_wait3A_90, %dma_wait3A_91] : memref<10240x128xf32, #tpu.memory_space<vmem_shared>> -> memref<10240x128xf32, #tpu.memory_space<vmem_shared>>
        tpu.wait_indirect_dma semaphore(%arg15 : memref<!tpu.dma_semaphore, #tpu.memory_space<semaphore_mem>>) src(%arg10 : memref<128x128xf32, #tpu.memory_space<vmem>>) dst(%dma_wait3A_92 : memref<10240x128xf32, #tpu.memory_space<vmem_shared>>)
      }
      %scan3A_28 = arith.constant 5 : i32
    } else {
    }
    %eq3A_17 = arith.constant 1 : i32
    %eq3A_18 = arith.cmpi eq, %arg0, %eq3A_17 : i32
    %convert_element_type3A_19 = arith.extui %eq3A_18 : i1 to i32
    %cond3A_20 = arith.constant 0 : i32
    %cond3A_21 = arith.cmpi ne, %convert_element_type3A_19, %cond3A_20 : i32
    scf.if %cond3A_21 {
      %scan3A_23 = arith.constant 0 : i32
      %scan3A_24 = arith.constant 5 : i32
      %scan3A_25 = arith.constant 5 : i32
      %scan3A_26 = arith.addi %scan3A_24, %scan3A_25 : i32
      %scan3A_27 = arith.constant 1 : i32
      scf.for %scan3A_29 = %scan3A_24 to %scan3A_26 step %scan3A_27  : i32 {
        %mul3A_30 = arith.constant 16 : i32
        %mul3A_31 = arith.muli %scan3A_29, %mul3A_30 : i32
        "tpu.region"() ({
          %run_scoped3A = tpu.sem_alloc : memref<!tpu.dma_semaphore, #tpu.memory_space<semaphore_mem>>
          %dma_start3A_93 = arith.constant 0 : i32
          %dma_start3A_94 = tpu.memref_slice %arg5[%arg1, %mul3A_31, %dma_start3A_93] : memref<16x160x128xi32, #tpu.memory_space<hbm>> -> memref<1x16x128xi32, #tpu.memory_space<hbm>>
          %dma_start3A_95 = tpu.memref_squeeze %dma_start3A_94 : memref<1x16x128xi32, #tpu.memory_space<hbm>> -> memref<16x128xi32, #tpu.memory_space<hbm>>
          %dma_start3A_96 = arith.constant 0 : i32
          %dma_start3A_97 = tpu.memref_slice %arg5[%arg1, %mul3A_31, %dma_start3A_96] : memref<16x160x128xi32, #tpu.memory_space<hbm>> -> memref<1x16x128xi32, #tpu.memory_space<hbm>>
          %dma_start3A_98 = tpu.memref_squeeze %dma_start3A_97 : memref<1x16x128xi32, #tpu.memory_space<hbm>> -> memref<16x128xi32, #tpu.memory_space<hbm>>
          tpu.enqueue_dma source(%dma_start3A_98 : memref<16x128xi32, #tpu.memory_space<hbm>>) target(%arg7 : memref<16x128xi32, #tpu.memory_space<vmem>>) target_semaphore(%run_scoped3A : memref<!tpu.dma_semaphore, #tpu.memory_space<semaphore_mem>>)
          %dma_wait3A_99 = arith.constant 0 : i32
          %dma_wait3A_100 = tpu.memref_slice %arg5[%arg1, %mul3A_31, %dma_wait3A_99] : memref<16x160x128xi32, #tpu.memory_space<hbm>> -> memref<1x16x128xi32, #tpu.memory_space<hbm>>
          %dma_wait3A_101 = tpu.memref_squeeze %dma_wait3A_100 : memref<1x16x128xi32, #tpu.memory_space<hbm>> -> memref<16x128xi32, #tpu.memory_space<hbm>>
          %dma_wait3A_102 = arith.constant 0 : i32
          %dma_wait3A_103 = tpu.memref_slice %arg5[%arg1, %mul3A_31, %dma_wait3A_102] : memref<16x160x128xi32, #tpu.memory_space<hbm>> -> memref<1x16x128xi32, #tpu.memory_space<hbm>>
          %dma_wait3A_104 = tpu.memref_squeeze %dma_wait3A_103 : memref<1x16x128xi32, #tpu.memory_space<hbm>> -> memref<16x128xi32, #tpu.memory_space<hbm>>
          tpu.wait_dma2 semaphore(%run_scoped3A : memref<!tpu.dma_semaphore, #tpu.memory_space<semaphore_mem>>) src(%dma_wait3A_104 : memref<16x128xi32, #tpu.memory_space<hbm>>) dst(%arg7 : memref<16x128xi32, #tpu.memory_space<vmem>>)
          tpu.yield
        }) : () -> ()
        %mul3A_32 = arith.constant 16 : i32
        %mul3A_33 = arith.muli %scan3A_29, %mul3A_32 : i32
        "tpu.region"() ({
          %run_scoped3A = tpu.sem_alloc : memref<!tpu.dma_semaphore, #tpu.memory_space<semaphore_mem>>
          %dma_start3A_93 = arith.constant 0 : i32
          %dma_start3A_94 = tpu.memref_slice %arg4[%arg1, %mul3A_33, %dma_start3A_93] : memref<16x160x128xi32, #tpu.memory_space<hbm>> -> memref<1x16x128xi32, #tpu.memory_space<hbm>>
          %dma_start3A_95 = tpu.memref_squeeze %dma_start3A_94 : memref<1x16x128xi32, #tpu.memory_space<hbm>> -> memref<16x128xi32, #tpu.memory_space<hbm>>
          %dma_start3A_96 = arith.constant 0 : i32
          %dma_start3A_97 = tpu.memref_slice %arg4[%arg1, %mul3A_33, %dma_start3A_96] : memref<16x160x128xi32, #tpu.memory_space<hbm>> -> memref<1x16x128xi32, #tpu.memory_space<hbm>>
          %dma_start3A_98 = tpu.memref_squeeze %dma_start3A_97 : memref<1x16x128xi32, #tpu.memory_space<hbm>> -> memref<16x128xi32, #tpu.memory_space<hbm>>
          tpu.enqueue_dma source(%dma_start3A_98 : memref<16x128xi32, #tpu.memory_space<hbm>>) target(%arg8 : memref<16x128xi32, #tpu.memory_space<vmem>>) target_semaphore(%run_scoped3A : memref<!tpu.dma_semaphore, #tpu.memory_space<semaphore_mem>>)
          %dma_wait3A_99 = arith.constant 0 : i32
          %dma_wait3A_100 = tpu.memref_slice %arg4[%arg1, %mul3A_33, %dma_wait3A_99] : memref<16x160x128xi32, #tpu.memory_space<hbm>> -> memref<1x16x128xi32, #tpu.memory_space<hbm>>
          %dma_wait3A_101 = tpu.memref_squeeze %dma_wait3A_100 : memref<1x16x128xi32, #tpu.memory_space<hbm>> -> memref<16x128xi32, #tpu.memory_space<hbm>>
          %dma_wait3A_102 = arith.constant 0 : i32
          %dma_wait3A_103 = tpu.memref_slice %arg4[%arg1, %mul3A_33, %dma_wait3A_102] : memref<16x160x128xi32, #tpu.memory_space<hbm>> -> memref<1x16x128xi32, #tpu.memory_space<hbm>>
          %dma_wait3A_104 = tpu.memref_squeeze %dma_wait3A_103 : memref<1x16x128xi32, #tpu.memory_space<hbm>> -> memref<16x128xi32, #tpu.memory_space<hbm>>
          tpu.wait_dma2 semaphore(%run_scoped3A : memref<!tpu.dma_semaphore, #tpu.memory_space<semaphore_mem>>) src(%dma_wait3A_104 : memref<16x128xi32, #tpu.memory_space<hbm>>) dst(%arg8 : memref<16x128xi32, #tpu.memory_space<vmem>>)
          tpu.yield
        }) : () -> ()
        %dma_start3A = arith.constant 0 : i32
        %dma_start3A_34 = arith.constant 0 : i32
        %dma_start3A_35 = tpu.memref_slice %arg7[%dma_start3A, %dma_start3A_34] : memref<16x128xi32, #tpu.memory_space<vmem>> -> memref<1x128xi32, #tpu.memory_space<vmem>>
        %dma_start3A_36 = tpu.memref_squeeze %dma_start3A_35 : memref<1x128xi32, #tpu.memory_space<vmem>> -> memref<128xi32, #tpu.memory_space<vmem>>
        %dma_start3A_37 = arith.constant 0 : i32
        %dma_start3A_38 = arith.constant 0 : i32
        %dma_start3A_39 = tpu.memref_slice %arg3[%dma_start3A_37, %dma_start3A_38] : memref<10240x128xf32, #tpu.memory_space<hbm>> -> memref<10240x128xf32, #tpu.memory_space<hbm>>
        tpu.enqueue_indirect_dma source(%dma_start3A_39 : memref<10240x128xf32, #tpu.memory_space<hbm>>) target(%arg9 : memref<128x128xf32, #tpu.memory_space<vmem>>) offsets(%dma_start3A_36 : memref<128xi32, #tpu.memory_space<vmem>>) semaphore(%arg12 : memref<!tpu.dma_semaphore, #tpu.memory_space<semaphore_mem>>)
        %dma_start3A_40 = arith.constant 1 : i32
        %dma_start3A_41 = arith.constant 0 : i32
        %dma_start3A_42 = tpu.memref_slice %arg7[%dma_start3A_40, %dma_start3A_41] : memref<16x128xi32, #tpu.memory_space<vmem>> -> memref<1x128xi32, #tpu.memory_space<vmem>>
        %dma_start3A_43 = tpu.memref_squeeze %dma_start3A_42 : memref<1x128xi32, #tpu.memory_space<vmem>> -> memref<128xi32, #tpu.memory_space<vmem>>
        %dma_start3A_44 = arith.constant 0 : i32
        %dma_start3A_45 = arith.constant 0 : i32
        %dma_start3A_46 = tpu.memref_slice %arg3[%dma_start3A_44, %dma_start3A_45] : memref<10240x128xf32, #tpu.memory_space<hbm>> -> memref<10240x128xf32, #tpu.memory_space<hbm>>
        tpu.enqueue_indirect_dma source(%dma_start3A_46 : memref<10240x128xf32, #tpu.memory_space<hbm>>) target(%arg10 : memref<128x128xf32, #tpu.memory_space<vmem>>) offsets(%dma_start3A_43 : memref<128xi32, #tpu.memory_space<vmem>>) semaphore(%arg13 : memref<!tpu.dma_semaphore, #tpu.memory_space<semaphore_mem>>)
        %scan3A_47 = arith.constant 0 : i32
        %scan3A_48 = arith.constant 7 : i32
        %scan3A_49 = arith.addi %scan3A_47, %scan3A_48 : i32
        %scan3A_50 = arith.constant 1 : i32
        scf.for %scan3A_93 = %scan3A_47 to %scan3A_49 step %scan3A_50  : i32 {
          %mul3A_94 = arith.constant 2 : i32
          %mul3A_95 = arith.muli %mul3A_94, %scan3A_93 : i32
          %dma_wait3A_96 = arith.constant 0 : i32
          %dma_wait3A_97 = tpu.memref_slice %arg7[%mul3A_95, %dma_wait3A_96] : memref<16x128xi32, #tpu.memory_space<vmem>> -> memref<1x128xi32, #tpu.memory_space<vmem>>
          %dma_wait3A_98 = tpu.memref_squeeze %dma_wait3A_97 : memref<1x128xi32, #tpu.memory_space<vmem>> -> memref<128xi32, #tpu.memory_space<vmem>>
          %dma_wait3A_99 = arith.constant 0 : i32
          %dma_wait3A_100 = arith.constant 0 : i32
          %dma_wait3A_101 = tpu.memref_slice %arg3[%dma_wait3A_99, %dma_wait3A_100] : memref<10240x128xf32, #tpu.memory_space<hbm>> -> memref<10240x128xf32, #tpu.memory_space<hbm>>
          tpu.wait_indirect_dma semaphore(%arg12 : memref<!tpu.dma_semaphore, #tpu.memory_space<semaphore_mem>>) src(%dma_wait3A_101 : memref<10240x128xf32, #tpu.memory_space<hbm>>) dst(%arg9 : memref<128x128xf32, #tpu.memory_space<vmem>>)
          %mul3A_102 = arith.constant 2 : i32
          %mul3A_103 = arith.muli %mul3A_102, %scan3A_93 : i32
          %dma_start3A_104 = arith.constant 0 : i32
          %dma_start3A_105 = tpu.memref_slice %arg8[%mul3A_103, %dma_start3A_104] : memref<16x128xi32, #tpu.memory_space<vmem>> -> memref<1x128xi32, #tpu.memory_space<vmem>>
          %dma_start3A_106 = tpu.memref_squeeze %dma_start3A_105 : memref<1x128xi32, #tpu.memory_space<vmem>> -> memref<128xi32, #tpu.memory_space<vmem>>
          %dma_start3A_107 = arith.constant 0 : i32
          %dma_start3A_108 = arith.constant 0 : i32
          %dma_start3A_109 = tpu.memref_slice %arg11[%dma_start3A_107, %dma_start3A_108] : memref<10240x128xf32, #tpu.memory_space<vmem_shared>> -> memref<10240x128xf32, #tpu.memory_space<vmem_shared>>
          tpu.enqueue_indirect_dma source(%arg9 : memref<128x128xf32, #tpu.memory_space<vmem>>) target(%dma_start3A_109 : memref<10240x128xf32, #tpu.memory_space<vmem_shared>>) offsets(%dma_start3A_106 : memref<128xi32, #tpu.memory_space<vmem>>) semaphore(%arg14 : memref<!tpu.dma_semaphore, #tpu.memory_space<semaphore_mem>>) {add = true}
          %mul3A_110 = arith.constant 2 : i32
          %mul3A_111 = arith.muli %mul3A_110, %scan3A_93 : i32
          %add3A_112 = arith.constant 1 : i32
          %add3A_113 = arith.addi %mul3A_111, %add3A_112 : i32
          %dma_wait3A_114 = arith.constant 0 : i32
          %dma_wait3A_115 = tpu.memref_slice %arg7[%add3A_113, %dma_wait3A_114] : memref<16x128xi32, #tpu.memory_space<vmem>> -> memref<1x128xi32, #tpu.memory_space<vmem>>
          %dma_wait3A_116 = tpu.memref_squeeze %dma_wait3A_115 : memref<1x128xi32, #tpu.memory_space<vmem>> -> memref<128xi32, #tpu.memory_space<vmem>>
          %dma_wait3A_117 = arith.constant 0 : i32
          %dma_wait3A_118 = arith.constant 0 : i32
          %dma_wait3A_119 = tpu.memref_slice %arg3[%dma_wait3A_117, %dma_wait3A_118] : memref<10240x128xf32, #tpu.memory_space<hbm>> -> memref<10240x128xf32, #tpu.memory_space<hbm>>
          tpu.wait_indirect_dma semaphore(%arg13 : memref<!tpu.dma_semaphore, #tpu.memory_space<semaphore_mem>>) src(%dma_wait3A_119 : memref<10240x128xf32, #tpu.memory_space<hbm>>) dst(%arg10 : memref<128x128xf32, #tpu.memory_space<vmem>>)
          %mul3A_120 = arith.constant 2 : i32
          %mul3A_121 = arith.muli %mul3A_120, %scan3A_93 : i32
          %add3A_122 = arith.constant 1 : i32
          %add3A_123 = arith.addi %mul3A_121, %add3A_122 : i32
          %dma_start3A_124 = arith.constant 0 : i32
          %dma_start3A_125 = tpu.memref_slice %arg8[%add3A_123, %dma_start3A_124] : memref<16x128xi32, #tpu.memory_space<vmem>> -> memref<1x128xi32, #tpu.memory_space<vmem>>
          %dma_start3A_126 = tpu.memref_squeeze %dma_start3A_125 : memref<1x128xi32, #tpu.memory_space<vmem>> -> memref<128xi32, #tpu.memory_space<vmem>>
          %dma_start3A_127 = arith.constant 0 : i32
          %dma_start3A_128 = arith.constant 0 : i32
          %dma_start3A_129 = tpu.memref_slice %arg11[%dma_start3A_127, %dma_start3A_128] : memref<10240x128xf32, #tpu.memory_space<vmem_shared>> -> memref<10240x128xf32, #tpu.memory_space<vmem_shared>>
          tpu.enqueue_indirect_dma source(%arg10 : memref<128x128xf32, #tpu.memory_space<vmem>>) target(%dma_start3A_129 : memref<10240x128xf32, #tpu.memory_space<vmem_shared>>) offsets(%dma_start3A_126 : memref<128xi32, #tpu.memory_space<vmem>>) semaphore(%arg15 : memref<!tpu.dma_semaphore, #tpu.memory_space<semaphore_mem>>) {add = true}
          %dma_wait3A_130 = arith.constant 0 : i32
          %dma_wait3A_131 = tpu.memref_slice %arg8[%mul3A_103, %dma_wait3A_130] : memref<16x128xi32, #tpu.memory_space<vmem>> -> memref<1x128xi32, #tpu.memory_space<vmem>>
          %dma_wait3A_132 = tpu.memref_squeeze %dma_wait3A_131 : memref<1x128xi32, #tpu.memory_space<vmem>> -> memref<128xi32, #tpu.memory_space<vmem>>
          %dma_wait3A_133 = arith.constant 0 : i32
          %dma_wait3A_134 = arith.constant 0 : i32
          %dma_wait3A_135 = tpu.memref_slice %arg11[%dma_wait3A_133, %dma_wait3A_134] : memref<10240x128xf32, #tpu.memory_space<vmem_shared>> -> memref<10240x128xf32, #tpu.memory_space<vmem_shared>>
          tpu.wait_indirect_dma semaphore(%arg14 : memref<!tpu.dma_semaphore, #tpu.memory_space<semaphore_mem>>) src(%arg9 : memref<128x128xf32, #tpu.memory_space<vmem>>) dst(%dma_wait3A_135 : memref<10240x128xf32, #tpu.memory_space<vmem_shared>>)
          %mul3A_136 = arith.constant 2 : i32
          %mul3A_137 = arith.muli %mul3A_136, %scan3A_93 : i32
          %add3A_138 = arith.constant 2 : i32
          %add3A_139 = arith.addi %mul3A_137, %add3A_138 : i32
          %dma_start3A_140 = arith.constant 0 : i32
          %dma_start3A_141 = tpu.memref_slice %arg7[%add3A_139, %dma_start3A_140] : memref<16x128xi32, #tpu.memory_space<vmem>> -> memref<1x128xi32, #tpu.memory_space<vmem>>
          %dma_start3A_142 = tpu.memref_squeeze %dma_start3A_141 : memref<1x128xi32, #tpu.memory_space<vmem>> -> memref<128xi32, #tpu.memory_space<vmem>>
          %dma_start3A_143 = arith.constant 0 : i32
          %dma_start3A_144 = arith.constant 0 : i32
          %dma_start3A_145 = tpu.memref_slice %arg3[%dma_start3A_143, %dma_start3A_144] : memref<10240x128xf32, #tpu.memory_space<hbm>> -> memref<10240x128xf32, #tpu.memory_space<hbm>>
          tpu.enqueue_indirect_dma source(%dma_start3A_145 : memref<10240x128xf32, #tpu.memory_space<hbm>>) target(%arg9 : memref<128x128xf32, #tpu.memory_space<vmem>>) offsets(%dma_start3A_142 : memref<128xi32, #tpu.memory_space<vmem>>) semaphore(%arg12 : memref<!tpu.dma_semaphore, #tpu.memory_space<semaphore_mem>>)
          %dma_wait3A_146 = arith.constant 0 : i32
          %dma_wait3A_147 = tpu.memref_slice %arg8[%add3A_123, %dma_wait3A_146] : memref<16x128xi32, #tpu.memory_space<vmem>> -> memref<1x128xi32, #tpu.memory_space<vmem>>
          %dma_wait3A_148 = tpu.memref_squeeze %dma_wait3A_147 : memref<1x128xi32, #tpu.memory_space<vmem>> -> memref<128xi32, #tpu.memory_space<vmem>>
          %dma_wait3A_149 = arith.constant 0 : i32
          %dma_wait3A_150 = arith.constant 0 : i32
          %dma_wait3A_151 = tpu.memref_slice %arg11[%dma_wait3A_149, %dma_wait3A_150] : memref<10240x128xf32, #tpu.memory_space<vmem_shared>> -> memref<10240x128xf32, #tpu.memory_space<vmem_shared>>
          tpu.wait_indirect_dma semaphore(%arg15 : memref<!tpu.dma_semaphore, #tpu.memory_space<semaphore_mem>>) src(%arg10 : memref<128x128xf32, #tpu.memory_space<vmem>>) dst(%dma_wait3A_151 : memref<10240x128xf32, #tpu.memory_space<vmem_shared>>)
          %mul3A_152 = arith.constant 2 : i32
          %mul3A_153 = arith.muli %mul3A_152, %scan3A_93 : i32
          %add3A_154 = arith.constant 3 : i32
          %add3A_155 = arith.addi %mul3A_153, %add3A_154 : i32
          %dma_start3A_156 = arith.constant 0 : i32
          %dma_start3A_157 = tpu.memref_slice %arg7[%add3A_155, %dma_start3A_156] : memref<16x128xi32, #tpu.memory_space<vmem>> -> memref<1x128xi32, #tpu.memory_space<vmem>>
          %dma_start3A_158 = tpu.memref_squeeze %dma_start3A_157 : memref<1x128xi32, #tpu.memory_space<vmem>> -> memref<128xi32, #tpu.memory_space<vmem>>
          %dma_start3A_159 = arith.constant 0 : i32
          %dma_start3A_160 = arith.constant 0 : i32
          %dma_start3A_161 = tpu.memref_slice %arg3[%dma_start3A_159, %dma_start3A_160] : memref<10240x128xf32, #tpu.memory_space<hbm>> -> memref<10240x128xf32, #tpu.memory_space<hbm>>
          tpu.enqueue_indirect_dma source(%dma_start3A_161 : memref<10240x128xf32, #tpu.memory_space<hbm>>) target(%arg10 : memref<128x128xf32, #tpu.memory_space<vmem>>) offsets(%dma_start3A_158 : memref<128xi32, #tpu.memory_space<vmem>>) semaphore(%arg13 : memref<!tpu.dma_semaphore, #tpu.memory_space<semaphore_mem>>)
        }
        %scan3A_51 = arith.constant 7 : i32
        %dma_wait3A = arith.constant 14 : i32
        %dma_wait3A_52 = arith.constant 0 : i32
        %dma_wait3A_53 = tpu.memref_slice %arg7[%dma_wait3A, %dma_wait3A_52] : memref<16x128xi32, #tpu.memory_space<vmem>> -> memref<1x128xi32, #tpu.memory_space<vmem>>
        %dma_wait3A_54 = tpu.memref_squeeze %dma_wait3A_53 : memref<1x128xi32, #tpu.memory_space<vmem>> -> memref<128xi32, #tpu.memory_space<vmem>>
        %dma_wait3A_55 = arith.constant 0 : i32
        %dma_wait3A_56 = arith.constant 0 : i32
        %dma_wait3A_57 = tpu.memref_slice %arg3[%dma_wait3A_55, %dma_wait3A_56] : memref<10240x128xf32, #tpu.memory_space<hbm>> -> memref<10240x128xf32, #tpu.memory_space<hbm>>
        tpu.wait_indirect_dma semaphore(%arg12 : memref<!tpu.dma_semaphore, #tpu.memory_space<semaphore_mem>>) src(%dma_wait3A_57 : memref<10240x128xf32, #tpu.memory_space<hbm>>) dst(%arg9 : memref<128x128xf32, #tpu.memory_space<vmem>>)
        %dma_start3A_58 = arith.constant 14 : i32
        %dma_start3A_59 = arith.constant 0 : i32
        %dma_start3A_60 = tpu.memref_slice %arg8[%dma_start3A_58, %dma_start3A_59] : memref<16x128xi32, #tpu.memory_space<vmem>> -> memref<1x128xi32, #tpu.memory_space<vmem>>
        %dma_start3A_61 = tpu.memref_squeeze %dma_start3A_60 : memref<1x128xi32, #tpu.memory_space<vmem>> -> memref<128xi32, #tpu.memory_space<vmem>>
        %dma_start3A_62 = arith.constant 0 : i32
        %dma_start3A_63 = arith.constant 0 : i32
        %dma_start3A_64 = tpu.memref_slice %arg11[%dma_start3A_62, %dma_start3A_63] : memref<10240x128xf32, #tpu.memory_space<vmem_shared>> -> memref<10240x128xf32, #tpu.memory_space<vmem_shared>>
        tpu.enqueue_indirect_dma source(%arg9 : memref<128x128xf32, #tpu.memory_space<vmem>>) target(%dma_start3A_64 : memref<10240x128xf32, #tpu.memory_space<vmem_shared>>) offsets(%dma_start3A_61 : memref<128xi32, #tpu.memory_space<vmem>>) semaphore(%arg14 : memref<!tpu.dma_semaphore, #tpu.memory_space<semaphore_mem>>) {add = true}
        %dma_wait3A_65 = arith.constant 15 : i32
        %dma_wait3A_66 = arith.constant 0 : i32
        %dma_wait3A_67 = tpu.memref_slice %arg7[%dma_wait3A_65, %dma_wait3A_66] : memref<16x128xi32, #tpu.memory_space<vmem>> -> memref<1x128xi32, #tpu.memory_space<vmem>>
        %dma_wait3A_68 = tpu.memref_squeeze %dma_wait3A_67 : memref<1x128xi32, #tpu.memory_space<vmem>> -> memref<128xi32, #tpu.memory_space<vmem>>
        %dma_wait3A_69 = arith.constant 0 : i32
        %dma_wait3A_70 = arith.constant 0 : i32
        %dma_wait3A_71 = tpu.memref_slice %arg3[%dma_wait3A_69, %dma_wait3A_70] : memref<10240x128xf32, #tpu.memory_space<hbm>> -> memref<10240x128xf32, #tpu.memory_space<hbm>>
        tpu.wait_indirect_dma semaphore(%arg13 : memref<!tpu.dma_semaphore, #tpu.memory_space<semaphore_mem>>) src(%dma_wait3A_71 : memref<10240x128xf32, #tpu.memory_space<hbm>>) dst(%arg10 : memref<128x128xf32, #tpu.memory_space<vmem>>)
        %dma_start3A_72 = arith.constant 15 : i32
        %dma_start3A_73 = arith.constant 0 : i32
        %dma_start3A_74 = tpu.memref_slice %arg8[%dma_start3A_72, %dma_start3A_73] : memref<16x128xi32, #tpu.memory_space<vmem>> -> memref<1x128xi32, #tpu.memory_space<vmem>>
        %dma_start3A_75 = tpu.memref_squeeze %dma_start3A_74 : memref<1x128xi32, #tpu.memory_space<vmem>> -> memref<128xi32, #tpu.memory_space<vmem>>
        %dma_start3A_76 = arith.constant 0 : i32
        %dma_start3A_77 = arith.constant 0 : i32
        %dma_start3A_78 = tpu.memref_slice %arg11[%dma_start3A_76, %dma_start3A_77] : memref<10240x128xf32, #tpu.memory_space<vmem_shared>> -> memref<10240x128xf32, #tpu.memory_space<vmem_shared>>
        tpu.enqueue_indirect_dma source(%arg10 : memref<128x128xf32, #tpu.memory_space<vmem>>) target(%dma_start3A_78 : memref<10240x128xf32, #tpu.memory_space<vmem_shared>>) offsets(%dma_start3A_75 : memref<128xi32, #tpu.memory_space<vmem>>) semaphore(%arg15 : memref<!tpu.dma_semaphore, #tpu.memory_space<semaphore_mem>>) {add = true}
        %dma_wait3A_79 = arith.constant 14 : i32
        %dma_wait3A_80 = arith.constant 0 : i32
        %dma_wait3A_81 = tpu.memref_slice %arg8[%dma_wait3A_79, %dma_wait3A_80] : memref<16x128xi32, #tpu.memory_space<vmem>> -> memref<1x128xi32, #tpu.memory_space<vmem>>
        %dma_wait3A_82 = tpu.memref_squeeze %dma_wait3A_81 : memref<1x128xi32, #tpu.memory_space<vmem>> -> memref<128xi32, #tpu.memory_space<vmem>>
        %dma_wait3A_83 = arith.constant 0 : i32
        %dma_wait3A_84 = arith.constant 0 : i32
        %dma_wait3A_85 = tpu.memref_slice %arg11[%dma_wait3A_83, %dma_wait3A_84] : memref<10240x128xf32, #tpu.memory_space<vmem_shared>> -> memref<10240x128xf32, #tpu.memory_space<vmem_shared>>
        tpu.wait_indirect_dma semaphore(%arg14 : memref<!tpu.dma_semaphore, #tpu.memory_space<semaphore_mem>>) src(%arg9 : memref<128x128xf32, #tpu.memory_space<vmem>>) dst(%dma_wait3A_85 : memref<10240x128xf32, #tpu.memory_space<vmem_shared>>)
        %dma_wait3A_86 = arith.constant 15 : i32
        %dma_wait3A_87 = arith.constant 0 : i32
        %dma_wait3A_88 = tpu.memref_slice %arg8[%dma_wait3A_86, %dma_wait3A_87] : memref<16x128xi32, #tpu.memory_space<vmem>> -> memref<1x128xi32, #tpu.memory_space<vmem>>
        %dma_wait3A_89 = tpu.memref_squeeze %dma_wait3A_88 : memref<1x128xi32, #tpu.memory_space<vmem>> -> memref<128xi32, #tpu.memory_space<vmem>>
        %dma_wait3A_90 = arith.constant 0 : i32
        %dma_wait3A_91 = arith.constant 0 : i32
        %dma_wait3A_92 = tpu.memref_slice %arg11[%dma_wait3A_90, %dma_wait3A_91] : memref<10240x128xf32, #tpu.memory_space<vmem_shared>> -> memref<10240x128xf32, #tpu.memory_space<vmem_shared>>
        tpu.wait_indirect_dma semaphore(%arg15 : memref<!tpu.dma_semaphore, #tpu.memory_space<semaphore_mem>>) src(%arg10 : memref<128x128xf32, #tpu.memory_space<vmem>>) dst(%dma_wait3A_92 : memref<10240x128xf32, #tpu.memory_space<vmem_shared>>)
      }
      %scan3A_28 = arith.constant 5 : i32
    } else {
    }
    %barrier3A_22 = arith.constant 0 : index
    tpu.barrier barrier_id(%barrier3A_22)
    "tpu.region"() ({
      %run_scoped3A = tpu.sem_alloc : memref<!tpu.dma_semaphore, #tpu.memory_space<semaphore_mem>>
      %dma_start3A = arith.constant 0 : i32
      %dma_start3A_23 = tpu.memref_slice %arg6[%arg0, %mul3A_0, %dma_start3A] : memref<2x10240x128xf32, #tpu.memory_space<hbm>> -> memref<1x640x128xf32, #tpu.memory_space<hbm>>
      %dma_start3A_24 = tpu.memref_squeeze %dma_start3A_23 : memref<1x640x128xf32, #tpu.memory_space<hbm>> -> memref<640x128xf32, #tpu.memory_space<hbm>>
      %dma_start3A_25 = arith.constant 0 : i32
      %dma_start3A_26 = tpu.memref_slice %arg11[%mul3A_0, %dma_start3A_25] : memref<10240x128xf32, #tpu.memory_space<vmem_shared>> -> memref<640x128xf32, #tpu.memory_space<vmem_shared>>
      tpu.enqueue_dma source(%dma_start3A_26 : memref<640x128xf32, #tpu.memory_space<vmem_shared>>) target(%dma_start3A_24 : memref<640x128xf32, #tpu.memory_space<hbm>>) target_semaphore(%run_scoped3A : memref<!tpu.dma_semaphore, #tpu.memory_space<semaphore_mem>>)
      %dma_wait3A = arith.constant 0 : i32
      %dma_wait3A_27 = tpu.memref_slice %arg6[%arg0, %mul3A_0, %dma_wait3A] : memref<2x10240x128xf32, #tpu.memory_space<hbm>> -> memref<1x640x128xf32, #tpu.memory_space<hbm>>
      %dma_wait3A_28 = tpu.memref_squeeze %dma_wait3A_27 : memref<1x640x128xf32, #tpu.memory_space<hbm>> -> memref<640x128xf32, #tpu.memory_space<hbm>>
      %dma_wait3A_29 = arith.constant 0 : i32
      %dma_wait3A_30 = tpu.memref_slice %arg11[%mul3A_0, %dma_wait3A_29] : memref<10240x128xf32, #tpu.memory_space<vmem_shared>> -> memref<640x128xf32, #tpu.memory_space<vmem_shared>>
      tpu.wait_dma2 semaphore(%run_scoped3A : memref<!tpu.dma_semaphore, #tpu.memory_space<semaphore_mem>>) src(%dma_wait3A_30 : memref<640x128xf32, #tpu.memory_space<vmem_shared>>) dst(%dma_wait3A_28 : memref<640x128xf32, #tpu.memory_space<hbm>>)
      tpu.yield
    }) : () -> ()
    return
  }
}

#map = affine_map<(d0, d1) -> (0, 0)>
#map1 = affine_map<(d0, d1) -> (0, 0, 0)>
#map2 = affine_map<(d0, d1) -> (0)>
module attributes {stable_mosaic.version = 14 : i64} {
  func.func @call1(%arg0: i32, %arg1: i32, %arg2: memref<10240x128xf32, #tpu.memory_space<hbm>>, %arg3: memref<16x160x128xi32, #tpu.memory_space<hbm>>, %arg4: memref<16x160x128xi32, #tpu.memory_space<hbm>>, %arg5: memref<2x10240x128xf32, #tpu.memory_space<hbm>>, %arg6: memref<10240xf32, #tpu.memory_space<hbm>>, %arg7: memref<10240xf32, #tpu.memory_space<hbm>>, %arg8: memref<32x128xi32, #tpu.memory_space<vmem>>, %arg9: memref<32x128xi32, #tpu.memory_space<vmem>>, %arg10: memref<128x128xf32, #tpu.memory_space<vmem>>, %arg11: memref<128x128xf32, #tpu.memory_space<vmem>>, %arg12: memref<128xf32, #tpu.memory_space<vmem>>, %arg13: memref<640xf32, #tpu.memory_space<vmem>>, %arg14: memref<10240x128xf32, #tpu.memory_space<vmem_shared>>, %arg15: memref<10240xf32, #tpu.memory_space<vmem_shared>>, %arg16: memref<10240xf32, #tpu.memory_space<vmem_shared>>, %arg17: memref<!tpu.dma_semaphore, #tpu.memory_space<semaphore_mem>>, %arg18: memref<!tpu.dma_semaphore, #tpu.memory_space<semaphore_mem>>, %arg19: memref<!tpu.dma_semaphore, #tpu.memory_space<semaphore_mem>>, %arg20: memref<!tpu.dma_semaphore, #tpu.memory_space<semaphore_mem>>) attributes {dimension_semantics = [#tpu.dimension_semantics<core_parallel>, #tpu.dimension_semantics<subcore_parallel>], iteration_bounds = array<i64: 2, 16>, scalar_prefetch = 0 : i64, scratch_operands = 13 : i64, tpu.core_type = #tpu.core_type<sc_vector_subcore>, window_params = [{transform_indices = #map}, {transform_indices = #map1}, {transform_indices = #map1}, {transform_indices = #map1}, {transform_indices = #map2}, {transform_indices = #map2}]} {
    %mul3A = arith.constant 640 : i32
    %mul3A_0 = arith.muli %arg1, %mul3A : i32
    %scan3A = arith.constant 0 : i32
    %scan3A_1 = arith.constant 0 : i32
    %scan3A_2 = arith.constant 128 : i32
    %scan3A_3 = arith.addi %scan3A_1, %scan3A_2 : i32
    %scan3A_4 = arith.constant 1 : i32
    scf.for %scan3A_44 = %scan3A_1 to %scan3A_3 step %scan3A_4  : i32 {
      %broadcast_in_dim3A = arith.constant 0.000000e+00 : f32
      %broadcast_in_dim3A_45 = vector.broadcast %broadcast_in_dim3A : f32 to vector<16xf32>
      %swap3A = arith.index_cast %scan3A_44 : i32 to index
      %swap3A_46 = arith.constant 0 : index
      %swap3A_47 = tpu.vector_load %arg10[%swap3A, %swap3A_46] {strides = array<i32>} : memref<128x128xf32, #tpu.memory_space<vmem>>, vector<1x16xf32>,
      %swap3A_48 = vector.shape_cast %swap3A_47 : vector<1x16xf32> to vector<16xf32>
      %swap3A_49 = vector.shape_cast %broadcast_in_dim3A_45 : vector<16xf32> to vector<1x16xf32>
      tpu.vector_store %arg10[%swap3A, %swap3A_46], %swap3A_49 {strides = array<i32>} : memref<128x128xf32, #tpu.memory_space<vmem>>, vector<1x16xf32>,
      %broadcast_in_dim3A_50 = arith.constant 0.000000e+00 : f32
      %broadcast_in_dim3A_51 = vector.broadcast %broadcast_in_dim3A_50 : f32 to vector<16xf32>
      %swap3A_52 = arith.index_cast %scan3A_44 : i32 to index
      %swap3A_53 = arith.constant 16 : index
      %swap3A_54 = tpu.vector_load %arg10[%swap3A_52, %swap3A_53] {strides = array<i32>} : memref<128x128xf32, #tpu.memory_space<vmem>>, vector<1x16xf32>,
      %swap3A_55 = vector.shape_cast %swap3A_54 : vector<1x16xf32> to vector<16xf32>
      %swap3A_56 = vector.shape_cast %broadcast_in_dim3A_51 : vector<16xf32> to vector<1x16xf32>
      tpu.vector_store %arg10[%swap3A_52, %swap3A_53], %swap3A_56 {strides = array<i32>} : memref<128x128xf32, #tpu.memory_space<vmem>>, vector<1x16xf32>,
      %broadcast_in_dim3A_57 = arith.constant 0.000000e+00 : f32
      %broadcast_in_dim3A_58 = vector.broadcast %broadcast_in_dim3A_57 : f32 to vector<16xf32>
      %swap3A_59 = arith.index_cast %scan3A_44 : i32 to index
      %swap3A_60 = arith.constant 32 : index
      %swap3A_61 = tpu.vector_load %arg10[%swap3A_59, %swap3A_60] {strides = array<i32>} : memref<128x128xf32, #tpu.memory_space<vmem>>, vector<1x16xf32>,
      %swap3A_62 = vector.shape_cast %swap3A_61 : vector<1x16xf32> to vector<16xf32>
      %swap3A_63 = vector.shape_cast %broadcast_in_dim3A_58 : vector<16xf32> to vector<1x16xf32>
      tpu.vector_store %arg10[%swap3A_59, %swap3A_60], %swap3A_63 {strides = array<i32>} : memref<128x128xf32, #tpu.memory_space<vmem>>, vector<1x16xf32>,
      %broadcast_in_dim3A_64 = arith.constant 0.000000e+00 : f32
      %broadcast_in_dim3A_65 = vector.broadcast %broadcast_in_dim3A_64 : f32 to vector<16xf32>
      %swap3A_66 = arith.index_cast %scan3A_44 : i32 to index
      %swap3A_67 = arith.constant 48 : index
      %swap3A_68 = tpu.vector_load %arg10[%swap3A_66, %swap3A_67] {strides = array<i32>} : memref<128x128xf32, #tpu.memory_space<vmem>>, vector<1x16xf32>,
      %swap3A_69 = vector.shape_cast %swap3A_68 : vector<1x16xf32> to vector<16xf32>
      %swap3A_70 = vector.shape_cast %broadcast_in_dim3A_65 : vector<16xf32> to vector<1x16xf32>
      tpu.vector_store %arg10[%swap3A_66, %swap3A_67], %swap3A_70 {strides = array<i32>} : memref<128x128xf32, #tpu.memory_space<vmem>>, vector<1x16xf32>,
      %broadcast_in_dim3A_71 = arith.constant 0.000000e+00 : f32
      %broadcast_in_dim3A_72 = vector.broadcast %broadcast_in_dim3A_71 : f32 to vector<16xf32>
      %swap3A_73 = arith.index_cast %scan3A_44 : i32 to index
      %swap3A_74 = arith.constant 64 : index
      %swap3A_75 = tpu.vector_load %arg10[%swap3A_73, %swap3A_74] {strides = array<i32>} : memref<128x128xf32, #tpu.memory_space<vmem>>, vector<1x16xf32>,
      %swap3A_76 = vector.shape_cast %swap3A_75 : vector<1x16xf32> to vector<16xf32>
      %swap3A_77 = vector.shape_cast %broadcast_in_dim3A_72 : vector<16xf32> to vector<1x16xf32>
      tpu.vector_store %arg10[%swap3A_73, %swap3A_74], %swap3A_77 {strides = array<i32>} : memref<128x128xf32, #tpu.memory_space<vmem>>, vector<1x16xf32>,
      %broadcast_in_dim3A_78 = arith.constant 0.000000e+00 : f32
      %broadcast_in_dim3A_79 = vector.broadcast %broadcast_in_dim3A_78 : f32 to vector<16xf32>
      %swap3A_80 = arith.index_cast %scan3A_44 : i32 to index
      %swap3A_81 = arith.constant 80 : index
      %swap3A_82 = tpu.vector_load %arg10[%swap3A_80, %swap3A_81] {strides = array<i32>} : memref<128x128xf32, #tpu.memory_space<vmem>>, vector<1x16xf32>,
      %swap3A_83 = vector.shape_cast %swap3A_82 : vector<1x16xf32> to vector<16xf32>
      %swap3A_84 = vector.shape_cast %broadcast_in_dim3A_79 : vector<16xf32> to vector<1x16xf32>
      tpu.vector_store %arg10[%swap3A_80, %swap3A_81], %swap3A_84 {strides = array<i32>} : memref<128x128xf32, #tpu.memory_space<vmem>>, vector<1x16xf32>,
      %broadcast_in_dim3A_85 = arith.constant 0.000000e+00 : f32
      %broadcast_in_dim3A_86 = vector.broadcast %broadcast_in_dim3A_85 : f32 to vector<16xf32>
      %swap3A_87 = arith.index_cast %scan3A_44 : i32 to index
      %swap3A_88 = arith.constant 96 : index
      %swap3A_89 = tpu.vector_load %arg10[%swap3A_87, %swap3A_88] {strides = array<i32>} : memref<128x128xf32, #tpu.memory_space<vmem>>, vector<1x16xf32>,
      %swap3A_90 = vector.shape_cast %swap3A_89 : vector<1x16xf32> to vector<16xf32>
      %swap3A_91 = vector.shape_cast %broadcast_in_dim3A_86 : vector<16xf32> to vector<1x16xf32>
      tpu.vector_store %arg10[%swap3A_87, %swap3A_88], %swap3A_91 {strides = array<i32>} : memref<128x128xf32, #tpu.memory_space<vmem>>, vector<1x16xf32>,
      %broadcast_in_dim3A_92 = arith.constant 0.000000e+00 : f32
      %broadcast_in_dim3A_93 = vector.broadcast %broadcast_in_dim3A_92 : f32 to vector<16xf32>
      %swap3A_94 = arith.index_cast %scan3A_44 : i32 to index
      %swap3A_95 = arith.constant 112 : index
      %swap3A_96 = tpu.vector_load %arg10[%swap3A_94, %swap3A_95] {strides = array<i32>} : memref<128x128xf32, #tpu.memory_space<vmem>>, vector<1x16xf32>,
      %swap3A_97 = vector.shape_cast %swap3A_96 : vector<1x16xf32> to vector<16xf32>
      %swap3A_98 = vector.shape_cast %broadcast_in_dim3A_93 : vector<16xf32> to vector<1x16xf32>
      tpu.vector_store %arg10[%swap3A_94, %swap3A_95], %swap3A_98 {strides = array<i32>} : memref<128x128xf32, #tpu.memory_space<vmem>>, vector<1x16xf32>,
    }
    %scan3A_5 = arith.constant 128 : i32
    %add3A = arith.constant 0 : i32
    %add3A_6 = arith.addi %mul3A_0, %add3A : i32
    "tpu.region"() ({
      %run_scoped3A = tpu.sem_alloc : memref<!tpu.dma_semaphore, #tpu.memory_space<semaphore_mem>>
      %dma_start3A = arith.constant 0 : i32
      %dma_start3A_44 = tpu.memref_slice %arg14[%add3A_6, %dma_start3A] : memref<10240x128xf32, #tpu.memory_space<vmem_shared>> -> memref<128x128xf32, #tpu.memory_space<vmem_shared>>
      %dma_start3A_45 = arith.constant 0 : i32
      %dma_start3A_46 = tpu.memref_slice %arg14[%add3A_6, %dma_start3A_45] : memref<10240x128xf32, #tpu.memory_space<vmem_shared>> -> memref<128x128xf32, #tpu.memory_space<vmem_shared>>
      tpu.enqueue_dma source(%arg10 : memref<128x128xf32, #tpu.memory_space<vmem>>) target(%dma_start3A_46 : memref<128x128xf32, #tpu.memory_space<vmem_shared>>) target_semaphore(%run_scoped3A : memref<!tpu.dma_semaphore, #tpu.memory_space<semaphore_mem>>)
      %dma_wait3A = arith.constant 0 : i32
      %dma_wait3A_47 = tpu.memref_slice %arg14[%add3A_6, %dma_wait3A] : memref<10240x128xf32, #tpu.memory_space<vmem_shared>> -> memref<128x128xf32, #tpu.memory_space<vmem_shared>>
      %dma_wait3A_48 = arith.constant 0 : i32
      %dma_wait3A_49 = tpu.memref_slice %arg14[%add3A_6, %dma_wait3A_48] : memref<10240x128xf32, #tpu.memory_space<vmem_shared>> -> memref<128x128xf32, #tpu.memory_space<vmem_shared>>
      tpu.wait_dma2 semaphore(%run_scoped3A : memref<!tpu.dma_semaphore, #tpu.memory_space<semaphore_mem>>) src(%arg10 : memref<128x128xf32, #tpu.memory_space<vmem>>) dst(%dma_wait3A_49 : memref<128x128xf32, #tpu.memory_space<vmem_shared>>)
      tpu.yield
    }) : () -> ()
    %add3A_7 = arith.constant 128 : i32
    %add3A_8 = arith.addi %mul3A_0, %add3A_7 : i32
    "tpu.region"() ({
      %run_scoped3A = tpu.sem_alloc : memref<!tpu.dma_semaphore, #tpu.memory_space<semaphore_mem>>
      %dma_start3A = arith.constant 0 : i32
      %dma_start3A_44 = tpu.memref_slice %arg14[%add3A_8, %dma_start3A] : memref<10240x128xf32, #tpu.memory_space<vmem_shared>> -> memref<128x128xf32, #tpu.memory_space<vmem_shared>>
      %dma_start3A_45 = arith.constant 0 : i32
      %dma_start3A_46 = tpu.memref_slice %arg14[%add3A_8, %dma_start3A_45] : memref<10240x128xf32, #tpu.memory_space<vmem_shared>> -> memref<128x128xf32, #tpu.memory_space<vmem_shared>>
      tpu.enqueue_dma source(%arg10 : memref<128x128xf32, #tpu.memory_space<vmem>>) target(%dma_start3A_46 : memref<128x128xf32, #tpu.memory_space<vmem_shared>>) target_semaphore(%run_scoped3A : memref<!tpu.dma_semaphore, #tpu.memory_space<semaphore_mem>>)
      %dma_wait3A = arith.constant 0 : i32
      %dma_wait3A_47 = tpu.memref_slice %arg14[%add3A_8, %dma_wait3A] : memref<10240x128xf32, #tpu.memory_space<vmem_shared>> -> memref<128x128xf32, #tpu.memory_space<vmem_shared>>
      %dma_wait3A_48 = arith.constant 0 : i32
      %dma_wait3A_49 = tpu.memref_slice %arg14[%add3A_8, %dma_wait3A_48] : memref<10240x128xf32, #tpu.memory_space<vmem_shared>> -> memref<128x128xf32, #tpu.memory_space<vmem_shared>>
      tpu.wait_dma2 semaphore(%run_scoped3A : memref<!tpu.dma_semaphore, #tpu.memory_space<semaphore_mem>>) src(%arg10 : memref<128x128xf32, #tpu.memory_space<vmem>>) dst(%dma_wait3A_49 : memref<128x128xf32, #tpu.memory_space<vmem_shared>>)
      tpu.yield
    }) : () -> ()
    %add3A_9 = arith.constant 256 : i32
    %add3A_10 = arith.addi %mul3A_0, %add3A_9 : i32
    "tpu.region"() ({
      %run_scoped3A = tpu.sem_alloc : memref<!tpu.dma_semaphore, #tpu.memory_space<semaphore_mem>>
      %dma_start3A = arith.constant 0 : i32
      %dma_start3A_44 = tpu.memref_slice %arg14[%add3A_10, %dma_start3A] : memref<10240x128xf32, #tpu.memory_space<vmem_shared>> -> memref<128x128xf32, #tpu.memory_space<vmem_shared>>
      %dma_start3A_45 = arith.constant 0 : i32
      %dma_start3A_46 = tpu.memref_slice %arg14[%add3A_10, %dma_start3A_45] : memref<10240x128xf32, #tpu.memory_space<vmem_shared>> -> memref<128x128xf32, #tpu.memory_space<vmem_shared>>
      tpu.enqueue_dma source(%arg10 : memref<128x128xf32, #tpu.memory_space<vmem>>) target(%dma_start3A_46 : memref<128x128xf32, #tpu.memory_space<vmem_shared>>) target_semaphore(%run_scoped3A : memref<!tpu.dma_semaphore, #tpu.memory_space<semaphore_mem>>)
      %dma_wait3A = arith.constant 0 : i32
      %dma_wait3A_47 = tpu.memref_slice %arg14[%add3A_10, %dma_wait3A] : memref<10240x128xf32, #tpu.memory_space<vmem_shared>> -> memref<128x128xf32, #tpu.memory_space<vmem_shared>>
      %dma_wait3A_48 = arith.constant 0 : i32
      %dma_wait3A_49 = tpu.memref_slice %arg14[%add3A_10, %dma_wait3A_48] : memref<10240x128xf32, #tpu.memory_space<vmem_shared>> -> memref<128x128xf32, #tpu.memory_space<vmem_shared>>
      tpu.wait_dma2 semaphore(%run_scoped3A : memref<!tpu.dma_semaphore, #tpu.memory_space<semaphore_mem>>) src(%arg10 : memref<128x128xf32, #tpu.memory_space<vmem>>) dst(%dma_wait3A_49 : memref<128x128xf32, #tpu.memory_space<vmem_shared>>)
      tpu.yield
    }) : () -> ()
    %add3A_11 = arith.constant 384 : i32
    %add3A_12 = arith.addi %mul3A_0, %add3A_11 : i32
    "tpu.region"() ({
      %run_scoped3A = tpu.sem_alloc : memref<!tpu.dma_semaphore, #tpu.memory_space<semaphore_mem>>
      %dma_start3A = arith.constant 0 : i32
      %dma_start3A_44 = tpu.memref_slice %arg14[%add3A_12, %dma_start3A] : memref<10240x128xf32, #tpu.memory_space<vmem_shared>> -> memref<128x128xf32, #tpu.memory_space<vmem_shared>>
      %dma_start3A_45 = arith.constant 0 : i32
      %dma_start3A_46 = tpu.memref_slice %arg14[%add3A_12, %dma_start3A_45] : memref<10240x128xf32, #tpu.memory_space<vmem_shared>> -> memref<128x128xf32, #tpu.memory_space<vmem_shared>>
      tpu.enqueue_dma source(%arg10 : memref<128x128xf32, #tpu.memory_space<vmem>>) target(%dma_start3A_46 : memref<128x128xf32, #tpu.memory_space<vmem_shared>>) target_semaphore(%run_scoped3A : memref<!tpu.dma_semaphore, #tpu.memory_space<semaphore_mem>>)
      %dma_wait3A = arith.constant 0 : i32
      %dma_wait3A_47 = tpu.memref_slice %arg14[%add3A_12, %dma_wait3A] : memref<10240x128xf32, #tpu.memory_space<vmem_shared>> -> memref<128x128xf32, #tpu.memory_space<vmem_shared>>
      %dma_wait3A_48 = arith.constant 0 : i32
      %dma_wait3A_49 = tpu.memref_slice %arg14[%add3A_12, %dma_wait3A_48] : memref<10240x128xf32, #tpu.memory_space<vmem_shared>> -> memref<128x128xf32, #tpu.memory_space<vmem_shared>>
      tpu.wait_dma2 semaphore(%run_scoped3A : memref<!tpu.dma_semaphore, #tpu.memory_space<semaphore_mem>>) src(%arg10 : memref<128x128xf32, #tpu.memory_space<vmem>>) dst(%dma_wait3A_49 : memref<128x128xf32, #tpu.memory_space<vmem_shared>>)
      tpu.yield
    }) : () -> ()
    %add3A_13 = arith.constant 512 : i32
    %add3A_14 = arith.addi %mul3A_0, %add3A_13 : i32
    "tpu.region"() ({
      %run_scoped3A = tpu.sem_alloc : memref<!tpu.dma_semaphore, #tpu.memory_space<semaphore_mem>>
      %dma_start3A = arith.constant 0 : i32
      %dma_start3A_44 = tpu.memref_slice %arg14[%add3A_14, %dma_start3A] : memref<10240x128xf32, #tpu.memory_space<vmem_shared>> -> memref<128x128xf32, #tpu.memory_space<vmem_shared>>
      %dma_start3A_45 = arith.constant 0 : i32
      %dma_start3A_46 = tpu.memref_slice %arg14[%add3A_14, %dma_start3A_45] : memref<10240x128xf32, #tpu.memory_space<vmem_shared>> -> memref<128x128xf32, #tpu.memory_space<vmem_shared>>
      tpu.enqueue_dma source(%arg10 : memref<128x128xf32, #tpu.memory_space<vmem>>) target(%dma_start3A_46 : memref<128x128xf32, #tpu.memory_space<vmem_shared>>) target_semaphore(%run_scoped3A : memref<!tpu.dma_semaphore, #tpu.memory_space<semaphore_mem>>)
      %dma_wait3A = arith.constant 0 : i32
      %dma_wait3A_47 = tpu.memref_slice %arg14[%add3A_14, %dma_wait3A] : memref<10240x128xf32, #tpu.memory_space<vmem_shared>> -> memref<128x128xf32, #tpu.memory_space<vmem_shared>>
      %dma_wait3A_48 = arith.constant 0 : i32
      %dma_wait3A_49 = tpu.memref_slice %arg14[%add3A_14, %dma_wait3A_48] : memref<10240x128xf32, #tpu.memory_space<vmem_shared>> -> memref<128x128xf32, #tpu.memory_space<vmem_shared>>
      tpu.wait_dma2 semaphore(%run_scoped3A : memref<!tpu.dma_semaphore, #tpu.memory_space<semaphore_mem>>) src(%arg10 : memref<128x128xf32, #tpu.memory_space<vmem>>) dst(%dma_wait3A_49 : memref<128x128xf32, #tpu.memory_space<vmem_shared>>)
      tpu.yield
    }) : () -> ()
    %eq3A = arith.constant 0 : i32
    %eq3A_15 = arith.cmpi eq, %arg0, %eq3A : i32
    %convert_element_type3A = arith.extui %eq3A_15 : i1 to i32
    %cond3A = arith.constant 0 : i32
    %cond3A_16 = arith.cmpi ne, %convert_element_type3A, %cond3A : i32
    scf.if %cond3A_16 {
      %scan3A_44 = arith.constant 0 : i32
      %scan3A_45 = arith.constant 0 : i32
      %scan3A_46 = arith.constant 40 : i32
      %scan3A_47 = arith.addi %scan3A_45, %scan3A_46 : i32
      %scan3A_48 = arith.constant 1 : i32
      scf.for %scan3A_50 = %scan3A_45 to %scan3A_47 step %scan3A_48  : i32 {
        %broadcast_in_dim3A = arith.constant 0.000000e+00 : f32
        %broadcast_in_dim3A_51 = vector.broadcast %broadcast_in_dim3A : f32 to vector<16xf32>
        %mul3A_52 = arith.constant 16 : i32
        %mul3A_53 = arith.muli %scan3A_50, %mul3A_52 : i32
        %swap3A = arith.index_cast %mul3A_53 : i32 to index
        %swap3A_54 = tpu.vector_load %arg13[%swap3A] {strides = array<i32>} : memref<640xf32, #tpu.memory_space<vmem>>, vector<16xf32>,
        %swap3A_55 = vector.shape_cast %swap3A_54 : vector<16xf32> to vector<16xf32>
        %swap3A_56 = vector.shape_cast %broadcast_in_dim3A_51 : vector<16xf32> to vector<16xf32>
        tpu.vector_store %arg13[%swap3A], %swap3A_56 {strides = array<i32>} : memref<640xf32, #tpu.memory_space<vmem>>, vector<16xf32>,
      }
      %scan3A_49 = arith.constant 40 : i32
      "tpu.region"() ({
        %run_scoped3A = tpu.sem_alloc : memref<!tpu.dma_semaphore, #tpu.memory_space<semaphore_mem>>
        %dma_start3A = tpu.memref_slice %arg15[%mul3A_0] : memref<10240xf32, #tpu.memory_space<vmem_shared>> -> memref<640xf32, #tpu.memory_space<vmem_shared>>
        %dma_start3A_50 = tpu.memref_slice %arg15[%mul3A_0] : memref<10240xf32, #tpu.memory_space<vmem_shared>> -> memref<640xf32, #tpu.memory_space<vmem_shared>>
        tpu.enqueue_dma source(%arg13 : memref<640xf32, #tpu.memory_space<vmem>>) target(%dma_start3A_50 : memref<640xf32, #tpu.memory_space<vmem_shared>>) target_semaphore(%run_scoped3A : memref<!tpu.dma_semaphore, #tpu.memory_space<semaphore_mem>>)
        %dma_wait3A = tpu.memref_slice %arg15[%mul3A_0] : memref<10240xf32, #tpu.memory_space<vmem_shared>> -> memref<640xf32, #tpu.memory_space<vmem_shared>>
        %dma_wait3A_51 = tpu.memref_slice %arg15[%mul3A_0] : memref<10240xf32, #tpu.memory_space<vmem_shared>> -> memref<640xf32, #tpu.memory_space<vmem_shared>>
        tpu.wait_dma2 semaphore(%run_scoped3A : memref<!tpu.dma_semaphore, #tpu.memory_space<semaphore_mem>>) src(%arg13 : memref<640xf32, #tpu.memory_space<vmem>>) dst(%dma_wait3A_51 : memref<640xf32, #tpu.memory_space<vmem_shared>>)
        tpu.yield
      }) : () -> ()
      "tpu.region"() ({
        %run_scoped3A = tpu.sem_alloc : memref<!tpu.dma_semaphore, #tpu.memory_space<semaphore_mem>>
        %dma_start3A = tpu.memref_slice %arg16[%mul3A_0] : memref<10240xf32, #tpu.memory_space<vmem_shared>> -> memref<640xf32, #tpu.memory_space<vmem_shared>>
        %dma_start3A_50 = tpu.memref_slice %arg16[%mul3A_0] : memref<10240xf32, #tpu.memory_space<vmem_shared>> -> memref<640xf32, #tpu.memory_space<vmem_shared>>
        tpu.enqueue_dma source(%arg13 : memref<640xf32, #tpu.memory_space<vmem>>) target(%dma_start3A_50 : memref<640xf32, #tpu.memory_space<vmem_shared>>) target_semaphore(%run_scoped3A : memref<!tpu.dma_semaphore, #tpu.memory_space<semaphore_mem>>)
        %dma_wait3A = tpu.memref_slice %arg16[%mul3A_0] : memref<10240xf32, #tpu.memory_space<vmem_shared>> -> memref<640xf32, #tpu.memory_space<vmem_shared>>
        %dma_wait3A_51 = tpu.memref_slice %arg16[%mul3A_0] : memref<10240xf32, #tpu.memory_space<vmem_shared>> -> memref<640xf32, #tpu.memory_space<vmem_shared>>
        tpu.wait_dma2 semaphore(%run_scoped3A : memref<!tpu.dma_semaphore, #tpu.memory_space<semaphore_mem>>) src(%arg13 : memref<640xf32, #tpu.memory_space<vmem>>) dst(%dma_wait3A_51 : memref<640xf32, #tpu.memory_space<vmem_shared>>)
        tpu.yield
      }) : () -> ()
    } else {
    }
    %barrier3A = arith.constant 0 : index
    tpu.barrier barrier_id(%barrier3A)
    %eq3A_17 = arith.constant 0 : i32
    %eq3A_18 = arith.cmpi eq, %arg0, %eq3A_17 : i32
    %convert_element_type3A_19 = arith.extui %eq3A_18 : i1 to i32
    %cond3A_20 = arith.constant 0 : i32
    %cond3A_21 = arith.cmpi ne, %convert_element_type3A_19, %cond3A_20 : i32
    scf.if %cond3A_21 {
      %broadcast_in_dim3A = arith.constant 1.000000e+00 : f32
      %broadcast_in_dim3A_44 = vector.broadcast %broadcast_in_dim3A : f32 to vector<16xf32>
      %swap3A = arith.constant 0 : index
      %swap3A_45 = tpu.vector_load %arg12[%swap3A] {strides = array<i32>} : memref<128xf32, #tpu.memory_space<vmem>>, vector<16xf32>,
      %swap3A_46 = vector.shape_cast %swap3A_45 : vector<16xf32> to vector<16xf32>
      %swap3A_47 = vector.shape_cast %broadcast_in_dim3A_44 : vector<16xf32> to vector<16xf32>
      tpu.vector_store %arg12[%swap3A], %swap3A_47 {strides = array<i32>} : memref<128xf32, #tpu.memory_space<vmem>>, vector<16xf32>,
      %broadcast_in_dim3A_48 = arith.constant 1.000000e+00 : f32
      %broadcast_in_dim3A_49 = vector.broadcast %broadcast_in_dim3A_48 : f32 to vector<16xf32>
      %swap3A_50 = arith.constant 16 : index
      %swap3A_51 = tpu.vector_load %arg12[%swap3A_50] {strides = array<i32>} : memref<128xf32, #tpu.memory_space<vmem>>, vector<16xf32>,
      %swap3A_52 = vector.shape_cast %swap3A_51 : vector<16xf32> to vector<16xf32>
      %swap3A_53 = vector.shape_cast %broadcast_in_dim3A_49 : vector<16xf32> to vector<16xf32>
      tpu.vector_store %arg12[%swap3A_50], %swap3A_53 {strides = array<i32>} : memref<128xf32, #tpu.memory_space<vmem>>, vector<16xf32>,
      %broadcast_in_dim3A_54 = arith.constant 1.000000e+00 : f32
      %broadcast_in_dim3A_55 = vector.broadcast %broadcast_in_dim3A_54 : f32 to vector<16xf32>
      %swap3A_56 = arith.constant 32 : index
      %swap3A_57 = tpu.vector_load %arg12[%swap3A_56] {strides = array<i32>} : memref<128xf32, #tpu.memory_space<vmem>>, vector<16xf32>,
      %swap3A_58 = vector.shape_cast %swap3A_57 : vector<16xf32> to vector<16xf32>
      %swap3A_59 = vector.shape_cast %broadcast_in_dim3A_55 : vector<16xf32> to vector<16xf32>
      tpu.vector_store %arg12[%swap3A_56], %swap3A_59 {strides = array<i32>} : memref<128xf32, #tpu.memory_space<vmem>>, vector<16xf32>,
      %broadcast_in_dim3A_60 = arith.constant 1.000000e+00 : f32
      %broadcast_in_dim3A_61 = vector.broadcast %broadcast_in_dim3A_60 : f32 to vector<16xf32>
      %swap3A_62 = arith.constant 48 : index
      %swap3A_63 = tpu.vector_load %arg12[%swap3A_62] {strides = array<i32>} : memref<128xf32, #tpu.memory_space<vmem>>, vector<16xf32>,
      %swap3A_64 = vector.shape_cast %swap3A_63 : vector<16xf32> to vector<16xf32>
      %swap3A_65 = vector.shape_cast %broadcast_in_dim3A_61 : vector<16xf32> to vector<16xf32>
      tpu.vector_store %arg12[%swap3A_62], %swap3A_65 {strides = array<i32>} : memref<128xf32, #tpu.memory_space<vmem>>, vector<16xf32>,
      %broadcast_in_dim3A_66 = arith.constant 1.000000e+00 : f32
      %broadcast_in_dim3A_67 = vector.broadcast %broadcast_in_dim3A_66 : f32 to vector<16xf32>
      %swap3A_68 = arith.constant 64 : index
      %swap3A_69 = tpu.vector_load %arg12[%swap3A_68] {strides = array<i32>} : memref<128xf32, #tpu.memory_space<vmem>>, vector<16xf32>,
      %swap3A_70 = vector.shape_cast %swap3A_69 : vector<16xf32> to vector<16xf32>
      %swap3A_71 = vector.shape_cast %broadcast_in_dim3A_67 : vector<16xf32> to vector<16xf32>
      tpu.vector_store %arg12[%swap3A_68], %swap3A_71 {strides = array<i32>} : memref<128xf32, #tpu.memory_space<vmem>>, vector<16xf32>,
      %broadcast_in_dim3A_72 = arith.constant 1.000000e+00 : f32
      %broadcast_in_dim3A_73 = vector.broadcast %broadcast_in_dim3A_72 : f32 to vector<16xf32>
      %swap3A_74 = arith.constant 80 : index
      %swap3A_75 = tpu.vector_load %arg12[%swap3A_74] {strides = array<i32>} : memref<128xf32, #tpu.memory_space<vmem>>, vector<16xf32>,
      %swap3A_76 = vector.shape_cast %swap3A_75 : vector<16xf32> to vector<16xf32>
      %swap3A_77 = vector.shape_cast %broadcast_in_dim3A_73 : vector<16xf32> to vector<16xf32>
      tpu.vector_store %arg12[%swap3A_74], %swap3A_77 {strides = array<i32>} : memref<128xf32, #tpu.memory_space<vmem>>, vector<16xf32>,
      %broadcast_in_dim3A_78 = arith.constant 1.000000e+00 : f32
      %broadcast_in_dim3A_79 = vector.broadcast %broadcast_in_dim3A_78 : f32 to vector<16xf32>
      %swap3A_80 = arith.constant 96 : index
      %swap3A_81 = tpu.vector_load %arg12[%swap3A_80] {strides = array<i32>} : memref<128xf32, #tpu.memory_space<vmem>>, vector<16xf32>,
      %swap3A_82 = vector.shape_cast %swap3A_81 : vector<16xf32> to vector<16xf32>
      %swap3A_83 = vector.shape_cast %broadcast_in_dim3A_79 : vector<16xf32> to vector<16xf32>
      tpu.vector_store %arg12[%swap3A_80], %swap3A_83 {strides = array<i32>} : memref<128xf32, #tpu.memory_space<vmem>>, vector<16xf32>,
      %broadcast_in_dim3A_84 = arith.constant 1.000000e+00 : f32
      %broadcast_in_dim3A_85 = vector.broadcast %broadcast_in_dim3A_84 : f32 to vector<16xf32>
      %swap3A_86 = arith.constant 112 : index
      %swap3A_87 = tpu.vector_load %arg12[%swap3A_86] {strides = array<i32>} : memref<128xf32, #tpu.memory_space<vmem>>, vector<16xf32>,
      %swap3A_88 = vector.shape_cast %swap3A_87 : vector<16xf32> to vector<16xf32>
      %swap3A_89 = vector.shape_cast %broadcast_in_dim3A_85 : vector<16xf32> to vector<16xf32>
      tpu.vector_store %arg12[%swap3A_86], %swap3A_89 {strides = array<i32>} : memref<128xf32, #tpu.memory_space<vmem>>, vector<16xf32>,
      %scan3A_90 = arith.constant 0 : i32
      %scan3A_91 = arith.constant 0 : i32
      %scan3A_92 = arith.constant 5 : i32
      %scan3A_93 = arith.addi %scan3A_91, %scan3A_92 : i32
      %scan3A_94 = arith.constant 1 : i32
      scf.for %scan3A_96 = %scan3A_91 to %scan3A_93 step %scan3A_94  : i32 {
        %mul3A_97 = arith.constant 32 : i32
        %mul3A_98 = arith.muli %scan3A_96, %mul3A_97 : i32
        "tpu.region"() ({
          %run_scoped3A = tpu.sem_alloc : memref<!tpu.dma_semaphore, #tpu.memory_space<semaphore_mem>>
          %dma_start3A = arith.constant 0 : i32
          %dma_start3A_106 = tpu.memref_slice %arg4[%arg1, %mul3A_98, %dma_start3A] : memref<16x160x128xi32, #tpu.memory_space<hbm>> -> memref<1x32x128xi32, #tpu.memory_space<hbm>>
          %dma_start3A_107 = tpu.memref_squeeze %dma_start3A_106 : memref<1x32x128xi32, #tpu.memory_space<hbm>> -> memref<32x128xi32, #tpu.memory_space<hbm>>
          %dma_start3A_108 = arith.constant 0 : i32
          %dma_start3A_109 = tpu.memref_slice %arg4[%arg1, %mul3A_98, %dma_start3A_108] : memref<16x160x128xi32, #tpu.memory_space<hbm>> -> memref<1x32x128xi32, #tpu.memory_space<hbm>>
          %dma_start3A_110 = tpu.memref_squeeze %dma_start3A_109 : memref<1x32x128xi32, #tpu.memory_space<hbm>> -> memref<32x128xi32, #tpu.memory_space<hbm>>
          tpu.enqueue_dma source(%dma_start3A_110 : memref<32x128xi32, #tpu.memory_space<hbm>>) target(%arg9 : memref<32x128xi32, #tpu.memory_space<vmem>>) target_semaphore(%run_scoped3A : memref<!tpu.dma_semaphore, #tpu.memory_space<semaphore_mem>>)
          %dma_wait3A = arith.constant 0 : i32
          %dma_wait3A_111 = tpu.memref_slice %arg4[%arg1, %mul3A_98, %dma_wait3A] : memref<16x160x128xi32, #tpu.memory_space<hbm>> -> memref<1x32x128xi32, #tpu.memory_space<hbm>>
          %dma_wait3A_112 = tpu.memref_squeeze %dma_wait3A_111 : memref<1x32x128xi32, #tpu.memory_space<hbm>> -> memref<32x128xi32, #tpu.memory_space<hbm>>
          %dma_wait3A_113 = arith.constant 0 : i32
          %dma_wait3A_114 = tpu.memref_slice %arg4[%arg1, %mul3A_98, %dma_wait3A_113] : memref<16x160x128xi32, #tpu.memory_space<hbm>> -> memref<1x32x128xi32, #tpu.memory_space<hbm>>
          %dma_wait3A_115 = tpu.memref_squeeze %dma_wait3A_114 : memref<1x32x128xi32, #tpu.memory_space<hbm>> -> memref<32x128xi32, #tpu.memory_space<hbm>>
          tpu.wait_dma2 semaphore(%run_scoped3A : memref<!tpu.dma_semaphore, #tpu.memory_space<semaphore_mem>>) src(%dma_wait3A_115 : memref<32x128xi32, #tpu.memory_space<hbm>>) dst(%arg9 : memref<32x128xi32, #tpu.memory_space<vmem>>)
          tpu.yield
        }) : () -> ()
        %mul3A_99 = arith.constant 32 : i32
        %mul3A_100 = arith.muli %scan3A_96, %mul3A_99 : i32
        "tpu.region"() ({
          %run_scoped3A = tpu.sem_alloc : memref<!tpu.dma_semaphore, #tpu.memory_space<semaphore_mem>>
          %dma_start3A = arith.constant 0 : i32
          %dma_start3A_106 = tpu.memref_slice %arg3[%arg1, %mul3A_100, %dma_start3A] : memref<16x160x128xi32, #tpu.memory_space<hbm>> -> memref<1x32x128xi32, #tpu.memory_space<hbm>>
          %dma_start3A_107 = tpu.memref_squeeze %dma_start3A_106 : memref<1x32x128xi32, #tpu.memory_space<hbm>> -> memref<32x128xi32, #tpu.memory_space<hbm>>
          %dma_start3A_108 = arith.constant 0 : i32
          %dma_start3A_109 = tpu.memref_slice %arg3[%arg1, %mul3A_100, %dma_start3A_108] : memref<16x160x128xi32, #tpu.memory_space<hbm>> -> memref<1x32x128xi32, #tpu.memory_space<hbm>>
          %dma_start3A_110 = tpu.memref_squeeze %dma_start3A_109 : memref<1x32x128xi32, #tpu.memory_space<hbm>> -> memref<32x128xi32, #tpu.memory_space<hbm>>
          tpu.enqueue_dma source(%dma_start3A_110 : memref<32x128xi32, #tpu.memory_space<hbm>>) target(%arg8 : memref<32x128xi32, #tpu.memory_space<vmem>>) target_semaphore(%run_scoped3A : memref<!tpu.dma_semaphore, #tpu.memory_space<semaphore_mem>>)
          %dma_wait3A = arith.constant 0 : i32
          %dma_wait3A_111 = tpu.memref_slice %arg3[%arg1, %mul3A_100, %dma_wait3A] : memref<16x160x128xi32, #tpu.memory_space<hbm>> -> memref<1x32x128xi32, #tpu.memory_space<hbm>>
          %dma_wait3A_112 = tpu.memref_squeeze %dma_wait3A_111 : memref<1x32x128xi32, #tpu.memory_space<hbm>> -> memref<32x128xi32, #tpu.memory_space<hbm>>
          %dma_wait3A_113 = arith.constant 0 : i32
          %dma_wait3A_114 = tpu.memref_slice %arg3[%arg1, %mul3A_100, %dma_wait3A_113] : memref<16x160x128xi32, #tpu.memory_space<hbm>> -> memref<1x32x128xi32, #tpu.memory_space<hbm>>
          %dma_wait3A_115 = tpu.memref_squeeze %dma_wait3A_114 : memref<1x32x128xi32, #tpu.memory_space<hbm>> -> memref<32x128xi32, #tpu.memory_space<hbm>>
          tpu.wait_dma2 semaphore(%run_scoped3A : memref<!tpu.dma_semaphore, #tpu.memory_space<semaphore_mem>>) src(%dma_wait3A_115 : memref<32x128xi32, #tpu.memory_space<hbm>>) dst(%arg8 : memref<32x128xi32, #tpu.memory_space<vmem>>)
          tpu.yield
        }) : () -> ()
        %scan3A_101 = arith.constant 0 : i32
        %scan3A_102 = arith.constant 32 : i32
        %scan3A_103 = arith.addi %scan3A_101, %scan3A_102 : i32
        %scan3A_104 = arith.constant 1 : i32
        scf.for %scan3A_106 = %scan3A_101 to %scan3A_103 step %scan3A_104  : i32 {
          %dma_start3A = arith.constant 0 : i32
          %dma_start3A_107 = tpu.memref_slice %arg9[%scan3A_106, %dma_start3A] : memref<32x128xi32, #tpu.memory_space<vmem>> -> memref<1x128xi32, #tpu.memory_space<vmem>>
          %dma_start3A_108 = tpu.memref_squeeze %dma_start3A_107 : memref<1x128xi32, #tpu.memory_space<vmem>> -> memref<128xi32, #tpu.memory_space<vmem>>
          %dma_start3A_109 = arith.constant 0 : i32
          %dma_start3A_110 = tpu.memref_slice %arg15[%dma_start3A_109] : memref<10240xf32, #tpu.memory_space<vmem_shared>> -> memref<10240xf32, #tpu.memory_space<vmem_shared>>
          tpu.enqueue_indirect_dma source(%arg12 : memref<128xf32, #tpu.memory_space<vmem>>) target(%dma_start3A_110 : memref<10240xf32, #tpu.memory_space<vmem_shared>>) offsets(%dma_start3A_108 : memref<128xi32, #tpu.memory_space<vmem>>) semaphore(%arg19 : memref<!tpu.dma_semaphore, #tpu.memory_space<semaphore_mem>>) {add = true}
          %dma_start3A_111 = arith.constant 0 : i32
          %dma_start3A_112 = tpu.memref_slice %arg8[%scan3A_106, %dma_start3A_111] : memref<32x128xi32, #tpu.memory_space<vmem>> -> memref<1x128xi32, #tpu.memory_space<vmem>>
          %dma_start3A_113 = tpu.memref_squeeze %dma_start3A_112 : memref<1x128xi32, #tpu.memory_space<vmem>> -> memref<128xi32, #tpu.memory_space<vmem>>
          %dma_start3A_114 = arith.constant 0 : i32
          %dma_start3A_115 = tpu.memref_slice %arg16[%dma_start3A_114] : memref<10240xf32, #tpu.memory_space<vmem_shared>> -> memref<10240xf32, #tpu.memory_space<vmem_shared>>
          tpu.enqueue_indirect_dma source(%arg12 : memref<128xf32, #tpu.memory_space<vmem>>) target(%dma_start3A_115 : memref<10240xf32, #tpu.memory_space<vmem_shared>>) offsets(%dma_start3A_113 : memref<128xi32, #tpu.memory_space<vmem>>) semaphore(%arg20 : memref<!tpu.dma_semaphore, #tpu.memory_space<semaphore_mem>>) {add = true}
          %dma_wait3A = arith.constant 0 : i32
          %dma_wait3A_116 = tpu.memref_slice %arg9[%scan3A_106, %dma_wait3A] : memref<32x128xi32, #tpu.memory_space<vmem>> -> memref<1x128xi32, #tpu.memory_space<vmem>>
          %dma_wait3A_117 = tpu.memref_squeeze %dma_wait3A_116 : memref<1x128xi32, #tpu.memory_space<vmem>> -> memref<128xi32, #tpu.memory_space<vmem>>
          %dma_wait3A_118 = arith.constant 0 : i32
          %dma_wait3A_119 = tpu.memref_slice %arg15[%dma_wait3A_118] : memref<10240xf32, #tpu.memory_space<vmem_shared>> -> memref<10240xf32, #tpu.memory_space<vmem_shared>>
          tpu.wait_indirect_dma semaphore(%arg19 : memref<!tpu.dma_semaphore, #tpu.memory_space<semaphore_mem>>) src(%arg12 : memref<128xf32, #tpu.memory_space<vmem>>) dst(%dma_wait3A_119 : memref<10240xf32, #tpu.memory_space<vmem_shared>>)
          %dma_wait3A_120 = arith.constant 0 : i32
          %dma_wait3A_121 = tpu.memref_slice %arg8[%scan3A_106, %dma_wait3A_120] : memref<32x128xi32, #tpu.memory_space<vmem>> -> memref<1x128xi32, #tpu.memory_space<vmem>>
          %dma_wait3A_122 = tpu.memref_squeeze %dma_wait3A_121 : memref<1x128xi32, #tpu.memory_space<vmem>> -> memref<128xi32, #tpu.memory_space<vmem>>
          %dma_wait3A_123 = arith.constant 0 : i32
          %dma_wait3A_124 = tpu.memref_slice %arg16[%dma_wait3A_123] : memref<10240xf32, #tpu.memory_space<vmem_shared>> -> memref<10240xf32, #tpu.memory_space<vmem_shared>>
          tpu.wait_indirect_dma semaphore(%arg20 : memref<!tpu.dma_semaphore, #tpu.memory_space<semaphore_mem>>) src(%arg12 : memref<128xf32, #tpu.memory_space<vmem>>) dst(%dma_wait3A_124 : memref<10240xf32, #tpu.memory_space<vmem_shared>>)
        }
        %scan3A_105 = arith.constant 32 : i32
      }
      %scan3A_95 = arith.constant 5 : i32
    } else {
    }
    %eq3A_22 = arith.constant 0 : i32
    %eq3A_23 = arith.cmpi eq, %arg0, %eq3A_22 : i32
    %jit3A = arith.constant 0 : i32
    %jit3A_24 = arith.constant 2 : i32
    %select_n3A = arith.select %eq3A_23, %jit3A, %jit3A_24 : i32
    %eq3A_25 = arith.constant 0 : i32
    %eq3A_26 = arith.cmpi eq, %arg0, %eq3A_25 : i32
    %jit3A_27 = arith.constant 2 : i32
    %jit3A_28 = arith.constant 5 : i32
    %select_n3A_29 = arith.select %eq3A_26, %jit3A_27, %jit3A_28 : i32
    %while3A = arith.constant 0 : i32
    %while3A_30 = arith.subi %select_n3A_29, %select_n3A : i32
    %while3A_31 = arith.addi %select_n3A, %while3A_30 : i32
    %while3A_32 = arith.constant 1 : i32
    %while3A_33 = arith.divsi %while3A_30, %while3A_32 : i32
    %while3A_34 = arith.muli %while3A_33, %while3A_32 : i32
    %while3A_35 = arith.addi %select_n3A, %while3A_34 : i32
    %while3A_36 = arith.constant 1 : i32
    scf.for %while3A_44 = %select_n3A to %while3A_35 step %while3A_36  : i32 {
      %mul3A_45 = arith.constant 32 : i32
      %mul3A_46 = arith.muli %while3A_44, %mul3A_45 : i32
      "tpu.region"() ({
        %run_scoped3A = tpu.sem_alloc : memref<!tpu.dma_semaphore, #tpu.memory_space<semaphore_mem>>
        %dma_start3A_108 = arith.constant 0 : i32
        %dma_start3A_109 = tpu.memref_slice %arg3[%arg1, %mul3A_46, %dma_start3A_108] : memref<16x160x128xi32, #tpu.memory_space<hbm>> -> memref<1x32x128xi32, #tpu.memory_space<hbm>>
        %dma_start3A_110 = tpu.memref_squeeze %dma_start3A_109 : memref<1x32x128xi32, #tpu.memory_space<hbm>> -> memref<32x128xi32, #tpu.memory_space<hbm>>
        %dma_start3A_111 = arith.constant 0 : i32
        %dma_start3A_112 = tpu.memref_slice %arg3[%arg1, %mul3A_46, %dma_start3A_111] : memref<16x160x128xi32, #tpu.memory_space<hbm>> -> memref<1x32x128xi32, #tpu.memory_space<hbm>>
        %dma_start3A_113 = tpu.memref_squeeze %dma_start3A_112 : memref<1x32x128xi32, #tpu.memory_space<hbm>> -> memref<32x128xi32, #tpu.memory_space<hbm>>
        tpu.enqueue_dma source(%dma_start3A_113 : memref<32x128xi32, #tpu.memory_space<hbm>>) target(%arg8 : memref<32x128xi32, #tpu.memory_space<vmem>>) target_semaphore(%run_scoped3A : memref<!tpu.dma_semaphore, #tpu.memory_space<semaphore_mem>>)
        %dma_wait3A_114 = arith.constant 0 : i32
        %dma_wait3A_115 = tpu.memref_slice %arg3[%arg1, %mul3A_46, %dma_wait3A_114] : memref<16x160x128xi32, #tpu.memory_space<hbm>> -> memref<1x32x128xi32, #tpu.memory_space<hbm>>
        %dma_wait3A_116 = tpu.memref_squeeze %dma_wait3A_115 : memref<1x32x128xi32, #tpu.memory_space<hbm>> -> memref<32x128xi32, #tpu.memory_space<hbm>>
        %dma_wait3A_117 = arith.constant 0 : i32
        %dma_wait3A_118 = tpu.memref_slice %arg3[%arg1, %mul3A_46, %dma_wait3A_117] : memref<16x160x128xi32, #tpu.memory_space<hbm>> -> memref<1x32x128xi32, #tpu.memory_space<hbm>>
        %dma_wait3A_119 = tpu.memref_squeeze %dma_wait3A_118 : memref<1x32x128xi32, #tpu.memory_space<hbm>> -> memref<32x128xi32, #tpu.memory_space<hbm>>
        tpu.wait_dma2 semaphore(%run_scoped3A : memref<!tpu.dma_semaphore, #tpu.memory_space<semaphore_mem>>) src(%dma_wait3A_119 : memref<32x128xi32, #tpu.memory_space<hbm>>) dst(%arg8 : memref<32x128xi32, #tpu.memory_space<vmem>>)
        tpu.yield
      }) : () -> ()
      %mul3A_47 = arith.constant 32 : i32
      %mul3A_48 = arith.muli %while3A_44, %mul3A_47 : i32
      "tpu.region"() ({
        %run_scoped3A = tpu.sem_alloc : memref<!tpu.dma_semaphore, #tpu.memory_space<semaphore_mem>>
        %dma_start3A_108 = arith.constant 0 : i32
        %dma_start3A_109 = tpu.memref_slice %arg4[%arg1, %mul3A_48, %dma_start3A_108] : memref<16x160x128xi32, #tpu.memory_space<hbm>> -> memref<1x32x128xi32, #tpu.memory_space<hbm>>
        %dma_start3A_110 = tpu.memref_squeeze %dma_start3A_109 : memref<1x32x128xi32, #tpu.memory_space<hbm>> -> memref<32x128xi32, #tpu.memory_space<hbm>>
        %dma_start3A_111 = arith.constant 0 : i32
        %dma_start3A_112 = tpu.memref_slice %arg4[%arg1, %mul3A_48, %dma_start3A_111] : memref<16x160x128xi32, #tpu.memory_space<hbm>> -> memref<1x32x128xi32, #tpu.memory_space<hbm>>
        %dma_start3A_113 = tpu.memref_squeeze %dma_start3A_112 : memref<1x32x128xi32, #tpu.memory_space<hbm>> -> memref<32x128xi32, #tpu.memory_space<hbm>>
        tpu.enqueue_dma source(%dma_start3A_113 : memref<32x128xi32, #tpu.memory_space<hbm>>) target(%arg9 : memref<32x128xi32, #tpu.memory_space<vmem>>) target_semaphore(%run_scoped3A : memref<!tpu.dma_semaphore, #tpu.memory_space<semaphore_mem>>)
        %dma_wait3A_114 = arith.constant 0 : i32
        %dma_wait3A_115 = tpu.memref_slice %arg4[%arg1, %mul3A_48, %dma_wait3A_114] : memref<16x160x128xi32, #tpu.memory_space<hbm>> -> memref<1x32x128xi32, #tpu.memory_space<hbm>>
        %dma_wait3A_116 = tpu.memref_squeeze %dma_wait3A_115 : memref<1x32x128xi32, #tpu.memory_space<hbm>> -> memref<32x128xi32, #tpu.memory_space<hbm>>
        %dma_wait3A_117 = arith.constant 0 : i32
        %dma_wait3A_118 = tpu.memref_slice %arg4[%arg1, %mul3A_48, %dma_wait3A_117] : memref<16x160x128xi32, #tpu.memory_space<hbm>> -> memref<1x32x128xi32, #tpu.memory_space<hbm>>
        %dma_wait3A_119 = tpu.memref_squeeze %dma_wait3A_118 : memref<1x32x128xi32, #tpu.memory_space<hbm>> -> memref<32x128xi32, #tpu.memory_space<hbm>>
        tpu.wait_dma2 semaphore(%run_scoped3A : memref<!tpu.dma_semaphore, #tpu.memory_space<semaphore_mem>>) src(%dma_wait3A_119 : memref<32x128xi32, #tpu.memory_space<hbm>>) dst(%arg9 : memref<32x128xi32, #tpu.memory_space<vmem>>)
        tpu.yield
      }) : () -> ()
      %dma_start3A = arith.constant 0 : i32
      %dma_start3A_49 = arith.constant 0 : i32
      %dma_start3A_50 = tpu.memref_slice %arg8[%dma_start3A, %dma_start3A_49] : memref<32x128xi32, #tpu.memory_space<vmem>> -> memref<1x128xi32, #tpu.memory_space<vmem>>
      %dma_start3A_51 = tpu.memref_squeeze %dma_start3A_50 : memref<1x128xi32, #tpu.memory_space<vmem>> -> memref<128xi32, #tpu.memory_space<vmem>>
      %dma_start3A_52 = arith.constant 0 : i32
      %dma_start3A_53 = arith.constant 0 : i32
      %dma_start3A_54 = tpu.memref_slice %arg2[%dma_start3A_52, %dma_start3A_53] : memref<10240x128xf32, #tpu.memory_space<hbm>> -> memref<10240x128xf32, #tpu.memory_space<hbm>>
      tpu.enqueue_indirect_dma source(%dma_start3A_54 : memref<10240x128xf32, #tpu.memory_space<hbm>>) target(%arg10 : memref<128x128xf32, #tpu.memory_space<vmem>>) offsets(%dma_start3A_51 : memref<128xi32, #tpu.memory_space<vmem>>) semaphore(%arg17 : memref<!tpu.dma_semaphore, #tpu.memory_space<semaphore_mem>>)
      %dma_start3A_55 = arith.constant 1 : i32
      %dma_start3A_56 = arith.constant 0 : i32
      %dma_start3A_57 = tpu.memref_slice %arg8[%dma_start3A_55, %dma_start3A_56] : memref<32x128xi32, #tpu.memory_space<vmem>> -> memref<1x128xi32, #tpu.memory_space<vmem>>
      %dma_start3A_58 = tpu.memref_squeeze %dma_start3A_57 : memref<1x128xi32, #tpu.memory_space<vmem>> -> memref<128xi32, #tpu.memory_space<vmem>>
      %dma_start3A_59 = arith.constant 0 : i32
      %dma_start3A_60 = arith.constant 0 : i32
      %dma_start3A_61 = tpu.memref_slice %arg2[%dma_start3A_59, %dma_start3A_60] : memref<10240x128xf32, #tpu.memory_space<hbm>> -> memref<10240x128xf32, #tpu.memory_space<hbm>>
      tpu.enqueue_indirect_dma source(%dma_start3A_61 : memref<10240x128xf32, #tpu.memory_space<hbm>>) target(%arg11 : memref<128x128xf32, #tpu.memory_space<vmem>>) offsets(%dma_start3A_58 : memref<128xi32, #tpu.memory_space<vmem>>) semaphore(%arg18 : memref<!tpu.dma_semaphore, #tpu.memory_space<semaphore_mem>>)
      %scan3A_62 = arith.constant 0 : i32
      %scan3A_63 = arith.constant 15 : i32
      %scan3A_64 = arith.addi %scan3A_62, %scan3A_63 : i32
      %scan3A_65 = arith.constant 1 : i32
      scf.for %scan3A_108 = %scan3A_62 to %scan3A_64 step %scan3A_65  : i32 {
        %mul3A_109 = arith.constant 2 : i32
        %mul3A_110 = arith.muli %mul3A_109, %scan3A_108 : i32
        %dma_wait3A_111 = arith.constant 0 : i32
        %dma_wait3A_112 = tpu.memref_slice %arg8[%mul3A_110, %dma_wait3A_111] : memref<32x128xi32, #tpu.memory_space<vmem>> -> memref<1x128xi32, #tpu.memory_space<vmem>>
        %dma_wait3A_113 = tpu.memref_squeeze %dma_wait3A_112 : memref<1x128xi32, #tpu.memory_space<vmem>> -> memref<128xi32, #tpu.memory_space<vmem>>
        %dma_wait3A_114 = arith.constant 0 : i32
        %dma_wait3A_115 = arith.constant 0 : i32
        %dma_wait3A_116 = tpu.memref_slice %arg2[%dma_wait3A_114, %dma_wait3A_115] : memref<10240x128xf32, #tpu.memory_space<hbm>> -> memref<10240x128xf32, #tpu.memory_space<hbm>>
        tpu.wait_indirect_dma semaphore(%arg17 : memref<!tpu.dma_semaphore, #tpu.memory_space<semaphore_mem>>) src(%dma_wait3A_116 : memref<10240x128xf32, #tpu.memory_space<hbm>>) dst(%arg10 : memref<128x128xf32, #tpu.memory_space<vmem>>)
        %mul3A_117 = arith.constant 2 : i32
        %mul3A_118 = arith.muli %mul3A_117, %scan3A_108 : i32
        %dma_start3A_119 = arith.constant 0 : i32
        %dma_start3A_120 = tpu.memref_slice %arg9[%mul3A_118, %dma_start3A_119] : memref<32x128xi32, #tpu.memory_space<vmem>> -> memref<1x128xi32, #tpu.memory_space<vmem>>
        %dma_start3A_121 = tpu.memref_squeeze %dma_start3A_120 : memref<1x128xi32, #tpu.memory_space<vmem>> -> memref<128xi32, #tpu.memory_space<vmem>>
        %dma_start3A_122 = arith.constant 0 : i32
        %dma_start3A_123 = arith.constant 0 : i32
        %dma_start3A_124 = tpu.memref_slice %arg14[%dma_start3A_122, %dma_start3A_123] : memref<10240x128xf32, #tpu.memory_space<vmem_shared>> -> memref<10240x128xf32, #tpu.memory_space<vmem_shared>>
        tpu.enqueue_indirect_dma source(%arg10 : memref<128x128xf32, #tpu.memory_space<vmem>>) target(%dma_start3A_124 : memref<10240x128xf32, #tpu.memory_space<vmem_shared>>) offsets(%dma_start3A_121 : memref<128xi32, #tpu.memory_space<vmem>>) semaphore(%arg19 : memref<!tpu.dma_semaphore, #tpu.memory_space<semaphore_mem>>) {add = true}
        %mul3A_125 = arith.constant 2 : i32
        %mul3A_126 = arith.muli %mul3A_125, %scan3A_108 : i32
        %add3A_127 = arith.constant 1 : i32
        %add3A_128 = arith.addi %mul3A_126, %add3A_127 : i32
        %dma_wait3A_129 = arith.constant 0 : i32
        %dma_wait3A_130 = tpu.memref_slice %arg8[%add3A_128, %dma_wait3A_129] : memref<32x128xi32, #tpu.memory_space<vmem>> -> memref<1x128xi32, #tpu.memory_space<vmem>>
        %dma_wait3A_131 = tpu.memref_squeeze %dma_wait3A_130 : memref<1x128xi32, #tpu.memory_space<vmem>> -> memref<128xi32, #tpu.memory_space<vmem>>
        %dma_wait3A_132 = arith.constant 0 : i32
        %dma_wait3A_133 = arith.constant 0 : i32
        %dma_wait3A_134 = tpu.memref_slice %arg2[%dma_wait3A_132, %dma_wait3A_133] : memref<10240x128xf32, #tpu.memory_space<hbm>> -> memref<10240x128xf32, #tpu.memory_space<hbm>>
        tpu.wait_indirect_dma semaphore(%arg18 : memref<!tpu.dma_semaphore, #tpu.memory_space<semaphore_mem>>) src(%dma_wait3A_134 : memref<10240x128xf32, #tpu.memory_space<hbm>>) dst(%arg11 : memref<128x128xf32, #tpu.memory_space<vmem>>)
        %mul3A_135 = arith.constant 2 : i32
        %mul3A_136 = arith.muli %mul3A_135, %scan3A_108 : i32
        %add3A_137 = arith.constant 1 : i32
        %add3A_138 = arith.addi %mul3A_136, %add3A_137 : i32
        %dma_start3A_139 = arith.constant 0 : i32
        %dma_start3A_140 = tpu.memref_slice %arg9[%add3A_138, %dma_start3A_139] : memref<32x128xi32, #tpu.memory_space<vmem>> -> memref<1x128xi32, #tpu.memory_space<vmem>>
        %dma_start3A_141 = tpu.memref_squeeze %dma_start3A_140 : memref<1x128xi32, #tpu.memory_space<vmem>> -> memref<128xi32, #tpu.memory_space<vmem>>
        %dma_start3A_142 = arith.constant 0 : i32
        %dma_start3A_143 = arith.constant 0 : i32
        %dma_start3A_144 = tpu.memref_slice %arg14[%dma_start3A_142, %dma_start3A_143] : memref<10240x128xf32, #tpu.memory_space<vmem_shared>> -> memref<10240x128xf32, #tpu.memory_space<vmem_shared>>
        tpu.enqueue_indirect_dma source(%arg11 : memref<128x128xf32, #tpu.memory_space<vmem>>) target(%dma_start3A_144 : memref<10240x128xf32, #tpu.memory_space<vmem_shared>>) offsets(%dma_start3A_141 : memref<128xi32, #tpu.memory_space<vmem>>) semaphore(%arg20 : memref<!tpu.dma_semaphore, #tpu.memory_space<semaphore_mem>>) {add = true}
        %dma_wait3A_145 = arith.constant 0 : i32
        %dma_wait3A_146 = tpu.memref_slice %arg9[%mul3A_118, %dma_wait3A_145] : memref<32x128xi32, #tpu.memory_space<vmem>> -> memref<1x128xi32, #tpu.memory_space<vmem>>
        %dma_wait3A_147 = tpu.memref_squeeze %dma_wait3A_146 : memref<1x128xi32, #tpu.memory_space<vmem>> -> memref<128xi32, #tpu.memory_space<vmem>>
        %dma_wait3A_148 = arith.constant 0 : i32
        %dma_wait3A_149 = arith.constant 0 : i32
        %dma_wait3A_150 = tpu.memref_slice %arg14[%dma_wait3A_148, %dma_wait3A_149] : memref<10240x128xf32, #tpu.memory_space<vmem_shared>> -> memref<10240x128xf32, #tpu.memory_space<vmem_shared>>
        tpu.wait_indirect_dma semaphore(%arg19 : memref<!tpu.dma_semaphore, #tpu.memory_space<semaphore_mem>>) src(%arg10 : memref<128x128xf32, #tpu.memory_space<vmem>>) dst(%dma_wait3A_150 : memref<10240x128xf32, #tpu.memory_space<vmem_shared>>)
        %mul3A_151 = arith.constant 2 : i32
        %mul3A_152 = arith.muli %mul3A_151, %scan3A_108 : i32
        %add3A_153 = arith.constant 2 : i32
        %add3A_154 = arith.addi %mul3A_152, %add3A_153 : i32
        %dma_start3A_155 = arith.constant 0 : i32
        %dma_start3A_156 = tpu.memref_slice %arg8[%add3A_154, %dma_start3A_155] : memref<32x128xi32, #tpu.memory_space<vmem>> -> memref<1x128xi32, #tpu.memory_space<vmem>>
        %dma_start3A_157 = tpu.memref_squeeze %dma_start3A_156 : memref<1x128xi32, #tpu.memory_space<vmem>> -> memref<128xi32, #tpu.memory_space<vmem>>
        %dma_start3A_158 = arith.constant 0 : i32
        %dma_start3A_159 = arith.constant 0 : i32
        %dma_start3A_160 = tpu.memref_slice %arg2[%dma_start3A_158, %dma_start3A_159] : memref<10240x128xf32, #tpu.memory_space<hbm>> -> memref<10240x128xf32, #tpu.memory_space<hbm>>
        tpu.enqueue_indirect_dma source(%dma_start3A_160 : memref<10240x128xf32, #tpu.memory_space<hbm>>) target(%arg10 : memref<128x128xf32, #tpu.memory_space<vmem>>) offsets(%dma_start3A_157 : memref<128xi32, #tpu.memory_space<vmem>>) semaphore(%arg17 : memref<!tpu.dma_semaphore, #tpu.memory_space<semaphore_mem>>)
        %dma_wait3A_161 = arith.constant 0 : i32
        %dma_wait3A_162 = tpu.memref_slice %arg9[%add3A_138, %dma_wait3A_161] : memref<32x128xi32, #tpu.memory_space<vmem>> -> memref<1x128xi32, #tpu.memory_space<vmem>>
        %dma_wait3A_163 = tpu.memref_squeeze %dma_wait3A_162 : memref<1x128xi32, #tpu.memory_space<vmem>> -> memref<128xi32, #tpu.memory_space<vmem>>
        %dma_wait3A_164 = arith.constant 0 : i32
        %dma_wait3A_165 = arith.constant 0 : i32
        %dma_wait3A_166 = tpu.memref_slice %arg14[%dma_wait3A_164, %dma_wait3A_165] : memref<10240x128xf32, #tpu.memory_space<vmem_shared>> -> memref<10240x128xf32, #tpu.memory_space<vmem_shared>>
        tpu.wait_indirect_dma semaphore(%arg20 : memref<!tpu.dma_semaphore, #tpu.memory_space<semaphore_mem>>) src(%arg11 : memref<128x128xf32, #tpu.memory_space<vmem>>) dst(%dma_wait3A_166 : memref<10240x128xf32, #tpu.memory_space<vmem_shared>>)
        %mul3A_167 = arith.constant 2 : i32
        %mul3A_168 = arith.muli %mul3A_167, %scan3A_108 : i32
        %add3A_169 = arith.constant 3 : i32
        %add3A_170 = arith.addi %mul3A_168, %add3A_169 : i32
        %dma_start3A_171 = arith.constant 0 : i32
        %dma_start3A_172 = tpu.memref_slice %arg8[%add3A_170, %dma_start3A_171] : memref<32x128xi32, #tpu.memory_space<vmem>> -> memref<1x128xi32, #tpu.memory_space<vmem>>
        %dma_start3A_173 = tpu.memref_squeeze %dma_start3A_172 : memref<1x128xi32, #tpu.memory_space<vmem>> -> memref<128xi32, #tpu.memory_space<vmem>>
        %dma_start3A_174 = arith.constant 0 : i32
        %dma_start3A_175 = arith.constant 0 : i32
        %dma_start3A_176 = tpu.memref_slice %arg2[%dma_start3A_174, %dma_start3A_175] : memref<10240x128xf32, #tpu.memory_space<hbm>> -> memref<10240x128xf32, #tpu.memory_space<hbm>>
        tpu.enqueue_indirect_dma source(%dma_start3A_176 : memref<10240x128xf32, #tpu.memory_space<hbm>>) target(%arg11 : memref<128x128xf32, #tpu.memory_space<vmem>>) offsets(%dma_start3A_173 : memref<128xi32, #tpu.memory_space<vmem>>) semaphore(%arg18 : memref<!tpu.dma_semaphore, #tpu.memory_space<semaphore_mem>>)
      }
      %scan3A_66 = arith.constant 15 : i32
      %dma_wait3A = arith.constant 30 : i32
      %dma_wait3A_67 = arith.constant 0 : i32
      %dma_wait3A_68 = tpu.memref_slice %arg8[%dma_wait3A, %dma_wait3A_67] : memref<32x128xi32, #tpu.memory_space<vmem>> -> memref<1x128xi32, #tpu.memory_space<vmem>>
      %dma_wait3A_69 = tpu.memref_squeeze %dma_wait3A_68 : memref<1x128xi32, #tpu.memory_space<vmem>> -> memref<128xi32, #tpu.memory_space<vmem>>
      %dma_wait3A_70 = arith.constant 0 : i32
      %dma_wait3A_71 = arith.constant 0 : i32
      %dma_wait3A_72 = tpu.memref_slice %arg2[%dma_wait3A_70, %dma_wait3A_71] : memref<10240x128xf32, #tpu.memory_space<hbm>> -> memref<10240x128xf32, #tpu.memory_space<hbm>>
      tpu.wait_indirect_dma semaphore(%arg17 : memref<!tpu.dma_semaphore, #tpu.memory_space<semaphore_mem>>) src(%dma_wait3A_72 : memref<10240x128xf32, #tpu.memory_space<hbm>>) dst(%arg10 : memref<128x128xf32, #tpu.memory_space<vmem>>)
      %dma_start3A_73 = arith.constant 30 : i32
      %dma_start3A_74 = arith.constant 0 : i32
      %dma_start3A_75 = tpu.memref_slice %arg9[%dma_start3A_73, %dma_start3A_74] : memref<32x128xi32, #tpu.memory_space<vmem>> -> memref<1x128xi32, #tpu.memory_space<vmem>>
      %dma_start3A_76 = tpu.memref_squeeze %dma_start3A_75 : memref<1x128xi32, #tpu.memory_space<vmem>> -> memref<128xi32, #tpu.memory_space<vmem>>
      %dma_start3A_77 = arith.constant 0 : i32
      %dma_start3A_78 = arith.constant 0 : i32
      %dma_start3A_79 = tpu.memref_slice %arg14[%dma_start3A_77, %dma_start3A_78] : memref<10240x128xf32, #tpu.memory_space<vmem_shared>> -> memref<10240x128xf32, #tpu.memory_space<vmem_shared>>
      tpu.enqueue_indirect_dma source(%arg10 : memref<128x128xf32, #tpu.memory_space<vmem>>) target(%dma_start3A_79 : memref<10240x128xf32, #tpu.memory_space<vmem_shared>>) offsets(%dma_start3A_76 : memref<128xi32, #tpu.memory_space<vmem>>) semaphore(%arg19 : memref<!tpu.dma_semaphore, #tpu.memory_space<semaphore_mem>>) {add = true}
      %dma_wait3A_80 = arith.constant 31 : i32
      %dma_wait3A_81 = arith.constant 0 : i32
      %dma_wait3A_82 = tpu.memref_slice %arg8[%dma_wait3A_80, %dma_wait3A_81] : memref<32x128xi32, #tpu.memory_space<vmem>> -> memref<1x128xi32, #tpu.memory_space<vmem>>
      %dma_wait3A_83 = tpu.memref_squeeze %dma_wait3A_82 : memref<1x128xi32, #tpu.memory_space<vmem>> -> memref<128xi32, #tpu.memory_space<vmem>>
      %dma_wait3A_84 = arith.constant 0 : i32
      %dma_wait3A_85 = arith.constant 0 : i32
      %dma_wait3A_86 = tpu.memref_slice %arg2[%dma_wait3A_84, %dma_wait3A_85] : memref<10240x128xf32, #tpu.memory_space<hbm>> -> memref<10240x128xf32, #tpu.memory_space<hbm>>
      tpu.wait_indirect_dma semaphore(%arg18 : memref<!tpu.dma_semaphore, #tpu.memory_space<semaphore_mem>>) src(%dma_wait3A_86 : memref<10240x128xf32, #tpu.memory_space<hbm>>) dst(%arg11 : memref<128x128xf32, #tpu.memory_space<vmem>>)
      %dma_start3A_87 = arith.constant 31 : i32
      %dma_start3A_88 = arith.constant 0 : i32
      %dma_start3A_89 = tpu.memref_slice %arg9[%dma_start3A_87, %dma_start3A_88] : memref<32x128xi32, #tpu.memory_space<vmem>> -> memref<1x128xi32, #tpu.memory_space<vmem>>
      %dma_start3A_90 = tpu.memref_squeeze %dma_start3A_89 : memref<1x128xi32, #tpu.memory_space<vmem>> -> memref<128xi32, #tpu.memory_space<vmem>>
      %dma_start3A_91 = arith.constant 0 : i32
      %dma_start3A_92 = arith.constant 0 : i32
      %dma_start3A_93 = tpu.memref_slice %arg14[%dma_start3A_91, %dma_start3A_92] : memref<10240x128xf32, #tpu.memory_space<vmem_shared>> -> memref<10240x128xf32, #tpu.memory_space<vmem_shared>>
      tpu.enqueue_indirect_dma source(%arg11 : memref<128x128xf32, #tpu.memory_space<vmem>>) target(%dma_start3A_93 : memref<10240x128xf32, #tpu.memory_space<vmem_shared>>) offsets(%dma_start3A_90 : memref<128xi32, #tpu.memory_space<vmem>>) semaphore(%arg20 : memref<!tpu.dma_semaphore, #tpu.memory_space<semaphore_mem>>) {add = true}
      %dma_wait3A_94 = arith.constant 30 : i32
      %dma_wait3A_95 = arith.constant 0 : i32
      %dma_wait3A_96 = tpu.memref_slice %arg9[%dma_wait3A_94, %dma_wait3A_95] : memref<32x128xi32, #tpu.memory_space<vmem>> -> memref<1x128xi32, #tpu.memory_space<vmem>>
      %dma_wait3A_97 = tpu.memref_squeeze %dma_wait3A_96 : memref<1x128xi32, #tpu.memory_space<vmem>> -> memref<128xi32, #tpu.memory_space<vmem>>
      %dma_wait3A_98 = arith.constant 0 : i32
      %dma_wait3A_99 = arith.constant 0 : i32
      %dma_wait3A_100 = tpu.memref_slice %arg14[%dma_wait3A_98, %dma_wait3A_99] : memref<10240x128xf32, #tpu.memory_space<vmem_shared>> -> memref<10240x128xf32, #tpu.memory_space<vmem_shared>>
      tpu.wait_indirect_dma semaphore(%arg19 : memref<!tpu.dma_semaphore, #tpu.memory_space<semaphore_mem>>) src(%arg10 : memref<128x128xf32, #tpu.memory_space<vmem>>) dst(%dma_wait3A_100 : memref<10240x128xf32, #tpu.memory_space<vmem_shared>>)
      %dma_wait3A_101 = arith.constant 31 : i32
      %dma_wait3A_102 = arith.constant 0 : i32
      %dma_wait3A_103 = tpu.memref_slice %arg9[%dma_wait3A_101, %dma_wait3A_102] : memref<32x128xi32, #tpu.memory_space<vmem>> -> memref<1x128xi32, #tpu.memory_space<vmem>>
      %dma_wait3A_104 = tpu.memref_squeeze %dma_wait3A_103 : memref<1x128xi32, #tpu.memory_space<vmem>> -> memref<128xi32, #tpu.memory_space<vmem>>
      %dma_wait3A_105 = arith.constant 0 : i32
      %dma_wait3A_106 = arith.constant 0 : i32
      %dma_wait3A_107 = tpu.memref_slice %arg14[%dma_wait3A_105, %dma_wait3A_106] : memref<10240x128xf32, #tpu.memory_space<vmem_shared>> -> memref<10240x128xf32, #tpu.memory_space<vmem_shared>>
      tpu.wait_indirect_dma semaphore(%arg20 : memref<!tpu.dma_semaphore, #tpu.memory_space<semaphore_mem>>) src(%arg11 : memref<128x128xf32, #tpu.memory_space<vmem>>) dst(%dma_wait3A_107 : memref<10240x128xf32, #tpu.memory_space<vmem_shared>>)
    }
    %while3A_37 = arith.constant 1 : i32
    scf.for %while3A_44 = %while3A_35 to %while3A_31 step %while3A_37  : i32 {
      %mul3A_45 = arith.constant 32 : i32
      %mul3A_46 = arith.muli %while3A_44, %mul3A_45 : i32
      "tpu.region"() ({
        %run_scoped3A = tpu.sem_alloc : memref<!tpu.dma_semaphore, #tpu.memory_space<semaphore_mem>>
        %dma_start3A_108 = arith.constant 0 : i32
        %dma_start3A_109 = tpu.memref_slice %arg3[%arg1, %mul3A_46, %dma_start3A_108] : memref<16x160x128xi32, #tpu.memory_space<hbm>> -> memref<1x32x128xi32, #tpu.memory_space<hbm>>
        %dma_start3A_110 = tpu.memref_squeeze %dma_start3A_109 : memref<1x32x128xi32, #tpu.memory_space<hbm>> -> memref<32x128xi32, #tpu.memory_space<hbm>>
        %dma_start3A_111 = arith.constant 0 : i32
        %dma_start3A_112 = tpu.memref_slice %arg3[%arg1, %mul3A_46, %dma_start3A_111] : memref<16x160x128xi32, #tpu.memory_space<hbm>> -> memref<1x32x128xi32, #tpu.memory_space<hbm>>
        %dma_start3A_113 = tpu.memref_squeeze %dma_start3A_112 : memref<1x32x128xi32, #tpu.memory_space<hbm>> -> memref<32x128xi32, #tpu.memory_space<hbm>>
        tpu.enqueue_dma source(%dma_start3A_113 : memref<32x128xi32, #tpu.memory_space<hbm>>) target(%arg8 : memref<32x128xi32, #tpu.memory_space<vmem>>) target_semaphore(%run_scoped3A : memref<!tpu.dma_semaphore, #tpu.memory_space<semaphore_mem>>)
        %dma_wait3A_114 = arith.constant 0 : i32
        %dma_wait3A_115 = tpu.memref_slice %arg3[%arg1, %mul3A_46, %dma_wait3A_114] : memref<16x160x128xi32, #tpu.memory_space<hbm>> -> memref<1x32x128xi32, #tpu.memory_space<hbm>>
        %dma_wait3A_116 = tpu.memref_squeeze %dma_wait3A_115 : memref<1x32x128xi32, #tpu.memory_space<hbm>> -> memref<32x128xi32, #tpu.memory_space<hbm>>
        %dma_wait3A_117 = arith.constant 0 : i32
        %dma_wait3A_118 = tpu.memref_slice %arg3[%arg1, %mul3A_46, %dma_wait3A_117] : memref<16x160x128xi32, #tpu.memory_space<hbm>> -> memref<1x32x128xi32, #tpu.memory_space<hbm>>
        %dma_wait3A_119 = tpu.memref_squeeze %dma_wait3A_118 : memref<1x32x128xi32, #tpu.memory_space<hbm>> -> memref<32x128xi32, #tpu.memory_space<hbm>>
        tpu.wait_dma2 semaphore(%run_scoped3A : memref<!tpu.dma_semaphore, #tpu.memory_space<semaphore_mem>>) src(%dma_wait3A_119 : memref<32x128xi32, #tpu.memory_space<hbm>>) dst(%arg8 : memref<32x128xi32, #tpu.memory_space<vmem>>)
        tpu.yield
      }) : () -> ()
      %mul3A_47 = arith.constant 32 : i32
      %mul3A_48 = arith.muli %while3A_44, %mul3A_47 : i32
      "tpu.region"() ({
        %run_scoped3A = tpu.sem_alloc : memref<!tpu.dma_semaphore, #tpu.memory_space<semaphore_mem>>
        %dma_start3A_108 = arith.constant 0 : i32
        %dma_start3A_109 = tpu.memref_slice %arg4[%arg1, %mul3A_48, %dma_start3A_108] : memref<16x160x128xi32, #tpu.memory_space<hbm>> -> memref<1x32x128xi32, #tpu.memory_space<hbm>>
        %dma_start3A_110 = tpu.memref_squeeze %dma_start3A_109 : memref<1x32x128xi32, #tpu.memory_space<hbm>> -> memref<32x128xi32, #tpu.memory_space<hbm>>
        %dma_start3A_111 = arith.constant 0 : i32
        %dma_start3A_112 = tpu.memref_slice %arg4[%arg1, %mul3A_48, %dma_start3A_111] : memref<16x160x128xi32, #tpu.memory_space<hbm>> -> memref<1x32x128xi32, #tpu.memory_space<hbm>>
        %dma_start3A_113 = tpu.memref_squeeze %dma_start3A_112 : memref<1x32x128xi32, #tpu.memory_space<hbm>> -> memref<32x128xi32, #tpu.memory_space<hbm>>
        tpu.enqueue_dma source(%dma_start3A_113 : memref<32x128xi32, #tpu.memory_space<hbm>>) target(%arg9 : memref<32x128xi32, #tpu.memory_space<vmem>>) target_semaphore(%run_scoped3A : memref<!tpu.dma_semaphore, #tpu.memory_space<semaphore_mem>>)
        %dma_wait3A_114 = arith.constant 0 : i32
        %dma_wait3A_115 = tpu.memref_slice %arg4[%arg1, %mul3A_48, %dma_wait3A_114] : memref<16x160x128xi32, #tpu.memory_space<hbm>> -> memref<1x32x128xi32, #tpu.memory_space<hbm>>
        %dma_wait3A_116 = tpu.memref_squeeze %dma_wait3A_115 : memref<1x32x128xi32, #tpu.memory_space<hbm>> -> memref<32x128xi32, #tpu.memory_space<hbm>>
        %dma_wait3A_117 = arith.constant 0 : i32
        %dma_wait3A_118 = tpu.memref_slice %arg4[%arg1, %mul3A_48, %dma_wait3A_117] : memref<16x160x128xi32, #tpu.memory_space<hbm>> -> memref<1x32x128xi32, #tpu.memory_space<hbm>>
        %dma_wait3A_119 = tpu.memref_squeeze %dma_wait3A_118 : memref<1x32x128xi32, #tpu.memory_space<hbm>> -> memref<32x128xi32, #tpu.memory_space<hbm>>
        tpu.wait_dma2 semaphore(%run_scoped3A : memref<!tpu.dma_semaphore, #tpu.memory_space<semaphore_mem>>) src(%dma_wait3A_119 : memref<32x128xi32, #tpu.memory_space<hbm>>) dst(%arg9 : memref<32x128xi32, #tpu.memory_space<vmem>>)
        tpu.yield
      }) : () -> ()
      %dma_start3A = arith.constant 0 : i32
      %dma_start3A_49 = arith.constant 0 : i32
      %dma_start3A_50 = tpu.memref_slice %arg8[%dma_start3A, %dma_start3A_49] : memref<32x128xi32, #tpu.memory_space<vmem>> -> memref<1x128xi32, #tpu.memory_space<vmem>>
      %dma_start3A_51 = tpu.memref_squeeze %dma_start3A_50 : memref<1x128xi32, #tpu.memory_space<vmem>> -> memref<128xi32, #tpu.memory_space<vmem>>
      %dma_start3A_52 = arith.constant 0 : i32
      %dma_start3A_53 = arith.constant 0 : i32
      %dma_start3A_54 = tpu.memref_slice %arg2[%dma_start3A_52, %dma_start3A_53] : memref<10240x128xf32, #tpu.memory_space<hbm>> -> memref<10240x128xf32, #tpu.memory_space<hbm>>
      tpu.enqueue_indirect_dma source(%dma_start3A_54 : memref<10240x128xf32, #tpu.memory_space<hbm>>) target(%arg10 : memref<128x128xf32, #tpu.memory_space<vmem>>) offsets(%dma_start3A_51 : memref<128xi32, #tpu.memory_space<vmem>>) semaphore(%arg17 : memref<!tpu.dma_semaphore, #tpu.memory_space<semaphore_mem>>)
      %dma_start3A_55 = arith.constant 1 : i32
      %dma_start3A_56 = arith.constant 0 : i32
      %dma_start3A_57 = tpu.memref_slice %arg8[%dma_start3A_55, %dma_start3A_56] : memref<32x128xi32, #tpu.memory_space<vmem>> -> memref<1x128xi32, #tpu.memory_space<vmem>>
      %dma_start3A_58 = tpu.memref_squeeze %dma_start3A_57 : memref<1x128xi32, #tpu.memory_space<vmem>> -> memref<128xi32, #tpu.memory_space<vmem>>
      %dma_start3A_59 = arith.constant 0 : i32
      %dma_start3A_60 = arith.constant 0 : i32
      %dma_start3A_61 = tpu.memref_slice %arg2[%dma_start3A_59, %dma_start3A_60] : memref<10240x128xf32, #tpu.memory_space<hbm>> -> memref<10240x128xf32, #tpu.memory_space<hbm>>
      tpu.enqueue_indirect_dma source(%dma_start3A_61 : memref<10240x128xf32, #tpu.memory_space<hbm>>) target(%arg11 : memref<128x128xf32, #tpu.memory_space<vmem>>) offsets(%dma_start3A_58 : memref<128xi32, #tpu.memory_space<vmem>>) semaphore(%arg18 : memref<!tpu.dma_semaphore, #tpu.memory_space<semaphore_mem>>)
      %scan3A_62 = arith.constant 0 : i32
      %scan3A_63 = arith.constant 15 : i32
      %scan3A_64 = arith.addi %scan3A_62, %scan3A_63 : i32
      %scan3A_65 = arith.constant 1 : i32
      scf.for %scan3A_108 = %scan3A_62 to %scan3A_64 step %scan3A_65  : i32 {
        %mul3A_109 = arith.constant 2 : i32
        %mul3A_110 = arith.muli %mul3A_109, %scan3A_108 : i32
        %dma_wait3A_111 = arith.constant 0 : i32
        %dma_wait3A_112 = tpu.memref_slice %arg8[%mul3A_110, %dma_wait3A_111] : memref<32x128xi32, #tpu.memory_space<vmem>> -> memref<1x128xi32, #tpu.memory_space<vmem>>
        %dma_wait3A_113 = tpu.memref_squeeze %dma_wait3A_112 : memref<1x128xi32, #tpu.memory_space<vmem>> -> memref<128xi32, #tpu.memory_space<vmem>>
        %dma_wait3A_114 = arith.constant 0 : i32
        %dma_wait3A_115 = arith.constant 0 : i32
        %dma_wait3A_116 = tpu.memref_slice %arg2[%dma_wait3A_114, %dma_wait3A_115] : memref<10240x128xf32, #tpu.memory_space<hbm>> -> memref<10240x128xf32, #tpu.memory_space<hbm>>
        tpu.wait_indirect_dma semaphore(%arg17 : memref<!tpu.dma_semaphore, #tpu.memory_space<semaphore_mem>>) src(%dma_wait3A_116 : memref<10240x128xf32, #tpu.memory_space<hbm>>) dst(%arg10 : memref<128x128xf32, #tpu.memory_space<vmem>>)
        %mul3A_117 = arith.constant 2 : i32
        %mul3A_118 = arith.muli %mul3A_117, %scan3A_108 : i32
        %dma_start3A_119 = arith.constant 0 : i32
        %dma_start3A_120 = tpu.memref_slice %arg9[%mul3A_118, %dma_start3A_119] : memref<32x128xi32, #tpu.memory_space<vmem>> -> memref<1x128xi32, #tpu.memory_space<vmem>>
        %dma_start3A_121 = tpu.memref_squeeze %dma_start3A_120 : memref<1x128xi32, #tpu.memory_space<vmem>> -> memref<128xi32, #tpu.memory_space<vmem>>
        %dma_start3A_122 = arith.constant 0 : i32
        %dma_start3A_123 = arith.constant 0 : i32
        %dma_start3A_124 = tpu.memref_slice %arg14[%dma_start3A_122, %dma_start3A_123] : memref<10240x128xf32, #tpu.memory_space<vmem_shared>> -> memref<10240x128xf32, #tpu.memory_space<vmem_shared>>
        tpu.enqueue_indirect_dma source(%arg10 : memref<128x128xf32, #tpu.memory_space<vmem>>) target(%dma_start3A_124 : memref<10240x128xf32, #tpu.memory_space<vmem_shared>>) offsets(%dma_start3A_121 : memref<128xi32, #tpu.memory_space<vmem>>) semaphore(%arg19 : memref<!tpu.dma_semaphore, #tpu.memory_space<semaphore_mem>>) {add = true}
        %mul3A_125 = arith.constant 2 : i32
        %mul3A_126 = arith.muli %mul3A_125, %scan3A_108 : i32
        %add3A_127 = arith.constant 1 : i32
        %add3A_128 = arith.addi %mul3A_126, %add3A_127 : i32
        %dma_wait3A_129 = arith.constant 0 : i32
        %dma_wait3A_130 = tpu.memref_slice %arg8[%add3A_128, %dma_wait3A_129] : memref<32x128xi32, #tpu.memory_space<vmem>> -> memref<1x128xi32, #tpu.memory_space<vmem>>
        %dma_wait3A_131 = tpu.memref_squeeze %dma_wait3A_130 : memref<1x128xi32, #tpu.memory_space<vmem>> -> memref<128xi32, #tpu.memory_space<vmem>>
        %dma_wait3A_132 = arith.constant 0 : i32
        %dma_wait3A_133 = arith.constant 0 : i32
        %dma_wait3A_134 = tpu.memref_slice %arg2[%dma_wait3A_132, %dma_wait3A_133] : memref<10240x128xf32, #tpu.memory_space<hbm>> -> memref<10240x128xf32, #tpu.memory_space<hbm>>
        tpu.wait_indirect_dma semaphore(%arg18 : memref<!tpu.dma_semaphore, #tpu.memory_space<semaphore_mem>>) src(%dma_wait3A_134 : memref<10240x128xf32, #tpu.memory_space<hbm>>) dst(%arg11 : memref<128x128xf32, #tpu.memory_space<vmem>>)
        %mul3A_135 = arith.constant 2 : i32
        %mul3A_136 = arith.muli %mul3A_135, %scan3A_108 : i32
        %add3A_137 = arith.constant 1 : i32
        %add3A_138 = arith.addi %mul3A_136, %add3A_137 : i32
        %dma_start3A_139 = arith.constant 0 : i32
        %dma_start3A_140 = tpu.memref_slice %arg9[%add3A_138, %dma_start3A_139] : memref<32x128xi32, #tpu.memory_space<vmem>> -> memref<1x128xi32, #tpu.memory_space<vmem>>
        %dma_start3A_141 = tpu.memref_squeeze %dma_start3A_140 : memref<1x128xi32, #tpu.memory_space<vmem>> -> memref<128xi32, #tpu.memory_space<vmem>>
        %dma_start3A_142 = arith.constant 0 : i32
        %dma_start3A_143 = arith.constant 0 : i32
        %dma_start3A_144 = tpu.memref_slice %arg14[%dma_start3A_142, %dma_start3A_143] : memref<10240x128xf32, #tpu.memory_space<vmem_shared>> -> memref<10240x128xf32, #tpu.memory_space<vmem_shared>>
        tpu.enqueue_indirect_dma source(%arg11 : memref<128x128xf32, #tpu.memory_space<vmem>>) target(%dma_start3A_144 : memref<10240x128xf32, #tpu.memory_space<vmem_shared>>) offsets(%dma_start3A_141 : memref<128xi32, #tpu.memory_space<vmem>>) semaphore(%arg20 : memref<!tpu.dma_semaphore, #tpu.memory_space<semaphore_mem>>) {add = true}
        %dma_wait3A_145 = arith.constant 0 : i32
        %dma_wait3A_146 = tpu.memref_slice %arg9[%mul3A_118, %dma_wait3A_145] : memref<32x128xi32, #tpu.memory_space<vmem>> -> memref<1x128xi32, #tpu.memory_space<vmem>>
        %dma_wait3A_147 = tpu.memref_squeeze %dma_wait3A_146 : memref<1x128xi32, #tpu.memory_space<vmem>> -> memref<128xi32, #tpu.memory_space<vmem>>
        %dma_wait3A_148 = arith.constant 0 : i32
        %dma_wait3A_149 = arith.constant 0 : i32
        %dma_wait3A_150 = tpu.memref_slice %arg14[%dma_wait3A_148, %dma_wait3A_149] : memref<10240x128xf32, #tpu.memory_space<vmem_shared>> -> memref<10240x128xf32, #tpu.memory_space<vmem_shared>>
        tpu.wait_indirect_dma semaphore(%arg19 : memref<!tpu.dma_semaphore, #tpu.memory_space<semaphore_mem>>) src(%arg10 : memref<128x128xf32, #tpu.memory_space<vmem>>) dst(%dma_wait3A_150 : memref<10240x128xf32, #tpu.memory_space<vmem_shared>>)
        %mul3A_151 = arith.constant 2 : i32
        %mul3A_152 = arith.muli %mul3A_151, %scan3A_108 : i32
        %add3A_153 = arith.constant 2 : i32
        %add3A_154 = arith.addi %mul3A_152, %add3A_153 : i32
        %dma_start3A_155 = arith.constant 0 : i32
        %dma_start3A_156 = tpu.memref_slice %arg8[%add3A_154, %dma_start3A_155] : memref<32x128xi32, #tpu.memory_space<vmem>> -> memref<1x128xi32, #tpu.memory_space<vmem>>
        %dma_start3A_157 = tpu.memref_squeeze %dma_start3A_156 : memref<1x128xi32, #tpu.memory_space<vmem>> -> memref<128xi32, #tpu.memory_space<vmem>>
        %dma_start3A_158 = arith.constant 0 : i32
        %dma_start3A_159 = arith.constant 0 : i32
        %dma_start3A_160 = tpu.memref_slice %arg2[%dma_start3A_158, %dma_start3A_159] : memref<10240x128xf32, #tpu.memory_space<hbm>> -> memref<10240x128xf32, #tpu.memory_space<hbm>>
        tpu.enqueue_indirect_dma source(%dma_start3A_160 : memref<10240x128xf32, #tpu.memory_space<hbm>>) target(%arg10 : memref<128x128xf32, #tpu.memory_space<vmem>>) offsets(%dma_start3A_157 : memref<128xi32, #tpu.memory_space<vmem>>) semaphore(%arg17 : memref<!tpu.dma_semaphore, #tpu.memory_space<semaphore_mem>>)
        %dma_wait3A_161 = arith.constant 0 : i32
        %dma_wait3A_162 = tpu.memref_slice %arg9[%add3A_138, %dma_wait3A_161] : memref<32x128xi32, #tpu.memory_space<vmem>> -> memref<1x128xi32, #tpu.memory_space<vmem>>
        %dma_wait3A_163 = tpu.memref_squeeze %dma_wait3A_162 : memref<1x128xi32, #tpu.memory_space<vmem>> -> memref<128xi32, #tpu.memory_space<vmem>>
        %dma_wait3A_164 = arith.constant 0 : i32
        %dma_wait3A_165 = arith.constant 0 : i32
        %dma_wait3A_166 = tpu.memref_slice %arg14[%dma_wait3A_164, %dma_wait3A_165] : memref<10240x128xf32, #tpu.memory_space<vmem_shared>> -> memref<10240x128xf32, #tpu.memory_space<vmem_shared>>
        tpu.wait_indirect_dma semaphore(%arg20 : memref<!tpu.dma_semaphore, #tpu.memory_space<semaphore_mem>>) src(%arg11 : memref<128x128xf32, #tpu.memory_space<vmem>>) dst(%dma_wait3A_166 : memref<10240x128xf32, #tpu.memory_space<vmem_shared>>)
        %mul3A_167 = arith.constant 2 : i32
        %mul3A_168 = arith.muli %mul3A_167, %scan3A_108 : i32
        %add3A_169 = arith.constant 3 : i32
        %add3A_170 = arith.addi %mul3A_168, %add3A_169 : i32
        %dma_start3A_171 = arith.constant 0 : i32
        %dma_start3A_172 = tpu.memref_slice %arg8[%add3A_170, %dma_start3A_171] : memref<32x128xi32, #tpu.memory_space<vmem>> -> memref<1x128xi32, #tpu.memory_space<vmem>>
        %dma_start3A_173 = tpu.memref_squeeze %dma_start3A_172 : memref<1x128xi32, #tpu.memory_space<vmem>> -> memref<128xi32, #tpu.memory_space<vmem>>
        %dma_start3A_174 = arith.constant 0 : i32
        %dma_start3A_175 = arith.constant 0 : i32
        %dma_start3A_176 = tpu.memref_slice %arg2[%dma_start3A_174, %dma_start3A_175] : memref<10240x128xf32, #tpu.memory_space<hbm>> -> memref<10240x128xf32, #tpu.memory_space<hbm>>
        tpu.enqueue_indirect_dma source(%dma_start3A_176 : memref<10240x128xf32, #tpu.memory_space<hbm>>) target(%arg11 : memref<128x128xf32, #tpu.memory_space<vmem>>) offsets(%dma_start3A_173 : memref<128xi32, #tpu.memory_space<vmem>>) semaphore(%arg18 : memref<!tpu.dma_semaphore, #tpu.memory_space<semaphore_mem>>)
      }
      %scan3A_66 = arith.constant 15 : i32
      %dma_wait3A = arith.constant 30 : i32
      %dma_wait3A_67 = arith.constant 0 : i32
      %dma_wait3A_68 = tpu.memref_slice %arg8[%dma_wait3A, %dma_wait3A_67] : memref<32x128xi32, #tpu.memory_space<vmem>> -> memref<1x128xi32, #tpu.memory_space<vmem>>
      %dma_wait3A_69 = tpu.memref_squeeze %dma_wait3A_68 : memref<1x128xi32, #tpu.memory_space<vmem>> -> memref<128xi32, #tpu.memory_space<vmem>>
      %dma_wait3A_70 = arith.constant 0 : i32
      %dma_wait3A_71 = arith.constant 0 : i32
      %dma_wait3A_72 = tpu.memref_slice %arg2[%dma_wait3A_70, %dma_wait3A_71] : memref<10240x128xf32, #tpu.memory_space<hbm>> -> memref<10240x128xf32, #tpu.memory_space<hbm>>
      tpu.wait_indirect_dma semaphore(%arg17 : memref<!tpu.dma_semaphore, #tpu.memory_space<semaphore_mem>>) src(%dma_wait3A_72 : memref<10240x128xf32, #tpu.memory_space<hbm>>) dst(%arg10 : memref<128x128xf32, #tpu.memory_space<vmem>>)
      %dma_start3A_73 = arith.constant 30 : i32
      %dma_start3A_74 = arith.constant 0 : i32
      %dma_start3A_75 = tpu.memref_slice %arg9[%dma_start3A_73, %dma_start3A_74] : memref<32x128xi32, #tpu.memory_space<vmem>> -> memref<1x128xi32, #tpu.memory_space<vmem>>
      %dma_start3A_76 = tpu.memref_squeeze %dma_start3A_75 : memref<1x128xi32, #tpu.memory_space<vmem>> -> memref<128xi32, #tpu.memory_space<vmem>>
      %dma_start3A_77 = arith.constant 0 : i32
      %dma_start3A_78 = arith.constant 0 : i32
      %dma_start3A_79 = tpu.memref_slice %arg14[%dma_start3A_77, %dma_start3A_78] : memref<10240x128xf32, #tpu.memory_space<vmem_shared>> -> memref<10240x128xf32, #tpu.memory_space<vmem_shared>>
      tpu.enqueue_indirect_dma source(%arg10 : memref<128x128xf32, #tpu.memory_space<vmem>>) target(%dma_start3A_79 : memref<10240x128xf32, #tpu.memory_space<vmem_shared>>) offsets(%dma_start3A_76 : memref<128xi32, #tpu.memory_space<vmem>>) semaphore(%arg19 : memref<!tpu.dma_semaphore, #tpu.memory_space<semaphore_mem>>) {add = true}
      %dma_wait3A_80 = arith.constant 31 : i32
      %dma_wait3A_81 = arith.constant 0 : i32
      %dma_wait3A_82 = tpu.memref_slice %arg8[%dma_wait3A_80, %dma_wait3A_81] : memref<32x128xi32, #tpu.memory_space<vmem>> -> memref<1x128xi32, #tpu.memory_space<vmem>>
      %dma_wait3A_83 = tpu.memref_squeeze %dma_wait3A_82 : memref<1x128xi32, #tpu.memory_space<vmem>> -> memref<128xi32, #tpu.memory_space<vmem>>
      %dma_wait3A_84 = arith.constant 0 : i32
      %dma_wait3A_85 = arith.constant 0 : i32
      %dma_wait3A_86 = tpu.memref_slice %arg2[%dma_wait3A_84, %dma_wait3A_85] : memref<10240x128xf32, #tpu.memory_space<hbm>> -> memref<10240x128xf32, #tpu.memory_space<hbm>>
      tpu.wait_indirect_dma semaphore(%arg18 : memref<!tpu.dma_semaphore, #tpu.memory_space<semaphore_mem>>) src(%dma_wait3A_86 : memref<10240x128xf32, #tpu.memory_space<hbm>>) dst(%arg11 : memref<128x128xf32, #tpu.memory_space<vmem>>)
      %dma_start3A_87 = arith.constant 31 : i32
      %dma_start3A_88 = arith.constant 0 : i32
      %dma_start3A_89 = tpu.memref_slice %arg9[%dma_start3A_87, %dma_start3A_88] : memref<32x128xi32, #tpu.memory_space<vmem>> -> memref<1x128xi32, #tpu.memory_space<vmem>>
      %dma_start3A_90 = tpu.memref_squeeze %dma_start3A_89 : memref<1x128xi32, #tpu.memory_space<vmem>> -> memref<128xi32, #tpu.memory_space<vmem>>
      %dma_start3A_91 = arith.constant 0 : i32
      %dma_start3A_92 = arith.constant 0 : i32
      %dma_start3A_93 = tpu.memref_slice %arg14[%dma_start3A_91, %dma_start3A_92] : memref<10240x128xf32, #tpu.memory_space<vmem_shared>> -> memref<10240x128xf32, #tpu.memory_space<vmem_shared>>
      tpu.enqueue_indirect_dma source(%arg11 : memref<128x128xf32, #tpu.memory_space<vmem>>) target(%dma_start3A_93 : memref<10240x128xf32, #tpu.memory_space<vmem_shared>>) offsets(%dma_start3A_90 : memref<128xi32, #tpu.memory_space<vmem>>) semaphore(%arg20 : memref<!tpu.dma_semaphore, #tpu.memory_space<semaphore_mem>>) {add = true}
      %dma_wait3A_94 = arith.constant 30 : i32
      %dma_wait3A_95 = arith.constant 0 : i32
      %dma_wait3A_96 = tpu.memref_slice %arg9[%dma_wait3A_94, %dma_wait3A_95] : memref<32x128xi32, #tpu.memory_space<vmem>> -> memref<1x128xi32, #tpu.memory_space<vmem>>
      %dma_wait3A_97 = tpu.memref_squeeze %dma_wait3A_96 : memref<1x128xi32, #tpu.memory_space<vmem>> -> memref<128xi32, #tpu.memory_space<vmem>>
      %dma_wait3A_98 = arith.constant 0 : i32
      %dma_wait3A_99 = arith.constant 0 : i32
      %dma_wait3A_100 = tpu.memref_slice %arg14[%dma_wait3A_98, %dma_wait3A_99] : memref<10240x128xf32, #tpu.memory_space<vmem_shared>> -> memref<10240x128xf32, #tpu.memory_space<vmem_shared>>
      tpu.wait_indirect_dma semaphore(%arg19 : memref<!tpu.dma_semaphore, #tpu.memory_space<semaphore_mem>>) src(%arg10 : memref<128x128xf32, #tpu.memory_space<vmem>>) dst(%dma_wait3A_100 : memref<10240x128xf32, #tpu.memory_space<vmem_shared>>)
      %dma_wait3A_101 = arith.constant 31 : i32
      %dma_wait3A_102 = arith.constant 0 : i32
      %dma_wait3A_103 = tpu.memref_slice %arg9[%dma_wait3A_101, %dma_wait3A_102] : memref<32x128xi32, #tpu.memory_space<vmem>> -> memref<1x128xi32, #tpu.memory_space<vmem>>
      %dma_wait3A_104 = tpu.memref_squeeze %dma_wait3A_103 : memref<1x128xi32, #tpu.memory_space<vmem>> -> memref<128xi32, #tpu.memory_space<vmem>>
      %dma_wait3A_105 = arith.constant 0 : i32
      %dma_wait3A_106 = arith.constant 0 : i32
      %dma_wait3A_107 = tpu.memref_slice %arg14[%dma_wait3A_105, %dma_wait3A_106] : memref<10240x128xf32, #tpu.memory_space<vmem_shared>> -> memref<10240x128xf32, #tpu.memory_space<vmem_shared>>
      tpu.wait_indirect_dma semaphore(%arg20 : memref<!tpu.dma_semaphore, #tpu.memory_space<semaphore_mem>>) src(%arg11 : memref<128x128xf32, #tpu.memory_space<vmem>>) dst(%dma_wait3A_107 : memref<10240x128xf32, #tpu.memory_space<vmem_shared>>)
    }
    %barrier3A_38 = arith.constant 0 : index
    tpu.barrier barrier_id(%barrier3A_38)
    "tpu.region"() ({
      %run_scoped3A = tpu.sem_alloc : memref<!tpu.dma_semaphore, #tpu.memory_space<semaphore_mem>>
      %dma_start3A = arith.constant 0 : i32
      %dma_start3A_44 = tpu.memref_slice %arg5[%arg0, %mul3A_0, %dma_start3A] : memref<2x10240x128xf32, #tpu.memory_space<hbm>> -> memref<1x640x128xf32, #tpu.memory_space<hbm>>
      %dma_start3A_45 = tpu.memref_squeeze %dma_start3A_44 : memref<1x640x128xf32, #tpu.memory_space<hbm>> -> memref<640x128xf32, #tpu.memory_space<hbm>>
      %dma_start3A_46 = arith.constant 0 : i32
      %dma_start3A_47 = tpu.memref_slice %arg14[%mul3A_0, %dma_start3A_46] : memref<10240x128xf32, #tpu.memory_space<vmem_shared>> -> memref<640x128xf32, #tpu.memory_space<vmem_shared>>
      tpu.enqueue_dma source(%dma_start3A_47 : memref<640x128xf32, #tpu.memory_space<vmem_shared>>) target(%dma_start3A_45 : memref<640x128xf32, #tpu.memory_space<hbm>>) target_semaphore(%run_scoped3A : memref<!tpu.dma_semaphore, #tpu.memory_space<semaphore_mem>>)
      %dma_wait3A = arith.constant 0 : i32
      %dma_wait3A_48 = tpu.memref_slice %arg5[%arg0, %mul3A_0, %dma_wait3A] : memref<2x10240x128xf32, #tpu.memory_space<hbm>> -> memref<1x640x128xf32, #tpu.memory_space<hbm>>
      %dma_wait3A_49 = tpu.memref_squeeze %dma_wait3A_48 : memref<1x640x128xf32, #tpu.memory_space<hbm>> -> memref<640x128xf32, #tpu.memory_space<hbm>>
      %dma_wait3A_50 = arith.constant 0 : i32
      %dma_wait3A_51 = tpu.memref_slice %arg14[%mul3A_0, %dma_wait3A_50] : memref<10240x128xf32, #tpu.memory_space<vmem_shared>> -> memref<640x128xf32, #tpu.memory_space<vmem_shared>>
      tpu.wait_dma2 semaphore(%run_scoped3A : memref<!tpu.dma_semaphore, #tpu.memory_space<semaphore_mem>>) src(%dma_wait3A_51 : memref<640x128xf32, #tpu.memory_space<vmem_shared>>) dst(%dma_wait3A_49 : memref<640x128xf32, #tpu.memory_space<hbm>>)
      tpu.yield
    }) : () -> ()
    %eq3A_39 = arith.constant 0 : i32
    %eq3A_40 = arith.cmpi eq, %arg0, %eq3A_39 : i32
    %convert_element_type3A_41 = arith.extui %eq3A_40 : i1 to i32
    %cond3A_42 = arith.constant 0 : i32
    %cond3A_43 = arith.cmpi ne, %convert_element_type3A_41, %cond3A_42 : i32
    scf.if %cond3A_43 {
      "tpu.region"() ({
        %run_scoped3A = tpu.sem_alloc : memref<!tpu.dma_semaphore, #tpu.memory_space<semaphore_mem>>
        %dma_start3A = tpu.memref_slice %arg15[%mul3A_0] : memref<10240xf32, #tpu.memory_space<vmem_shared>> -> memref<640xf32, #tpu.memory_space<vmem_shared>>
        %dma_start3A_44 = tpu.memref_slice %arg15[%mul3A_0] : memref<10240xf32, #tpu.memory_space<vmem_shared>> -> memref<640xf32, #tpu.memory_space<vmem_shared>>
        tpu.enqueue_dma source(%dma_start3A_44 : memref<640xf32, #tpu.memory_space<vmem_shared>>) target(%arg13 : memref<640xf32, #tpu.memory_space<vmem>>) target_semaphore(%run_scoped3A : memref<!tpu.dma_semaphore, #tpu.memory_space<semaphore_mem>>)
        %dma_wait3A = tpu.memref_slice %arg15[%mul3A_0] : memref<10240xf32, #tpu.memory_space<vmem_shared>> -> memref<640xf32, #tpu.memory_space<vmem_shared>>
        %dma_wait3A_45 = tpu.memref_slice %arg15[%mul3A_0] : memref<10240xf32, #tpu.memory_space<vmem_shared>> -> memref<640xf32, #tpu.memory_space<vmem_shared>>
        tpu.wait_dma2 semaphore(%run_scoped3A : memref<!tpu.dma_semaphore, #tpu.memory_space<semaphore_mem>>) src(%dma_wait3A_45 : memref<640xf32, #tpu.memory_space<vmem_shared>>) dst(%arg13 : memref<640xf32, #tpu.memory_space<vmem>>)
        tpu.yield
      }) : () -> ()
      "tpu.region"() ({
        %run_scoped3A = tpu.sem_alloc : memref<!tpu.dma_semaphore, #tpu.memory_space<semaphore_mem>>
        %dma_start3A = tpu.memref_slice %arg6[%mul3A_0] : memref<10240xf32, #tpu.memory_space<hbm>> -> memref<640xf32, #tpu.memory_space<hbm>>
        %dma_start3A_44 = tpu.memref_slice %arg6[%mul3A_0] : memref<10240xf32, #tpu.memory_space<hbm>> -> memref<640xf32, #tpu.memory_space<hbm>>
        tpu.enqueue_dma source(%arg13 : memref<640xf32, #tpu.memory_space<vmem>>) target(%dma_start3A_44 : memref<640xf32, #tpu.memory_space<hbm>>) target_semaphore(%run_scoped3A : memref<!tpu.dma_semaphore, #tpu.memory_space<semaphore_mem>>)
        %dma_wait3A = tpu.memref_slice %arg6[%mul3A_0] : memref<10240xf32, #tpu.memory_space<hbm>> -> memref<640xf32, #tpu.memory_space<hbm>>
        %dma_wait3A_45 = tpu.memref_slice %arg6[%mul3A_0] : memref<10240xf32, #tpu.memory_space<hbm>> -> memref<640xf32, #tpu.memory_space<hbm>>
        tpu.wait_dma2 semaphore(%run_scoped3A : memref<!tpu.dma_semaphore, #tpu.memory_space<semaphore_mem>>) src(%arg13 : memref<640xf32, #tpu.memory_space<vmem>>) dst(%dma_wait3A_45 : memref<640xf32, #tpu.memory_space<hbm>>)
        tpu.yield
      }) : () -> ()
      "tpu.region"() ({
        %run_scoped3A = tpu.sem_alloc : memref<!tpu.dma_semaphore, #tpu.memory_space<semaphore_mem>>
        %dma_start3A = tpu.memref_slice %arg16[%mul3A_0] : memref<10240xf32, #tpu.memory_space<vmem_shared>> -> memref<640xf32, #tpu.memory_space<vmem_shared>>
        %dma_start3A_44 = tpu.memref_slice %arg16[%mul3A_0] : memref<10240xf32, #tpu.memory_space<vmem_shared>> -> memref<640xf32, #tpu.memory_space<vmem_shared>>
        tpu.enqueue_dma source(%dma_start3A_44 : memref<640xf32, #tpu.memory_space<vmem_shared>>) target(%arg13 : memref<640xf32, #tpu.memory_space<vmem>>) target_semaphore(%run_scoped3A : memref<!tpu.dma_semaphore, #tpu.memory_space<semaphore_mem>>)
        %dma_wait3A = tpu.memref_slice %arg16[%mul3A_0] : memref<10240xf32, #tpu.memory_space<vmem_shared>> -> memref<640xf32, #tpu.memory_space<vmem_shared>>
        %dma_wait3A_45 = tpu.memref_slice %arg16[%mul3A_0] : memref<10240xf32, #tpu.memory_space<vmem_shared>> -> memref<640xf32, #tpu.memory_space<vmem_shared>>
        tpu.wait_dma2 semaphore(%run_scoped3A : memref<!tpu.dma_semaphore, #tpu.memory_space<semaphore_mem>>) src(%dma_wait3A_45 : memref<640xf32, #tpu.memory_space<vmem_shared>>) dst(%arg13 : memref<640xf32, #tpu.memory_space<vmem>>)
        tpu.yield
      }) : () -> ()
      "tpu.region"() ({
        %run_scoped3A = tpu.sem_alloc : memref<!tpu.dma_semaphore, #tpu.memory_space<semaphore_mem>>
        %dma_start3A = tpu.memref_slice %arg7[%mul3A_0] : memref<10240xf32, #tpu.memory_space<hbm>> -> memref<640xf32, #tpu.memory_space<hbm>>
        %dma_start3A_44 = tpu.memref_slice %arg7[%mul3A_0] : memref<10240xf32, #tpu.memory_space<hbm>> -> memref<640xf32, #tpu.memory_space<hbm>>
        tpu.enqueue_dma source(%arg13 : memref<640xf32, #tpu.memory_space<vmem>>) target(%dma_start3A_44 : memref<640xf32, #tpu.memory_space<hbm>>) target_semaphore(%run_scoped3A : memref<!tpu.dma_semaphore, #tpu.memory_space<semaphore_mem>>)
        %dma_wait3A = tpu.memref_slice %arg7[%mul3A_0] : memref<10240xf32, #tpu.memory_space<hbm>> -> memref<640xf32, #tpu.memory_space<hbm>>
        %dma_wait3A_45 = tpu.memref_slice %arg7[%mul3A_0] : memref<10240xf32, #tpu.memory_space<hbm>> -> memref<640xf32, #tpu.memory_space<hbm>>
        tpu.wait_dma2 semaphore(%run_scoped3A : memref<!tpu.dma_semaphore, #tpu.memory_space<semaphore_mem>>) src(%arg13 : memref<640xf32, #tpu.memory_space<vmem>>) dst(%dma_wait3A_45 : memref<640xf32, #tpu.memory_space<hbm>>)
        tpu.yield
      }) : () -> ()
    } else {
    }
    return
  }
}

module attributes {stable_mosaic.version = 14 : i64} {
  func.func @body(%arg0: i32, %arg1: memref<1000x128xf32, #tpu.memory_space<vmem>>, %arg2: memref<2x1000x128xf32, #tpu.memory_space<vmem>>, %arg3: memref<1000x2xf32, #tpu.memory_space<vmem>>, %arg4: memref<1x128xf32, #tpu.memory_space<vmem>>, %arg5: memref<128x128xf32, #tpu.memory_space<vmem>>, %arg6: memref<128x128xf32, #tpu.memory_space<vmem>>, %arg7: memref<128x128xf32, #tpu.memory_space<vmem>>, %arg8: memref<1x128xf32, #tpu.memory_space<vmem>>, %arg9: memref<1x1xf32, #tpu.memory_space<vmem>>, %arg10: memref<1000x128xf32, #tpu.memory_space<vmem>>, %arg11: memref<1000x128xf32, #tpu.memory_space<vmem>>, %arg12: memref<1000x128xf32, #tpu.memory_space<vmem>>, %arg13: memref<1000x8xf32, #tpu.memory_space<vmem>>) attributes {dimension_semantics = [#tpu.dimension_semantics<arbitrary>], iteration_bounds = array<i64: 10>, scalar_prefetch = 0 : i64, scratch_operands = 0 : i64, tpu.core_type = #tpu.core_type<tc>, window_params = [{transform_indices = @transform_0, window_bounds = array<i64: 1000, 128>}, {transform_indices = @transform_1, window_bounds = array<i64: 2, 1000, 128>}, {transform_indices = @transform_2, window_bounds = array<i64: 1000, 2>}, {pipeline_mode = #tpu.pipeline_mode<synchronous>, transform_indices = @transform_3, window_bounds = array<i64: 1, 128>}, {pipeline_mode = #tpu.pipeline_mode<synchronous>, transform_indices = @transform_4, window_bounds = array<i64: 128, 128>}, {pipeline_mode = #tpu.pipeline_mode<synchronous>, transform_indices = @transform_5, window_bounds = array<i64: 128, 128>}, {pipeline_mode = #tpu.pipeline_mode<synchronous>, transform_indices = @transform_6, window_bounds = array<i64: 128, 128>}, {pipeline_mode = #tpu.pipeline_mode<synchronous>, transform_indices = @transform_7, window_bounds = array<i64: 1, 128>}, {pipeline_mode = #tpu.pipeline_mode<synchronous>, transform_indices = @transform_8, window_bounds = array<i64: 1, 1>}, {transform_indices = @transform_9, window_bounds = array<i64: 1000, 128>}, {transform_indices = @transform_10, window_bounds = array<i64: 1000, 128>}, {transform_indices = @transform_11, window_bounds = array<i64: 1000, 128>}, {transform_indices = @transform_12, window_bounds = array<i64: 1000, 8>}]} {
    %get3A = arith.constant 0 : index
    %get3A_0 = arith.constant 0 : index
    %get3A_1 = vector.load %arg4[%get3A, %get3A_0] : memref<1x128xf32, #tpu.memory_space<vmem>>, vector<1x128xf32>
    %get3A_2 = vector.shape_cast %get3A_1 : vector<1x128xf32> to vector<128xf32>
    %logistic3A = arith.negf %get3A_2 : vector<128xf32>
    %logistic3A_3 = math.exp %logistic3A : vector<128xf32>
    %logistic3A_4 = arith.constant 1.000000e+00 : f32
    %logistic3A_5 = vector.broadcast %logistic3A_4 : f32 to vector<128xf32>
    %logistic3A_6 = arith.addf %logistic3A_5, %logistic3A_3 : vector<128xf32>
    %logistic3A_7 = arith.divf %logistic3A_5, %logistic3A_6 : vector<128xf32>
    %broadcast_in_dim3A = vector.shape_cast %logistic3A_7 : vector<128xf32> to vector<1x128xf32>
    %get3A_8 = arith.constant 0 : index
    %get3A_9 = arith.constant 0 : index
    %get3A_10 = vector.load %arg1[%get3A_8, %get3A_9] : memref<1000x128xf32, #tpu.memory_space<vmem>>, vector<1000x128xf32>
    %mul3A = vector.broadcast %broadcast_in_dim3A : vector<1x128xf32> to vector<1000x128xf32>
    %mul3A_11 = arith.mulf %get3A_10, %mul3A : vector<1000x128xf32>
    %get3A_12 = arith.constant 0 : index
    %get3A_13 = arith.constant 0 : index
    %get3A_14 = arith.constant 0 : index
    %get3A_15 = vector.load %arg2[%get3A_12, %get3A_13, %get3A_14] : memref<2x1000x128xf32, #tpu.memory_space<vmem>>, vector<2x1000x128xf32>
    %slice3A = vector.extract_strided_slice %get3A_15 {offsets = [0, 0, 0], sizes = [1, 1000, 128], strides = [1, 1, 1]} : vector<2x1000x128xf32> to vector<1x1000x128xf32>
    %squeeze3A = vector.shape_cast %slice3A : vector<1x1000x128xf32> to vector<1000x128xf32>
    %slice3A_16 = vector.extract_strided_slice %get3A_15 {offsets = [1, 0, 0], sizes = [1, 1000, 128], strides = [1, 1, 1]} : vector<2x1000x128xf32> to vector<1x1000x128xf32>
    %squeeze3A_17 = vector.shape_cast %slice3A_16 : vector<1x1000x128xf32> to vector<1000x128xf32>
    %add3A = arith.addf %squeeze3A, %squeeze3A_17 : vector<1000x128xf32>
    %mul3A_18 = vector.broadcast %broadcast_in_dim3A : vector<1x128xf32> to vector<1000x128xf32>
    %mul3A_19 = arith.mulf %add3A, %mul3A_18 : vector<1000x128xf32>
    %get3A_20 = arith.constant 0 : index
    %get3A_21 = arith.constant 0 : index
    %get3A_22 = vector.load %arg3[%get3A_20, %get3A_21] : memref<1000x2xf32, #tpu.memory_space<vmem>>, vector<1000x2xf32>
    %slice3A_23 = vector.extract_strided_slice %get3A_22 {offsets = [0, 0], sizes = [1000, 1], strides = [1, 1]} : vector<1000x2xf32> to vector<1000x1xf32>
    %slice3A_24 = vector.extract_strided_slice %get3A_22 {offsets = [0, 1], sizes = [1000, 1], strides = [1, 1]} : vector<1000x2xf32> to vector<1000x1xf32>
    %max3A = arith.constant 1.000000e+00 : f32
    %max3A_25 = vector.broadcast %max3A : f32 to vector<1000x1xf32>
    %max3A_26 = arith.maximumf %slice3A_23, %max3A_25 : vector<1000x1xf32>
    %div3A = vector.broadcast %max3A_26 : vector<1000x1xf32> to vector<1000x128xf32>
    %div3A_27 = arith.divf %mul3A_19, %div3A : vector<1000x128xf32>
    %add3A_28 = arith.constant 1.000000e+00 : f32
    %add3A_29 = vector.broadcast %add3A_28 : f32 to vector<1000x1xf32>
    %add3A_30 = arith.addf %slice3A_24, %add3A_29 : vector<1000x1xf32>
    %rsqrt3A = math.rsqrt %add3A_30 : vector<1000x1xf32>
    %mul3A_31 = arith.mulf %mul3A_11, %div3A_27 : vector<1000x128xf32>
    %reduce_sum3A = arith.constant dense<0.000000e+00> : vector<1000xf32>
    %reduce_sum3A_32 = vector.multi_reduction <add>, %mul3A_31, %reduce_sum3A [1] : vector<1000x128xf32> to vector<1000xf32>
    %broadcast_in_dim3A_33 = vector.shape_cast %reduce_sum3A_32 : vector<1000xf32> to vector<1000x1xf32>
    %mul3A_34 = arith.mulf %mul3A_11, %mul3A_11 : vector<1000x128xf32>
    %reduce_sum3A_35 = arith.constant dense<0.000000e+00> : vector<1000xf32>
    %reduce_sum3A_36 = vector.multi_reduction <add>, %mul3A_34, %reduce_sum3A_35 [1] : vector<1000x128xf32> to vector<1000xf32>
    %broadcast_in_dim3A_37 = vector.shape_cast %reduce_sum3A_36 : vector<1000xf32> to vector<1000x1xf32>
    %sqrt3A = math.sqrt %broadcast_in_dim3A_37 : vector<1000x1xf32>
    %max3A_38 = arith.constant 9.99999996E-13 : f32
    %max3A_39 = vector.broadcast %max3A_38 : f32 to vector<1000x1xf32>
    %max3A_40 = arith.maximumf %sqrt3A, %max3A_39 : vector<1000x1xf32>
    %mul3A_41 = arith.mulf %div3A_27, %div3A_27 : vector<1000x128xf32>
    %reduce_sum3A_42 = arith.constant dense<0.000000e+00> : vector<1000xf32>
    %reduce_sum3A_43 = vector.multi_reduction <add>, %mul3A_41, %reduce_sum3A_42 [1] : vector<1000x128xf32> to vector<1000xf32>
    %broadcast_in_dim3A_44 = vector.shape_cast %reduce_sum3A_43 : vector<1000xf32> to vector<1000x1xf32>
    %sqrt3A_45 = math.sqrt %broadcast_in_dim3A_44 : vector<1000x1xf32>
    %max3A_46 = arith.constant 9.99999996E-13 : f32
    %max3A_47 = vector.broadcast %max3A_46 : f32 to vector<1000x1xf32>
    %max3A_48 = arith.maximumf %sqrt3A_45, %max3A_47 : vector<1000x1xf32>
    %mul3A_49 = arith.mulf %max3A_40, %max3A_48 : vector<1000x1xf32>
    %div3A_50 = arith.divf %broadcast_in_dim3A_33, %mul3A_49 : vector<1000x1xf32>
    %gt3A = arith.constant 0.000000e+00 : f32
    %gt3A_51 = vector.broadcast %gt3A : f32 to vector<1000x1xf32>
    %gt3A_52 = arith.cmpf ogt, %slice3A_23, %gt3A_51 : vector<1000x1xf32>
    %jit3A = arith.constant 1.000000e+00 : f32
    %broadcast_in_dim3A_53 = vector.broadcast %jit3A : f32 to vector<1000x1xf32>
    %select_n3A = arith.select %gt3A_52, %div3A_50, %broadcast_in_dim3A_53 : vector<1000x1xi1>, vector<1000x1xf32>
    %sub3A = arith.constant 1.000000e+00 : f32
    %sub3A_54 = vector.broadcast %sub3A : f32 to vector<1000x1xf32>
    %sub3A_55 = arith.subf %sub3A_54, %select_n3A : vector<1000x1xf32>
    %mul3A_56 = arith.mulf %slice3A_23, %sub3A_55 : vector<1000x1xf32>
    %mul3A_57 = arith.constant 1.000000e-01 : f32
    %mul3A_58 = vector.broadcast %mul3A_57 : f32 to vector<1000x1xf32>
    %mul3A_59 = arith.mulf %mul3A_56, %mul3A_58 : vector<1000x1xf32>
    %sub3A_60 = arith.constant 5.000000e-01 : f32
    %sub3A_61 = vector.broadcast %sub3A_60 : f32 to vector<1000x1xf32>
    %sub3A_62 = arith.subf %mul3A_59, %sub3A_61 : vector<1000x1xf32>
    %logistic3A_63 = arith.negf %sub3A_62 : vector<1000x1xf32>
    %logistic3A_64 = math.exp %logistic3A_63 : vector<1000x1xf32>
    %logistic3A_65 = arith.constant 1.000000e+00 : f32
    %logistic3A_66 = vector.broadcast %logistic3A_65 : f32 to vector<1000x1xf32>
    %logistic3A_67 = arith.addf %logistic3A_66, %logistic3A_64 : vector<1000x1xf32>
    %logistic3A_68 = arith.divf %logistic3A_66, %logistic3A_67 : vector<1000x1xf32>
    %sub3A_69 = arith.constant 5.000000e-01 : f32
    %sub3A_70 = vector.broadcast %sub3A_69 : f32 to vector<1000x1xf32>
    %sub3A_71 = arith.subf %logistic3A_68, %sub3A_70 : vector<1000x1xf32>
    %get3A_72 = arith.constant 0 : index
    %get3A_73 = arith.constant 0 : index
    %get3A_74 = vector.load %arg9[%get3A_72, %get3A_73] : memref<1x1xf32, #tpu.memory_space<vmem>>, vector<1x1xf32>
    %get3A_75 = vector.extract %get3A_74[0, 0] : f32 from vector<1x1xf32>
    %mul3A_76 = arith.constant 1.000000e+01 : f32
    %mul3A_77 = arith.mulf %get3A_75, %mul3A_76 : f32
    %mul3A_78 = vector.broadcast %mul3A_77 : f32 to vector<1000x1xf32>
    %mul3A_79 = arith.mulf %sub3A_71, %mul3A_78 : vector<1000x1xf32>
    %logistic3A_80 = arith.negf %mul3A_79 : vector<1000x1xf32>
    %logistic3A_81 = math.exp %logistic3A_80 : vector<1000x1xf32>
    %logistic3A_82 = arith.constant 1.000000e+00 : f32
    %logistic3A_83 = vector.broadcast %logistic3A_82 : f32 to vector<1000x1xf32>
    %logistic3A_84 = arith.addf %logistic3A_83, %logistic3A_81 : vector<1000x1xf32>
    %logistic3A_85 = arith.divf %logistic3A_83, %logistic3A_84 : vector<1000x1xf32>
    %get3A_86 = arith.constant 0 : index
    %get3A_87 = arith.constant 0 : index
    %get3A_88 = vector.load %arg5[%get3A_86, %get3A_87] : memref<128x128xf32, #tpu.memory_space<vmem>>, vector<128x128xf32>
    %dot_general3A = arith.constant dense<0.000000e+00> : vector<1000x128xf32>
    %dot_general3A_89 = tpu.matmul %mul3A_11, %get3A_88, %dot_general3A {dimension_numbers = #tpu.dot_dimension_numbers<[1], [0], [0], [1], [0, 0, 1, 1], [], []>, transpose_lhs_hint = false} : vector<1000x128xf32>, vector<128x128xf32>, vector<1000x128xf32> -> vector<1000x128xf32>
    %mul3A_90 = vector.broadcast %rsqrt3A : vector<1000x1xf32> to vector<1000x128xf32>
    %mul3A_91 = arith.mulf %dot_general3A_89, %mul3A_90 : vector<1000x128xf32>
    %get3A_92 = arith.constant 0 : index
    %get3A_93 = arith.constant 0 : index
    %get3A_94 = vector.load %arg6[%get3A_92, %get3A_93] : memref<128x128xf32, #tpu.memory_space<vmem>>, vector<128x128xf32>
    %dot_general3A_95 = arith.constant dense<0.000000e+00> : vector<1000x128xf32>
    %dot_general3A_96 = tpu.matmul %mul3A_11, %get3A_94, %dot_general3A_95 {dimension_numbers = #tpu.dot_dimension_numbers<[1], [0], [0], [1], [0, 0, 1, 1], [], []>, transpose_lhs_hint = false} : vector<1000x128xf32>, vector<128x128xf32>, vector<1000x128xf32> -> vector<1000x128xf32>
    %get3A_97 = arith.constant 0 : index
    %get3A_98 = arith.constant 0 : index
    %get3A_99 = vector.load %arg7[%get3A_97, %get3A_98] : memref<128x128xf32, #tpu.memory_space<vmem>>, vector<128x128xf32>
    %dot_general3A_100 = arith.constant dense<0.000000e+00> : vector<1000x128xf32>
    %dot_general3A_101 = tpu.matmul %div3A_27, %get3A_99, %dot_general3A_100 {dimension_numbers = #tpu.dot_dimension_numbers<[1], [0], [0], [1], [0, 0, 1, 1], [], []>, transpose_lhs_hint = false} : vector<1000x128xf32>, vector<128x128xf32>, vector<1000x128xf32> -> vector<1000x128xf32>
    %add3A_102 = arith.addf %dot_general3A_96, %dot_general3A_101 : vector<1000x128xf32>
    %get3A_103 = arith.constant 0 : index
    %get3A_104 = arith.constant 0 : index
    %get3A_105 = vector.load %arg8[%get3A_103, %get3A_104] : memref<1x128xf32, #tpu.memory_space<vmem>>, vector<1x128xf32>
    %get3A_106 = vector.shape_cast %get3A_105 : vector<1x128xf32> to vector<128xf32>
    %broadcast_in_dim3A_107 = vector.shape_cast %get3A_106 : vector<128xf32> to vector<1x128xf32>
    %add3A_108 = vector.broadcast %broadcast_in_dim3A_107 : vector<1x128xf32> to vector<1000x128xf32>
    %add3A_109 = arith.addf %add3A_102, %add3A_108 : vector<1000x128xf32>
    %swap3A = arith.constant 0 : index
    %swap3A_110 = arith.constant 0 : index
    %swap3A_111 = vector.load %arg10[%swap3A, %swap3A_110] : memref<1000x128xf32, #tpu.memory_space<vmem>>, vector<1000x128xf32>
    tpu.vector_store %arg10[%swap3A, %swap3A_110], %div3A_27 {strides = array<i32>} : memref<1000x128xf32, #tpu.memory_space<vmem>>, vector<1000x128xf32>,
    %swap3A_112 = arith.constant 0 : index
    %swap3A_113 = arith.constant 0 : index
    %swap3A_114 = vector.load %arg11[%swap3A_112, %swap3A_113] : memref<1000x128xf32, #tpu.memory_space<vmem>>, vector<1000x128xf32>
    tpu.vector_store %arg11[%swap3A_112, %swap3A_113], %mul3A_91 {strides = array<i32>} : memref<1000x128xf32, #tpu.memory_space<vmem>>, vector<1000x128xf32>,
    %swap3A_115 = arith.constant 0 : index
    %swap3A_116 = arith.constant 0 : index
    %swap3A_117 = vector.load %arg12[%swap3A_115, %swap3A_116] : memref<1000x128xf32, #tpu.memory_space<vmem>>, vector<1000x128xf32>
    tpu.vector_store %arg12[%swap3A_115, %swap3A_116], %add3A_109 {strides = array<i32>} : memref<1000x128xf32, #tpu.memory_space<vmem>>, vector<1000x128xf32>,
    %div3A_118 = arith.constant 1.000000e+00 : f32
    %div3A_119 = vector.broadcast %div3A_118 : f32 to vector<1000x1xf32>
    %div3A_120 = arith.divf %div3A_119, %max3A_26 : vector<1000x1xf32>
    %broadcast_in_dim3A_121 = arith.constant 0.000000e+00 : f32
    %broadcast_in_dim3A_122 = vector.broadcast %broadcast_in_dim3A_121 : f32 to vector<1000x5xf32>
    %concatenate3A = tpu.concatenate %logistic3A_85, %rsqrt3A, %div3A_120, %broadcast_in_dim3A_122 in 1 : vector<1000x1xf32>, vector<1000x1xf32>, vector<1000x1xf32>, vector<1000x5xf32> -> vector<1000x8xf32>
    %swap3A_123 = arith.constant 0 : index
    %swap3A_124 = arith.constant 0 : index
    %swap3A_125 = vector.load %arg13[%swap3A_123, %swap3A_124] : memref<1000x8xf32, #tpu.memory_space<vmem>>, vector<1000x8xf32>
    tpu.vector_store %arg13[%swap3A_123, %swap3A_124], %concatenate3A {strides = array<i32>} : memref<1000x8xf32, #tpu.memory_space<vmem>>, vector<1000x8xf32>,
    return
  }
  func.func @transform_0(%arg0: i32) -> (i32, i32) {
    %c0_i32 = arith.constant 0 : i32
    %c0_i32_0 = arith.constant 0 : i32
    return %arg0, %c0_i32 : i32, i32
  }
  func.func @transform_1(%arg0: i32) -> (i32, i32, i32) {
    %c0_i32 = arith.constant 0 : i32
    %c0_i32_0 = arith.constant 0 : i32
    %c0_i32_1 = arith.constant 0 : i32
    return %c0_i32, %arg0, %c0_i32_0 : i32, i32, i32
  }
  func.func @transform_2(%arg0: i32) -> (i32, i32) {
    %c0_i32 = arith.constant 0 : i32
    %c0_i32_0 = arith.constant 0 : i32
    return %arg0, %c0_i32 : i32, i32
  }
  func.func @transform_3(%arg0: i32) -> (i32, i32) {
    %c0_i32 = arith.constant 0 : i32
    %c0_i32_0 = arith.constant 0 : i32
    %c0_i32_1 = arith.constant 0 : i32
    return %c0_i32, %c0_i32_0 : i32, i32
  }
  func.func @transform_4(%arg0: i32) -> (i32, i32) {
    %c0_i32 = arith.constant 0 : i32
    %c0_i32_0 = arith.constant 0 : i32
    %c0_i32_1 = arith.constant 0 : i32
    return %c0_i32, %c0_i32_0 : i32, i32
  }
  func.func @transform_5(%arg0: i32) -> (i32, i32) {
    %c0_i32 = arith.constant 0 : i32
    %c0_i32_0 = arith.constant 0 : i32
    %c0_i32_1 = arith.constant 0 : i32
    return %c0_i32, %c0_i32_0 : i32, i32
  }
  func.func @transform_6(%arg0: i32) -> (i32, i32) {
    %c0_i32 = arith.constant 0 : i32
    %c0_i32_0 = arith.constant 0 : i32
    %c0_i32_1 = arith.constant 0 : i32
    return %c0_i32, %c0_i32_0 : i32, i32
  }
  func.func @transform_7(%arg0: i32) -> (i32, i32) {
    %c0_i32 = arith.constant 0 : i32
    %c0_i32_0 = arith.constant 0 : i32
    %c0_i32_1 = arith.constant 0 : i32
    return %c0_i32, %c0_i32_0 : i32, i32
  }
  func.func @transform_8(%arg0: i32) -> (i32, i32) {
    %c0_i32 = arith.constant 0 : i32
    %c0_i32_0 = arith.constant 0 : i32
    %c0_i32_1 = arith.constant 0 : i32
    return %c0_i32, %c0_i32_0 : i32, i32
  }
  func.func @transform_9(%arg0: i32) -> (i32, i32) {
    %c0_i32 = arith.constant 0 : i32
    %c0_i32_0 = arith.constant 0 : i32
    return %arg0, %c0_i32 : i32, i32
  }
  func.func @transform_10(%arg0: i32) -> (i32, i32) {
    %c0_i32 = arith.constant 0 : i32
    %c0_i32_0 = arith.constant 0 : i32
    return %arg0, %c0_i32 : i32, i32
  }
  func.func @transform_11(%arg0: i32) -> (i32, i32) {
    %c0_i32 = arith.constant 0 : i32
    %c0_i32_0 = arith.constant 0 : i32
    return %arg0, %c0_i32 : i32, i32
  }
  func.func @transform_12(%arg0: i32) -> (i32, i32) {
    %c0_i32 = arith.constant 0 : i32
    %c0_i32_0 = arith.constant 0 : i32
    return %arg0, %c0_i32 : i32, i32
  }
}

module attributes {stable_mosaic.version = 14 : i64} {
  func.func @body(%arg0: i32, %arg1: memref<2x1000x128xf32, #tpu.memory_space<vmem>>, %arg2: memref<1000x128xf32, #tpu.memory_space<vmem>>, %arg3: memref<1000x8xf32, #tpu.memory_space<vmem>>, %arg4: memref<1000x128xf32, #tpu.memory_space<vmem>>, %arg5: memref<128x128xf32, #tpu.memory_space<vmem>>, %arg6: memref<1x128xf32, #tpu.memory_space<vmem>>, %arg7: memref<128x128xf32, #tpu.memory_space<vmem>>, %arg8: memref<1x128xf32, #tpu.memory_space<vmem>>, %arg9: memref<1000x128xf32, #tpu.memory_space<vmem>>, %arg10: memref<1000x128xf32, #tpu.memory_space<vmem>>) attributes {dimension_semantics = [#tpu.dimension_semantics<arbitrary>], iteration_bounds = array<i64: 10>, scalar_prefetch = 0 : i64, scratch_operands = 0 : i64, tpu.core_type = #tpu.core_type<tc>, window_params = [{transform_indices = @transform_0, window_bounds = array<i64: 2, 1000, 128>}, {transform_indices = @transform_1, window_bounds = array<i64: 1000, 128>}, {transform_indices = @transform_2, window_bounds = array<i64: 1000, 8>}, {transform_indices = @transform_3, window_bounds = array<i64: 1000, 128>}, {pipeline_mode = #tpu.pipeline_mode<synchronous>, transform_indices = @transform_4, window_bounds = array<i64: 128, 128>}, {pipeline_mode = #tpu.pipeline_mode<synchronous>, transform_indices = @transform_5, window_bounds = array<i64: 1, 128>}, {pipeline_mode = #tpu.pipeline_mode<synchronous>, transform_indices = @transform_6, window_bounds = array<i64: 128, 128>}, {pipeline_mode = #tpu.pipeline_mode<synchronous>, transform_indices = @transform_7, window_bounds = array<i64: 1, 128>}, {transform_indices = @transform_8, window_bounds = array<i64: 1000, 128>}, {transform_indices = @transform_9, window_bounds = array<i64: 1000, 128>}]} {
    %get3A = arith.constant 0 : index
    %get3A_0 = arith.constant 0 : index
    %get3A_1 = arith.constant 0 : index
    %get3A_2 = vector.load %arg1[%get3A, %get3A_0, %get3A_1] : memref<2x1000x128xf32, #tpu.memory_space<vmem>>, vector<2x1000x128xf32>
    %get3A_3 = arith.constant 0 : index
    %get3A_4 = arith.constant 0 : index
    %get3A_5 = vector.load %arg2[%get3A_3, %get3A_4] : memref<1000x128xf32, #tpu.memory_space<vmem>>, vector<1000x128xf32>
    %get3A_6 = arith.constant 0 : index
    %get3A_7 = arith.constant 1 : index
    %get3A_8 = vector.load %arg3[%get3A_6, %get3A_7] : memref<1000x8xf32, #tpu.memory_space<vmem>>, vector<1000x1xf32>
    %get3A_9 = arith.constant 0 : index
    %get3A_10 = arith.constant 2 : index
    %get3A_11 = vector.load %arg3[%get3A_9, %get3A_10] : memref<1000x8xf32, #tpu.memory_space<vmem>>, vector<1000x1xf32>
    %slice3A = vector.extract_strided_slice %get3A_2 {offsets = [1, 0, 0], sizes = [1, 1000, 128], strides = [1, 1, 1]} : vector<2x1000x128xf32> to vector<1x1000x128xf32>
    %squeeze3A = vector.shape_cast %slice3A : vector<1x1000x128xf32> to vector<1000x128xf32>
    %add3A = arith.addf %squeeze3A, %get3A_5 : vector<1000x128xf32>
    %mul3A = vector.broadcast %get3A_8 : vector<1000x1xf32> to vector<1000x128xf32>
    %mul3A_12 = arith.mulf %add3A, %mul3A : vector<1000x128xf32>
    %get3A_13 = arith.constant 0 : index
    %get3A_14 = arith.constant 0 : index
    %get3A_15 = vector.load %arg6[%get3A_13, %get3A_14] : memref<1x128xf32, #tpu.memory_space<vmem>>, vector<1x128xf32>
    %get3A_16 = vector.shape_cast %get3A_15 : vector<1x128xf32> to vector<128xf32>
    %broadcast_in_dim3A = vector.shape_cast %get3A_16 : vector<128xf32> to vector<1x128xf32>
    %add3A_17 = vector.broadcast %broadcast_in_dim3A : vector<1x128xf32> to vector<1000x128xf32>
    %add3A_18 = arith.addf %mul3A_12, %add3A_17 : vector<1000x128xf32>
    %max3A = arith.constant 0.000000e+00 : f32
    %max3A_19 = vector.broadcast %max3A : f32 to vector<1000x128xf32>
    %max3A_20 = arith.maximumf %add3A_18, %max3A_19 : vector<1000x128xf32>
    %get3A_21 = arith.constant 0 : index
    %get3A_22 = arith.constant 0 : index
    %get3A_23 = vector.load %arg5[%get3A_21, %get3A_22] : memref<128x128xf32, #tpu.memory_space<vmem>>, vector<128x128xf32>
    %dot_general3A = arith.constant dense<0.000000e+00> : vector<1000x128xf32>
    %dot_general3A_24 = tpu.matmul %max3A_20, %get3A_23, %dot_general3A {dimension_numbers = #tpu.dot_dimension_numbers<[1], [0], [0], [1], [0, 0, 1, 1], [], []>, transpose_lhs_hint = false} : vector<1000x128xf32>, vector<128x128xf32>, vector<1000x128xf32> -> vector<1000x128xf32>
    %mul3A_25 = vector.broadcast %get3A_8 : vector<1000x1xf32> to vector<1000x128xf32>
    %mul3A_26 = arith.mulf %dot_general3A_24, %mul3A_25 : vector<1000x128xf32>
    %slice3A_27 = vector.extract_strided_slice %get3A_2 {offsets = [0, 0, 0], sizes = [1, 1000, 128], strides = [1, 1, 1]} : vector<2x1000x128xf32> to vector<1x1000x128xf32>
    %squeeze3A_28 = vector.shape_cast %slice3A_27 : vector<1x1000x128xf32> to vector<1000x128xf32>
    %mul3A_29 = vector.broadcast %get3A_11 : vector<1000x1xf32> to vector<1000x128xf32>
    %mul3A_30 = arith.mulf %squeeze3A_28, %mul3A_29 : vector<1000x128xf32>
    %get3A_31 = arith.constant 0 : index
    %get3A_32 = arith.constant 0 : index
    %get3A_33 = vector.load %arg4[%get3A_31, %get3A_32] : memref<1000x128xf32, #tpu.memory_space<vmem>>, vector<1000x128xf32>
    %get3A_34 = arith.constant 0 : index
    %get3A_35 = arith.constant 0 : index
    %get3A_36 = vector.load %arg7[%get3A_34, %get3A_35] : memref<128x128xf32, #tpu.memory_space<vmem>>, vector<128x128xf32>
    %dot_general3A_37 = arith.constant dense<0.000000e+00> : vector<1000x128xf32>
    %dot_general3A_38 = tpu.matmul %mul3A_30, %get3A_36, %dot_general3A_37 {dimension_numbers = #tpu.dot_dimension_numbers<[1], [0], [0], [1], [0, 0, 1, 1], [], []>, transpose_lhs_hint = false} : vector<1000x128xf32>, vector<128x128xf32>, vector<1000x128xf32> -> vector<1000x128xf32>
    %add3A_39 = arith.addf %get3A_33, %dot_general3A_38 : vector<1000x128xf32>
    %get3A_40 = arith.constant 0 : index
    %get3A_41 = arith.constant 0 : index
    %get3A_42 = vector.load %arg8[%get3A_40, %get3A_41] : memref<1x128xf32, #tpu.memory_space<vmem>>, vector<1x128xf32>
    %get3A_43 = vector.shape_cast %get3A_42 : vector<1x128xf32> to vector<128xf32>
    %broadcast_in_dim3A_44 = vector.shape_cast %get3A_43 : vector<128xf32> to vector<1x128xf32>
    %add3A_45 = vector.broadcast %broadcast_in_dim3A_44 : vector<1x128xf32> to vector<1000x128xf32>
    %add3A_46 = arith.addf %add3A_39, %add3A_45 : vector<1000x128xf32>
    %swap3A = arith.constant 0 : index
    %swap3A_47 = arith.constant 0 : index
    %swap3A_48 = vector.load %arg9[%swap3A, %swap3A_47] : memref<1000x128xf32, #tpu.memory_space<vmem>>, vector<1000x128xf32>
    tpu.vector_store %arg9[%swap3A, %swap3A_47], %mul3A_26 {strides = array<i32>} : memref<1000x128xf32, #tpu.memory_space<vmem>>, vector<1000x128xf32>,
    %swap3A_49 = arith.constant 0 : index
    %swap3A_50 = arith.constant 0 : index
    %swap3A_51 = vector.load %arg10[%swap3A_49, %swap3A_50] : memref<1000x128xf32, #tpu.memory_space<vmem>>, vector<1000x128xf32>
    tpu.vector_store %arg10[%swap3A_49, %swap3A_50], %add3A_46 {strides = array<i32>} : memref<1000x128xf32, #tpu.memory_space<vmem>>, vector<1000x128xf32>,
    return
  }
  func.func @transform_0(%arg0: i32) -> (i32, i32, i32) {
    %c0_i32 = arith.constant 0 : i32
    %c0_i32_0 = arith.constant 0 : i32
    %c0_i32_1 = arith.constant 0 : i32
    return %c0_i32, %arg0, %c0_i32_0 : i32, i32, i32
  }
  func.func @transform_1(%arg0: i32) -> (i32, i32) {
    %c0_i32 = arith.constant 0 : i32
    %c0_i32_0 = arith.constant 0 : i32
    return %arg0, %c0_i32 : i32, i32
  }
  func.func @transform_2(%arg0: i32) -> (i32, i32) {
    %c0_i32 = arith.constant 0 : i32
    %c0_i32_0 = arith.constant 0 : i32
    return %arg0, %c0_i32 : i32, i32
  }
  func.func @transform_3(%arg0: i32) -> (i32, i32) {
    %c0_i32 = arith.constant 0 : i32
    %c0_i32_0 = arith.constant 0 : i32
    return %arg0, %c0_i32 : i32, i32
  }
  func.func @transform_4(%arg0: i32) -> (i32, i32) {
    %c0_i32 = arith.constant 0 : i32
    %c0_i32_0 = arith.constant 0 : i32
    %c0_i32_1 = arith.constant 0 : i32
    return %c0_i32, %c0_i32_0 : i32, i32
  }
  func.func @transform_5(%arg0: i32) -> (i32, i32) {
    %c0_i32 = arith.constant 0 : i32
    %c0_i32_0 = arith.constant 0 : i32
    %c0_i32_1 = arith.constant 0 : i32
    return %c0_i32, %c0_i32_0 : i32, i32
  }
  func.func @transform_6(%arg0: i32) -> (i32, i32) {
    %c0_i32 = arith.constant 0 : i32
    %c0_i32_0 = arith.constant 0 : i32
    %c0_i32_1 = arith.constant 0 : i32
    return %c0_i32, %c0_i32_0 : i32, i32
  }
  func.func @transform_7(%arg0: i32) -> (i32, i32) {
    %c0_i32 = arith.constant 0 : i32
    %c0_i32_0 = arith.constant 0 : i32
    %c0_i32_1 = arith.constant 0 : i32
    return %c0_i32, %c0_i32_0 : i32, i32
  }
  func.func @transform_8(%arg0: i32) -> (i32, i32) {
    %c0_i32 = arith.constant 0 : i32
    %c0_i32_0 = arith.constant 0 : i32
    return %arg0, %c0_i32 : i32, i32
  }
  func.func @transform_9(%arg0: i32) -> (i32, i32) {
    %c0_i32 = arith.constant 0 : i32
    %c0_i32_0 = arith.constant 0 : i32
    return %arg0, %c0_i32 : i32, i32
  }
}

module attributes {stable_mosaic.version = 14 : i64} {
  func.func @body(%arg0: i32, %arg1: memref<2x1000x128xf32, #tpu.memory_space<vmem>>, %arg2: memref<1000x128xf32, #tpu.memory_space<vmem>>, %arg3: memref<1000x128xf32, #tpu.memory_space<vmem>>, %arg4: memref<1000x8xf32, #tpu.memory_space<vmem>>, %arg5: memref<1x128xf32, #tpu.memory_space<vmem>>, %arg6: memref<1x128xf32, #tpu.memory_space<vmem>>, %arg7: memref<1x128xf32, #tpu.memory_space<vmem>>, %arg8: memref<128x2xf32, #tpu.memory_space<vmem>>, %arg9: memref<1x2xf32, #tpu.memory_space<vmem>>, %arg10: memref<1000x2xf32, #tpu.memory_space<vmem>>) attributes {dimension_semantics = [#tpu.dimension_semantics<arbitrary>], iteration_bounds = array<i64: 10>, scalar_prefetch = 0 : i64, scratch_operands = 0 : i64, tpu.core_type = #tpu.core_type<tc>, window_params = [{transform_indices = @transform_0, window_bounds = array<i64: 2, 1000, 128>}, {transform_indices = @transform_1, window_bounds = array<i64: 1000, 128>}, {transform_indices = @transform_2, window_bounds = array<i64: 1000, 128>}, {transform_indices = @transform_3, window_bounds = array<i64: 1000, 8>}, {pipeline_mode = #tpu.pipeline_mode<synchronous>, transform_indices = @transform_4, window_bounds = array<i64: 1, 128>}, {pipeline_mode = #tpu.pipeline_mode<synchronous>, transform_indices = @transform_5, window_bounds = array<i64: 1, 128>}, {pipeline_mode = #tpu.pipeline_mode<synchronous>, transform_indices = @transform_6, window_bounds = array<i64: 1, 128>}, {pipeline_mode = #tpu.pipeline_mode<synchronous>, transform_indices = @transform_7, window_bounds = array<i64: 128, 2>}, {pipeline_mode = #tpu.pipeline_mode<synchronous>, transform_indices = @transform_8, window_bounds = array<i64: 1, 2>}, {transform_indices = @transform_9, window_bounds = array<i64: 1000, 2>}]} {
    %get3A = arith.constant 0 : index
    %get3A_0 = arith.constant 0 : index
    %get3A_1 = arith.constant 0 : index
    %get3A_2 = vector.load %arg1[%get3A, %get3A_0, %get3A_1] : memref<2x1000x128xf32, #tpu.memory_space<vmem>>, vector<2x1000x128xf32>
    %get3A_3 = arith.constant 0 : index
    %get3A_4 = arith.constant 0 : index
    %get3A_5 = vector.load %arg4[%get3A_3, %get3A_4] : memref<1000x8xf32, #tpu.memory_space<vmem>>, vector<1000x1xf32>
    %get3A_6 = arith.constant 0 : index
    %get3A_7 = arith.constant 1 : index
    %get3A_8 = vector.load %arg4[%get3A_6, %get3A_7] : memref<1000x8xf32, #tpu.memory_space<vmem>>, vector<1000x1xf32>
    %slice3A = vector.extract_strided_slice %get3A_2 {offsets = [0, 0, 0], sizes = [1, 1000, 128], strides = [1, 1, 1]} : vector<2x1000x128xf32> to vector<1x1000x128xf32>
    %squeeze3A = vector.shape_cast %slice3A : vector<1x1000x128xf32> to vector<1000x128xf32>
    %slice3A_9 = vector.extract_strided_slice %get3A_2 {offsets = [1, 0, 0], sizes = [1, 1000, 128], strides = [1, 1, 1]} : vector<2x1000x128xf32> to vector<1x1000x128xf32>
    %squeeze3A_10 = vector.shape_cast %slice3A_9 : vector<1x1000x128xf32> to vector<1000x128xf32>
    %add3A = arith.addf %squeeze3A, %squeeze3A_10 : vector<1000x128xf32>
    %get3A_11 = arith.constant 0 : index
    %get3A_12 = arith.constant 0 : index
    %get3A_13 = vector.load %arg2[%get3A_11, %get3A_12] : memref<1000x128xf32, #tpu.memory_space<vmem>>, vector<1000x128xf32>
    %add3A_14 = arith.addf %add3A, %get3A_13 : vector<1000x128xf32>
    %mul3A = vector.broadcast %get3A_8 : vector<1000x1xf32> to vector<1000x128xf32>
    %mul3A_15 = arith.mulf %add3A_14, %mul3A : vector<1000x128xf32>
    %get3A_16 = arith.constant 0 : index
    %get3A_17 = arith.constant 0 : index
    %get3A_18 = vector.load %arg5[%get3A_16, %get3A_17] : memref<1x128xf32, #tpu.memory_space<vmem>>, vector<1x128xf32>
    %get3A_19 = vector.shape_cast %get3A_18 : vector<1x128xf32> to vector<128xf32>
    %broadcast_in_dim3A = vector.shape_cast %get3A_19 : vector<128xf32> to vector<1x128xf32>
    %add3A_20 = vector.broadcast %broadcast_in_dim3A : vector<1x128xf32> to vector<1000x128xf32>
    %add3A_21 = arith.addf %mul3A_15, %add3A_20 : vector<1000x128xf32>
    %get3A_22 = arith.constant 0 : index
    %get3A_23 = arith.constant 0 : index
    %get3A_24 = vector.load %arg3[%get3A_22, %get3A_23] : memref<1000x128xf32, #tpu.memory_space<vmem>>, vector<1000x128xf32>
    %max3A = arith.constant 0.000000e+00 : f32
    %max3A_25 = vector.broadcast %max3A : f32 to vector<1000x128xf32>
    %max3A_26 = arith.maximumf %get3A_24, %max3A_25 : vector<1000x128xf32>
    %sub3A = arith.constant 1.000000e+00 : f32
    %sub3A_27 = vector.broadcast %sub3A : f32 to vector<1000x1xf32>
    %sub3A_28 = arith.subf %sub3A_27, %get3A_5 : vector<1000x1xf32>
    %mul3A_29 = vector.broadcast %sub3A_28 : vector<1000x1xf32> to vector<1000x128xf32>
    %mul3A_30 = arith.mulf %mul3A_29, %add3A_21 : vector<1000x128xf32>
    %mul3A_31 = vector.broadcast %get3A_5 : vector<1000x1xf32> to vector<1000x128xf32>
    %mul3A_32 = arith.mulf %mul3A_31, %max3A_26 : vector<1000x128xf32>
    %add3A_33 = arith.addf %mul3A_30, %mul3A_32 : vector<1000x128xf32>
    %get3A_34 = arith.constant 0 : index
    %get3A_35 = arith.constant 0 : index
    %get3A_36 = vector.load %arg6[%get3A_34, %get3A_35] : memref<1x128xf32, #tpu.memory_space<vmem>>, vector<1x128xf32>
    %get3A_37 = vector.shape_cast %get3A_36 : vector<1x128xf32> to vector<128xf32>
    %broadcast_in_dim3A_38 = vector.shape_cast %get3A_37 : vector<128xf32> to vector<1x128xf32>
    %mul3A_39 = vector.broadcast %broadcast_in_dim3A_38 : vector<1x128xf32> to vector<1000x128xf32>
    %mul3A_40 = arith.mulf %add3A_33, %mul3A_39 : vector<1000x128xf32>
    %get3A_41 = arith.constant 0 : index
    %get3A_42 = arith.constant 0 : index
    %get3A_43 = vector.load %arg7[%get3A_41, %get3A_42] : memref<1x128xf32, #tpu.memory_space<vmem>>, vector<1x128xf32>
    %get3A_44 = vector.shape_cast %get3A_43 : vector<1x128xf32> to vector<128xf32>
    %broadcast_in_dim3A_45 = vector.shape_cast %get3A_44 : vector<128xf32> to vector<1x128xf32>
    %add3A_46 = vector.broadcast %broadcast_in_dim3A_45 : vector<1x128xf32> to vector<1000x128xf32>
    %add3A_47 = arith.addf %mul3A_40, %add3A_46 : vector<1000x128xf32>
    %get3A_48 = arith.constant 0 : index
    %get3A_49 = arith.constant 0 : index
    %get3A_50 = vector.load %arg8[%get3A_48, %get3A_49] : memref<128x2xf32, #tpu.memory_space<vmem>>, vector<128x2xf32>
    %dot_general3A = arith.constant dense<0.000000e+00> : vector<1000x2xf32>
    %dot_general3A_51 = tpu.matmul %add3A_47, %get3A_50, %dot_general3A {dimension_numbers = #tpu.dot_dimension_numbers<[1], [0], [0], [1], [0, 0, 1, 1], [], []>, transpose_lhs_hint = false} : vector<1000x128xf32>, vector<128x2xf32>, vector<1000x2xf32> -> vector<1000x2xf32>
    %get3A_52 = arith.constant 0 : index
    %get3A_53 = arith.constant 0 : index
    %get3A_54 = vector.load %arg9[%get3A_52, %get3A_53] : memref<1x2xf32, #tpu.memory_space<vmem>>, vector<1x2xf32>
    %get3A_55 = vector.shape_cast %get3A_54 : vector<1x2xf32> to vector<2xf32>
    %broadcast_in_dim3A_56 = vector.shape_cast %get3A_55 : vector<2xf32> to vector<1x2xf32>
    %add3A_57 = vector.broadcast %broadcast_in_dim3A_56 : vector<1x2xf32> to vector<1000x2xf32>
    %add3A_58 = arith.addf %dot_general3A_51, %add3A_57 : vector<1000x2xf32>
    %swap3A = arith.constant 0 : index
    %swap3A_59 = arith.constant 0 : index
    %swap3A_60 = vector.load %arg10[%swap3A, %swap3A_59] : memref<1000x2xf32, #tpu.memory_space<vmem>>, vector<1000x2xf32>
    tpu.vector_store %arg10[%swap3A, %swap3A_59], %add3A_58 {strides = array<i32>} : memref<1000x2xf32, #tpu.memory_space<vmem>>, vector<1000x2xf32>,
    return
  }
  func.func @transform_0(%arg0: i32) -> (i32, i32, i32) {
    %c0_i32 = arith.constant 0 : i32
    %c0_i32_0 = arith.constant 0 : i32
    %c0_i32_1 = arith.constant 0 : i32
    return %c0_i32, %arg0, %c0_i32_0 : i32, i32, i32
  }
  func.func @transform_1(%arg0: i32) -> (i32, i32) {
    %c0_i32 = arith.constant 0 : i32
    %c0_i32_0 = arith.constant 0 : i32
    return %arg0, %c0_i32 : i32, i32
  }
  func.func @transform_2(%arg0: i32) -> (i32, i32) {
    %c0_i32 = arith.constant 0 : i32
    %c0_i32_0 = arith.constant 0 : i32
    return %arg0, %c0_i32 : i32, i32
  }
  func.func @transform_3(%arg0: i32) -> (i32, i32) {
    %c0_i32 = arith.constant 0 : i32
    %c0_i32_0 = arith.constant 0 : i32
    return %arg0, %c0_i32 : i32, i32
  }
  func.func @transform_4(%arg0: i32) -> (i32, i32) {
    %c0_i32 = arith.constant 0 : i32
    %c0_i32_0 = arith.constant 0 : i32
    %c0_i32_1 = arith.constant 0 : i32
    return %c0_i32, %c0_i32_0 : i32, i32
  }
  func.func @transform_5(%arg0: i32) -> (i32, i32) {
    %c0_i32 = arith.constant 0 : i32
    %c0_i32_0 = arith.constant 0 : i32
    %c0_i32_1 = arith.constant 0 : i32
    return %c0_i32, %c0_i32_0 : i32, i32
  }
  func.func @transform_6(%arg0: i32) -> (i32, i32) {
    %c0_i32 = arith.constant 0 : i32
    %c0_i32_0 = arith.constant 0 : i32
    %c0_i32_1 = arith.constant 0 : i32
    return %c0_i32, %c0_i32_0 : i32, i32
  }
  func.func @transform_7(%arg0: i32) -> (i32, i32) {
    %c0_i32 = arith.constant 0 : i32
    %c0_i32_0 = arith.constant 0 : i32
    %c0_i32_1 = arith.constant 0 : i32
    return %c0_i32, %c0_i32_0 : i32, i32
  }
  func.func @transform_8(%arg0: i32) -> (i32, i32) {
    %c0_i32 = arith.constant 0 : i32
    %c0_i32_0 = arith.constant 0 : i32
    %c0_i32_1 = arith.constant 0 : i32
    return %c0_i32, %c0_i32_0 : i32, i32
  }
  func.func @transform_9(%arg0: i32) -> (i32, i32) {
    %c0_i32 = arith.constant 0 : i32
    %c0_i32_0 = arith.constant 0 : i32
    return %arg0, %c0_i32 : i32, i32
  }
}

</mosaic_0001>

<sc_bundles>
// kernel: kernel.11.cloned.1.call-start
scs
__scs_entry_jumppad:
0x0: {  	(pc) =	sbr.rel $0x88, $3  }
0x1: {  	(tag) =	ssettag $0x0;
	lr =	simm.s32 $0x1  }
0x2: {  	[smem:$0x3F8F] =	sst lr;
	_ =	strace $0xD0000000  }
0x3: {  	_ = 	snop  }
0x4: {  	_ = 	snop  }
0x5: {  	_ = 	snop  }
0x6: {  	_ = 	snop  }
0x7: {  	_ = 	snop  }
__scs_overlays_trampoline_lowered:
0x8: {  	[smem:$0x3F9E] =	sst s0  }
0x9: {  	[smem:$0x3F9F] =	sst s1  }
0xa: {  	[smem:$0x3FA0] =	sst s2  }
0xb: {  	[smem:$0x3FA1] =	sst s3  }
0xc: {  	[smem:$0x3FA2] =	sst s4  }
0xd: {  	[smem:$0x3FA3] =	sst s5  }
0xe: {  	[smem:$0x3FA4] =	sst s6  }
0xf: {  	[smem:$0x3FA5] =	sst s7  }
0x10: {  	[smem:$0x3FA6] =	sst s8  }
0x11: {  	[smem:$0x3FA7] =	sst s9;
	s0 =	simm.s32 @!p0 $0x0  }
0x12: {  	s1 =	sld [smem:$0x3F8D];
	s0 =	simm.s32 @p0 $0x1  }
0x13: {  	[smem:$0x3FA8] =	sst s0;
	s0 =	simm.s32 @!p1 $0x0  }
0x14: {  	s2 =	sld [smem:$0x3F8C];
	s0 =	simm.s32 @p1 $0x1  }
0x15: {  	[smem:$0x3FA9] =	sst s0;
	s0 =	simm.s32 @!p2 $0x0  }
0x16: {  	s3 =	sld [smem:$0x3FDB];
	s0 =	simm.s32 @p2 $0x1  }
0x17: {  	s4 =	simm.s32 $0x1BF5;
	[smem:$0x3FAB] =	sst s0  }
0x18: {  	s0 =	sld [smem:$0x3F8E];
	_ =	swait.ge [sflag:s4], $0x0  }
0x19: {  	s7 =	sld [smem:$0x3F8F]  }
0x1a: {  	s8 =	sadd.s32 $0xFFFFE003, lr  }
0x1b: {  	s9 =	sadd.s32 $0xFFFFFEF7, lr;
	s5 =	simm.s32 $0xFFFFFFFF;
	p2 =	slt.u32 s8, $0xFFFFF086  }
0x1c: {  	p1 =	slt.u32 s9, $0xF7A;
	s5 =	simm.s32 @!p2 $0x0  }
0x1d: {  	s5 =	simm.s32 @p1 $0x1;
	p0 =	seq.s32 s7, s2  }
0x1e: {  	s7 =	smul.u32 @!p0 $0xF7A, s2;
	p2 =	seq.s32 @!p0 s5, $0x0  }
0x1f: {  	s9 =	smul.u32 $0xF7A, s1;
	s8 =	simm.s32 @!p0 $0x1BF5;
	p2 =	por !p2, p0  }
0x20: {  	[sflag:s8] =	ssyncset.s32 @!p0 $0xFFFFF086;
	s6 =	sadd.s32 @!p0 s3, s7;
	s7 =	simm.s32 @!p0 $0x108  }
0x21: {  	s3 =	sadd.s32 s3, s9;
	s6 =	sadd.s32 @!p0 $0x88, s6;
	s7 =	simm.s32 @p2 $0x1082  }
0x22: {  	[simem:s7], [sflag:s8] =	dma.local @!p0 [hbm:s6], $0xF7A  }
0x23: {  	s9 =	sor.u32 $0xD0000000, s2;
	s6 =	simm.s32 $0x108;
	_ =	swait.ge @!p0 [sflag:s8], $0x0  }
0x24: {  	s3 =	sadd.s32 $0x88, s3;
	s6 =	simm.s32 @!p1 $0x1082;
	[sflag:s4] =	ssyncset.s32 $0xFFFFF086  }
0x25: {  	[simem:s6], [sflag:s4] =	dma.local [hbm:s3], $0xF7A  }
0x26: {  	[smem:$0x3F8F] =	sst s1;
	(tag) =	ssettag s2;
	_ =	strace s9  }
0x27: {  	s1 =	sld [smem:$0x3F9F]  }
0x28: {  	s2 =	sld [smem:$0x3FA0]  }
0x29: {  	s4 =	sld [smem:$0x3FA2]  }
0x2a: {  	p0 =	seq.s32 s5, $0x0;
	s5 =	sld [smem:$0x3FA3]  }
0x2b: {  	s6 =	sld [smem:$0x3FA4]  }
0x2c: {  	s7 =	sld [smem:$0x3FA5]  }
0x2d: {  	s3 =	simm.s32 $0x108;
	s8 =	sld [smem:$0x3FA6]  }
0x2e: {  	s3 =	simm.s32 @!p0 $0x1082;
	s9 =	sld [smem:$0x3FA7]  }
0x2f: {  	lr =	sadd.s32 s0, s3;
	s0 =	sld [smem:$0x3F9E]  }
0x30: {  	s3 =	sld [smem:$0x3FA1]  }
0x31: {  	[smem:$0x3FAA] =	sst s10  }
0x32: {  	s10 =	sld [smem:$0x3FA8];
	_ =	sdelay $0x3  }
0x33: {  	p0 =	seq.s32 s10, $0x1;
	s10 =	sld [smem:$0x3FAA];
	_ =	sdelay $0x3  }
0x34: {  	[smem:$0x3FAA] =	sst s10  }
0x35: {  	s10 =	sld [smem:$0x3FA9];
	_ =	sdelay $0x3  }
0x36: {  	p1 =	seq.s32 s10, $0x1;
	s10 =	sld [smem:$0x3FAA];
	_ =	sdelay $0x3  }
0x37: {  	[smem:$0x3FAA] =	sst s10  }
0x38: {  	s10 =	sld [smem:$0x3FAB]  }
0x39: {  	_ = 	snop;
	(pc) =	sbr.ind lr, $3  }
0x3a: {  	_ = 	snop  }
0x3b: {  	_ = 	snop  }
0x3c: {  	p2 =	seq.s32 s10, $0x1;
	s10 =	sld [smem:$0x3FAA]  }
0x3d: {  	_ =	shalt  }
0x3e: {  	_ =	shalt  }
0x3f: {  	_ =	shalt  }
0x40: {  	_ =	shalt  }
0x41: {  	_ =	shalt  }
0x42: {  	_ =	shalt  }
0x43: {  	_ =	shalt  }
0x44: {  	_ =	shalt  }
0x45: {  	_ =	shalt  }
0x46: {  	_ =	shalt  }
0x47: {  	_ =	shalt  }
0x48: {  	_ =	shalt  }
0x49: {  	_ =	shalt  }
0x4a: {  	_ =	shalt  }
0x4b: {  	_ =	shalt  }
0x4c: {  	_ =	shalt  }
0x4d: {  	_ =	shalt  }
0x4e: {  	_ =	shalt  }
0x4f: {  	_ =	shalt  }
0x50: {  	_ =	shalt  }
0x51: {  	_ =	shalt  }
0x52: {  	_ =	shalt  }
0x53: {  	_ =	shalt  }
0x54: {  	_ =	shalt  }
0x55: {  	_ =	shalt  }
0x56: {  	_ =	shalt  }
0x57: {  	_ =	shalt  }
0x58: {  	_ =	shalt  }
0x59: {  	_ =	shalt  }
0x5a: {  	_ =	shalt  }
0x5b: {  	_ =	shalt  }
0x5c: {  	_ =	shalt  }
0x5d: {  	_ =	shalt  }
0x5e: {  	_ =	shalt  }
0x5f: {  	_ =	shalt  }
0x60: {  	_ =	shalt  }
0x61: {  	_ =	shalt  }
0x62: {  	_ =	shalt  }
0x63: {  	_ =	shalt  }
0x64: {  	_ =	shalt  }
0x65: {  	_ =	shalt  }
0x66: {  	_ =	shalt  }
0x67: {  	_ =	shalt  }
0x68: {  	_ =	shalt  }
0x69: {  	_ =	shalt  }
0x6a: {  	_ =	shalt  }
0x6b: {  	_ =	shalt  }
0x6c: {  	_ =	shalt  }
0x6d: {  	_ =	shalt  }
0x6e: {  	_ =	shalt  }
0x6f: {  	_ =	shalt  }
0x70: {  	_ =	shalt  }
0x71: {  	_ =	shalt  }
0x72: {  	_ =	shalt  }
0x73: {  	_ =	shalt  }
0x74: {  	_ =	shalt  }
0x75: {  	_ =	shalt  }
0x76: {  	_ =	shalt  }
0x77: {  	_ =	shalt  }
0x78: {  	_ =	shalt  }
0x79: {  	_ =	shalt  }
0x7a: {  	_ =	shalt  }
0x7b: {  	_ =	shalt  }
0x7c: {  	_ =	shalt  }
0x7d: {  	_ =	shalt  }
0x7e: {  	_ =	shalt  }
0x7f: {  	_ =	shalt  }
0x80: {  	_ =	shalt  }
0x81: {  	_ =	shalt  }
0x82: {  	_ =	shalt  }
0x83: {  	_ =	shalt  }
0x84: {  	_ =	shalt  }
0x85: {  	_ =	shalt  }
0x86: {  	_ =	shalt  }
0x87: {  	_ =	shalt  }
.Lfunc_end0:
.L_simem_size_0:
called_computation.1_lowered:
.L_overlay_start_0:
0x88: {  	s2 =	sld [smem:$0x3FD9]  }
0x89: {  	s3 =	sld [smem:$0x3FFE];
	_ =	sdelay $0x1  }
0x8a: {  	s1 =	srdreg.scid  }
0x8b: {  	s0 =	sand.u32 $0x1, s1  }
0x8c: {  	s16 =	sshll.u32 s0, $0xA;
	s2 =	sadd.s32 s3, s2  }
0x8d: {  	s2 =	sadd.s32 s2, s16  }
0x8e: {  	[smem:$0x3FB6] =	sst s2  }
0x8f: {  	_ = 	snop  }
0x90: {  	(tm) =	ssettm $0x1  }
0x91: {  	s17 =	sld [smem:$0x3FFB];
	_ =	sdelay $0x3  }
0x92: {  	_ =	strace s17  }
0x93: {  	s2 =	sld [smem:$0x3FFC];
	_ =	sdelay $0x3  }
0x94: {  	_ =	strace s2  }
0x95: {  	s2 =	sld [smem:$0x3FFD];
	_ =	sdelay $0x3  }
0x96: {  	_ =	strace s2  }
0x97: {  	_ =	strace $0x8FFFFFFF  }
0x98: {  	s18 =	sld [smem:$0x3FDB];
	_ =	sdelay $0x1  }
0x99: {  	s19 =	simm.s32 $_scs_section_size  }
0x9a: {  	s4 =	simm.s32 $_size__tile_overlayer_lowered;
	s5 =	simm.s32 $_tile_overlayer_lowered  }
0x9b: {  	s22 =	simm.s32 $0x1BFF;
	s21 =	sshll.u32 s5, $0x1;
	s2 =	sadd.s32 s19, s18  }
0x9c: {  	s6 =	simm.s32 $0x0;
	s20 =	sshll.u32 s4, $0x1;
	s4 =	sadd.s32 s21, s2  }
0x9d: {  	[timem:s6], [sflag:s22] =	dma.local [hbm:s4], s20  }
0x9e: {  	_ =	swait.ge [sflag:s22], s20  }
0x9f: {  	s3 =	ssub.s32 $0x0, s20;
	[sflag:s22] =	ssyncset.done $0x0  }
0xa0: {  	[sflag:s22] =	ssyncadd.s32 s3;
	_ =	sdelay $0x1  }
0xa1: {  	s23 =	simm.s32 $0x1B8B  }
0xa2: {  	_ =	swait.ge [sflag:s23], $0x1  }
0xa3: {  	[sflag:s23] =	ssyncset.done $0x0  }
0xa4: {  	s25 =	simm.s32 $0x1B8E;
	s24 =	sld [smem:$0x3FFE];
	[sflag:s23] =	ssyncadd.s32 $0xFFFFFFFF  }
0xa5: {  	s26 =	simm.s32 $execute0_lowered;
	[smem:$0x3FD2] =	sst s25  }
0xa6: {  	s4 =	sshll.u32 s26, $0x1;
	_ =	strace $0x80000049;
	[dreg:$0x1] =	wrdreg $0xFFFFFFFF  }
0xa7: {  	s28 =	simm.s32 $_size_execute0_lowered;
	s2 =	sadd.s32 s2, s4;
	[dreg:$0x0] =	wrdreg $0x0  }
0xa8: {  	s4 =	sshll.u32 s28, $0x1;
	[dreg:$0x2] =	wrdreg s2  }
0xa9: {  	[dreg:$0x3] =	wrdreg s4  }
0xaa: {  	[dreg:$0x4] =	wrdreg $0xC0  }
0xab: {  	_ =	task [dreg:s6], $0x5FFFF  }
0xac: {  	[dreg:$0x1] =	wrdreg $0xFFFFFFFF  }
0xad: {  	[dreg:$0x0] =	wrdreg $0x60  }
0xae: {  	[dreg:$0x2] =	wrdreg s24  }
0xaf: {  	[dreg:$0x3] =	wrdreg $0xA0000  }
0xb0: {  	[dreg:$0x4] =	wrdreg $0x9  }
0xb1: {  	_ =	task.clear_ibuf [dreg:s6], $0x5FFFF;
	_ =	strace $0x90000049  }
0xb2: {  	s29 =	simm.s32 $0x9;
	_ =	strace $0x8000004B  }
0xb3: {  	_ =	swait.ge [sflag:s29], $0x1  }
0xb4: {  	[sflag:s29] =	ssyncadd.s32 $0xFFFFFFFF  }
0xb5: {  	_ =	strace $0x9000004B  }
0xb6: {  	_ =	sfence  }
0xb7: {  	s30 =	sld [smem:$0x0];
	_ =	sdelay $0x2  }
0xb8: {  	s31 =	sshll.u32 s1, $0xD;
	s1 =	sshrl.u32 s1, $0x2  }
0xb9: {  	s3 =	sand.u32 $0x4000, s31;
	s1 =	sadd.s32 s1, s30  }
0xba: {  	s0 =	sor.u32 s3, s0;
	s1 =	sshll.u32 s1, $0x11  }
0xbb: {  	s0 =	sor.u32 s1, s0  }
0xbc: {  	s0 =	sadd.s32 $0x8F2B, s0  }
0xbd: {  	[sflag:s0] =	ssyncadd.remote.s32 $0x1  }
0xbe: {  	_ =	sfence.sel $0xFFFF  }
0xbf: {  	[dreg:$0x0] =	wrdreg $0xFFFFFFFF;
	(pc) =	sbr.abs _section_cstart, $3  }
0xc0: {  	[dreg:$0x1] =	wrdreg $0xFFFFFFFF  }
0xc1: {  	_ =	task.clear_ibuf [dreg:s6], $0x2FFFF;
	_ =	strace $0x9FFFFFFF  }
0xc2: {  	(tm) =	ssettm $0x7FFFFFFF  }
0xc3: {  	_ =	shalt  }
tec
execute0_lowered:
.L_overlay_start_1:
0x0: {  	(tag) =	ssettag $0x1  }
0x1: {  	s9 =	rddreg [dreg:$0x0]  }
0x2: {  	s1 =	rddreg [dreg:$0x1];
	s2 =	srdreg.scid;
	s3 =	simm.s32 $0x0  }
0x3: {  	s17 =	simm.s32 $0x5;
	s18 =	simm.s32 $0x1000;
	s19 =	simm.s32 $0x80  }
0x4: {  	s20 =	simm.s32 $0x6000;
	s21 =	simm.s32 $0x1;
	s22 =	simm.s32 $0x2  }
0x5: {  	s23 =	simm.s32 $0x3;
	s24 =	simm.s32 $0x4;
	s25 =	simm.s32 $0x1F00  }
0x6: {  	s26 =	simm.s32 $0x1F80;
	s13 =	sand.u32 $0x1, s2;
	s2 =	stileid.u32  }
0x7: {  	[smem:$0x7FF] =	sst s3;
	s4 =	sadd.s32 $0x2200, s9;
	s8 =	smul.u32 $0x140000, s13  }
0x8: {  	s5 =	sadd.s32 $0x8EC00, s9;
	s6 =	sadd.s32 $0x34200, s9;
	s10 =	smul.u32 $0x14000, s2  }
0x9: {  	s7 =	sadd.s32 $0x2A200, s9;
	_ =	strace $0x8000004A;
	s11 =	smul.u32 $0x50000, s2  }
0xa: {  	s31 =	ssub.s32 $0x2, s13;
	p0 =	seq.s32 s13, $0x1;
	s13 =	smul.u32 $0x5000, s2  }
.Ltmp0:
0xb: {  	s8 =	sadd.s32 s10, s8;
	s11 =	sshrl.u32 s11, $0x2;
	(pc) =	sbr.rel .LBB2_1-.Ltmp0, $4  }
0xc: {  	s14 =	sshrl.u32 s31, $0x1;
	s12 =	sshrl.u32 s8, $0x3;
	s8 =	sadd.s32 s11, s1  }
0xd: {  	s16 =	ssub.s32 s31, s14;
	s15 =	sadd.s32 s12, s9;
	s9 =	sadd.s32 $0x4000, s8  }
0xe: {  	s10 =	sadd.s32 $0x8000, s8;
	s11 =	sadd.s32 $0xC000, s8;
	s12 =	sadd.s32 $0x10000, s8  }
0xf: {  	v0 =	vimm.f32 $0.0e+00;
	s14 =	sadd.s32 $0x3E200, s15;
	s15 =	smax.u32 s16, $0x1;
	s16 =	simm.s32 $0x2000  }
.LBB2_10:
0x10: {  	s3 =	sadd.s32 $0x1, s3  }
0x11: {  	s0 =	sshll.u32 s2, $0x6;
	[bflag:$0x0] =	sbarrier.arrive $0xFFFF;
	p1 =	sne.s32 s3, s15  }
.Ltmp1:
0x12: {  	s28 =	sshrl.u32 s8, $0x3;
	s0 =	sor.u32 $0x1C05, s0;
	(pc) =	sbr.rel @!p1 .LBB2_11-.Ltmp1, $4  }
0x13: {  	[hbm:s14], [sflag:s0] =	dma.local [spmem:s28], $0x2800  }
0x14: {  	_ =	swait.ge [sflag:s17], $0x2800  }
0x15: {  	[sflag:s17] =	ssyncset.done $0x0  }
0x16: {  	[sflag:s17] =	ssyncadd.s32 $0xFFFFD800  }
.LBB2_1:
0x17: {  	s28 =	simm.s32 $0x0;
	s29 =	simm.s32 $0x200  }
.LBB2_2:
0x18: {  	p1 =	sne.s32 s29, $0xFE00;
	[tilespmem:s28+$0x2070] =	vst v0  }
0x19: {  	[tilespmem:s28+$0x2000] =	vst v0  }
0x1a: {  	[tilespmem:s28+$0x2010] =	vst v0  }
.Ltmp2:
0x1b: {  	[tilespmem:s28+$0x2020] =	vst v0;
	(pc) =	sbr.rel @p1 .LBB2_2-.Ltmp2, $4  }
0x1c: {  	[tilespmem:s28+$0x2030] =	vst v0  }
0x1d: {  	[tilespmem:s28+$0x2040] =	vst v0  }
0x1e: {  	[tilespmem:s28+$0x2050] =	vst v0  }
0x1f: {  	[tilespmem:s28+$0x2060] =	vst v0;
	s28 =	sshra.s32 s29, $0x2;
	s29 =	sadd.s32 $0x200, s29  }
0x20: {  	[tilespmem:s28+$0x2070] =	vst v0  }
0x21: {  	[tilespmem:s28+$0x2000] =	vst v0  }
0x22: {  	[tilespmem:s28+$0x2010] =	vst v0  }
0x23: {  	[tilespmem:s28+$0x2020] =	vst v0  }
0x24: {  	[tilespmem:s28+$0x2030] =	vst v0  }
0x25: {  	[tilespmem:s28+$0x2040] =	vst v0  }
0x26: {  	[tilespmem:s28+$0x2050] =	vst v0  }
0x27: {  	[tilespmem:s28+$0x2060] =	vst v0  }
0x28: {  	[spmem:s8] =	stream.linear.scatter [tilespmem:s16], [sflag:$0x5], $0x4000, $0x38;
	[tilespmem:$0x1E000] =	vst v63  }
0x29: {  	_ =	swait.ge [sflag:s17], $0x4000  }
0x2a: {  	[sflag:s17] =	ssyncset.done $0x0  }
0x2b: {  	[sflag:s17] =	ssyncadd.s32 $0xFFFFC000  }
0x2c: {  	[spmem:s9] =	stream.linear.scatter [tilespmem:s16], [sflag:$0x5], $0x4000, $0x38;
	[tilespmem:$0x1E000] =	vst v63  }
0x2d: {  	_ =	swait.ge [sflag:s17], $0x4000  }
0x2e: {  	[sflag:s17] =	ssyncset.done $0x0  }
0x2f: {  	[sflag:s17] =	ssyncadd.s32 $0xFFFFC000  }
0x30: {  	[spmem:s10] =	stream.linear.scatter [tilespmem:s16], [sflag:$0x5], $0x4000, $0x38;
	[tilespmem:$0x1E000] =	vst v63  }
0x31: {  	_ =	swait.ge [sflag:s17], $0x4000  }
0x32: {  	[sflag:s17] =	ssyncset.done $0x0  }
0x33: {  	[sflag:s17] =	ssyncadd.s32 $0xFFFFC000  }
0x34: {  	[spmem:s11] =	stream.linear.scatter [tilespmem:s16], [sflag:$0x5], $0x4000, $0x38;
	[tilespmem:$0x1E000] =	vst v63  }
0x35: {  	_ =	swait.ge [sflag:s17], $0x4000  }
0x36: {  	[sflag:s17] =	ssyncset.done $0x0  }
0x37: {  	[sflag:s17] =	ssyncadd.s32 $0xFFFFC000  }
0x38: {  	[spmem:s12] =	stream.linear.scatter [tilespmem:s16], [sflag:$0x5], $0x4000, $0x38;
	[tilespmem:$0x1E000] =	vst v63  }
.Ltmp3:
0x39: {  	_ =	swait.ge [sflag:s17], $0x4000;
	(pc) =	sbr.rel @!p0 .LBB2_4-.Ltmp3, $4  }
0x3a: {  	[sflag:s17] =	ssyncset.done $0x0  }
0x3b: {  	[sflag:s17] =	ssyncadd.s32 $0xFFFFC000  }
0x3c: {  	[bflag:$0x0] =	sbarrier.arrive $0xFFFF  }
0x3d: {  	s28 =	simm.s32 $0x0;
	s29 =	simm.s32 $0x0;
	s30 =	simm.s32 $0x0  }
.LBB2_7:
0x3e: {  	s0 =	sshll.u32 s30, $0xC  }
0x3f: {  	s0 =	sadd.s32 s13, s0  }
0x40: {  	s0 =	sshrl.u32 s0, $0x3  }
0x41: {  	s29 =	sadd.s32 s7, s0  }
0x42: {  	[tilespmem:s28], [sflag:$0x5] =	stream.linear.gather [hbm4b:s29+s28], $0x1000, $0x38;
	[tilespmem:$0x1E000] =	vst v63  }
0x43: {  	_ =	swait.ge [sflag:s17], $0x1000  }
0x44: {  	[sflag:s17] =	ssyncset.done $0x0  }
0x45: {  	s0 =	sadd.s32 s6, s0;
	[sflag:s17] =	ssyncadd.s32 $0xFFFFF000  }
0x46: {  	[tilespmem:s18], [sflag:$0x5] =	stream.linear.gather [hbm4b:s0+s28], $0x1000, $0x38;
	[tilespmem:$0x1E000] =	vst v63  }
0x47: {  	_ =	swait.ge [sflag:s17], $0x1000  }
0x48: {  	[sflag:s17] =	ssyncset.done $0x0  }
0x49: {  	[sflag:s17] =	ssyncadd.s32 $0xFFFFF000  }
0x4a: {  	[tilespmem:s16], [sflag:$0x1] =	stream.indirect.gather [hbm4b:s5+s19], $0x80, s28, s19, $0xb8;
	[tilespmem:$0x1E000] =	vst v63  }
0x4b: {  	_ = 	snop  }
0x4c: {  	[tilespmem:s20], [sflag:$0x2] =	stream.indirect.gather [hbm4b:s5+s19], $0x80, s19, s19, $0xb8;
	[tilespmem:$0x1E000] =	vst v63  }
0x4d: {  	_ =	swait.ge [sflag:s21], $0x4000  }
0x4e: {  	[sflag:s21] =	ssyncset.done $0x0  }
0x4f: {  	s0 =	simm.s32 $0x1000;
	[sflag:s21] =	ssyncadd.s32 $0xFFFFC000  }
0x50: {  	[spmem:s1] =	stream.indirect.scatter.add.f32 [tilespmem:s16], [sflag:$0x3], $0x80, s0, s19, $0xb8;
	[tilespmem:$0x1E000] =	vst v63  }
0x51: {  	_ =	swait.ge [sflag:s22], $0x4000  }
0x52: {  	[sflag:s22] =	ssyncset.done $0x0  }
0x53: {  	s0 =	simm.s32 $0x1080;
	[sflag:s22] =	ssyncadd.s32 $0xFFFFC000  }
0x54: {  	[spmem:s1] =	stream.indirect.scatter.add.f32 [tilespmem:s20], [sflag:$0x4], $0x80, s0, s19, $0xb8;
	[tilespmem:$0x1E000] =	vst v63  }
0x55: {  	_ =	swait.ge [sflag:s23], $0x4000  }
0x56: {  	[sflag:s23] =	ssyncset.done $0x0  }
0x57: {  	s0 =	simm.s32 $0x100;
	[sflag:s23] =	ssyncadd.s32 $0xFFFFC000  }
0x58: {  	[tilespmem:s16], [sflag:$0x1] =	stream.indirect.gather [hbm4b:s5+s19], $0x80, s0, s19, $0xb8;
	[tilespmem:$0x1E000] =	vst v63  }
0x59: {  	_ =	swait.ge [sflag:s24], $0x4000  }
0x5a: {  	[sflag:s24] =	ssyncset.done $0x0  }
0x5b: {  	s31 =	simm.s32 $0x180;
	s29 =	simm.s32 $0x400;
	[sflag:s24] =	ssyncadd.s32 $0xFFFFC000  }
.LBB2_8:
0x5c: {  	[tilespmem:s20], [sflag:$0x2] =	stream.indirect.gather [hbm4b:s5+s19], $0x80, s31, s19, $0xb8;
	[tilespmem:$0x1E000] =	vst v63  }
0x5d: {  	s0 =	smov.u32 s29  }
0x5e: {  	p1 =	sne.s32 s29, $0x3800;
	s29 =	sadd.s32 $0x400, s29;
	_ =	swait.ge [sflag:s21], $0x4000  }
0x5f: {  	s0 =	sshra.s32 s0, $0x2;
	[sflag:s21] =	ssyncset.done $0x0  }
0x60: {  	s31 =	sadd.s32 $0x1000, s0;
	[sflag:s21] =	ssyncadd.s32 $0xFFFFC000  }
0x61: {  	[spmem:s1] =	stream.indirect.scatter.add.f32 [tilespmem:s16], [sflag:$0x3], $0x80, s31, s19, $0xb8;
	[tilespmem:$0x1E000] =	vst v63  }
0x62: {  	_ =	swait.ge [sflag:s22], $0x4000  }
0x63: {  	[sflag:s22] =	ssyncset.done $0x0  }
0x64: {  	s31 =	sadd.s32 $0x1080, s0;
	[sflag:s22] =	ssyncadd.s32 $0xFFFFC000  }
0x65: {  	[spmem:s1] =	stream.indirect.scatter.add.f32 [tilespmem:s20], [sflag:$0x4], $0x80, s31, s19, $0xb8;
	[tilespmem:$0x1E000] =	vst v63  }
0x66: {  	_ =	swait.ge [sflag:s23], $0x4000  }
0x67: {  	[sflag:s23] =	ssyncset.done $0x0  }
.Ltmp4:
0x68: {  	s31 =	sadd.s32 $0x100, s0;
	[sflag:s23] =	ssyncadd.s32 $0xFFFFC000;
	(pc) =	sbr.rel @p1 .LBB2_8-.Ltmp4, $4  }
0x69: {  	[tilespmem:s16], [sflag:$0x1] =	stream.indirect.gather [hbm4b:s5+s19], $0x80, s31, s19, $0xb8;
	[tilespmem:$0x1E000] =	vst v63  }
0x6a: {  	_ =	swait.ge [sflag:s24], $0x4000  }
0x6b: {  	[sflag:s24] =	ssyncset.done $0x0  }
0x6c: {  	s31 =	sadd.s32 $0x180, s0;
	[sflag:s24] =	ssyncadd.s32 $0xFFFFC000  }
0x6d: {  	[tilespmem:s20], [sflag:$0x2] =	stream.indirect.gather [hbm4b:s5+s19], $0x80, s31, s19, $0xb8;
	[tilespmem:$0x1E000] =	vst v63  }
0x6e: {  	_ =	swait.ge [sflag:s21], $0x4000  }
0x6f: {  	[sflag:s21] =	ssyncset.done $0x0  }
0x70: {  	[sflag:s21] =	ssyncadd.s32 $0xFFFFC000  }
0x71: {  	[spmem:s1] =	stream.indirect.scatter.add.f32 [tilespmem:s16], [sflag:$0x3], $0x80, s25, s19, $0xb8;
	[tilespmem:$0x1E000] =	vst v63  }
0x72: {  	_ =	swait.ge [sflag:s22], $0x4000  }
0x73: {  	[sflag:s22] =	ssyncset.done $0x0  }
0x74: {  	s30 =	sadd.s32 $0x1, s30;
	[sflag:s22] =	ssyncadd.s32 $0xFFFFC000  }
0x75: {  	[spmem:s1] =	stream.indirect.scatter.add.f32 [tilespmem:s20], [sflag:$0x4], $0x80, s26, s19, $0xb8;
	[tilespmem:$0x1E000] =	vst v63  }
0x76: {  	p1 =	sne.s32 s30, $0x5;
	_ =	swait.ge [sflag:s23], $0x4000  }
.Ltmp5:
0x77: {  	[sflag:s23] =	ssyncset.done $0x0;
	(pc) =	sbr.rel @p1 .LBB2_7-.Ltmp5, $4  }
.Ltmp6:
0x78: {  	[sflag:s23] =	ssyncadd.s32 $0xFFFFC000;
	(pc) =	sbr.rel @!p1 .LBB2_10-.Ltmp6, $4  }
0x79: {  	_ =	swait.ge [sflag:s24], $0x4000  }
0x7a: {  	[sflag:s24] =	ssyncset.done $0x0  }
0x7b: {  	[sflag:s24] =	ssyncadd.s32 $0xFFFFC000  }
0x7c: {  	_ = 	snop  }
.LBB2_4:
0x7d: {  	s30 =	sshll.u32 s29, $0xC  }
0x7e: {  	s30 =	sadd.s32 s13, s30  }
0x7f: {  	s30 =	sshrl.u32 s30, $0x3  }
0x80: {  	s31 =	sadd.s32 s6, s30  }
0x81: {  	[tilespmem:s28], [sflag:$0x5] =	stream.linear.gather [hbm4b:s31+s28], $0x1000, $0x38;
	[tilespmem:$0x1E000] =	vst v63  }
0x82: {  	_ =	swait.ge [sflag:s17], $0x1000  }
0x83: {  	[sflag:s17] =	ssyncset.done $0x0  }
0x84: {  	s30 =	sadd.s32 s7, s30;
	[sflag:s17] =	ssyncadd.s32 $0xFFFFF000  }
0x85: {  	[tilespmem:s18], [sflag:$0x5] =	stream.linear.gather [hbm4b:s30+s28], $0x1000, $0x38;
	[tilespmem:$0x1E000] =	vst v63  }
0x86: {  	_ =	swait.ge [sflag:s17], $0x1000  }
0x87: {  	[sflag:s17] =	ssyncset.done $0x0  }
0x88: {  	[sflag:s17] =	ssyncadd.s32 $0xFFFFF000  }
0x89: {  	[tilespmem:s16], [sflag:$0x1] =	stream.indirect.gather [hbm4b:s4+s19], $0x80, s28, s19, $0xb8;
	[tilespmem:$0x1E000] =	vst v63  }
0x8a: {  	_ = 	snop  }
0x8b: {  	[tilespmem:s20], [sflag:$0x2] =	stream.indirect.gather [hbm4b:s4+s19], $0x80, s19, s19, $0xb8;
	[tilespmem:$0x1E000] =	vst v63  }
0x8c: {  	_ =	swait.ge [sflag:s21], $0x4000  }
0x8d: {  	[sflag:s21] =	ssyncset.done $0x0  }
0x8e: {  	s30 =	simm.s32 $0x1000;
	[sflag:s21] =	ssyncadd.s32 $0xFFFFC000  }
0x8f: {  	[spmem:s1] =	stream.indirect.scatter.add.f32 [tilespmem:s16], [sflag:$0x3], $0x80, s30, s19, $0xb8;
	[tilespmem:$0x1E000] =	vst v63  }
0x90: {  	_ =	swait.ge [sflag:s22], $0x4000  }
0x91: {  	[sflag:s22] =	ssyncset.done $0x0  }
0x92: {  	s30 =	simm.s32 $0x1080;
	[sflag:s22] =	ssyncadd.s32 $0xFFFFC000  }
0x93: {  	[spmem:s1] =	stream.indirect.scatter.add.f32 [tilespmem:s20], [sflag:$0x4], $0x80, s30, s19, $0xb8;
	[tilespmem:$0x1E000] =	vst v63  }
0x94: {  	_ =	swait.ge [sflag:s23], $0x4000  }
0x95: {  	[sflag:s23] =	ssyncset.done $0x0  }
0x96: {  	s30 =	simm.s32 $0x100;
	[sflag:s23] =	ssyncadd.s32 $0xFFFFC000  }
0x97: {  	[tilespmem:s16], [sflag:$0x1] =	stream.indirect.gather [hbm4b:s4+s19], $0x80, s30, s19, $0xb8;
	[tilespmem:$0x1E000] =	vst v63  }
0x98: {  	_ =	swait.ge [sflag:s24], $0x4000  }
0x99: {  	[sflag:s24] =	ssyncset.done $0x0  }
0x9a: {  	s31 =	simm.s32 $0x180;
	s30 =	simm.s32 $0x400;
	[sflag:s24] =	ssyncadd.s32 $0xFFFFC000  }
.LBB2_5:
0x9b: {  	[tilespmem:s20], [sflag:$0x2] =	stream.indirect.gather [hbm4b:s4+s19], $0x80, s31, s19, $0xb8;
	[tilespmem:$0x1E000] =	vst v63  }
0x9c: {  	s31 =	smov.u32 s30  }
0x9d: {  	p1 =	sne.s32 s30, $0x3800;
	s30 =	sadd.s32 $0x400, s30;
	_ =	swait.ge [sflag:s21], $0x4000  }
0x9e: {  	s31 =	sshra.s32 s31, $0x2;
	[sflag:s21] =	ssyncset.done $0x0  }
0x9f: {  	s0 =	sadd.s32 $0x1000, s31;
	[sflag:s21] =	ssyncadd.s32 $0xFFFFC000  }
0xa0: {  	[spmem:s1] =	stream.indirect.scatter.add.f32 [tilespmem:s16], [sflag:$0x3], $0x80, s0, s19, $0xb8;
	[tilespmem:$0x1E000] =	vst v63  }
0xa1: {  	_ =	swait.ge [sflag:s22], $0x4000  }
0xa2: {  	[sflag:s22] =	ssyncset.done $0x0  }
0xa3: {  	s0 =	sadd.s32 $0x1080, s31;
	[sflag:s22] =	ssyncadd.s32 $0xFFFFC000  }
0xa4: {  	[spmem:s1] =	stream.indirect.scatter.add.f32 [tilespmem:s20], [sflag:$0x4], $0x80, s0, s19, $0xb8;
	[tilespmem:$0x1E000] =	vst v63  }
0xa5: {  	_ =	swait.ge [sflag:s23], $0x4000  }
0xa6: {  	[sflag:s23] =	ssyncset.done $0x0  }
.Ltmp7:
0xa7: {  	s0 =	sadd.s32 $0x100, s31;
	[sflag:s23] =	ssyncadd.s32 $0xFFFFC000;
	(pc) =	sbr.rel @p1 .LBB2_5-.Ltmp7, $4  }
0xa8: {  	[tilespmem:s16], [sflag:$0x1] =	stream.indirect.gather [hbm4b:s4+s19], $0x80, s0, s19, $0xb8;
	[tilespmem:$0x1E000] =	vst v63  }
0xa9: {  	_ =	swait.ge [sflag:s24], $0x4000  }
0xaa: {  	[sflag:s24] =	ssyncset.done $0x0  }
0xab: {  	s31 =	sadd.s32 $0x180, s31;
	[sflag:s24] =	ssyncadd.s32 $0xFFFFC000  }
0xac: {  	[tilespmem:s20], [sflag:$0x2] =	stream.indirect.gather [hbm4b:s4+s19], $0x80, s31, s19, $0xb8;
	[tilespmem:$0x1E000] =	vst v63  }
0xad: {  	_ =	swait.ge [sflag:s21], $0x4000  }
0xae: {  	[sflag:s21] =	ssyncset.done $0x0  }
0xaf: {  	[sflag:s21] =	ssyncadd.s32 $0xFFFFC000  }
0xb0: {  	[spmem:s1] =	stream.indirect.scatter.add.f32 [tilespmem:s16], [sflag:$0x3], $0x80, s25, s19, $0xb8;
	[tilespmem:$0x1E000] =	vst v63  }
0xb1: {  	_ =	swait.ge [sflag:s22], $0x4000  }
0xb2: {  	[sflag:s22] =	ssyncset.done $0x0  }
0xb3: {  	s29 =	sadd.s32 $0x1, s29;
	[sflag:s22] =	ssyncadd.s32 $0xFFFFC000  }
0xb4: {  	[spmem:s1] =	stream.indirect.scatter.add.f32 [tilespmem:s20], [sflag:$0x4], $0x80, s26, s19, $0xb8;
	[tilespmem:$0x1E000] =	vst v63  }
0xb5: {  	p1 =	seq.s32 s29, $0x5;
	_ =	swait.ge [sflag:s23], $0x4000  }
.Ltmp8:
0xb6: {  	[sflag:s23] =	ssyncset.done $0x0;
	(pc) =	sbr.rel @!p1 .LBB2_4-.Ltmp8, $4  }
.Ltmp9:
0xb7: {  	[sflag:s23] =	ssyncadd.s32 $0xFFFFC000;
	(pc) =	sbr.rel @p1 .LBB2_10-.Ltmp9, $4  }
0xb8: {  	_ =	swait.ge [sflag:s24], $0x4000  }
0xb9: {  	[sflag:s24] =	ssyncset.done $0x0  }
0xba: {  	[sflag:s24] =	ssyncadd.s32 $0xFFFFC000  }
0xbb: {  	_ = 	snop  }
.LBB2_11:
0xbc: {  	_ =	sfence.sel $0x180000  }
0xbd: {  	[bflag:$0x0] =	sbarrier.arrive $0xFFFF  }
0xbe: {  	_ =	strace $0x9000004A  }
0xbf: {  	[bflag:$0x2] =	sbarrier.arrive $0xFFFF  }
0xc0: {  	p0 =	sne.s32 s2, $0x0;
	s0 =	rddreg [dreg:$0x2]  }
0xc1: {  	s0 =	sadd.s32 @!p0 $0x100000, s0  }
0xc2: {  	[sflag:s0] =	ssyncadd.tile.s32 @!p0 $0x1;
	_ =	shalt  }
.Lfunc_end2:
_tile_overlayer_lowered:
.L_overlay_start_2:
0xc3: {  	(tag) =	ssettag $0x2  }
0xc4: {  	s0 =	rddreg [dreg:$0x0];
	s2 =	stileid.u32  }
0xc5: {  	s1 =	rddreg [dreg:$0x1];
	p0 =	sne.s32 s2, $0x0  }
0xc6: {  	s3 =	rddreg [dreg:$0x2];
	[bflag:$0x3] =	sbarrier.arrive $0xFFFF;
	s2 =	simm.s32 @!p0 $0x1C05  }
0xc7: {  	[timem:s3], [sflag:s2] =	dma.local @!p0 [hbm:s0], s1  }
0xc8: {  	s0 =	simm.s32 @!p0 $0x5  }
0xc9: {  	_ =	swait.ge @!p0 [sflag:s0], s1  }
0xca: {  	s1 =	ssub.s32 @!p0 $0x0, s1;
	[sflag:s0] =	ssyncset.done @!p0 $0x0  }
0xcb: {  	[sflag:s0] =	ssyncadd.s32 @!p0 s1  }
0xcc: {  	[bflag:$0x3] =	sbarrier.arrive $0xFFFF  }
0xcd: {  	_ =	shalt  }

// kernel: kernel.14.cloned.1.call-start
scs
__scs_entry_jumppad:
0x0: {  	(pc) =	sbr.rel $0x88, $3  }
0x1: {  	(tag) =	ssettag $0x0;
	lr =	simm.s32 $0x1  }
0x2: {  	[smem:$0x3F8F] =	sst lr;
	_ =	strace $0xD0000000  }
0x3: {  	_ = 	snop  }
0x4: {  	_ = 	snop  }
0x5: {  	_ = 	snop  }
0x6: {  	_ = 	snop  }
0x7: {  	_ = 	snop  }
__scs_overlays_trampoline_lowered:
0x8: {  	[smem:$0x3F9E] =	sst s0  }
0x9: {  	[smem:$0x3F9F] =	sst s1  }
0xa: {  	[smem:$0x3FA0] =	sst s2  }
0xb: {  	[smem:$0x3FA1] =	sst s3  }
0xc: {  	[smem:$0x3FA2] =	sst s4  }
0xd: {  	[smem:$0x3FA3] =	sst s5  }
0xe: {  	[smem:$0x3FA4] =	sst s6  }
0xf: {  	[smem:$0x3FA5] =	sst s7  }
0x10: {  	[smem:$0x3FA6] =	sst s8  }
0x11: {  	[smem:$0x3FA7] =	sst s9;
	s0 =	simm.s32 @!p0 $0x0  }
0x12: {  	s1 =	sld [smem:$0x3F8D];
	s0 =	simm.s32 @p0 $0x1  }
0x13: {  	[smem:$0x3FA8] =	sst s0;
	s0 =	simm.s32 @!p1 $0x0  }
0x14: {  	s2 =	sld [smem:$0x3F8C];
	s0 =	simm.s32 @p1 $0x1  }
0x15: {  	[smem:$0x3FA9] =	sst s0;
	s0 =	simm.s32 @!p2 $0x0  }
0x16: {  	s3 =	sld [smem:$0x3FDB];
	s0 =	simm.s32 @p2 $0x1  }
0x17: {  	s4 =	simm.s32 $0x1BF5;
	[smem:$0x3FAB] =	sst s0  }
0x18: {  	s0 =	sld [smem:$0x3F8E];
	_ =	swait.ge [sflag:s4], $0x0  }
0x19: {  	s7 =	sld [smem:$0x3F8F]  }
0x1a: {  	s8 =	sadd.s32 $0xFFFFE003, lr  }
0x1b: {  	s9 =	sadd.s32 $0xFFFFFEF7, lr;
	s5 =	simm.s32 $0xFFFFFFFF;
	p2 =	slt.u32 s8, $0xFFFFF086  }
0x1c: {  	p1 =	slt.u32 s9, $0xF7A;
	s5 =	simm.s32 @!p2 $0x0  }
0x1d: {  	s5 =	simm.s32 @p1 $0x1;
	p0 =	seq.s32 s7, s2  }
0x1e: {  	s7 =	smul.u32 @!p0 $0xF7A, s2;
	p2 =	seq.s32 @!p0 s5, $0x0  }
0x1f: {  	s9 =	smul.u32 $0xF7A, s1;
	s8 =	simm.s32 @!p0 $0x1BF5;
	p2 =	por !p2, p0  }
0x20: {  	[sflag:s8] =	ssyncset.s32 @!p0 $0xFFFFF086;
	s6 =	sadd.s32 @!p0 s3, s7;
	s7 =	simm.s32 @!p0 $0x108  }
0x21: {  	s3 =	sadd.s32 s3, s9;
	s6 =	sadd.s32 @!p0 $0x88, s6;
	s7 =	simm.s32 @p2 $0x1082  }
0x22: {  	[simem:s7], [sflag:s8] =	dma.local @!p0 [hbm:s6], $0xF7A  }
0x23: {  	s9 =	sor.u32 $0xD0000000, s2;
	s6 =	simm.s32 $0x108;
	_ =	swait.ge @!p0 [sflag:s8], $0x0  }
0x24: {  	s3 =	sadd.s32 $0x88, s3;
	s6 =	simm.s32 @!p1 $0x1082;
	[sflag:s4] =	ssyncset.s32 $0xFFFFF086  }
0x25: {  	[simem:s6], [sflag:s4] =	dma.local [hbm:s3], $0xF7A  }
0x26: {  	[smem:$0x3F8F] =	sst s1;
	(tag) =	ssettag s2;
	_ =	strace s9  }
0x27: {  	s1 =	sld [smem:$0x3F9F]  }
0x28: {  	s2 =	sld [smem:$0x3FA0]  }
0x29: {  	s4 =	sld [smem:$0x3FA2]  }
0x2a: {  	p0 =	seq.s32 s5, $0x0;
	s5 =	sld [smem:$0x3FA3]  }
0x2b: {  	s6 =	sld [smem:$0x3FA4]  }
0x2c: {  	s7 =	sld [smem:$0x3FA5]  }
0x2d: {  	s3 =	simm.s32 $0x108;
	s8 =	sld [smem:$0x3FA6]  }
0x2e: {  	s3 =	simm.s32 @!p0 $0x1082;
	s9 =	sld [smem:$0x3FA7]  }
0x2f: {  	lr =	sadd.s32 s0, s3;
	s0 =	sld [smem:$0x3F9E]  }
0x30: {  	s3 =	sld [smem:$0x3FA1]  }
0x31: {  	[smem:$0x3FAA] =	sst s10  }
0x32: {  	s10 =	sld [smem:$0x3FA8];
	_ =	sdelay $0x3  }
0x33: {  	p0 =	seq.s32 s10, $0x1;
	s10 =	sld [smem:$0x3FAA];
	_ =	sdelay $0x3  }
0x34: {  	[smem:$0x3FAA] =	sst s10  }
0x35: {  	s10 =	sld [smem:$0x3FA9];
	_ =	sdelay $0x3  }
0x36: {  	p1 =	seq.s32 s10, $0x1;
	s10 =	sld [smem:$0x3FAA];
	_ =	sdelay $0x3  }
0x37: {  	[smem:$0x3FAA] =	sst s10  }
0x38: {  	s10 =	sld [smem:$0x3FAB]  }
0x39: {  	_ = 	snop;
	(pc) =	sbr.ind lr, $3  }
0x3a: {  	_ = 	snop  }
0x3b: {  	_ = 	snop  }
0x3c: {  	p2 =	seq.s32 s10, $0x1;
	s10 =	sld [smem:$0x3FAA]  }
0x3d: {  	_ =	shalt  }
0x3e: {  	_ =	shalt  }
0x3f: {  	_ =	shalt  }
0x40: {  	_ =	shalt  }
0x41: {  	_ =	shalt  }
0x42: {  	_ =	shalt  }
0x43: {  	_ =	shalt  }
0x44: {  	_ =	shalt  }
0x45: {  	_ =	shalt  }
0x46: {  	_ =	shalt  }
0x47: {  	_ =	shalt  }
0x48: {  	_ =	shalt  }
0x49: {  	_ =	shalt  }
0x4a: {  	_ =	shalt  }
0x4b: {  	_ =	shalt  }
0x4c: {  	_ =	shalt  }
0x4d: {  	_ =	shalt  }
0x4e: {  	_ =	shalt  }
0x4f: {  	_ =	shalt  }
0x50: {  	_ =	shalt  }
0x51: {  	_ =	shalt  }
0x52: {  	_ =	shalt  }
0x53: {  	_ =	shalt  }
0x54: {  	_ =	shalt  }
0x55: {  	_ =	shalt  }
0x56: {  	_ =	shalt  }
0x57: {  	_ =	shalt  }
0x58: {  	_ =	shalt  }
0x59: {  	_ =	shalt  }
0x5a: {  	_ =	shalt  }
0x5b: {  	_ =	shalt  }
0x5c: {  	_ =	shalt  }
0x5d: {  	_ =	shalt  }
0x5e: {  	_ =	shalt  }
0x5f: {  	_ =	shalt  }
0x60: {  	_ =	shalt  }
0x61: {  	_ =	shalt  }
0x62: {  	_ =	shalt  }
0x63: {  	_ =	shalt  }
0x64: {  	_ =	shalt  }
0x65: {  	_ =	shalt  }
0x66: {  	_ =	shalt  }
0x67: {  	_ =	shalt  }
0x68: {  	_ =	shalt  }
0x69: {  	_ =	shalt  }
0x6a: {  	_ =	shalt  }
0x6b: {  	_ =	shalt  }
0x6c: {  	_ =	shalt  }
0x6d: {  	_ =	shalt  }
0x6e: {  	_ =	shalt  }
0x6f: {  	_ =	shalt  }
0x70: {  	_ =	shalt  }
0x71: {  	_ =	shalt  }
0x72: {  	_ =	shalt  }
0x73: {  	_ =	shalt  }
0x74: {  	_ =	shalt  }
0x75: {  	_ =	shalt  }
0x76: {  	_ =	shalt  }
0x77: {  	_ =	shalt  }
0x78: {  	_ =	shalt  }
0x79: {  	_ =	shalt  }
0x7a: {  	_ =	shalt  }
0x7b: {  	_ =	shalt  }
0x7c: {  	_ =	shalt  }
0x7d: {  	_ =	shalt  }
0x7e: {  	_ =	shalt  }
0x7f: {  	_ =	shalt  }
0x80: {  	_ =	shalt  }
0x81: {  	_ =	shalt  }
0x82: {  	_ =	shalt  }
0x83: {  	_ =	shalt  }
0x84: {  	_ =	shalt  }
0x85: {  	_ =	shalt  }
0x86: {  	_ =	shalt  }
0x87: {  	_ =	shalt  }
.Lfunc_end0:
.L_simem_size_0:
called_computation.2_lowered:
.L_overlay_start_0:
0x88: {  	s2 =	sld [smem:$0x3FD9]  }
0x89: {  	s3 =	sld [smem:$0x3FFE];
	_ =	sdelay $0x1  }
0x8a: {  	s1 =	srdreg.scid  }
0x8b: {  	s0 =	sand.u32 $0x1, s1  }
0x8c: {  	s16 =	sshll.u32 s0, $0xA;
	s2 =	sadd.s32 s3, s2  }
0x8d: {  	s2 =	sadd.s32 s2, s16  }
0x8e: {  	[smem:$0x3FB6] =	sst s2  }
0x8f: {  	_ = 	snop  }
0x90: {  	(tm) =	ssettm $0x1  }
0x91: {  	s17 =	sld [smem:$0x3FFB];
	_ =	sdelay $0x3  }
0x92: {  	_ =	strace s17  }
0x93: {  	s2 =	sld [smem:$0x3FFC];
	_ =	sdelay $0x3  }
0x94: {  	_ =	strace s2  }
0x95: {  	s2 =	sld [smem:$0x3FFD];
	_ =	sdelay $0x3  }
0x96: {  	_ =	strace s2  }
0x97: {  	_ =	strace $0x8FFFFFFF  }
0x98: {  	s18 =	sld [smem:$0x3FDB];
	_ =	sdelay $0x1  }
0x99: {  	s19 =	simm.s32 $_scs_section_size  }
0x9a: {  	s4 =	simm.s32 $_size__tile_overlayer_lowered;
	s5 =	simm.s32 $_tile_overlayer_lowered  }
0x9b: {  	s22 =	simm.s32 $0x1BFF;
	s21 =	sshll.u32 s5, $0x1;
	s2 =	sadd.s32 s19, s18  }
0x9c: {  	s6 =	simm.s32 $0x0;
	s20 =	sshll.u32 s4, $0x1;
	s4 =	sadd.s32 s21, s2  }
0x9d: {  	[timem:s6], [sflag:s22] =	dma.local [hbm:s4], s20  }
0x9e: {  	_ =	swait.ge [sflag:s22], s20  }
0x9f: {  	s3 =	ssub.s32 $0x0, s20;
	[sflag:s22] =	ssyncset.done $0x0  }
0xa0: {  	[sflag:s22] =	ssyncadd.s32 s3;
	_ =	sdelay $0x1  }
0xa1: {  	s23 =	simm.s32 $0x1B8B  }
0xa2: {  	_ =	swait.ge [sflag:s23], $0x1  }
0xa3: {  	[sflag:s23] =	ssyncset.done $0x0  }
0xa4: {  	s25 =	simm.s32 $0x1B8E;
	s24 =	sld [smem:$0x3FFE];
	[sflag:s23] =	ssyncadd.s32 $0xFFFFFFFF  }
0xa5: {  	s26 =	simm.s32 $execute0_lowered;
	[smem:$0x3FD2] =	sst s25  }
0xa6: {  	s4 =	sshll.u32 s26, $0x1;
	_ =	strace $0x8000004C;
	[dreg:$0x1] =	wrdreg $0xFFFFFFFF  }
0xa7: {  	s28 =	simm.s32 $_size_execute0_lowered;
	s2 =	sadd.s32 s2, s4;
	[dreg:$0x0] =	wrdreg $0x0  }
0xa8: {  	s4 =	sshll.u32 s28, $0x1;
	[dreg:$0x2] =	wrdreg s2  }
0xa9: {  	[dreg:$0x3] =	wrdreg s4  }
0xaa: {  	[dreg:$0x4] =	wrdreg $0xC0  }
0xab: {  	_ =	task [dreg:s6], $0x5FFFF  }
0xac: {  	[dreg:$0x1] =	wrdreg $0xFFFFFFFF  }
0xad: {  	[dreg:$0x0] =	wrdreg $0x60  }
0xae: {  	[dreg:$0x2] =	wrdreg s24  }
0xaf: {  	[dreg:$0x3] =	wrdreg $0x90000  }
0xb0: {  	[dreg:$0x4] =	wrdreg $0x9  }
0xb1: {  	_ =	task.clear_ibuf [dreg:s6], $0x5FFFF;
	_ =	strace $0x9000004C  }
0xb2: {  	s29 =	simm.s32 $0x9;
	_ =	strace $0x8000004E  }
0xb3: {  	_ =	swait.ge [sflag:s29], $0x1  }
0xb4: {  	[sflag:s29] =	ssyncadd.s32 $0xFFFFFFFF  }
0xb5: {  	_ =	strace $0x9000004E  }
0xb6: {  	_ =	sfence  }
0xb7: {  	s30 =	sld [smem:$0x0];
	_ =	sdelay $0x2  }
0xb8: {  	s31 =	sshll.u32 s1, $0xD;
	s1 =	sshrl.u32 s1, $0x2  }
0xb9: {  	s3 =	sand.u32 $0x4000, s31;
	s1 =	sadd.s32 s1, s30  }
0xba: {  	s0 =	sor.u32 s3, s0;
	s1 =	sshll.u32 s1, $0x11  }
0xbb: {  	s0 =	sor.u32 s1, s0  }
0xbc: {  	s0 =	sadd.s32 $0x8F2B, s0  }
0xbd: {  	[sflag:s0] =	ssyncadd.remote.s32 $0x1  }
0xbe: {  	_ =	sfence.sel $0xFFFF  }
0xbf: {  	[dreg:$0x0] =	wrdreg $0xFFFFFFFF;
	(pc) =	sbr.abs _section_cstart, $3  }
0xc0: {  	[dreg:$0x1] =	wrdreg $0xFFFFFFFF  }
0xc1: {  	_ =	task.clear_ibuf [dreg:s6], $0x2FFFF;
	_ =	strace $0x9FFFFFFF  }
0xc2: {  	(tm) =	ssettm $0x7FFFFFFF  }
0xc3: {  	_ =	shalt  }
tec
execute0_lowered:
.L_overlay_start_1:
0x0: {  	(tag) =	ssettag $0x1  }
0x1: {  	s0 =	rddreg [dreg:$0x0]  }
0x2: {  	s8 =	stileid.u32;
	s1 =	srdreg.scid  }
0x3: {  	s2 =	rddreg [dreg:$0x1];
	s3 =	simm.s32 $0x0;
	s12 =	simm.s32 $0x1000  }
0x4: {  	s13 =	simm.s32 $0x5;
	s14 =	simm.s32 $0x800;
	s15 =	simm.s32 $0x80  }
0x5: {  	s16 =	simm.s32 $0x5000;
	s10 =	simm.s32 $0xC80;
	s11 =	simm.s32 $0x500  }
0x6: {  	s28 =	simm.s32 $0x700;
	s29 =	simm.s32 $0x780;
	s5 =	smul.u32 $0xA00, s8  }
0x7: {  	s30 =	simm.s32 $0xF00;
	s31 =	simm.s32 $0xF80;
	s7 =	smul.u32 $0x14000, s8  }
0x8: {  	s1 =	sand.u32 $0x1, s1;
	[smem:$0x7FF] =	sst s3;
	s8 =	smul.u32 $0x50000, s8  }
0x9: {  	s4 =	sadd.s32 $0x2200, s0;
	s6 =	smul.u32 $0x140000, s1;
	_ =	strace $0x8000004D  }
0xa: {  	s17 =	ssub.s32 $0x2, s1;
	p0 =	seq.s32 s1, $0x1;
	s5 =	sadd.s32 s5, s0  }
0xb: {  	s9 =	sshrl.u32 s17, $0x1;
	s8 =	sshrl.u32 s8, $0x2;
	s6 =	sadd.s32 s7, s6  }
0xc: {  	s18 =	ssub.s32 s17, s9;
	s8 =	sadd.s32 s8, s2;
	s21 =	sadd.s32 $0x34200, s5  }
0xd: {  	s23 =	sadd.s32 $0x2A200, s5;
	s24 =	sadd.s32 $0x34700, s5;
	[dreg:$0x3] =	wrdreg s21  }
0xe: {  	s25 =	sadd.s32 $0x2A700, s5;
	s17 =	simm.s32 $0x1;
	[dreg:$0x7] =	wrdreg s8  }
0xf: {  	s7 =	simm.s32 $0x400;
	s9 =	simm.s32 $0xC00;
	[dreg:$0x4] =	wrdreg s23  }
0x10: {  	s5 =	simm.s32 $0x580;
	s6 =	sshrl.u32 s6, $0x3;
	[dreg:$0x5] =	wrdreg s24  }
0x11: {  	s19 =	sadd.s32 $0x4000, s8;
	s20 =	sadd.s32 $0x8000, s8;
	[dreg:$0x6] =	wrdreg s25  }
0x12: {  	s22 =	sadd.s32 $0xC000, s8;
	s8 =	sadd.s32 $0x10000, s8;
	[dreg:$0x8] =	wrdreg s19  }
0x13: {  	s26 =	smax.u32 s18, $0x1;
	s18 =	simm.s32 $0x2;
	[dreg:$0x9] =	wrdreg s20  }
0x14: {  	s21 =	simm.s32 $0xD80;
	s23 =	simm.s32 $0x600;
	[dreg:$0xa] =	wrdreg s22  }
.Ltmp0:
0x15: {  	s24 =	simm.s32 $0x680;
	[dreg:$0xb] =	wrdreg s8;
	(pc) =	sbr.rel .LBB2_1-.Ltmp0, $4  }
0x16: {  	s25 =	simm.s32 $0xE00;
	s0 =	sadd.s32 s6, s0;
	[dreg:$0xd] =	wrdreg s26  }
0x17: {  	s6 =	simm.s32 $0x880;
	s20 =	simm.s32 $0x3;
	s22 =	simm.s32 $0x4  }
0x18: {  	s8 =	simm.s32 $0x480;
	s19 =	simm.s32 $0xD00;
	s0 =	sadd.s32 $0x3E200, s0  }
0x19: {  	v0 =	vimm.f32 $0.0e+00;
	s26 =	simm.s32 $0xE80;
	[dreg:$0xc] =	wrdreg s0;
	s0 =	simm.s32 $0x0  }
.LBB2_6:
0x1a: {  	[sflag:s22] =	ssyncadd.s32 $0xFFFFC000  }
.LBB2_10:
0x1b: {  	s0 =	stileid.u32;
	[bflag:$0x0] =	sbarrier.arrive $0xFFFF  }
0x1c: {  	s0 =	sshll.u32 s0, $0x6;
	s1 =	rddreg [dreg:$0x7]  }
0x1d: {  	s6 =	rddreg [dreg:$0xc];
	s0 =	sor.u32 $0x1C05, s0;
	s1 =	sshrl.u32 s1, $0x3  }
0x1e: {  	[hbm:s6], [sflag:s0] =	dma.local [spmem:s1], $0x2800  }
0x1f: {  	_ =	swait.ge [sflag:s13], $0x2800  }
0x20: {  	s0 =	rddreg [dreg:$0xe]  }
0x21: {  	s6 =	rddreg [dreg:$0xd];
	s1 =	sadd.s32 $0x1, s0  }
0x22: {  	p1 =	sne.s32 s1, s6  }
.Ltmp1:
0x23: {  	_ = 	snop;
	(pc) =	sbr.rel @!p1 .LBB2_11-.Ltmp1, $3  }
0x24: {  	_ =	sdelay $0x1  }
0x25: {  	[sflag:s13] =	ssyncset.done $0x0  }
0x26: {  	[sflag:s13] =	ssyncadd.s32 $0xFFFFD800;
	s6 =	simm.s32 $0x880;
	s0 =	smov.u32 s1  }
.LBB2_1:
0x27: {  	[dreg:$0xe] =	wrdreg s0;
	s1 =	simm.s32 $0x0;
	s0 =	simm.s32 $0x200  }
.LBB2_2:
0x28: {  	p1 =	sne.s32 s0, $0xFE00;
	[tilespmem:s1+$0x1070] =	vst v0  }
0x29: {  	[tilespmem:s1+$0x1000] =	vst v0  }
0x2a: {  	[tilespmem:s1+$0x1010] =	vst v0  }
.Ltmp2:
0x2b: {  	[tilespmem:s1+$0x1020] =	vst v0;
	(pc) =	sbr.rel @p1 .LBB2_2-.Ltmp2, $4  }
0x2c: {  	[tilespmem:s1+$0x1030] =	vst v0  }
0x2d: {  	[tilespmem:s1+$0x1040] =	vst v0  }
0x2e: {  	[tilespmem:s1+$0x1050] =	vst v0  }
0x2f: {  	[tilespmem:s1+$0x1060] =	vst v0;
	s1 =	sshra.s32 s0, $0x2;
	s0 =	sadd.s32 $0x200, s0  }
0x30: {  	[tilespmem:s1+$0x1070] =	vst v0  }
0x31: {  	[tilespmem:s1+$0x1000] =	vst v0  }
0x32: {  	[tilespmem:s1+$0x1010] =	vst v0  }
0x33: {  	[tilespmem:s1+$0x1020] =	vst v0  }
0x34: {  	[tilespmem:s1+$0x1030] =	vst v0  }
0x35: {  	[tilespmem:s1+$0x1040] =	vst v0  }
0x36: {  	[tilespmem:s1+$0x1050] =	vst v0  }
0x37: {  	[tilespmem:s1+$0x1060] =	vst v0;
	s0 =	rddreg [dreg:$0x7]  }
0x38: {  	[spmem:s0] =	stream.linear.scatter [tilespmem:s12], [sflag:$0x5], $0x4000, $0x38;
	[tilespmem:$0x1D000] =	vst v63  }
0x39: {  	_ =	swait.ge [sflag:s13], $0x4000  }
0x3a: {  	[sflag:s13] =	ssyncset.done $0x0  }
0x3b: {  	s1 =	rddreg [dreg:$0x8];
	[sflag:s13] =	ssyncadd.s32 $0xFFFFC000  }
0x3c: {  	[spmem:s1] =	stream.linear.scatter [tilespmem:s12], [sflag:$0x5], $0x4000, $0x38;
	[tilespmem:$0x1D000] =	vst v63  }
0x3d: {  	_ =	swait.ge [sflag:s13], $0x4000  }
0x3e: {  	[sflag:s13] =	ssyncset.done $0x0  }
0x3f: {  	s1 =	rddreg [dreg:$0x9];
	[sflag:s13] =	ssyncadd.s32 $0xFFFFC000  }
0x40: {  	[spmem:s1] =	stream.linear.scatter [tilespmem:s12], [sflag:$0x5], $0x4000, $0x38;
	[tilespmem:$0x1D000] =	vst v63  }
0x41: {  	_ =	swait.ge [sflag:s13], $0x4000  }
0x42: {  	[sflag:s13] =	ssyncset.done $0x0  }
0x43: {  	s1 =	rddreg [dreg:$0xa];
	[sflag:s13] =	ssyncadd.s32 $0xFFFFC000  }
0x44: {  	[spmem:s1] =	stream.linear.scatter [tilespmem:s12], [sflag:$0x5], $0x4000, $0x38;
	[tilespmem:$0x1D000] =	vst v63  }
0x45: {  	_ =	swait.ge [sflag:s13], $0x4000  }
0x46: {  	[sflag:s13] =	ssyncset.done $0x0  }
0x47: {  	s1 =	rddreg [dreg:$0xb];
	[sflag:s13] =	ssyncadd.s32 $0xFFFFC000  }
0x48: {  	[spmem:s1] =	stream.linear.scatter [tilespmem:s12], [sflag:$0x5], $0x4000, $0x38;
	[tilespmem:$0x1D000] =	vst v63  }
.Ltmp3:
0x49: {  	_ =	swait.ge [sflag:s13], $0x4000;
	(pc) =	sbr.rel @!p0 .LBB2_4-.Ltmp3, $3  }
0x4a: {  	[sflag:s13] =	ssyncset.done $0x0  }
0x4b: {  	[sflag:s13] =	ssyncadd.s32 $0xFFFFC000  }
0x4c: {  	[bflag:$0x0] =	sbarrier.arrive $0xFFFF;
	_ =	sdelay $0x1  }
0x4d: {  	s0 =	rddreg [dreg:$0x6]  }
0x4e: {  	s0 =	sadd.s32 $0x0, s0  }
0x4f: {  	[tilespmem:s3], [sflag:$0x5] =	stream.linear.gather [hbm4b:s0+s3], $0x800, $0x38;
	[tilespmem:$0x1D000] =	vst v63  }
0x50: {  	_ =	swait.ge [sflag:s13], $0x800  }
0x51: {  	s1 =	rddreg [dreg:$0x5];
	[sflag:s13] =	ssyncset.done $0x0  }
0x52: {  	[sflag:s13] =	ssyncadd.s32 $0xFFFFF800;
	s0 =	sadd.s32 $0x0, s1  }
0x53: {  	[tilespmem:s14], [sflag:$0x5] =	stream.linear.gather [hbm4b:s0+s3], $0x800, $0x38;
	[tilespmem:$0x1D000] =	vst v63  }
0x54: {  	_ =	swait.ge [sflag:s13], $0x800  }
0x55: {  	[sflag:s13] =	ssyncset.done $0x0  }
0x56: {  	[sflag:s13] =	ssyncadd.s32 $0xFFFFF800  }
0x57: {  	[tilespmem:s12], [sflag:$0x1] =	stream.indirect.gather [hbm4b:s4+s15], $0x80, s3, s15, $0xb8;
	[tilespmem:$0x1D000] =	vst v63  }
0x58: {  	_ = 	snop  }
0x59: {  	[tilespmem:s16], [sflag:$0x2] =	stream.indirect.gather [hbm4b:s4+s15], $0x80, s15, s15, $0xb8;
	[tilespmem:$0x1D000] =	vst v63  }
0x5a: {  	_ =	swait.ge [sflag:s17], $0x4000  }
0x5b: {  	[sflag:s17] =	ssyncset.done $0x0  }
0x5c: {  	[sflag:s17] =	ssyncadd.s32 $0xFFFFC000  }
0x5d: {  	[spmem:s2] =	stream.indirect.scatter.add.f32 [tilespmem:s12], [sflag:$0x3], $0x80, s14, s15, $0xb8;
	[tilespmem:$0x1D000] =	vst v63  }
0x5e: {  	_ =	swait.ge [sflag:s18], $0x4000  }
0x5f: {  	[sflag:s18] =	ssyncset.done $0x0  }
0x60: {  	[sflag:s18] =	ssyncadd.s32 $0xFFFFC000  }
0x61: {  	[spmem:s2] =	stream.indirect.scatter.add.f32 [tilespmem:s16], [sflag:$0x4], $0x80, s6, s15, $0xb8;
	[tilespmem:$0x1D000] =	vst v63  }
0x62: {  	_ =	swait.ge [sflag:s20], $0x4000  }
0x63: {  	[sflag:s20] =	ssyncset.done $0x0  }
0x64: {  	s1 =	simm.s32 $0x100;
	[sflag:s20] =	ssyncadd.s32 $0xFFFFC000  }
0x65: {  	[tilespmem:s12], [sflag:$0x1] =	stream.indirect.gather [hbm4b:s4+s15], $0x80, s1, s15, $0xb8;
	[tilespmem:$0x1D000] =	vst v63  }
0x66: {  	_ =	swait.ge [sflag:s22], $0x4000  }
0x67: {  	[sflag:s22] =	ssyncset.done $0x0  }
0x68: {  	s6 =	simm.s32 $0x180;
	[sflag:s22] =	ssyncadd.s32 $0xFFFFC000  }
0x69: {  	[tilespmem:s16], [sflag:$0x2] =	stream.indirect.gather [hbm4b:s4+s15], $0x80, s6, s15, $0xb8;
	[tilespmem:$0x1D000] =	vst v63  }
0x6a: {  	_ =	swait.ge [sflag:s17], $0x4000  }
0x6b: {  	[sflag:s17] =	ssyncset.done $0x0  }
0x6c: {  	s1 =	simm.s32 $0x900;
	[sflag:s17] =	ssyncadd.s32 $0xFFFFC000  }
0x6d: {  	[spmem:s2] =	stream.indirect.scatter.add.f32 [tilespmem:s12], [sflag:$0x3], $0x80, s1, s15, $0xb8;
	[tilespmem:$0x1D000] =	vst v63  }
0x6e: {  	_ =	swait.ge [sflag:s18], $0x4000  }
0x6f: {  	[sflag:s18] =	ssyncset.done $0x0  }
0x70: {  	s6 =	simm.s32 $0x980;
	[sflag:s18] =	ssyncadd.s32 $0xFFFFC000  }
0x71: {  	[spmem:s2] =	stream.indirect.scatter.add.f32 [tilespmem:s16], [sflag:$0x4], $0x80, s6, s15, $0xb8;
	[tilespmem:$0x1D000] =	vst v63  }
0x72: {  	_ =	swait.ge [sflag:s20], $0x4000  }
0x73: {  	[sflag:s20] =	ssyncset.done $0x0  }
0x74: {  	s1 =	simm.s32 $0x200;
	[sflag:s20] =	ssyncadd.s32 $0xFFFFC000  }
0x75: {  	[tilespmem:s12], [sflag:$0x1] =	stream.indirect.gather [hbm4b:s4+s15], $0x80, s1, s15, $0xb8;
	[tilespmem:$0x1D000] =	vst v63  }
0x76: {  	_ =	swait.ge [sflag:s22], $0x4000  }
0x77: {  	[sflag:s22] =	ssyncset.done $0x0  }
0x78: {  	s6 =	simm.s32 $0x280;
	[sflag:s22] =	ssyncadd.s32 $0xFFFFC000  }
0x79: {  	[tilespmem:s16], [sflag:$0x2] =	stream.indirect.gather [hbm4b:s4+s15], $0x80, s6, s15, $0xb8;
	[tilespmem:$0x1D000] =	vst v63  }
0x7a: {  	_ =	swait.ge [sflag:s17], $0x4000  }
0x7b: {  	[sflag:s17] =	ssyncset.done $0x0  }
0x7c: {  	s1 =	simm.s32 $0xA00;
	[sflag:s17] =	ssyncadd.s32 $0xFFFFC000  }
0x7d: {  	[spmem:s2] =	stream.indirect.scatter.add.f32 [tilespmem:s12], [sflag:$0x3], $0x80, s1, s15, $0xb8;
	[tilespmem:$0x1D000] =	vst v63  }
0x7e: {  	_ =	swait.ge [sflag:s18], $0x4000  }
0x7f: {  	[sflag:s18] =	ssyncset.done $0x0  }
0x80: {  	s6 =	simm.s32 $0xA80;
	[sflag:s18] =	ssyncadd.s32 $0xFFFFC000  }
0x81: {  	[spmem:s2] =	stream.indirect.scatter.add.f32 [tilespmem:s16], [sflag:$0x4], $0x80, s6, s15, $0xb8;
	[tilespmem:$0x1D000] =	vst v63  }
0x82: {  	_ =	swait.ge [sflag:s20], $0x4000  }
0x83: {  	[sflag:s20] =	ssyncset.done $0x0  }
0x84: {  	s1 =	simm.s32 $0x300;
	[sflag:s20] =	ssyncadd.s32 $0xFFFFC000  }
0x85: {  	[tilespmem:s12], [sflag:$0x1] =	stream.indirect.gather [hbm4b:s4+s15], $0x80, s1, s15, $0xb8;
	[tilespmem:$0x1D000] =	vst v63  }
0x86: {  	_ =	swait.ge [sflag:s22], $0x4000  }
0x87: {  	[sflag:s22] =	ssyncset.done $0x0  }
0x88: {  	s6 =	simm.s32 $0x380;
	[sflag:s22] =	ssyncadd.s32 $0xFFFFC000  }
0x89: {  	[tilespmem:s16], [sflag:$0x2] =	stream.indirect.gather [hbm4b:s4+s15], $0x80, s6, s15, $0xb8;
	[tilespmem:$0x1D000] =	vst v63  }
0x8a: {  	_ =	swait.ge [sflag:s17], $0x4000  }
0x8b: {  	[sflag:s17] =	ssyncset.done $0x0  }
0x8c: {  	s1 =	simm.s32 $0xB00;
	[sflag:s17] =	ssyncadd.s32 $0xFFFFC000  }
0x8d: {  	[spmem:s2] =	stream.indirect.scatter.add.f32 [tilespmem:s12], [sflag:$0x3], $0x80, s1, s15, $0xb8;
	[tilespmem:$0x1D000] =	vst v63  }
0x8e: {  	_ =	swait.ge [sflag:s18], $0x4000  }
0x8f: {  	[sflag:s18] =	ssyncset.done $0x0  }
0x90: {  	s6 =	simm.s32 $0xB80;
	[sflag:s18] =	ssyncadd.s32 $0xFFFFC000  }
0x91: {  	[spmem:s2] =	stream.indirect.scatter.add.f32 [tilespmem:s16], [sflag:$0x4], $0x80, s6, s15, $0xb8;
	[tilespmem:$0x1D000] =	vst v63  }
0x92: {  	_ =	swait.ge [sflag:s20], $0x4000  }
0x93: {  	[sflag:s20] =	ssyncset.done $0x0  }
0x94: {  	[sflag:s20] =	ssyncadd.s32 $0xFFFFC000  }
0x95: {  	[tilespmem:s12], [sflag:$0x1] =	stream.indirect.gather [hbm4b:s4+s15], $0x80, s7, s15, $0xb8;
	[tilespmem:$0x1D000] =	vst v63  }
0x96: {  	_ =	swait.ge [sflag:s22], $0x4000  }
0x97: {  	[sflag:s22] =	ssyncset.done $0x0  }
0x98: {  	[sflag:s22] =	ssyncadd.s32 $0xFFFFC000  }
0x99: {  	[tilespmem:s16], [sflag:$0x2] =	stream.indirect.gather [hbm4b:s4+s15], $0x80, s8, s15, $0xb8;
	[tilespmem:$0x1D000] =	vst v63  }
0x9a: {  	_ =	swait.ge [sflag:s17], $0x4000  }
0x9b: {  	[sflag:s17] =	ssyncset.done $0x0  }
0x9c: {  	[sflag:s17] =	ssyncadd.s32 $0xFFFFC000  }
0x9d: {  	[spmem:s2] =	stream.indirect.scatter.add.f32 [tilespmem:s12], [sflag:$0x3], $0x80, s9, s15, $0xb8;
	[tilespmem:$0x1D000] =	vst v63  }
0x9e: {  	_ =	swait.ge [sflag:s18], $0x4000  }
0x9f: {  	[sflag:s18] =	ssyncset.done $0x0  }
0xa0: {  	[sflag:s18] =	ssyncadd.s32 $0xFFFFC000  }
0xa1: {  	[spmem:s2] =	stream.indirect.scatter.add.f32 [tilespmem:s16], [sflag:$0x4], $0x80, s10, s15, $0xb8;
	[tilespmem:$0x1D000] =	vst v63  }
0xa2: {  	_ =	swait.ge [sflag:s20], $0x4000  }
0xa3: {  	[sflag:s20] =	ssyncset.done $0x0  }
0xa4: {  	[sflag:s20] =	ssyncadd.s32 $0xFFFFC000  }
0xa5: {  	[tilespmem:s12], [sflag:$0x1] =	stream.indirect.gather [hbm4b:s4+s15], $0x80, s11, s15, $0xb8;
	[tilespmem:$0x1D000] =	vst v63  }
0xa6: {  	_ =	swait.ge [sflag:s22], $0x4000  }
0xa7: {  	[sflag:s22] =	ssyncset.done $0x0  }
0xa8: {  	[sflag:s22] =	ssyncadd.s32 $0xFFFFC000  }
0xa9: {  	[tilespmem:s16], [sflag:$0x2] =	stream.indirect.gather [hbm4b:s4+s15], $0x80, s5, s15, $0xb8;
	[tilespmem:$0x1D000] =	vst v63  }
0xaa: {  	_ =	swait.ge [sflag:s17], $0x4000  }
0xab: {  	[sflag:s17] =	ssyncset.done $0x0  }
0xac: {  	[sflag:s17] =	ssyncadd.s32 $0xFFFFC000  }
0xad: {  	[spmem:s2] =	stream.indirect.scatter.add.f32 [tilespmem:s12], [sflag:$0x3], $0x80, s19, s15, $0xb8;
	[tilespmem:$0x1D000] =	vst v63  }
0xae: {  	_ =	swait.ge [sflag:s18], $0x4000  }
0xaf: {  	[sflag:s18] =	ssyncset.done $0x0  }
0xb0: {  	[sflag:s18] =	ssyncadd.s32 $0xFFFFC000  }
0xb1: {  	[spmem:s2] =	stream.indirect.scatter.add.f32 [tilespmem:s16], [sflag:$0x4], $0x80, s21, s15, $0xb8;
	[tilespmem:$0x1D000] =	vst v63  }
0xb2: {  	_ =	swait.ge [sflag:s20], $0x4000  }
0xb3: {  	[sflag:s20] =	ssyncset.done $0x0  }
0xb4: {  	[sflag:s20] =	ssyncadd.s32 $0xFFFFC000  }
0xb5: {  	[tilespmem:s12], [sflag:$0x1] =	stream.indirect.gather [hbm4b:s4+s15], $0x80, s23, s15, $0xb8;
	[tilespmem:$0x1D000] =	vst v63  }
0xb6: {  	_ =	swait.ge [sflag:s22], $0x4000  }
0xb7: {  	[sflag:s22] =	ssyncset.done $0x0  }
0xb8: {  	[sflag:s22] =	ssyncadd.s32 $0xFFFFC000  }
0xb9: {  	[tilespmem:s16], [sflag:$0x2] =	stream.indirect.gather [hbm4b:s4+s15], $0x80, s24, s15, $0xb8;
	[tilespmem:$0x1D000] =	vst v63  }
0xba: {  	_ =	swait.ge [sflag:s17], $0x4000  }
0xbb: {  	[sflag:s17] =	ssyncset.done $0x0  }
0xbc: {  	[sflag:s17] =	ssyncadd.s32 $0xFFFFC000  }
0xbd: {  	[spmem:s2] =	stream.indirect.scatter.add.f32 [tilespmem:s12], [sflag:$0x3], $0x80, s25, s15, $0xb8;
	[tilespmem:$0x1D000] =	vst v63  }
0xbe: {  	_ =	swait.ge [sflag:s18], $0x4000  }
0xbf: {  	[sflag:s18] =	ssyncset.done $0x0  }
0xc0: {  	[sflag:s18] =	ssyncadd.s32 $0xFFFFC000  }
0xc1: {  	[spmem:s2] =	stream.indirect.scatter.add.f32 [tilespmem:s16], [sflag:$0x4], $0x80, s26, s15, $0xb8;
	[tilespmem:$0x1D000] =	vst v63  }
0xc2: {  	_ =	swait.ge [sflag:s20], $0x4000  }
0xc3: {  	[sflag:s20] =	ssyncset.done $0x0  }
0xc4: {  	[sflag:s20] =	ssyncadd.s32 $0xFFFFC000  }
0xc5: {  	[tilespmem:s12], [sflag:$0x1] =	stream.indirect.gather [hbm4b:s4+s15], $0x80, s28, s15, $0xb8;
	[tilespmem:$0x1D000] =	vst v63  }
0xc6: {  	_ =	swait.ge [sflag:s22], $0x4000  }
0xc7: {  	[sflag:s22] =	ssyncset.done $0x0  }
0xc8: {  	[sflag:s22] =	ssyncadd.s32 $0xFFFFC000  }
0xc9: {  	[tilespmem:s16], [sflag:$0x2] =	stream.indirect.gather [hbm4b:s4+s15], $0x80, s29, s15, $0xb8;
	[tilespmem:$0x1D000] =	vst v63  }
0xca: {  	_ =	swait.ge [sflag:s17], $0x4000  }
0xcb: {  	[sflag:s17] =	ssyncset.done $0x0  }
0xcc: {  	[sflag:s17] =	ssyncadd.s32 $0xFFFFC000  }
0xcd: {  	[spmem:s2] =	stream.indirect.scatter.add.f32 [tilespmem:s12], [sflag:$0x3], $0x80, s30, s15, $0xb8;
	[tilespmem:$0x1D000] =	vst v63  }
0xce: {  	_ =	swait.ge [sflag:s18], $0x4000  }
0xcf: {  	[sflag:s18] =	ssyncset.done $0x0  }
0xd0: {  	[sflag:s18] =	ssyncadd.s32 $0xFFFFC000  }
0xd1: {  	[spmem:s2] =	stream.indirect.scatter.add.f32 [tilespmem:s16], [sflag:$0x4], $0x80, s31, s15, $0xb8;
	[tilespmem:$0x1D000] =	vst v63  }
0xd2: {  	_ =	swait.ge [sflag:s20], $0x4000  }
0xd3: {  	[sflag:s20] =	ssyncset.done $0x0  }
0xd4: {  	[sflag:s20] =	ssyncadd.s32 $0xFFFFC000  }
0xd5: {  	_ =	swait.ge [sflag:s22], $0x4000  }
0xd6: {  	s1 =	simm.s32 $0x100;
	[sflag:s22] =	ssyncset.done $0x0  }
.LBB2_8:
0xd7: {  	s0 =	rddreg [dreg:$0x6];
	s6 =	smov.u32 s1  }
0xd8: {  	[sflag:s22] =	ssyncadd.s32 $0xFFFFC000;
	s0 =	sadd.s32 s6, s0  }
0xd9: {  	[tilespmem:s3], [sflag:$0x5] =	stream.linear.gather [hbm4b:s0+s3], $0x800, $0x38;
	[tilespmem:$0x1D000] =	vst v63  }
0xda: {  	_ =	swait.ge [sflag:s13], $0x800  }
0xdb: {  	s0 =	rddreg [dreg:$0x5];
	[sflag:s13] =	ssyncset.done $0x0  }
0xdc: {  	[sflag:s13] =	ssyncadd.s32 $0xFFFFF800;
	s0 =	sadd.s32 s6, s0  }
0xdd: {  	[tilespmem:s14], [sflag:$0x5] =	stream.linear.gather [hbm4b:s0+s3], $0x800, $0x38;
	[tilespmem:$0x1D000] =	vst v63  }
0xde: {  	_ =	swait.ge [sflag:s13], $0x800  }
0xdf: {  	[sflag:s13] =	ssyncset.done $0x0  }
0xe0: {  	[sflag:s13] =	ssyncadd.s32 $0xFFFFF800  }
0xe1: {  	[tilespmem:s12], [sflag:$0x1] =	stream.indirect.gather [hbm4b:s4+s15], $0x80, s3, s15, $0xb8;
	[tilespmem:$0x1D000] =	vst v63  }
0xe2: {  	_ = 	snop  }
0xe3: {  	[tilespmem:s16], [sflag:$0x2] =	stream.indirect.gather [hbm4b:s4+s15], $0x80, s15, s15, $0xb8;
	[tilespmem:$0x1D000] =	vst v63  }
0xe4: {  	_ =	swait.ge [sflag:s17], $0x4000  }
0xe5: {  	[sflag:s17] =	ssyncset.done $0x0  }
0xe6: {  	[sflag:s17] =	ssyncadd.s32 $0xFFFFC000  }
0xe7: {  	[spmem:s2] =	stream.indirect.scatter.add.f32 [tilespmem:s12], [sflag:$0x3], $0x80, s14, s15, $0xb8;
	[tilespmem:$0x1D000] =	vst v63  }
0xe8: {  	_ =	swait.ge [sflag:s18], $0x4000  }
0xe9: {  	[sflag:s18] =	ssyncset.done $0x0  }
0xea: {  	s6 =	simm.s32 $0x880;
	[sflag:s18] =	ssyncadd.s32 $0xFFFFC000  }
0xeb: {  	[spmem:s2] =	stream.indirect.scatter.add.f32 [tilespmem:s16], [sflag:$0x4], $0x80, s6, s15, $0xb8;
	[tilespmem:$0x1D000] =	vst v63  }
0xec: {  	_ =	swait.ge [sflag:s20], $0x4000  }
0xed: {  	[sflag:s20] =	ssyncset.done $0x0  }
0xee: {  	s0 =	simm.s32 $0x100;
	[sflag:s20] =	ssyncadd.s32 $0xFFFFC000  }
0xef: {  	[tilespmem:s12], [sflag:$0x1] =	stream.indirect.gather [hbm4b:s4+s15], $0x80, s0, s15, $0xb8;
	[tilespmem:$0x1D000] =	vst v63  }
0xf0: {  	_ =	swait.ge [sflag:s22], $0x4000  }
0xf1: {  	[sflag:s22] =	ssyncset.done $0x0  }
0xf2: {  	s6 =	simm.s32 $0x180;
	[sflag:s22] =	ssyncadd.s32 $0xFFFFC000  }
0xf3: {  	[tilespmem:s16], [sflag:$0x2] =	stream.indirect.gather [hbm4b:s4+s15], $0x80, s6, s15, $0xb8;
	[tilespmem:$0x1D000] =	vst v63  }
0xf4: {  	_ =	swait.ge [sflag:s17], $0x4000  }
0xf5: {  	[sflag:s17] =	ssyncset.done $0x0  }
0xf6: {  	s6 =	simm.s32 $0x900;
	[sflag:s17] =	ssyncadd.s32 $0xFFFFC000  }
0xf7: {  	[spmem:s2] =	stream.indirect.scatter.add.f32 [tilespmem:s12], [sflag:$0x3], $0x80, s6, s15, $0xb8;
	[tilespmem:$0x1D000] =	vst v63  }
0xf8: {  	_ =	swait.ge [sflag:s18], $0x4000  }
0xf9: {  	[sflag:s18] =	ssyncset.done $0x0  }
0xfa: {  	s6 =	simm.s32 $0x980;
	[sflag:s18] =	ssyncadd.s32 $0xFFFFC000  }
0xfb: {  	[spmem:s2] =	stream.indirect.scatter.add.f32 [tilespmem:s16], [sflag:$0x4], $0x80, s6, s15, $0xb8;
	[tilespmem:$0x1D000] =	vst v63  }
0xfc: {  	_ =	swait.ge [sflag:s20], $0x4000  }
0xfd: {  	[sflag:s20] =	ssyncset.done $0x0  }
0xfe: {  	s6 =	simm.s32 $0x200;
	[sflag:s20] =	ssyncadd.s32 $0xFFFFC000  }
0xff: {  	[tilespmem:s12], [sflag:$0x1] =	stream.indirect.gather [hbm4b:s4+s15], $0x80, s6, s15, $0xb8;
	[tilespmem:$0x1D000] =	vst v63  }
0x100: {  	_ =	swait.ge [sflag:s22], $0x4000  }
0x101: {  	[sflag:s22] =	ssyncset.done $0x0  }
0x102: {  	s6 =	simm.s32 $0x280;
	[sflag:s22] =	ssyncadd.s32 $0xFFFFC000  }
0x103: {  	[tilespmem:s16], [sflag:$0x2] =	stream.indirect.gather [hbm4b:s4+s15], $0x80, s6, s15, $0xb8;
	[tilespmem:$0x1D000] =	vst v63  }
0x104: {  	_ =	swait.ge [sflag:s17], $0x4000  }
0x105: {  	[sflag:s17] =	ssyncset.done $0x0  }
0x106: {  	s6 =	simm.s32 $0xA00;
	[sflag:s17] =	ssyncadd.s32 $0xFFFFC000  }
0x107: {  	[spmem:s2] =	stream.indirect.scatter.add.f32 [tilespmem:s12], [sflag:$0x3], $0x80, s6, s15, $0xb8;
	[tilespmem:$0x1D000] =	vst v63  }
0x108: {  	_ =	swait.ge [sflag:s18], $0x4000  }
0x109: {  	[sflag:s18] =	ssyncset.done $0x0  }
0x10a: {  	s6 =	simm.s32 $0xA80;
	[sflag:s18] =	ssyncadd.s32 $0xFFFFC000  }
0x10b: {  	[spmem:s2] =	stream.indirect.scatter.add.f32 [tilespmem:s16], [sflag:$0x4], $0x80, s6, s15, $0xb8;
	[tilespmem:$0x1D000] =	vst v63  }
0x10c: {  	_ =	swait.ge [sflag:s20], $0x4000  }
0x10d: {  	[sflag:s20] =	ssyncset.done $0x0  }
0x10e: {  	s6 =	simm.s32 $0x300;
	[sflag:s20] =	ssyncadd.s32 $0xFFFFC000  }
0x10f: {  	[tilespmem:s12], [sflag:$0x1] =	stream.indirect.gather [hbm4b:s4+s15], $0x80, s6, s15, $0xb8;
	[tilespmem:$0x1D000] =	vst v63  }
0x110: {  	_ =	swait.ge [sflag:s22], $0x4000  }
0x111: {  	[sflag:s22] =	ssyncset.done $0x0  }
0x112: {  	s6 =	simm.s32 $0x380;
	[sflag:s22] =	ssyncadd.s32 $0xFFFFC000  }
0x113: {  	[tilespmem:s16], [sflag:$0x2] =	stream.indirect.gather [hbm4b:s4+s15], $0x80, s6, s15, $0xb8;
	[tilespmem:$0x1D000] =	vst v63  }
0x114: {  	_ =	swait.ge [sflag:s17], $0x4000  }
0x115: {  	[sflag:s17] =	ssyncset.done $0x0  }
0x116: {  	s6 =	simm.s32 $0xB00;
	[sflag:s17] =	ssyncadd.s32 $0xFFFFC000  }
0x117: {  	[spmem:s2] =	stream.indirect.scatter.add.f32 [tilespmem:s12], [sflag:$0x3], $0x80, s6, s15, $0xb8;
	[tilespmem:$0x1D000] =	vst v63  }
0x118: {  	_ =	swait.ge [sflag:s18], $0x4000  }
0x119: {  	[sflag:s18] =	ssyncset.done $0x0  }
0x11a: {  	s6 =	simm.s32 $0xB80;
	[sflag:s18] =	ssyncadd.s32 $0xFFFFC000  }
0x11b: {  	[spmem:s2] =	stream.indirect.scatter.add.f32 [tilespmem:s16], [sflag:$0x4], $0x80, s6, s15, $0xb8;
	[tilespmem:$0x1D000] =	vst v63  }
0x11c: {  	_ =	swait.ge [sflag:s20], $0x4000  }
0x11d: {  	[sflag:s20] =	ssyncset.done $0x0  }
0x11e: {  	[sflag:s20] =	ssyncadd.s32 $0xFFFFC000  }
0x11f: {  	[tilespmem:s12], [sflag:$0x1] =	stream.indirect.gather [hbm4b:s4+s15], $0x80, s7, s15, $0xb8;
	[tilespmem:$0x1D000] =	vst v63  }
0x120: {  	_ =	swait.ge [sflag:s22], $0x4000  }
0x121: {  	[sflag:s22] =	ssyncset.done $0x0  }
0x122: {  	[sflag:s22] =	ssyncadd.s32 $0xFFFFC000  }
0x123: {  	[tilespmem:s16], [sflag:$0x2] =	stream.indirect.gather [hbm4b:s4+s15], $0x80, s8, s15, $0xb8;
	[tilespmem:$0x1D000] =	vst v63  }
0x124: {  	_ =	swait.ge [sflag:s17], $0x4000  }
0x125: {  	[sflag:s17] =	ssyncset.done $0x0  }
0x126: {  	[sflag:s17] =	ssyncadd.s32 $0xFFFFC000  }
0x127: {  	[spmem:s2] =	stream.indirect.scatter.add.f32 [tilespmem:s12], [sflag:$0x3], $0x80, s9, s15, $0xb8;
	[tilespmem:$0x1D000] =	vst v63  }
0x128: {  	_ =	swait.ge [sflag:s18], $0x4000  }
0x129: {  	[sflag:s18] =	ssyncset.done $0x0  }
0x12a: {  	[sflag:s18] =	ssyncadd.s32 $0xFFFFC000  }
0x12b: {  	[spmem:s2] =	stream.indirect.scatter.add.f32 [tilespmem:s16], [sflag:$0x4], $0x80, s10, s15, $0xb8;
	[tilespmem:$0x1D000] =	vst v63  }
0x12c: {  	_ =	swait.ge [sflag:s20], $0x4000  }
0x12d: {  	[sflag:s20] =	ssyncset.done $0x0  }
0x12e: {  	[sflag:s20] =	ssyncadd.s32 $0xFFFFC000  }
0x12f: {  	[tilespmem:s12], [sflag:$0x1] =	stream.indirect.gather [hbm4b:s4+s15], $0x80, s11, s15, $0xb8;
	[tilespmem:$0x1D000] =	vst v63  }
0x130: {  	_ =	swait.ge [sflag:s22], $0x4000  }
0x131: {  	[sflag:s22] =	ssyncset.done $0x0  }
0x132: {  	[sflag:s22] =	ssyncadd.s32 $0xFFFFC000  }
0x133: {  	[tilespmem:s16], [sflag:$0x2] =	stream.indirect.gather [hbm4b:s4+s15], $0x80, s5, s15, $0xb8;
	[tilespmem:$0x1D000] =	vst v63  }
0x134: {  	_ =	swait.ge [sflag:s17], $0x4000  }
0x135: {  	[sflag:s17] =	ssyncset.done $0x0  }
0x136: {  	[sflag:s17] =	ssyncadd.s32 $0xFFFFC000  }
0x137: {  	[spmem:s2] =	stream.indirect.scatter.add.f32 [tilespmem:s12], [sflag:$0x3], $0x80, s19, s15, $0xb8;
	[tilespmem:$0x1D000] =	vst v63  }
0x138: {  	_ =	swait.ge [sflag:s18], $0x4000  }
0x139: {  	[sflag:s18] =	ssyncset.done $0x0  }
0x13a: {  	[sflag:s18] =	ssyncadd.s32 $0xFFFFC000  }
0x13b: {  	[spmem:s2] =	stream.indirect.scatter.add.f32 [tilespmem:s16], [sflag:$0x4], $0x80, s21, s15, $0xb8;
	[tilespmem:$0x1D000] =	vst v63  }
0x13c: {  	_ =	swait.ge [sflag:s20], $0x4000  }
0x13d: {  	[sflag:s20] =	ssyncset.done $0x0  }
0x13e: {  	[sflag:s20] =	ssyncadd.s32 $0xFFFFC000  }
0x13f: {  	[tilespmem:s12], [sflag:$0x1] =	stream.indirect.gather [hbm4b:s4+s15], $0x80, s23, s15, $0xb8;
	[tilespmem:$0x1D000] =	vst v63  }
0x140: {  	_ =	swait.ge [sflag:s22], $0x4000  }
0x141: {  	[sflag:s22] =	ssyncset.done $0x0  }
0x142: {  	[sflag:s22] =	ssyncadd.s32 $0xFFFFC000  }
0x143: {  	[tilespmem:s16], [sflag:$0x2] =	stream.indirect.gather [hbm4b:s4+s15], $0x80, s24, s15, $0xb8;
	[tilespmem:$0x1D000] =	vst v63  }
0x144: {  	_ =	swait.ge [sflag:s17], $0x4000  }
0x145: {  	[sflag:s17] =	ssyncset.done $0x0  }
0x146: {  	[sflag:s17] =	ssyncadd.s32 $0xFFFFC000  }
0x147: {  	[spmem:s2] =	stream.indirect.scatter.add.f32 [tilespmem:s12], [sflag:$0x3], $0x80, s25, s15, $0xb8;
	[tilespmem:$0x1D000] =	vst v63  }
0x148: {  	_ =	swait.ge [sflag:s18], $0x4000  }
0x149: {  	[sflag:s18] =	ssyncset.done $0x0  }
0x14a: {  	[sflag:s18] =	ssyncadd.s32 $0xFFFFC000  }
0x14b: {  	[spmem:s2] =	stream.indirect.scatter.add.f32 [tilespmem:s16], [sflag:$0x4], $0x80, s26, s15, $0xb8;
	[tilespmem:$0x1D000] =	vst v63  }
0x14c: {  	_ =	swait.ge [sflag:s20], $0x4000  }
0x14d: {  	[sflag:s20] =	ssyncset.done $0x0  }
0x14e: {  	[sflag:s20] =	ssyncadd.s32 $0xFFFFC000  }
0x14f: {  	[tilespmem:s12], [sflag:$0x1] =	stream.indirect.gather [hbm4b:s4+s15], $0x80, s28, s15, $0xb8;
	[tilespmem:$0x1D000] =	vst v63  }
0x150: {  	_ =	swait.ge [sflag:s22], $0x4000  }
0x151: {  	[sflag:s22] =	ssyncset.done $0x0  }
0x152: {  	[sflag:s22] =	ssyncadd.s32 $0xFFFFC000  }
0x153: {  	[tilespmem:s16], [sflag:$0x2] =	stream.indirect.gather [hbm4b:s4+s15], $0x80, s29, s15, $0xb8;
	[tilespmem:$0x1D000] =	vst v63  }
0x154: {  	_ =	swait.ge [sflag:s17], $0x4000  }
0x155: {  	[sflag:s17] =	ssyncset.done $0x0  }
0x156: {  	[sflag:s17] =	ssyncadd.s32 $0xFFFFC000  }
0x157: {  	[spmem:s2] =	stream.indirect.scatter.add.f32 [tilespmem:s12], [sflag:$0x3], $0x80, s30, s15, $0xb8;
	[tilespmem:$0x1D000] =	vst v63  }
0x158: {  	_ =	swait.ge [sflag:s18], $0x4000  }
0x159: {  	[sflag:s18] =	ssyncset.done $0x0  }
0x15a: {  	p1 =	sne.s32 s1, $0x400;
	[sflag:s18] =	ssyncadd.s32 $0xFFFFC000  }
0x15b: {  	[spmem:s2] =	stream.indirect.scatter.add.f32 [tilespmem:s16], [sflag:$0x4], $0x80, s31, s15, $0xb8;
	[tilespmem:$0x1D000] =	vst v63  }
.Ltmp4:
0x15c: {  	_ =	swait.ge [sflag:s20], $0x4000;
	(pc) =	sbr.rel @p1 .LBB2_8-.Ltmp4, $4  }
0x15d: {  	[sflag:s20] =	ssyncset.done $0x0  }
0x15e: {  	[sflag:s20] =	ssyncadd.s32 $0xFFFFC000  }
0x15f: {  	_ =	swait.ge [sflag:s22], $0x4000  }
0x160: {  	s1 =	sadd.s32 $0x100, s1;
	[sflag:s22] =	ssyncset.done $0x0  }
.Ltmp5:
0x161: {  	(pc) =	sbr.rel .LBB2_10-.Ltmp5, $2  }
0x162: {  	_ =	sdelay $0x2  }
0x163: {  	[sflag:s22] =	ssyncadd.s32 $0xFFFFC000  }
.LBB2_4:
0x164: {  	s0 =	rddreg [dreg:$0x4]  }
0x165: {  	s0 =	sadd.s32 $0x0, s0  }
0x166: {  	[tilespmem:s3], [sflag:$0x5] =	stream.linear.gather [hbm4b:s0+s3], $0x800, $0x38;
	[tilespmem:$0x1D000] =	vst v63  }
0x167: {  	_ =	swait.ge [sflag:s13], $0x800  }
0x168: {  	s1 =	rddreg [dreg:$0x3];
	[sflag:s13] =	ssyncset.done $0x0  }
0x169: {  	[sflag:s13] =	ssyncadd.s32 $0xFFFFF800;
	s0 =	sadd.s32 $0x0, s1  }
0x16a: {  	[tilespmem:s14], [sflag:$0x5] =	stream.linear.gather [hbm4b:s0+s3], $0x800, $0x38;
	[tilespmem:$0x1D000] =	vst v63  }
0x16b: {  	_ =	swait.ge [sflag:s13], $0x800  }
0x16c: {  	[sflag:s13] =	ssyncset.done $0x0  }
0x16d: {  	[sflag:s13] =	ssyncadd.s32 $0xFFFFF800  }
0x16e: {  	[tilespmem:s12], [sflag:$0x1] =	stream.indirect.gather [hbm4b:s4+s15], $0x80, s3, s15, $0xb8;
	[tilespmem:$0x1D000] =	vst v63  }
0x16f: {  	_ = 	snop  }
0x170: {  	[tilespmem:s16], [sflag:$0x2] =	stream.indirect.gather [hbm4b:s4+s15], $0x80, s15, s15, $0xb8;
	[tilespmem:$0x1D000] =	vst v63  }
0x171: {  	_ =	swait.ge [sflag:s17], $0x4000  }
0x172: {  	[sflag:s17] =	ssyncset.done $0x0  }
0x173: {  	[sflag:s17] =	ssyncadd.s32 $0xFFFFC000  }
0x174: {  	[spmem:s2] =	stream.indirect.scatter.add.f32 [tilespmem:s12], [sflag:$0x3], $0x80, s14, s15, $0xb8;
	[tilespmem:$0x1D000] =	vst v63  }
0x175: {  	_ =	swait.ge [sflag:s18], $0x4000  }
0x176: {  	[sflag:s18] =	ssyncset.done $0x0  }
0x177: {  	[sflag:s18] =	ssyncadd.s32 $0xFFFFC000  }
0x178: {  	[spmem:s2] =	stream.indirect.scatter.add.f32 [tilespmem:s16], [sflag:$0x4], $0x80, s6, s15, $0xb8;
	[tilespmem:$0x1D000] =	vst v63  }
0x179: {  	_ =	swait.ge [sflag:s20], $0x4000  }
0x17a: {  	[sflag:s20] =	ssyncset.done $0x0  }
0x17b: {  	s1 =	simm.s32 $0x100;
	[sflag:s20] =	ssyncadd.s32 $0xFFFFC000  }
0x17c: {  	[tilespmem:s12], [sflag:$0x1] =	stream.indirect.gather [hbm4b:s4+s15], $0x80, s1, s15, $0xb8;
	[tilespmem:$0x1D000] =	vst v63  }
0x17d: {  	_ =	swait.ge [sflag:s22], $0x4000  }
0x17e: {  	[sflag:s22] =	ssyncset.done $0x0  }
0x17f: {  	s6 =	simm.s32 $0x180;
	[sflag:s22] =	ssyncadd.s32 $0xFFFFC000  }
0x180: {  	[tilespmem:s16], [sflag:$0x2] =	stream.indirect.gather [hbm4b:s4+s15], $0x80, s6, s15, $0xb8;
	[tilespmem:$0x1D000] =	vst v63  }
0x181: {  	_ =	swait.ge [sflag:s17], $0x4000  }
0x182: {  	[sflag:s17] =	ssyncset.done $0x0  }
0x183: {  	s1 =	simm.s32 $0x900;
	[sflag:s17] =	ssyncadd.s32 $0xFFFFC000  }
0x184: {  	[spmem:s2] =	stream.indirect.scatter.add.f32 [tilespmem:s12], [sflag:$0x3], $0x80, s1, s15, $0xb8;
	[tilespmem:$0x1D000] =	vst v63  }
0x185: {  	_ =	swait.ge [sflag:s18], $0x4000  }
0x186: {  	[sflag:s18] =	ssyncset.done $0x0  }
0x187: {  	s6 =	simm.s32 $0x980;
	[sflag:s18] =	ssyncadd.s32 $0xFFFFC000  }
0x188: {  	[spmem:s2] =	stream.indirect.scatter.add.f32 [tilespmem:s16], [sflag:$0x4], $0x80, s6, s15, $0xb8;
	[tilespmem:$0x1D000] =	vst v63  }
0x189: {  	_ =	swait.ge [sflag:s20], $0x4000  }
0x18a: {  	[sflag:s20] =	ssyncset.done $0x0  }
0x18b: {  	s1 =	simm.s32 $0x200;
	[sflag:s20] =	ssyncadd.s32 $0xFFFFC000  }
0x18c: {  	[tilespmem:s12], [sflag:$0x1] =	stream.indirect.gather [hbm4b:s4+s15], $0x80, s1, s15, $0xb8;
	[tilespmem:$0x1D000] =	vst v63  }
0x18d: {  	_ =	swait.ge [sflag:s22], $0x4000  }
0x18e: {  	[sflag:s22] =	ssyncset.done $0x0  }
0x18f: {  	s6 =	simm.s32 $0x280;
	[sflag:s22] =	ssyncadd.s32 $0xFFFFC000  }
0x190: {  	[tilespmem:s16], [sflag:$0x2] =	stream.indirect.gather [hbm4b:s4+s15], $0x80, s6, s15, $0xb8;
	[tilespmem:$0x1D000] =	vst v63  }
0x191: {  	_ =	swait.ge [sflag:s17], $0x4000  }
0x192: {  	[sflag:s17] =	ssyncset.done $0x0  }
0x193: {  	s1 =	simm.s32 $0xA00;
	[sflag:s17] =	ssyncadd.s32 $0xFFFFC000  }
0x194: {  	[spmem:s2] =	stream.indirect.scatter.add.f32 [tilespmem:s12], [sflag:$0x3], $0x80, s1, s15, $0xb8;
	[tilespmem:$0x1D000] =	vst v63  }
0x195: {  	_ =	swait.ge [sflag:s18], $0x4000  }
0x196: {  	[sflag:s18] =	ssyncset.done $0x0  }
0x197: {  	s6 =	simm.s32 $0xA80;
	[sflag:s18] =	ssyncadd.s32 $0xFFFFC000  }
0x198: {  	[spmem:s2] =	stream.indirect.scatter.add.f32 [tilespmem:s16], [sflag:$0x4], $0x80, s6, s15, $0xb8;
	[tilespmem:$0x1D000] =	vst v63  }
0x199: {  	_ =	swait.ge [sflag:s20], $0x4000  }
0x19a: {  	[sflag:s20] =	ssyncset.done $0x0  }
0x19b: {  	s1 =	simm.s32 $0x300;
	[sflag:s20] =	ssyncadd.s32 $0xFFFFC000  }
0x19c: {  	[tilespmem:s12], [sflag:$0x1] =	stream.indirect.gather [hbm4b:s4+s15], $0x80, s1, s15, $0xb8;
	[tilespmem:$0x1D000] =	vst v63  }
0x19d: {  	_ =	swait.ge [sflag:s22], $0x4000  }
0x19e: {  	[sflag:s22] =	ssyncset.done $0x0  }
0x19f: {  	s6 =	simm.s32 $0x380;
	[sflag:s22] =	ssyncadd.s32 $0xFFFFC000  }
0x1a0: {  	[tilespmem:s16], [sflag:$0x2] =	stream.indirect.gather [hbm4b:s4+s15], $0x80, s6, s15, $0xb8;
	[tilespmem:$0x1D000] =	vst v63  }
0x1a1: {  	_ =	swait.ge [sflag:s17], $0x4000  }
0x1a2: {  	[sflag:s17] =	ssyncset.done $0x0  }
0x1a3: {  	s1 =	simm.s32 $0xB00;
	[sflag:s17] =	ssyncadd.s32 $0xFFFFC000  }
0x1a4: {  	[spmem:s2] =	stream.indirect.scatter.add.f32 [tilespmem:s12], [sflag:$0x3], $0x80, s1, s15, $0xb8;
	[tilespmem:$0x1D000] =	vst v63  }
0x1a5: {  	_ =	swait.ge [sflag:s18], $0x4000  }
0x1a6: {  	[sflag:s18] =	ssyncset.done $0x0  }
0x1a7: {  	s6 =	simm.s32 $0xB80;
	[sflag:s18] =	ssyncadd.s32 $0xFFFFC000  }
0x1a8: {  	[spmem:s2] =	stream.indirect.scatter.add.f32 [tilespmem:s16], [sflag:$0x4], $0x80, s6, s15, $0xb8;
	[tilespmem:$0x1D000] =	vst v63  }
0x1a9: {  	_ =	swait.ge [sflag:s20], $0x4000  }
0x1aa: {  	[sflag:s20] =	ssyncset.done $0x0  }
0x1ab: {  	[sflag:s20] =	ssyncadd.s32 $0xFFFFC000  }
0x1ac: {  	[tilespmem:s12], [sflag:$0x1] =	stream.indirect.gather [hbm4b:s4+s15], $0x80, s7, s15, $0xb8;
	[tilespmem:$0x1D000] =	vst v63  }
0x1ad: {  	_ =	swait.ge [sflag:s22], $0x4000  }
0x1ae: {  	[sflag:s22] =	ssyncset.done $0x0  }
0x1af: {  	[sflag:s22] =	ssyncadd.s32 $0xFFFFC000  }
0x1b0: {  	[tilespmem:s16], [sflag:$0x2] =	stream.indirect.gather [hbm4b:s4+s15], $0x80, s8, s15, $0xb8;
	[tilespmem:$0x1D000] =	vst v63  }
0x1b1: {  	_ =	swait.ge [sflag:s17], $0x4000  }
0x1b2: {  	[sflag:s17] =	ssyncset.done $0x0  }
0x1b3: {  	[sflag:s17] =	ssyncadd.s32 $0xFFFFC000  }
0x1b4: {  	[spmem:s2] =	stream.indirect.scatter.add.f32 [tilespmem:s12], [sflag:$0x3], $0x80, s9, s15, $0xb8;
	[tilespmem:$0x1D000] =	vst v63  }
0x1b5: {  	_ =	swait.ge [sflag:s18], $0x4000  }
0x1b6: {  	[sflag:s18] =	ssyncset.done $0x0  }
0x1b7: {  	[sflag:s18] =	ssyncadd.s32 $0xFFFFC000  }
0x1b8: {  	[spmem:s2] =	stream.indirect.scatter.add.f32 [tilespmem:s16], [sflag:$0x4], $0x80, s10, s15, $0xb8;
	[tilespmem:$0x1D000] =	vst v63  }
0x1b9: {  	_ =	swait.ge [sflag:s20], $0x4000  }
0x1ba: {  	[sflag:s20] =	ssyncset.done $0x0  }
0x1bb: {  	[sflag:s20] =	ssyncadd.s32 $0xFFFFC000  }
0x1bc: {  	[tilespmem:s12], [sflag:$0x1] =	stream.indirect.gather [hbm4b:s4+s15], $0x80, s11, s15, $0xb8;
	[tilespmem:$0x1D000] =	vst v63  }
0x1bd: {  	_ =	swait.ge [sflag:s22], $0x4000  }
0x1be: {  	[sflag:s22] =	ssyncset.done $0x0  }
0x1bf: {  	[sflag:s22] =	ssyncadd.s32 $0xFFFFC000  }
0x1c0: {  	[tilespmem:s16], [sflag:$0x2] =	stream.indirect.gather [hbm4b:s4+s15], $0x80, s5, s15, $0xb8;
	[tilespmem:$0x1D000] =	vst v63  }
0x1c1: {  	_ =	swait.ge [sflag:s17], $0x4000  }
0x1c2: {  	[sflag:s17] =	ssyncset.done $0x0  }
0x1c3: {  	[sflag:s17] =	ssyncadd.s32 $0xFFFFC000  }
0x1c4: {  	[spmem:s2] =	stream.indirect.scatter.add.f32 [tilespmem:s12], [sflag:$0x3], $0x80, s19, s15, $0xb8;
	[tilespmem:$0x1D000] =	vst v63  }
0x1c5: {  	_ =	swait.ge [sflag:s18], $0x4000  }
0x1c6: {  	[sflag:s18] =	ssyncset.done $0x0  }
0x1c7: {  	[sflag:s18] =	ssyncadd.s32 $0xFFFFC000  }
0x1c8: {  	[spmem:s2] =	stream.indirect.scatter.add.f32 [tilespmem:s16], [sflag:$0x4], $0x80, s21, s15, $0xb8;
	[tilespmem:$0x1D000] =	vst v63  }
0x1c9: {  	_ =	swait.ge [sflag:s20], $0x4000  }
0x1ca: {  	[sflag:s20] =	ssyncset.done $0x0  }
0x1cb: {  	[sflag:s20] =	ssyncadd.s32 $0xFFFFC000  }
0x1cc: {  	[tilespmem:s12], [sflag:$0x1] =	stream.indirect.gather [hbm4b:s4+s15], $0x80, s23, s15, $0xb8;
	[tilespmem:$0x1D000] =	vst v63  }
0x1cd: {  	_ =	swait.ge [sflag:s22], $0x4000  }
0x1ce: {  	[sflag:s22] =	ssyncset.done $0x0  }
0x1cf: {  	[sflag:s22] =	ssyncadd.s32 $0xFFFFC000  }
0x1d0: {  	[tilespmem:s16], [sflag:$0x2] =	stream.indirect.gather [hbm4b:s4+s15], $0x80, s24, s15, $0xb8;
	[tilespmem:$0x1D000] =	vst v63  }
0x1d1: {  	_ =	swait.ge [sflag:s17], $0x4000  }
0x1d2: {  	[sflag:s17] =	ssyncset.done $0x0  }
0x1d3: {  	[sflag:s17] =	ssyncadd.s32 $0xFFFFC000  }
0x1d4: {  	[spmem:s2] =	stream.indirect.scatter.add.f32 [tilespmem:s12], [sflag:$0x3], $0x80, s25, s15, $0xb8;
	[tilespmem:$0x1D000] =	vst v63  }
0x1d5: {  	_ =	swait.ge [sflag:s18], $0x4000  }
0x1d6: {  	[sflag:s18] =	ssyncset.done $0x0  }
0x1d7: {  	[sflag:s18] =	ssyncadd.s32 $0xFFFFC000  }
0x1d8: {  	[spmem:s2] =	stream.indirect.scatter.add.f32 [tilespmem:s16], [sflag:$0x4], $0x80, s26, s15, $0xb8;
	[tilespmem:$0x1D000] =	vst v63  }
0x1d9: {  	_ =	swait.ge [sflag:s20], $0x4000  }
0x1da: {  	[sflag:s20] =	ssyncset.done $0x0  }
0x1db: {  	[sflag:s20] =	ssyncadd.s32 $0xFFFFC000  }
0x1dc: {  	[tilespmem:s12], [sflag:$0x1] =	stream.indirect.gather [hbm4b:s4+s15], $0x80, s28, s15, $0xb8;
	[tilespmem:$0x1D000] =	vst v63  }
0x1dd: {  	_ =	swait.ge [sflag:s22], $0x4000  }
0x1de: {  	[sflag:s22] =	ssyncset.done $0x0  }
0x1df: {  	[sflag:s22] =	ssyncadd.s32 $0xFFFFC000  }
0x1e0: {  	[tilespmem:s16], [sflag:$0x2] =	stream.indirect.gather [hbm4b:s4+s15], $0x80, s29, s15, $0xb8;
	[tilespmem:$0x1D000] =	vst v63  }
0x1e1: {  	_ =	swait.ge [sflag:s17], $0x4000  }
0x1e2: {  	[sflag:s17] =	ssyncset.done $0x0  }
0x1e3: {  	[sflag:s17] =	ssyncadd.s32 $0xFFFFC000  }
0x1e4: {  	[spmem:s2] =	stream.indirect.scatter.add.f32 [tilespmem:s12], [sflag:$0x3], $0x80, s30, s15, $0xb8;
	[tilespmem:$0x1D000] =	vst v63  }
0x1e5: {  	_ =	swait.ge [sflag:s18], $0x4000  }
0x1e6: {  	[sflag:s18] =	ssyncset.done $0x0  }
0x1e7: {  	[sflag:s18] =	ssyncadd.s32 $0xFFFFC000  }
0x1e8: {  	[spmem:s2] =	stream.indirect.scatter.add.f32 [tilespmem:s16], [sflag:$0x4], $0x80, s31, s15, $0xb8;
	[tilespmem:$0x1D000] =	vst v63  }
0x1e9: {  	_ =	swait.ge [sflag:s20], $0x4000  }
0x1ea: {  	[sflag:s20] =	ssyncset.done $0x0  }
0x1eb: {  	[sflag:s20] =	ssyncadd.s32 $0xFFFFC000  }
0x1ec: {  	_ =	swait.ge [sflag:s22], $0x4000  }
0x1ed: {  	s1 =	simm.s32 $0x100;
	[sflag:s22] =	ssyncset.done $0x0  }
.LBB2_5:
0x1ee: {  	s0 =	rddreg [dreg:$0x4];
	s6 =	smov.u32 s1  }
0x1ef: {  	[sflag:s22] =	ssyncadd.s32 $0xFFFFC000;
	s0 =	sadd.s32 s6, s0  }
0x1f0: {  	[tilespmem:s3], [sflag:$0x5] =	stream.linear.gather [hbm4b:s0+s3], $0x800, $0x38;
	[tilespmem:$0x1D000] =	vst v63  }
0x1f1: {  	_ =	swait.ge [sflag:s13], $0x800  }
0x1f2: {  	s0 =	rddreg [dreg:$0x3];
	[sflag:s13] =	ssyncset.done $0x0  }
0x1f3: {  	[sflag:s13] =	ssyncadd.s32 $0xFFFFF800;
	s0 =	sadd.s32 s6, s0  }
0x1f4: {  	[tilespmem:s14], [sflag:$0x5] =	stream.linear.gather [hbm4b:s0+s3], $0x800, $0x38;
	[tilespmem:$0x1D000] =	vst v63  }
0x1f5: {  	_ =	swait.ge [sflag:s13], $0x800  }
0x1f6: {  	[sflag:s13] =	ssyncset.done $0x0  }
0x1f7: {  	[sflag:s13] =	ssyncadd.s32 $0xFFFFF800  }
0x1f8: {  	[tilespmem:s12], [sflag:$0x1] =	stream.indirect.gather [hbm4b:s4+s15], $0x80, s3, s15, $0xb8;
	[tilespmem:$0x1D000] =	vst v63  }
0x1f9: {  	_ = 	snop  }
0x1fa: {  	[tilespmem:s16], [sflag:$0x2] =	stream.indirect.gather [hbm4b:s4+s15], $0x80, s15, s15, $0xb8;
	[tilespmem:$0x1D000] =	vst v63  }
0x1fb: {  	_ =	swait.ge [sflag:s17], $0x4000  }
0x1fc: {  	[sflag:s17] =	ssyncset.done $0x0  }
0x1fd: {  	[sflag:s17] =	ssyncadd.s32 $0xFFFFC000  }
0x1fe: {  	[spmem:s2] =	stream.indirect.scatter.add.f32 [tilespmem:s12], [sflag:$0x3], $0x80, s14, s15, $0xb8;
	[tilespmem:$0x1D000] =	vst v63  }
0x1ff: {  	_ =	swait.ge [sflag:s18], $0x4000  }
0x200: {  	[sflag:s18] =	ssyncset.done $0x0  }
0x201: {  	s6 =	simm.s32 $0x880;
	[sflag:s18] =	ssyncadd.s32 $0xFFFFC000  }
0x202: {  	[spmem:s2] =	stream.indirect.scatter.add.f32 [tilespmem:s16], [sflag:$0x4], $0x80, s6, s15, $0xb8;
	[tilespmem:$0x1D000] =	vst v63  }
0x203: {  	_ =	swait.ge [sflag:s20], $0x4000  }
0x204: {  	[sflag:s20] =	ssyncset.done $0x0  }
0x205: {  	s0 =	simm.s32 $0x100;
	[sflag:s20] =	ssyncadd.s32 $0xFFFFC000  }
0x206: {  	[tilespmem:s12], [sflag:$0x1] =	stream.indirect.gather [hbm4b:s4+s15], $0x80, s0, s15, $0xb8;
	[tilespmem:$0x1D000] =	vst v63  }
0x207: {  	_ =	swait.ge [sflag:s22], $0x4000  }
0x208: {  	[sflag:s22] =	ssyncset.done $0x0  }
0x209: {  	s6 =	simm.s32 $0x180;
	[sflag:s22] =	ssyncadd.s32 $0xFFFFC000  }
0x20a: {  	[tilespmem:s16], [sflag:$0x2] =	stream.indirect.gather [hbm4b:s4+s15], $0x80, s6, s15, $0xb8;
	[tilespmem:$0x1D000] =	vst v63  }
0x20b: {  	_ =	swait.ge [sflag:s17], $0x4000  }
0x20c: {  	[sflag:s17] =	ssyncset.done $0x0  }
0x20d: {  	s6 =	simm.s32 $0x900;
	[sflag:s17] =	ssyncadd.s32 $0xFFFFC000  }
0x20e: {  	[spmem:s2] =	stream.indirect.scatter.add.f32 [tilespmem:s12], [sflag:$0x3], $0x80, s6, s15, $0xb8;
	[tilespmem:$0x1D000] =	vst v63  }
0x20f: {  	_ =	swait.ge [sflag:s18], $0x4000  }
0x210: {  	[sflag:s18] =	ssyncset.done $0x0  }
0x211: {  	s6 =	simm.s32 $0x980;
	[sflag:s18] =	ssyncadd.s32 $0xFFFFC000  }
0x212: {  	[spmem:s2] =	stream.indirect.scatter.add.f32 [tilespmem:s16], [sflag:$0x4], $0x80, s6, s15, $0xb8;
	[tilespmem:$0x1D000] =	vst v63  }
0x213: {  	_ =	swait.ge [sflag:s20], $0x4000  }
0x214: {  	[sflag:s20] =	ssyncset.done $0x0  }
0x215: {  	s6 =	simm.s32 $0x200;
	[sflag:s20] =	ssyncadd.s32 $0xFFFFC000  }
0x216: {  	[tilespmem:s12], [sflag:$0x1] =	stream.indirect.gather [hbm4b:s4+s15], $0x80, s6, s15, $0xb8;
	[tilespmem:$0x1D000] =	vst v63  }
0x217: {  	_ =	swait.ge [sflag:s22], $0x4000  }
0x218: {  	[sflag:s22] =	ssyncset.done $0x0  }
0x219: {  	s6 =	simm.s32 $0x280;
	[sflag:s22] =	ssyncadd.s32 $0xFFFFC000  }
0x21a: {  	[tilespmem:s16], [sflag:$0x2] =	stream.indirect.gather [hbm4b:s4+s15], $0x80, s6, s15, $0xb8;
	[tilespmem:$0x1D000] =	vst v63  }
0x21b: {  	_ =	swait.ge [sflag:s17], $0x4000  }
0x21c: {  	[sflag:s17] =	ssyncset.done $0x0  }
0x21d: {  	s6 =	simm.s32 $0xA00;
	[sflag:s17] =	ssyncadd.s32 $0xFFFFC000  }
0x21e: {  	[spmem:s2] =	stream.indirect.scatter.add.f32 [tilespmem:s12], [sflag:$0x3], $0x80, s6, s15, $0xb8;
	[tilespmem:$0x1D000] =	vst v63  }
0x21f: {  	_ =	swait.ge [sflag:s18], $0x4000  }
0x220: {  	[sflag:s18] =	ssyncset.done $0x0  }
0x221: {  	s6 =	simm.s32 $0xA80;
	[sflag:s18] =	ssyncadd.s32 $0xFFFFC000  }
0x222: {  	[spmem:s2] =	stream.indirect.scatter.add.f32 [tilespmem:s16], [sflag:$0x4], $0x80, s6, s15, $0xb8;
	[tilespmem:$0x1D000] =	vst v63  }
0x223: {  	_ =	swait.ge [sflag:s20], $0x4000  }
0x224: {  	[sflag:s20] =	ssyncset.done $0x0  }
0x225: {  	s6 =	simm.s32 $0x300;
	[sflag:s20] =	ssyncadd.s32 $0xFFFFC000  }
0x226: {  	[tilespmem:s12], [sflag:$0x1] =	stream.indirect.gather [hbm4b:s4+s15], $0x80, s6, s15, $0xb8;
	[tilespmem:$0x1D000] =	vst v63  }
0x227: {  	_ =	swait.ge [sflag:s22], $0x4000  }
0x228: {  	[sflag:s22] =	ssyncset.done $0x0  }
0x229: {  	s6 =	simm.s32 $0x380;
	[sflag:s22] =	ssyncadd.s32 $0xFFFFC000  }
0x22a: {  	[tilespmem:s16], [sflag:$0x2] =	stream.indirect.gather [hbm4b:s4+s15], $0x80, s6, s15, $0xb8;
	[tilespmem:$0x1D000] =	vst v63  }
0x22b: {  	_ =	swait.ge [sflag:s17], $0x4000  }
0x22c: {  	[sflag:s17] =	ssyncset.done $0x0  }
0x22d: {  	s6 =	simm.s32 $0xB00;
	[sflag:s17] =	ssyncadd.s32 $0xFFFFC000  }
0x22e: {  	[spmem:s2] =	stream.indirect.scatter.add.f32 [tilespmem:s12], [sflag:$0x3], $0x80, s6, s15, $0xb8;
	[tilespmem:$0x1D000] =	vst v63  }
0x22f: {  	_ =	swait.ge [sflag:s18], $0x4000  }
0x230: {  	[sflag:s18] =	ssyncset.done $0x0  }
0x231: {  	s6 =	simm.s32 $0xB80;
	[sflag:s18] =	ssyncadd.s32 $0xFFFFC000  }
0x232: {  	[spmem:s2] =	stream.indirect.scatter.add.f32 [tilespmem:s16], [sflag:$0x4], $0x80, s6, s15, $0xb8;
	[tilespmem:$0x1D000] =	vst v63  }
0x233: {  	_ =	swait.ge [sflag:s20], $0x4000  }
0x234: {  	[sflag:s20] =	ssyncset.done $0x0  }
0x235: {  	[sflag:s20] =	ssyncadd.s32 $0xFFFFC000  }
0x236: {  	[tilespmem:s12], [sflag:$0x1] =	stream.indirect.gather [hbm4b:s4+s15], $0x80, s7, s15, $0xb8;
	[tilespmem:$0x1D000] =	vst v63  }
0x237: {  	_ =	swait.ge [sflag:s22], $0x4000  }
0x238: {  	[sflag:s22] =	ssyncset.done $0x0  }
0x239: {  	[sflag:s22] =	ssyncadd.s32 $0xFFFFC000  }
0x23a: {  	[tilespmem:s16], [sflag:$0x2] =	stream.indirect.gather [hbm4b:s4+s15], $0x80, s8, s15, $0xb8;
	[tilespmem:$0x1D000] =	vst v63  }
0x23b: {  	_ =	swait.ge [sflag:s17], $0x4000  }
0x23c: {  	[sflag:s17] =	ssyncset.done $0x0  }
0x23d: {  	[sflag:s17] =	ssyncadd.s32 $0xFFFFC000  }
0x23e: {  	[spmem:s2] =	stream.indirect.scatter.add.f32 [tilespmem:s12], [sflag:$0x3], $0x80, s9, s15, $0xb8;
	[tilespmem:$0x1D000] =	vst v63  }
0x23f: {  	_ =	swait.ge [sflag:s18], $0x4000  }
0x240: {  	[sflag:s18] =	ssyncset.done $0x0  }
0x241: {  	[sflag:s18] =	ssyncadd.s32 $0xFFFFC000  }
0x242: {  	[spmem:s2] =	stream.indirect.scatter.add.f32 [tilespmem:s16], [sflag:$0x4], $0x80, s10, s15, $0xb8;
	[tilespmem:$0x1D000] =	vst v63  }
0x243: {  	_ =	swait.ge [sflag:s20], $0x4000  }
0x244: {  	[sflag:s20] =	ssyncset.done $0x0  }
0x245: {  	[sflag:s20] =	ssyncadd.s32 $0xFFFFC000  }
0x246: {  	[tilespmem:s12], [sflag:$0x1] =	stream.indirect.gather [hbm4b:s4+s15], $0x80, s11, s15, $0xb8;
	[tilespmem:$0x1D000] =	vst v63  }
0x247: {  	_ =	swait.ge [sflag:s22], $0x4000  }
0x248: {  	[sflag:s22] =	ssyncset.done $0x0  }
0x249: {  	[sflag:s22] =	ssyncadd.s32 $0xFFFFC000  }
0x24a: {  	[tilespmem:s16], [sflag:$0x2] =	stream.indirect.gather [hbm4b:s4+s15], $0x80, s5, s15, $0xb8;
	[tilespmem:$0x1D000] =	vst v63  }
0x24b: {  	_ =	swait.ge [sflag:s17], $0x4000  }
0x24c: {  	[sflag:s17] =	ssyncset.done $0x0  }
0x24d: {  	[sflag:s17] =	ssyncadd.s32 $0xFFFFC000  }
0x24e: {  	[spmem:s2] =	stream.indirect.scatter.add.f32 [tilespmem:s12], [sflag:$0x3], $0x80, s19, s15, $0xb8;
	[tilespmem:$0x1D000] =	vst v63  }
0x24f: {  	_ =	swait.ge [sflag:s18], $0x4000  }
0x250: {  	[sflag:s18] =	ssyncset.done $0x0  }
0x251: {  	[sflag:s18] =	ssyncadd.s32 $0xFFFFC000  }
0x252: {  	[spmem:s2] =	stream.indirect.scatter.add.f32 [tilespmem:s16], [sflag:$0x4], $0x80, s21, s15, $0xb8;
	[tilespmem:$0x1D000] =	vst v63  }
0x253: {  	_ =	swait.ge [sflag:s20], $0x4000  }
0x254: {  	[sflag:s20] =	ssyncset.done $0x0  }
0x255: {  	[sflag:s20] =	ssyncadd.s32 $0xFFFFC000  }
0x256: {  	[tilespmem:s12], [sflag:$0x1] =	stream.indirect.gather [hbm4b:s4+s15], $0x80, s23, s15, $0xb8;
	[tilespmem:$0x1D000] =	vst v63  }
0x257: {  	_ =	swait.ge [sflag:s22], $0x4000  }
0x258: {  	[sflag:s22] =	ssyncset.done $0x0  }
0x259: {  	[sflag:s22] =	ssyncadd.s32 $0xFFFFC000  }
0x25a: {  	[tilespmem:s16], [sflag:$0x2] =	stream.indirect.gather [hbm4b:s4+s15], $0x80, s24, s15, $0xb8;
	[tilespmem:$0x1D000] =	vst v63  }
0x25b: {  	_ =	swait.ge [sflag:s17], $0x4000  }
0x25c: {  	[sflag:s17] =	ssyncset.done $0x0  }
0x25d: {  	[sflag:s17] =	ssyncadd.s32 $0xFFFFC000  }
0x25e: {  	[spmem:s2] =	stream.indirect.scatter.add.f32 [tilespmem:s12], [sflag:$0x3], $0x80, s25, s15, $0xb8;
	[tilespmem:$0x1D000] =	vst v63  }
0x25f: {  	_ =	swait.ge [sflag:s18], $0x4000  }
0x260: {  	[sflag:s18] =	ssyncset.done $0x0  }
0x261: {  	[sflag:s18] =	ssyncadd.s32 $0xFFFFC000  }
0x262: {  	[spmem:s2] =	stream.indirect.scatter.add.f32 [tilespmem:s16], [sflag:$0x4], $0x80, s26, s15, $0xb8;
	[tilespmem:$0x1D000] =	vst v63  }
0x263: {  	_ =	swait.ge [sflag:s20], $0x4000  }
0x264: {  	[sflag:s20] =	ssyncset.done $0x0  }
0x265: {  	[sflag:s20] =	ssyncadd.s32 $0xFFFFC000  }
0x266: {  	[tilespmem:s12], [sflag:$0x1] =	stream.indirect.gather [hbm4b:s4+s15], $0x80, s28, s15, $0xb8;
	[tilespmem:$0x1D000] =	vst v63  }
0x267: {  	_ =	swait.ge [sflag:s22], $0x4000  }
0x268: {  	[sflag:s22] =	ssyncset.done $0x0  }
0x269: {  	[sflag:s22] =	ssyncadd.s32 $0xFFFFC000  }
0x26a: {  	[tilespmem:s16], [sflag:$0x2] =	stream.indirect.gather [hbm4b:s4+s15], $0x80, s29, s15, $0xb8;
	[tilespmem:$0x1D000] =	vst v63  }
0x26b: {  	_ =	swait.ge [sflag:s17], $0x4000  }
0x26c: {  	[sflag:s17] =	ssyncset.done $0x0  }
0x26d: {  	[sflag:s17] =	ssyncadd.s32 $0xFFFFC000  }
0x26e: {  	[spmem:s2] =	stream.indirect.scatter.add.f32 [tilespmem:s12], [sflag:$0x3], $0x80, s30, s15, $0xb8;
	[tilespmem:$0x1D000] =	vst v63  }
0x26f: {  	_ =	swait.ge [sflag:s18], $0x4000  }
0x270: {  	[sflag:s18] =	ssyncset.done $0x0  }
0x271: {  	p1 =	seq.s32 s1, $0x400;
	[sflag:s18] =	ssyncadd.s32 $0xFFFFC000  }
0x272: {  	[spmem:s2] =	stream.indirect.scatter.add.f32 [tilespmem:s16], [sflag:$0x4], $0x80, s31, s15, $0xb8;
	[tilespmem:$0x1D000] =	vst v63  }
.Ltmp6:
0x273: {  	_ =	swait.ge [sflag:s20], $0x4000;
	(pc) =	sbr.rel @!p1 .LBB2_5-.Ltmp6, $4  }
0x274: {  	[sflag:s20] =	ssyncset.done $0x0  }
0x275: {  	[sflag:s20] =	ssyncadd.s32 $0xFFFFC000  }
0x276: {  	_ =	swait.ge [sflag:s22], $0x4000  }
0x277: {  	s1 =	sadd.s32 $0x100, s1;
	[sflag:s22] =	ssyncset.done $0x0  }
.Ltmp7:
0x278: {  	_ = 	snop;
	(pc) =	sbr.rel .LBB2_6-.Ltmp7, $1  }
0x279: {  	_ =	sdelay $0x3  }
.LBB2_11:
0x27a: {  	_ =	sfence.sel $0x180000  }
0x27b: {  	[bflag:$0x0] =	sbarrier.arrive $0xFFFF  }
0x27c: {  	_ =	strace $0x9000004D  }
0x27d: {  	s0 =	stileid.u32;
	[bflag:$0x2] =	sbarrier.arrive $0xFFFF  }
0x27e: {  	p0 =	sne.s32 s0, $0x0;
	s0 =	rddreg [dreg:$0x2]  }
0x27f: {  	s0 =	sadd.s32 @!p0 $0x100000, s0  }
0x280: {  	[sflag:s0] =	ssyncadd.tile.s32 @!p0 $0x1;
	_ =	shalt  }
.Lfunc_end2:
_tile_overlayer_lowered:
.L_overlay_start_2:
0x281: {  	(tag) =	ssettag $0x2  }
0x282: {  	s0 =	rddreg [dreg:$0x0];
	s2 =	stileid.u32  }
0x283: {  	s1 =	rddreg [dreg:$0x1];
	p0 =	sne.s32 s2, $0x0  }
0x284: {  	s3 =	rddreg [dreg:$0x2];
	[bflag:$0x3] =	sbarrier.arrive $0xFFFF;
	s2 =	simm.s32 @!p0 $0x1C05  }
0x285: {  	[timem:s3], [sflag:s2] =	dma.local @!p0 [hbm:s0], s1  }
0x286: {  	s0 =	simm.s32 @!p0 $0x5  }
0x287: {  	_ =	swait.ge @!p0 [sflag:s0], s1  }
0x288: {  	s1 =	ssub.s32 @!p0 $0x0, s1;
	[sflag:s0] =	ssyncset.done @!p0 $0x0  }
0x289: {  	[sflag:s0] =	ssyncadd.s32 @!p0 s1  }
0x28a: {  	[bflag:$0x3] =	sbarrier.arrive $0xFFFF  }
0x28b: {  	_ =	shalt  }

// kernel: kernel.8.cloned.1.call-start
scs
__scs_entry_jumppad:
0x0: {  	(pc) =	sbr.rel $0x88, $3  }
0x1: {  	(tag) =	ssettag $0x0;
	lr =	simm.s32 $0x1  }
0x2: {  	[smem:$0x3F8F] =	sst lr;
	_ =	strace $0xD0000000  }
0x3: {  	_ = 	snop  }
0x4: {  	_ = 	snop  }
0x5: {  	_ = 	snop  }
0x6: {  	_ = 	snop  }
0x7: {  	_ = 	snop  }
__scs_overlays_trampoline_lowered:
0x8: {  	[smem:$0x3F9E] =	sst s0  }
0x9: {  	[smem:$0x3F9F] =	sst s1  }
0xa: {  	[smem:$0x3FA0] =	sst s2  }
0xb: {  	[smem:$0x3FA1] =	sst s3  }
0xc: {  	[smem:$0x3FA2] =	sst s4  }
0xd: {  	[smem:$0x3FA3] =	sst s5  }
0xe: {  	[smem:$0x3FA4] =	sst s6  }
0xf: {  	[smem:$0x3FA5] =	sst s7  }
0x10: {  	[smem:$0x3FA6] =	sst s8  }
0x11: {  	[smem:$0x3FA7] =	sst s9;
	s0 =	simm.s32 @!p0 $0x0  }
0x12: {  	s1 =	sld [smem:$0x3F8D];
	s0 =	simm.s32 @p0 $0x1  }
0x13: {  	[smem:$0x3FA8] =	sst s0;
	s0 =	simm.s32 @!p1 $0x0  }
0x14: {  	s2 =	sld [smem:$0x3F8C];
	s0 =	simm.s32 @p1 $0x1  }
0x15: {  	[smem:$0x3FA9] =	sst s0;
	s0 =	simm.s32 @!p2 $0x0  }
0x16: {  	s3 =	sld [smem:$0x3FDB];
	s0 =	simm.s32 @p2 $0x1  }
0x17: {  	s4 =	simm.s32 $0x1BF5;
	[smem:$0x3FAB] =	sst s0  }
0x18: {  	s0 =	sld [smem:$0x3F8E];
	_ =	swait.ge [sflag:s4], $0x0  }
0x19: {  	s7 =	sld [smem:$0x3F8F]  }
0x1a: {  	s8 =	sadd.s32 $0xFFFFE003, lr  }
0x1b: {  	s9 =	sadd.s32 $0xFFFFFEF7, lr;
	s5 =	simm.s32 $0xFFFFFFFF;
	p2 =	slt.u32 s8, $0xFFFFF086  }
0x1c: {  	p1 =	slt.u32 s9, $0xF7A;
	s5 =	simm.s32 @!p2 $0x0  }
0x1d: {  	s5 =	simm.s32 @p1 $0x1;
	p0 =	seq.s32 s7, s2  }
0x1e: {  	s7 =	smul.u32 @!p0 $0xF7A, s2;
	p2 =	seq.s32 @!p0 s5, $0x0  }
0x1f: {  	s9 =	smul.u32 $0xF7A, s1;
	s8 =	simm.s32 @!p0 $0x1BF5;
	p2 =	por !p2, p0  }
0x20: {  	[sflag:s8] =	ssyncset.s32 @!p0 $0xFFFFF086;
	s6 =	sadd.s32 @!p0 s3, s7;
	s7 =	simm.s32 @!p0 $0x108  }
0x21: {  	s3 =	sadd.s32 s3, s9;
	s6 =	sadd.s32 @!p0 $0x88, s6;
	s7 =	simm.s32 @p2 $0x1082  }
0x22: {  	[simem:s7], [sflag:s8] =	dma.local @!p0 [hbm:s6], $0xF7A  }
0x23: {  	s9 =	sor.u32 $0xD0000000, s2;
	s6 =	simm.s32 $0x108;
	_ =	swait.ge @!p0 [sflag:s8], $0x0  }
0x24: {  	s3 =	sadd.s32 $0x88, s3;
	s6 =	simm.s32 @!p1 $0x1082;
	[sflag:s4] =	ssyncset.s32 $0xFFFFF086  }
0x25: {  	[simem:s6], [sflag:s4] =	dma.local [hbm:s3], $0xF7A  }
0x26: {  	[smem:$0x3F8F] =	sst s1;
	(tag) =	ssettag s2;
	_ =	strace s9  }
0x27: {  	s1 =	sld [smem:$0x3F9F]  }
0x28: {  	s2 =	sld [smem:$0x3FA0]  }
0x29: {  	s4 =	sld [smem:$0x3FA2]  }
0x2a: {  	p0 =	seq.s32 s5, $0x0;
	s5 =	sld [smem:$0x3FA3]  }
0x2b: {  	s6 =	sld [smem:$0x3FA4]  }
0x2c: {  	s7 =	sld [smem:$0x3FA5]  }
0x2d: {  	s3 =	simm.s32 $0x108;
	s8 =	sld [smem:$0x3FA6]  }
0x2e: {  	s3 =	simm.s32 @!p0 $0x1082;
	s9 =	sld [smem:$0x3FA7]  }
0x2f: {  	lr =	sadd.s32 s0, s3;
	s0 =	sld [smem:$0x3F9E]  }
0x30: {  	s3 =	sld [smem:$0x3FA1]  }
0x31: {  	[smem:$0x3FAA] =	sst s10  }
0x32: {  	s10 =	sld [smem:$0x3FA8];
	_ =	sdelay $0x3  }
0x33: {  	p0 =	seq.s32 s10, $0x1;
	s10 =	sld [smem:$0x3FAA];
	_ =	sdelay $0x3  }
0x34: {  	[smem:$0x3FAA] =	sst s10  }
0x35: {  	s10 =	sld [smem:$0x3FA9];
	_ =	sdelay $0x3  }
0x36: {  	p1 =	seq.s32 s10, $0x1;
	s10 =	sld [smem:$0x3FAA];
	_ =	sdelay $0x3  }
0x37: {  	[smem:$0x3FAA] =	sst s10  }
0x38: {  	s10 =	sld [smem:$0x3FAB]  }
0x39: {  	_ = 	snop;
	(pc) =	sbr.ind lr, $3  }
0x3a: {  	_ = 	snop  }
0x3b: {  	_ = 	snop  }
0x3c: {  	p2 =	seq.s32 s10, $0x1;
	s10 =	sld [smem:$0x3FAA]  }
0x3d: {  	_ =	shalt  }
0x3e: {  	_ =	shalt  }
0x3f: {  	_ =	shalt  }
0x40: {  	_ =	shalt  }
0x41: {  	_ =	shalt  }
0x42: {  	_ =	shalt  }
0x43: {  	_ =	shalt  }
0x44: {  	_ =	shalt  }
0x45: {  	_ =	shalt  }
0x46: {  	_ =	shalt  }
0x47: {  	_ =	shalt  }
0x48: {  	_ =	shalt  }
0x49: {  	_ =	shalt  }
0x4a: {  	_ =	shalt  }
0x4b: {  	_ =	shalt  }
0x4c: {  	_ =	shalt  }
0x4d: {  	_ =	shalt  }
0x4e: {  	_ =	shalt  }
0x4f: {  	_ =	shalt  }
0x50: {  	_ =	shalt  }
0x51: {  	_ =	shalt  }
0x52: {  	_ =	shalt  }
0x53: {  	_ =	shalt  }
0x54: {  	_ =	shalt  }
0x55: {  	_ =	shalt  }
0x56: {  	_ =	shalt  }
0x57: {  	_ =	shalt  }
0x58: {  	_ =	shalt  }
0x59: {  	_ =	shalt  }
0x5a: {  	_ =	shalt  }
0x5b: {  	_ =	shalt  }
0x5c: {  	_ =	shalt  }
0x5d: {  	_ =	shalt  }
0x5e: {  	_ =	shalt  }
0x5f: {  	_ =	shalt  }
0x60: {  	_ =	shalt  }
0x61: {  	_ =	shalt  }
0x62: {  	_ =	shalt  }
0x63: {  	_ =	shalt  }
0x64: {  	_ =	shalt  }
0x65: {  	_ =	shalt  }
0x66: {  	_ =	shalt  }
0x67: {  	_ =	shalt  }
0x68: {  	_ =	shalt  }
0x69: {  	_ =	shalt  }
0x6a: {  	_ =	shalt  }
0x6b: {  	_ =	shalt  }
0x6c: {  	_ =	shalt  }
0x6d: {  	_ =	shalt  }
0x6e: {  	_ =	shalt  }
0x6f: {  	_ =	shalt  }
0x70: {  	_ =	shalt  }
0x71: {  	_ =	shalt  }
0x72: {  	_ =	shalt  }
0x73: {  	_ =	shalt  }
0x74: {  	_ =	shalt  }
0x75: {  	_ =	shalt  }
0x76: {  	_ =	shalt  }
0x77: {  	_ =	shalt  }
0x78: {  	_ =	shalt  }
0x79: {  	_ =	shalt  }
0x7a: {  	_ =	shalt  }
0x7b: {  	_ =	shalt  }
0x7c: {  	_ =	shalt  }
0x7d: {  	_ =	shalt  }
0x7e: {  	_ =	shalt  }
0x7f: {  	_ =	shalt  }
0x80: {  	_ =	shalt  }
0x81: {  	_ =	shalt  }
0x82: {  	_ =	shalt  }
0x83: {  	_ =	shalt  }
0x84: {  	_ =	shalt  }
0x85: {  	_ =	shalt  }
0x86: {  	_ =	shalt  }
0x87: {  	_ =	shalt  }
.Lfunc_end0:
.L_simem_size_0:
called_computation_lowered:
.L_overlay_start_0:
0x88: {  	s2 =	sld [smem:$0x3FD9]  }
0x89: {  	s3 =	sld [smem:$0x3FFE];
	_ =	sdelay $0x1  }
0x8a: {  	s1 =	srdreg.scid  }
0x8b: {  	s0 =	sand.u32 $0x1, s1  }
0x8c: {  	s17 =	sshll.u32 s0, $0xA;
	s2 =	sadd.s32 s3, s2  }
0x8d: {  	s2 =	sadd.s32 s2, s17  }
0x8e: {  	[smem:$0x3FB6] =	sst s2  }
0x8f: {  	_ = 	snop  }
0x90: {  	s2 =	sld [smem:$0x3FD0];
	(tm) =	ssettm $0x1  }
0x91: {  	s18 =	sld [smem:$0x3FFB];
	_ =	sdelay $0x3  }
0x92: {  	_ =	strace s18  }
0x93: {  	s3 =	sld [smem:$0x3FFC];
	_ =	sdelay $0x3  }
0x94: {  	_ =	strace s3  }
0x95: {  	s3 =	sld [smem:$0x3FFD];
	_ =	sdelay $0x3  }
0x96: {  	_ =	strace s3  }
0x97: {  	_ =	strace $0x8FFFFFFF  }
0x98: {  	s19 =	sld [smem:$0x3FDB];
	_ =	sdelay $0x1  }
0x99: {  	s4 =	simm.s32 $_scs_section_size  }
0x9a: {  	s5 =	simm.s32 $_size__tile_overlayer_lowered;
	s6 =	simm.s32 $_tile_overlayer_lowered  }
0x9b: {  	s22 =	simm.s32 $0x1BFF;
	s21 =	sshll.u32 s6, $0x1;
	s3 =	sadd.s32 s4, s19  }
0x9c: {  	s7 =	simm.s32 $0x0;
	s20 =	sshll.u32 s5, $0x1;
	s5 =	sadd.s32 s21, s3  }
0x9d: {  	[timem:s7], [sflag:s22] =	dma.local [hbm:s5], s20  }
0x9e: {  	_ =	swait.ge [sflag:s22], s20  }
0x9f: {  	s4 =	ssub.s32 $0x0, s20;
	[sflag:s22] =	ssyncset.done $0x0  }
0xa0: {  	[sflag:s22] =	ssyncadd.s32 s4;
	_ =	sdelay $0x1  }
0xa1: {  	s23 =	simm.s32 $0x1B8B  }
0xa2: {  	_ =	swait.ge [sflag:s23], $0x1  }
0xa3: {  	[sflag:s23] =	ssyncset.done $0x0  }
0xa4: {  	s25 =	simm.s32 $0x1B8E;
	s24 =	sld [smem:$0x3FFE];
	[sflag:s23] =	ssyncadd.s32 $0xFFFFFFFF  }
0xa5: {  	s26 =	simm.s32 $execute0_lowered;
	[smem:$0x3FD2] =	sst s25  }
0xa6: {  	s5 =	sshll.u32 s26, $0x1;
	_ =	strace $0x80000046;
	[dreg:$0x1] =	wrdreg $0xFFFFFFFF  }
0xa7: {  	s28 =	simm.s32 $_size_execute0_lowered;
	s3 =	sadd.s32 s3, s5;
	[dreg:$0x0] =	wrdreg $0x0  }
0xa8: {  	s5 =	sshll.u32 s28, $0x1;
	[dreg:$0x2] =	wrdreg s3  }
0xa9: {  	[dreg:$0x3] =	wrdreg s5  }
0xaa: {  	[dreg:$0x4] =	wrdreg $0xC0  }
0xab: {  	_ =	task [dreg:s7], $0x5FFFF  }
0xac: {  	[dreg:$0x1] =	wrdreg $0xFFFFFFFF  }
0xad: {  	[dreg:$0x0] =	wrdreg $0x60  }
0xae: {  	[dreg:$0x2] =	wrdreg s24  }
0xaf: {  	[dreg:$0x3] =	wrdreg s2  }
0xb0: {  	[dreg:$0x4] =	wrdreg $0xA3000  }
0xb1: {  	[dreg:$0x5] =	wrdreg $0x1E3000  }
0xb2: {  	[dreg:$0x6] =	wrdreg $0x1E5800  }
0xb3: {  	[dreg:$0x7] =	wrdreg $0x9  }
0xb4: {  	_ =	task.clear_ibuf [dreg:s7], $0x8FFFF;
	_ =	strace $0x90000046  }
0xb5: {  	s29 =	simm.s32 $0x9;
	_ =	strace $0x80000048  }
0xb6: {  	_ =	swait.ge [sflag:s29], $0x1  }
0xb7: {  	[sflag:s29] =	ssyncadd.s32 $0xFFFFFFFF  }
0xb8: {  	_ =	strace $0x90000048  }
0xb9: {  	_ =	sfence  }
0xba: {  	s30 =	sld [smem:$0x0];
	_ =	sdelay $0x2  }
0xbb: {  	s31 =	sshll.u32 s1, $0xD;
	s1 =	sshrl.u32 s1, $0x2  }
0xbc: {  	s3 =	sand.u32 $0x4000, s31;
	s1 =	sadd.s32 s1, s30  }
0xbd: {  	s0 =	sor.u32 s3, s0;
	s1 =	sshll.u32 s1, $0x11  }
0xbe: {  	s0 =	sor.u32 s1, s0  }
0xbf: {  	s0 =	sadd.s32 $0x8F2B, s0  }
0xc0: {  	[sflag:s0] =	ssyncadd.remote.s32 $0x1  }
0xc1: {  	_ =	sfence.sel $0xFFFF  }
0xc2: {  	[dreg:$0x0] =	wrdreg $0xFFFFFFFF;
	(pc) =	sbr.abs _section_cstart, $3  }
0xc3: {  	[dreg:$0x1] =	wrdreg $0xFFFFFFFF  }
0xc4: {  	_ =	task.clear_ibuf [dreg:s7], $0x2FFFF;
	_ =	strace $0x9FFFFFFF  }
0xc5: {  	(tm) =	ssettm $0x7FFFFFFF  }
tec
execute0_lowered:
.L_overlay_start_1:
0x0: {  	(tag) =	ssettag $0x1  }
0x1: {  	s0 =	rddreg [dreg:$0x0]  }
0x2: {  	s4 =	rddreg [dreg:$0x1]  }
0x3: {  	s1 =	rddreg [dreg:$0x2]  }
0x4: {  	s2 =	rddreg [dreg:$0x3]  }
0x5: {  	s3 =	rddreg [dreg:$0x4];
	s18 =	stileid.u32  }
0x6: {  	s5 =	srdreg.scid;
	s9 =	smul.u32 $0x14000, s18  }
0x7: {  	s28 =	simm.s32 $0x3;
	s29 =	simm.s32 $0x4;
	s11 =	smul.u32 $0x50000, s18  }
0x8: {  	s30 =	simm.s32 $0x6000;
	s31 =	simm.s32 $0x1;
	s12 =	smul.u32 $0x280, s18  }
0x9: {  	s10 =	sand.u32 $0x1, s5;
	s5 =	simm.s32 $0x0;
	s16 =	smul.u32 $0x5000, s18  }
0xa: {  	s6 =	sadd.s32 $0x2200, s0;
	s7 =	sadd.s32 $0x34200, s0;
	s8 =	smul.u32 $0x140000, s10  }
0xb: {  	[smem:$0x7FF] =	sst s5;
	s14 =	ssub.s32 $0x2, s10;
	p0 =	sne.s32 s10, $0x0  }
0xc: {  	_ =	strace $0x80000047;
	s20 =	sshrl.u32 s11, $0x2;
	s21 =	sshrl.u32 s12, $0x3  }
0xd: {  	s15 =	sshrl.u32 s14, $0x1;
	s25 =	sadd.s32 s12, s2;
	s9 =	sadd.s32 s9, s8  }
0xe: {  	s8 =	sadd.s32 $0x2A200, s0;
	[dreg:$0xc] =	wrdreg s25;
	s4 =	sadd.s32 s4, s21  }
0xf: {  	s25 =	simm.s32 $0x80;
	s9 =	sshrl.u32 s9, $0x3;
	[dreg:$0xa] =	wrdreg s4  }
0x10: {  	s4 =	simm.s32 $0x1F80;
	s13 =	sadd.s32 s9, s0;
	s9 =	sadd.s32 s20, s1  }
0x11: {  	s0 =	sadd.s32 s21, s0;
	s20 =	ssub.s32 s14, s15;
	s22 =	sadd.s32 $0x8000, s9  }
0x12: {  	s15 =	sadd.s32 s12, s3;
	s23 =	sadd.s32 $0xC000, s9;
	[dreg:$0x6] =	wrdreg s22  }
0x13: {  	s21 =	simm.s32 $0x2000;
	s24 =	sadd.s32 $0x10000, s9;
	[dreg:$0x7] =	wrdreg s23  }
0x14: {  	s19 =	sadd.s32 $0x4000, s9;
	s26 =	sadd.s32 $0x3E800, s13;
	[dreg:$0x8] =	wrdreg s24  }
0x15: {  	s0 =	sadd.s32 $0x3E200, s0;
	s14 =	smax.u32 s20, $0x1;
	[dreg:$0x9] =	wrdreg s26  }
0x16: {  	[dreg:$0xb] =	wrdreg s0;
	s22 =	simm.s32 $0x5;
	s24 =	simm.s32 $0x1000  }
0x17: {  	v0 =	vimm.f32 $0.0e+00;
	v1 =	vimm.f32 $1.000000000e+00;
	s26 =	simm.s32 $0xA000;
	s0 =	simm.s32 $0x2;
	s23 =	simm.s32 $0x1F00  }
.LBB2_1:
0x18: {  	s10 =	simm.s32 $0x0;
	s11 =	simm.s32 $0x200  }
.LBB2_2:
0x19: {  	p1 =	sne.s32 s11, $0xFE00;
	[tilespmem:s10+$0x2070] =	vst v0  }
0x1a: {  	[tilespmem:s10+$0x2000] =	vst v0  }
0x1b: {  	[tilespmem:s10+$0x2010] =	vst v0  }
.Ltmp0:
0x1c: {  	[tilespmem:s10+$0x2020] =	vst v0;
	(pc) =	sbr.rel @p1 .LBB2_2-.Ltmp0, $4  }
0x1d: {  	[tilespmem:s10+$0x2030] =	vst v0  }
0x1e: {  	[tilespmem:s10+$0x2040] =	vst v0  }
0x1f: {  	[tilespmem:s10+$0x2050] =	vst v0  }
0x20: {  	[tilespmem:s10+$0x2060] =	vst v0;
	s10 =	sshra.s32 s11, $0x2;
	s11 =	sadd.s32 $0x200, s11  }
0x21: {  	[tilespmem:s10+$0x2070] =	vst v0  }
0x22: {  	[tilespmem:s10+$0x2000] =	vst v0  }
0x23: {  	[tilespmem:s10+$0x2010] =	vst v0  }
0x24: {  	[tilespmem:s10+$0x2020] =	vst v0  }
0x25: {  	[tilespmem:s10+$0x2030] =	vst v0  }
0x26: {  	[tilespmem:s10+$0x2040] =	vst v0  }
0x27: {  	[tilespmem:s10+$0x2050] =	vst v0  }
0x28: {  	[tilespmem:s10+$0x2060] =	vst v0  }
0x29: {  	[spmem:s9] =	stream.linear.scatter [tilespmem:s21], [sflag:$0x5], $0x4000, $0x38;
	[tilespmem:$0x1E800] =	vst v63  }
0x2a: {  	_ =	swait.ge [sflag:s22], $0x4000  }
0x2b: {  	[sflag:s22] =	ssyncset.done $0x0  }
0x2c: {  	[sflag:s22] =	ssyncadd.s32 $0xFFFFC000  }
0x2d: {  	[spmem:s19] =	stream.linear.scatter [tilespmem:s21], [sflag:$0x5], $0x4000, $0x38;
	[tilespmem:$0x1E800] =	vst v63  }
0x2e: {  	_ =	swait.ge [sflag:s22], $0x4000  }
0x2f: {  	[sflag:s22] =	ssyncset.done $0x0  }
0x30: {  	s13 =	rddreg [dreg:$0x6];
	[sflag:s22] =	ssyncadd.s32 $0xFFFFC000  }
0x31: {  	[spmem:s13] =	stream.linear.scatter [tilespmem:s21], [sflag:$0x5], $0x4000, $0x38;
	[tilespmem:$0x1E800] =	vst v63  }
0x32: {  	_ =	swait.ge [sflag:s22], $0x4000  }
0x33: {  	[sflag:s22] =	ssyncset.done $0x0  }
0x34: {  	s17 =	rddreg [dreg:$0x7];
	[sflag:s22] =	ssyncadd.s32 $0xFFFFC000  }
0x35: {  	[spmem:s17] =	stream.linear.scatter [tilespmem:s21], [sflag:$0x5], $0x4000, $0x38;
	[tilespmem:$0x1E800] =	vst v63  }
0x36: {  	_ =	swait.ge [sflag:s22], $0x4000  }
0x37: {  	[sflag:s22] =	ssyncset.done $0x0  }
.Ltmp1:
0x38: {  	s20 =	rddreg [dreg:$0x8];
	[sflag:s22] =	ssyncadd.s32 $0xFFFFC000;
	(pc) =	sbr.rel @p0 .LBB2_9-.Ltmp1, $4  }
0x39: {  	[spmem:s20] =	stream.linear.scatter [tilespmem:s21], [sflag:$0x5], $0x4000, $0x38;
	[tilespmem:$0x1E800] =	vst v63  }
0x3a: {  	_ =	swait.ge [sflag:s22], $0x4000  }
0x3b: {  	[sflag:s22] =	ssyncset.done $0x0  }
0x3c: {  	[sflag:s22] =	ssyncadd.s32 $0xFFFFC000  }
0x3d: {  	[tilespmem:$0xA080] =	vst v0  }
0x3e: {  	[tilespmem:$0xA090] =	vst v0  }
0x3f: {  	[tilespmem:$0xA0A0] =	vst v0  }
0x40: {  	[tilespmem:$0xA0B0] =	vst v0  }
0x41: {  	[tilespmem:$0xA0C0] =	vst v0  }
0x42: {  	[tilespmem:$0xA0D0] =	vst v0  }
0x43: {  	[tilespmem:$0xA0E0] =	vst v0  }
0x44: {  	[tilespmem:$0xA0F0] =	vst v0  }
0x45: {  	[tilespmem:$0xA100] =	vst v0  }
0x46: {  	[tilespmem:$0xA110] =	vst v0  }
0x47: {  	[tilespmem:$0xA120] =	vst v0  }
0x48: {  	[tilespmem:$0xA130] =	vst v0  }
0x49: {  	[tilespmem:$0xA140] =	vst v0  }
0x4a: {  	[tilespmem:$0xA150] =	vst v0  }
0x4b: {  	[tilespmem:$0xA160] =	vst v0  }
0x4c: {  	[tilespmem:$0xA170] =	vst v0  }
0x4d: {  	[tilespmem:$0xA180] =	vst v0  }
0x4e: {  	[tilespmem:$0xA190] =	vst v0  }
0x4f: {  	[tilespmem:$0xA1A0] =	vst v0  }
0x50: {  	[tilespmem:$0xA1B0] =	vst v0  }
0x51: {  	[tilespmem:$0xA1C0] =	vst v0  }
0x52: {  	[tilespmem:$0xA1D0] =	vst v0  }
0x53: {  	[tilespmem:$0xA1E0] =	vst v0  }
0x54: {  	[tilespmem:$0xA1F0] =	vst v0  }
0x55: {  	[tilespmem:$0xA200] =	vst v0  }
0x56: {  	[tilespmem:$0xA210] =	vst v0  }
0x57: {  	[tilespmem:$0xA220] =	vst v0  }
0x58: {  	[tilespmem:$0xA230] =	vst v0  }
0x59: {  	[tilespmem:$0xA240] =	vst v0  }
0x5a: {  	[tilespmem:$0xA250] =	vst v0  }
0x5b: {  	[tilespmem:$0xA260] =	vst v0  }
0x5c: {  	[tilespmem:$0xA270] =	vst v0  }
0x5d: {  	[tilespmem:$0xA280] =	vst v0  }
0x5e: {  	[tilespmem:$0xA290] =	vst v0  }
0x5f: {  	[tilespmem:$0xA2A0] =	vst v0  }
0x60: {  	[tilespmem:$0xA2B0] =	vst v0  }
0x61: {  	[tilespmem:$0xA2C0] =	vst v0  }
0x62: {  	[tilespmem:$0xA2D0] =	vst v0  }
0x63: {  	[tilespmem:$0xA2E0] =	vst v0  }
0x64: {  	[tilespmem:$0xA2F0] =	vst v0;
	s10 =	rddreg [dreg:$0xc];
	s11 =	simm.s32 $0xA080  }
0x65: {  	[spmem:s10] =	stream.linear.scatter [tilespmem:s11], [sflag:$0x5], $0x280, $0x38;
	[tilespmem:$0x1E800] =	vst v63  }
0x66: {  	_ =	swait.ge [sflag:s22], $0x280  }
0x67: {  	[sflag:s22] =	ssyncset.done $0x0  }
0x68: {  	[sflag:s22] =	ssyncadd.s32 $0xFFFFFD80  }
0x69: {  	[spmem:s15] =	stream.linear.scatter [tilespmem:s11], [sflag:$0x5], $0x280, $0x38;
	[tilespmem:$0x1E800] =	vst v63  }
0x6a: {  	_ =	swait.ge [sflag:s22], $0x280  }
0x6b: {  	[sflag:s22] =	ssyncset.done $0x0  }
0x6c: {  	[sflag:s22] =	ssyncadd.s32 $0xFFFFFD80  }
0x6d: {  	[bflag:$0x0] =	sbarrier.arrive $0xFFFF  }
0x6e: {  	[tilespmem:$0xA000] =	vst v1  }
0x6f: {  	[tilespmem:$0xA010] =	vst v1  }
0x70: {  	[tilespmem:$0xA020] =	vst v1  }
0x71: {  	[tilespmem:$0xA030] =	vst v1  }
0x72: {  	[tilespmem:$0xA040] =	vst v1  }
0x73: {  	[tilespmem:$0xA050] =	vst v1  }
0x74: {  	[tilespmem:$0xA060] =	vst v1  }
0x75: {  	s20 =	smov.u32 s19;
	s10 =	simm.s32 $0x0;
	s11 =	simm.s32 $0x0;
	[tilespmem:$0xA070] =	vst v1  }
.LBB2_5:
0x76: {  	s12 =	sshll.u32 s11, $0xC  }
0x77: {  	s12 =	sadd.s32 s16, s12  }
0x78: {  	s12 =	sshrl.u32 s12, $0x3  }
0x79: {  	s13 =	sadd.s32 s8, s12  }
0x7a: {  	[tilespmem:s24], [sflag:$0x5] =	stream.linear.gather [hbm4b:s13+s10], $0x1000, $0x38;
	[tilespmem:$0x1E800] =	vst v63  }
0x7b: {  	_ =	swait.ge [sflag:s22], $0x1000  }
0x7c: {  	[sflag:s22] =	ssyncset.done $0x0  }
0x7d: {  	s12 =	sadd.s32 s7, s12;
	[sflag:s22] =	ssyncadd.s32 $0xFFFFF000  }
0x7e: {  	[tilespmem:s10], [sflag:$0x5] =	stream.linear.gather [hbm4b:s12+s10], $0x1000, $0x38;
	[tilespmem:$0x1E800] =	vst v63  }
0x7f: {  	_ =	swait.ge [sflag:s22], $0x1000  }
0x80: {  	[sflag:s22] =	ssyncset.done $0x0  }
0x81: {  	s18 =	simm.s32 $0x1000;
	[sflag:s22] =	ssyncadd.s32 $0xFFFFF000  }
0x82: {  	[spmem:s2] =	stream.indirect.scatter.add.f32 [tilespmem:s26], [sflag:$0x3], $0x1, s18, s25, $0xb8;
	[tilespmem:$0x1E800] =	vst v63  }
0x83: {  	s19 =	simm.s32 $0x0  }
0x84: {  	[spmem:s3] =	stream.indirect.scatter.add.f32 [tilespmem:s26], [sflag:$0x4], $0x1, s19, s25, $0xb8;
	[tilespmem:$0x1E800] =	vst v63  }
0x85: {  	_ =	swait.ge [sflag:s28], $0x80  }
0x86: {  	[sflag:s28] =	ssyncset.done $0x0  }
0x87: {  	[sflag:s28] =	ssyncadd.s32 $0xFFFFFF80  }
0x88: {  	_ =	swait.ge [sflag:s29], $0x80  }
0x89: {  	s13 =	simm.s32 $0x400;
	s12 =	simm.s32 $0x80;
	[sflag:s29] =	ssyncset.done $0x0  }
.LBB2_6:
0x8a: {  	s17 =	sadd.s32 $0x1000, s12  }
0x8b: {  	[sflag:s29] =	ssyncadd.s32 $0xFFFFFF80;
	s18 =	smov.u32 s13;
	s19 =	sadd.s32 $0x200, s13  }
0x8c: {  	[spmem:s2] =	stream.indirect.scatter.add.f32 [tilespmem:s26], [sflag:$0x3], $0x1, s17, s25, $0xb8;
	[tilespmem:$0x1E800] =	vst v63  }
0x8d: {  	p1 =	sne.s32 s13, $0x3E00  }
0x8e: {  	[spmem:s3] =	stream.indirect.scatter.add.f32 [tilespmem:s26], [sflag:$0x4], $0x1, s12, s25, $0xb8;
	[tilespmem:$0x1E800] =	vst v63  }
.Ltmp2:
0x8f: {  	_ =	swait.ge [sflag:s28], $0x80;
	(pc) =	sbr.rel @p1 .LBB2_6-.Ltmp2, $4  }
0x90: {  	[sflag:s28] =	ssyncset.done $0x0  }
0x91: {  	[sflag:s28] =	ssyncadd.s32 $0xFFFFFF80  }
0x92: {  	_ =	swait.ge [sflag:s29], $0x80  }
0x93: {  	s13 =	smov.u32 s19;
	s12 =	sshra.s32 s18, $0x2;
	[sflag:s29] =	ssyncset.done $0x0  }
0x94: {  	s13 =	sadd.s32 $0x1000, s12;
	[sflag:s29] =	ssyncadd.s32 $0xFFFFFF80  }
0x95: {  	[spmem:s2] =	stream.indirect.scatter.add.f32 [tilespmem:s26], [sflag:$0x3], $0x1, s13, s25, $0xb8;
	[tilespmem:$0x1E800] =	vst v63  }
0x96: {  	s11 =	sadd.s32 $0x1, s11  }
0x97: {  	[spmem:s3] =	stream.indirect.scatter.add.f32 [tilespmem:s26], [sflag:$0x4], $0x1, s12, s25, $0xb8;
	[tilespmem:$0x1E800] =	vst v63  }
0x98: {  	p1 =	seq.s32 s11, $0x5;
	_ =	swait.ge [sflag:s28], $0x80  }
.Ltmp3:
0x99: {  	[sflag:s28] =	ssyncset.done $0x0;
	(pc) =	sbr.rel @!p1 .LBB2_5-.Ltmp3, $4  }
0x9a: {  	[sflag:s28] =	ssyncadd.s32 $0xFFFFFF80  }
0x9b: {  	_ =	swait.ge [sflag:s29], $0x80  }
0x9c: {  	[sflag:s29] =	ssyncset.done $0x0  }
0x9d: {  	[sflag:s29] =	ssyncadd.s32 $0xFFFFFF80  }
.Ltmp4:
0x9e: {  	(pc) =	sbr.rel .LBB2_10-.Ltmp4, $3  }
0x9f: {  	_ =	sdelay $0x1  }
0xa0: {  	s10 =	simm.s32 $0x0  }
0xa1: {  	s11 =	simm.s32 $0x2;
	s18 =	stileid.u32;
	s19 =	smov.u32 s20  }
.LBB2_9:
0xa2: {  	[bflag:$0x0] =	sbarrier.arrive $0xFFFF;
	s10 =	simm.s32 $0x2;
	s11 =	simm.s32 $0x5  }
.LBB2_10:
0xa3: {  	s12 =	sshll.u32 s10, $0xC  }
0xa4: {  	s12 =	sadd.s32 s16, s12  }
0xa5: {  	s12 =	sshrl.u32 s12, $0x3  }
0xa6: {  	s17 =	simm.s32 $0x0;
	s13 =	sadd.s32 s7, s12  }
0xa7: {  	[tilespmem:s17], [sflag:$0x5] =	stream.linear.gather [hbm4b:s13+s17], $0x1000, $0x38;
	[tilespmem:$0x1E800] =	vst v63  }
0xa8: {  	_ =	swait.ge [sflag:s22], $0x1000  }
0xa9: {  	[sflag:s22] =	ssyncset.done $0x0  }
0xaa: {  	s12 =	sadd.s32 s8, s12;
	[sflag:s22] =	ssyncadd.s32 $0xFFFFF000  }
0xab: {  	[tilespmem:s24], [sflag:$0x5] =	stream.linear.gather [hbm4b:s12+s17], $0x1000, $0x38;
	[tilespmem:$0x1E800] =	vst v63  }
0xac: {  	_ =	swait.ge [sflag:s22], $0x1000  }
0xad: {  	[sflag:s22] =	ssyncset.done $0x0  }
0xae: {  	[sflag:s22] =	ssyncadd.s32 $0xFFFFF000  }
0xaf: {  	[tilespmem:s21], [sflag:$0x1] =	stream.indirect.gather [hbm4b:s6+s25], $0x80, s17, s25, $0xb8;
	[tilespmem:$0x1E800] =	vst v63  }
0xb0: {  	_ = 	snop  }
0xb1: {  	[tilespmem:s30], [sflag:$0x2] =	stream.indirect.gather [hbm4b:s6+s25], $0x80, s25, s25, $0xb8;
	[tilespmem:$0x1E800] =	vst v63  }
0xb2: {  	_ =	swait.ge [sflag:s31], $0x4000  }
0xb3: {  	[sflag:s31] =	ssyncset.done $0x0  }
0xb4: {  	s13 =	simm.s32 $0x1000;
	[sflag:s31] =	ssyncadd.s32 $0xFFFFC000  }
0xb5: {  	[spmem:s1] =	stream.indirect.scatter.add.f32 [tilespmem:s21], [sflag:$0x3], $0x80, s13, s25, $0xb8;
	[tilespmem:$0x1E800] =	vst v63  }
0xb6: {  	_ =	swait.ge [sflag:s0], $0x4000  }
0xb7: {  	[sflag:s0] =	ssyncset.done $0x0  }
0xb8: {  	s17 =	simm.s32 $0x1080;
	[sflag:s0] =	ssyncadd.s32 $0xFFFFC000  }
0xb9: {  	[spmem:s1] =	stream.indirect.scatter.add.f32 [tilespmem:s30], [sflag:$0x4], $0x80, s17, s25, $0xb8;
	[tilespmem:$0x1E800] =	vst v63  }
0xba: {  	_ =	swait.ge [sflag:s28], $0x4000  }
0xbb: {  	[sflag:s28] =	ssyncset.done $0x0  }
0xbc: {  	s20 =	simm.s32 $0x100;
	[sflag:s28] =	ssyncadd.s32 $0xFFFFC000  }
0xbd: {  	[tilespmem:s21], [sflag:$0x1] =	stream.indirect.gather [hbm4b:s6+s25], $0x80, s20, s25, $0xb8;
	[tilespmem:$0x1E800] =	vst v63  }
0xbe: {  	_ =	swait.ge [sflag:s29], $0x4000  }
0xbf: {  	[sflag:s29] =	ssyncset.done $0x0  }
0xc0: {  	s12 =	simm.s32 $0x400;
	s13 =	simm.s32 $0x180;
	[sflag:s29] =	ssyncadd.s32 $0xFFFFC000  }
.LBB2_11:
0xc1: {  	[tilespmem:s30], [sflag:$0x2] =	stream.indirect.gather [hbm4b:s6+s25], $0x80, s13, s25, $0xb8;
	[tilespmem:$0x1E800] =	vst v63  }
0xc2: {  	s13 =	smov.u32 s12  }
0xc3: {  	p1 =	sne.s32 s12, $0x3800;
	s12 =	sadd.s32 $0x400, s12;
	_ =	swait.ge [sflag:s31], $0x4000  }
0xc4: {  	s13 =	sshra.s32 s13, $0x2;
	[sflag:s31] =	ssyncset.done $0x0  }
0xc5: {  	s17 =	sadd.s32 $0x1000, s13;
	[sflag:s31] =	ssyncadd.s32 $0xFFFFC000  }
0xc6: {  	[spmem:s1] =	stream.indirect.scatter.add.f32 [tilespmem:s21], [sflag:$0x3], $0x80, s17, s25, $0xb8;
	[tilespmem:$0x1E800] =	vst v63  }
0xc7: {  	_ =	swait.ge [sflag:s0], $0x4000  }
0xc8: {  	[sflag:s0] =	ssyncset.done $0x0  }
0xc9: {  	s17 =	sadd.s32 $0x1080, s13;
	[sflag:s0] =	ssyncadd.s32 $0xFFFFC000  }
0xca: {  	[spmem:s1] =	stream.indirect.scatter.add.f32 [tilespmem:s30], [sflag:$0x4], $0x80, s17, s25, $0xb8;
	[tilespmem:$0x1E800] =	vst v63  }
0xcb: {  	_ =	swait.ge [sflag:s28], $0x4000  }
0xcc: {  	[sflag:s28] =	ssyncset.done $0x0  }
.Ltmp5:
0xcd: {  	s17 =	sadd.s32 $0x100, s13;
	[sflag:s28] =	ssyncadd.s32 $0xFFFFC000;
	(pc) =	sbr.rel @p1 .LBB2_11-.Ltmp5, $4  }
0xce: {  	[tilespmem:s21], [sflag:$0x1] =	stream.indirect.gather [hbm4b:s6+s25], $0x80, s17, s25, $0xb8;
	[tilespmem:$0x1E800] =	vst v63  }
0xcf: {  	_ =	swait.ge [sflag:s29], $0x4000  }
0xd0: {  	[sflag:s29] =	ssyncset.done $0x0  }
0xd1: {  	s13 =	sadd.s32 $0x180, s13;
	[sflag:s29] =	ssyncadd.s32 $0xFFFFC000  }
0xd2: {  	[tilespmem:s30], [sflag:$0x2] =	stream.indirect.gather [hbm4b:s6+s25], $0x80, s13, s25, $0xb8;
	[tilespmem:$0x1E800] =	vst v63  }
0xd3: {  	_ =	swait.ge [sflag:s31], $0x4000  }
0xd4: {  	[sflag:s31] =	ssyncset.done $0x0  }
0xd5: {  	[sflag:s31] =	ssyncadd.s32 $0xFFFFC000  }
0xd6: {  	[spmem:s1] =	stream.indirect.scatter.add.f32 [tilespmem:s21], [sflag:$0x3], $0x80, s23, s25, $0xb8;
	[tilespmem:$0x1E800] =	vst v63  }
0xd7: {  	_ =	swait.ge [sflag:s0], $0x4000  }
0xd8: {  	[sflag:s0] =	ssyncset.done $0x0  }
0xd9: {  	s10 =	sadd.s32 $0x1, s10;
	[sflag:s0] =	ssyncadd.s32 $0xFFFFC000  }
0xda: {  	[spmem:s1] =	stream.indirect.scatter.add.f32 [tilespmem:s30], [sflag:$0x4], $0x80, s4, s25, $0xb8;
	[tilespmem:$0x1E800] =	vst v63  }
0xdb: {  	p1 =	sne.s32 s10, s11;
	_ =	swait.ge [sflag:s28], $0x4000  }
.Ltmp6:
0xdc: {  	[sflag:s28] =	ssyncset.done $0x0;
	(pc) =	sbr.rel @p1 .LBB2_10-.Ltmp6, $4  }
0xdd: {  	[sflag:s28] =	ssyncadd.s32 $0xFFFFC000  }
0xde: {  	_ =	swait.ge [sflag:s29], $0x4000  }
0xdf: {  	[sflag:s29] =	ssyncset.done $0x0  }
0xe0: {  	[sflag:s29] =	ssyncadd.s32 $0xFFFFC000  }
0xe1: {  	s10 =	sshll.u32 s18, $0x6;
	[bflag:$0x0] =	sbarrier.arrive $0xFFFF  }
0xe2: {  	s11 =	sshrl.u32 s9, $0x3;
	s10 =	sor.u32 $0x1C05, s10;
	s12 =	rddreg [dreg:$0x9]  }
0xe3: {  	[hbm:s12], [sflag:s10] =	dma.local [spmem:s11], $0x2800  }
0xe4: {  	_ =	swait.ge [sflag:s22], $0x2800  }
0xe5: {  	[sflag:s22] =	ssyncset.done $0x0  }
0xe6: {  	s10 =	simm.s32 @!p0 $0xA080;
	s11 =	rddreg [dreg:$0xc];
	[sflag:s22] =	ssyncadd.s32 $0xFFFFD800  }
0xe7: {  	[tilespmem:s10], [sflag:$0x5] =	stream.linear.gather @!p0 [spmem:s11], $0x280, $0x38;
	[tilespmem:$0x1E800] =	vst v63  }
0xe8: {  	s11 =	simm.s32 @!p0 $0x5  }
0xe9: {  	_ =	swait.ge @!p0 [sflag:s11], $0x280  }
0xea: {  	[sflag:s11] =	ssyncset.done @!p0 $0x0  }
0xeb: {  	s12 =	simm.s32 @!p0 $0x0;
	s13 =	rddreg [dreg:$0xa];
	[sflag:s11] =	ssyncadd.s32 @!p0 $0xFFFFFD80  }
0xec: {  	[hbm4b:s13+s12] =	stream.linear.scatter @!p0 [tilespmem:s10], [sflag:$0x5], $0x280, $0x38;
	[tilespmem:$0x1E800] =	vst v63  }
0xed: {  	_ =	swait.ge @!p0 [sflag:s11], $0x280  }
0xee: {  	[sflag:s11] =	ssyncset.done @!p0 $0x0  }
0xef: {  	[sflag:s11] =	ssyncadd.s32 @!p0 $0xFFFFFD80  }
0xf0: {  	[tilespmem:s10], [sflag:$0x5] =	stream.linear.gather @!p0 [spmem:s15], $0x280, $0x38;
	[tilespmem:$0x1E800] =	vst v63  }
0xf1: {  	s5 =	sadd.s32 $0x1, s5;
	_ =	swait.ge @!p0 [sflag:s11], $0x280  }
0xf2: {  	p1 =	sne.s32 s5, s14;
	[sflag:s11] =	ssyncset.done @!p0 $0x0  }
.Ltmp7:
0xf3: {  	s13 =	rddreg [dreg:$0xb];
	[sflag:s11] =	ssyncadd.s32 @!p0 $0xFFFFFD80;
	(pc) =	sbr.rel @p1 .LBB2_1-.Ltmp7, $4  }
0xf4: {  	[hbm4b:s13+s12] =	stream.linear.scatter @!p0 [tilespmem:s10], [sflag:$0x5], $0x280, $0x38;
	[tilespmem:$0x1E800] =	vst v63  }
0xf5: {  	_ =	swait.ge @!p0 [sflag:s11], $0x280  }
0xf6: {  	[sflag:s11] =	ssyncset.done @!p0 $0x0  }
0xf7: {  	[sflag:s11] =	ssyncadd.s32 @!p0 $0xFFFFFD80  }
0xf8: {  	_ =	sfence.sel $0x180000  }
0xf9: {  	[bflag:$0x0] =	sbarrier.arrive $0xFFFF  }
0xfa: {  	_ =	strace $0x90000047  }
0xfb: {  	[bflag:$0x2] =	sbarrier.arrive $0xFFFF  }
0xfc: {  	p0 =	sne.s32 s18, $0x0;
	s0 =	rddreg [dreg:$0x5]  }
0xfd: {  	s0 =	sadd.s32 @!p0 $0x100000, s0  }
0xfe: {  	[sflag:s0] =	ssyncadd.tile.s32 @!p0 $0x1;
	_ =	shalt  }
.Lfunc_end2:
_tile_overlayer_lowered:
.L_overlay_start_2:
0xff: {  	(tag) =	ssettag $0x2  }
0x100: {  	s0 =	rddreg [dreg:$0x0];
	s2 =	stileid.u32  }
0x101: {  	s1 =	rddreg [dreg:$0x1];
	p0 =	sne.s32 s2, $0x0  }
0x102: {  	s3 =	rddreg [dreg:$0x2];
	[bflag:$0x3] =	sbarrier.arrive $0xFFFF;
	s2 =	simm.s32 @!p0 $0x1C05  }
0x103: {  	[timem:s3], [sflag:s2] =	dma.local @!p0 [hbm:s0], s1  }
0x104: {  	s0 =	simm.s32 @!p0 $0x5  }
0x105: {  	_ =	swait.ge @!p0 [sflag:s0], s1  }
0x106: {  	s1 =	ssub.s32 @!p0 $0x0, s1;
	[sflag:s0] =	ssyncset.done @!p0 $0x0  }
0x107: {  	[sflag:s0] =	ssyncadd.s32 @!p0 s1  }
0x108: {  	[bflag:$0x3] =	sbarrier.arrive $0xFFFF  }
0x109: {  	_ =	shalt  }

</sc_bundles>
